<compile_context>
chip_gen: v7x
topology: tpu7x:2x2x1
jax: 0.10.2.dev20260603
libtpu: 0.0.44.dev20260713+nightly
codegen_flags: <defaults>
</compile_context>

<pallas_src>
import jax
import jax.numpy as jnp
from jax import lax
from jax.experimental import pallas as pl
from jax.experimental.pallas import tpu as pltpu
from jax.experimental.pallas import tpu_sc as plsc

EMBED_DIM = 64
BATCH = 16384
HIST = 50
VOCAB = 1000000
ROW_W = 2 * EMBED_DIM

NUM_CORES = 2
NUM_SUBCORES = 16
NW = NUM_CORES * NUM_SUBCORES
B_PER_W = BATCH // NW
CHUNK = 128
G_PER_H = B_PER_W // CHUNK
UNITS = HIST * G_PER_H
LANES = 16


def _transform(packed_s, stage_s):
    lane = lax.iota(jnp.int32, LANES)

    def jg_body(jg, carry):
        vrow = lane + jg * LANES
        for eg in range(EMBED_DIM // LANES):
            stage_eg = stage_s.at[pl.ds(eg * LANES, LANES)]
            for d in range(LANES):
                rot = (lane + d) & (LANES - 1)
                vals = plsc.load_gather(packed_s, [vrow, rot + (eg * LANES)])
                plsc.store_scatter(stage_eg, [rot, vrow], vals)
        return carry

    lax.fori_loop(0, CHUNK // LANES, jg_body, 0)


def _emb_body(idx_hbm, table_hbm, out_hbm, idx_v, packed_v, stage_v,
              gsem, ssem):
    wid = lax.axis_index("s") * NUM_CORES + lax.axis_index("c")
    b_base = wid * B_PER_W
    pltpu.sync_copy(idx_hbm.at[:, pl.ds(b_base, B_PER_W)], idx_v)

    def unit_hg(u):
        h = u >> 2
        g = u & (G_PER_H - 1)
        return h, g

    def gather_copy(u, s):
        h, g = unit_hg(u)
        idx_ref = idx_v.at[h, pl.ds(g * CHUNK, CHUNK)]
        return pltpu.make_async_copy(
            table_hbm.at[idx_ref], packed_v.at[s], gsem.at[s])

    def store_copy(u, s):
        h, g = unit_hg(u)
        return pltpu.make_async_copy(
            stage_v.at[s],
            out_hbm.at[h, :, pl.ds(b_base + g * CHUNK, CHUNK)], ssem.at[s])

    gather_copy(0, 0).start()

    def outer(i, carry):
        for s in range(2):
            u = 2 * i + s
            @pl.when(u + 1 < UNITS)
            def _():
                gather_copy(u + 1, 1 - s).start()

            gather_copy(u, s).wait()

            @pl.when(u >= 2)
            def _():
                store_copy(u - 2, s).wait()

            _transform(packed_v.at[s], stage_v.at[s])
            store_copy(u, s).start()
        return carry

    lax.fori_loop(0, UNITS // 2, outer, 0)

    store_copy(UNITS - 2, 0).wait()
    store_copy(UNITS - 1, 1).wait()


def kernel(token_ids, table):
    idx_t = token_ids.astype(jnp.int32).T
    padded = jnp.pad(table, ((0, 0), (0, ROW_W - EMBED_DIM)))
    f = pl.kernel(
        _emb_body,
        out_type=jax.ShapeDtypeStruct((HIST, EMBED_DIM, BATCH), jnp.float32),
        mesh=plsc.VectorSubcoreMesh(core_axis_name="c", subcore_axis_name="s"),
        scratch_types=[
            pltpu.VMEM((HIST, B_PER_W), jnp.int32),
            pltpu.VMEM((2, CHUNK, ROW_W), jnp.float32),
            pltpu.VMEM((2, EMBED_DIM, CHUNK), jnp.float32),
            pltpu.SemaphoreType.DMA((2,)),
            pltpu.SemaphoreType.DMA((2,)),
        ],
        compiler_params=pltpu.CompilerParams(use_tc_tiling_on_sc=True,
                                             needs_layout_passes=False),
    )
    out = f(idx_t, padded)
    return jnp.transpose(out, (2, 0, 1))

# --- scband reference (transcript-rebuilt; emitter-appended) ---
"""Pipeline reference for scband-code-embedding-36180804501860 (READ-ONLY COPY).

The authoritative reference and input builder live on the scoring server;
editing this copy changes nothing except your own understanding.
"""

import jax, jax.numpy as jnp
import numpy as np

VOCAB = 1000000
EMBED_DIM = 64
BATCH = 16384
HIST = 50

def setup_inputs(seed: int = 0) -> dict:
    key = jax.random.key(seed)
    k_idx, k_tab = jax.random.split(key)
    token_ids = jax.random.randint(k_idx, (BATCH, HIST), 0, VOCAB, dtype=jnp.int64)
    table = jax.random.normal(k_tab, (VOCAB, EMBED_DIM), dtype=jnp.float32) * 0.02
    return {"token_ids": token_ids, "table": table}

def reference(token_ids, table):
    # nn.Embedding forward: gather rows of the table by token id
    return jnp.take(table, token_ids, axis=0)

if __name__ == "__main__":
    import jax
    _d = setup_inputs()
    print(jax.jit(kernel)(*tuple(_d.values())))

</pallas_src>

<mosaic_0001>
#map = affine_map<(d0, d1) -> (0, 0)>
#map1 = affine_map<(d0, d1) -> (0, 0, 0)>
module attributes {stable_mosaic.version = 14 : i64} {
  func.func @_emb_body(%arg0: i32, %arg1: i32, %arg2: memref<50x16384xi32, #tpu.memory_space<hbm>>, %arg3: memref<1000000x128xf32, #tpu.memory_space<hbm>>, %arg4: memref<50x64x16384xf32, #tpu.memory_space<hbm>>, %arg5: memref<50x512xi32, #tpu.memory_space<vmem>>, %arg6: memref<2x128x128xf32, #tpu.memory_space<vmem>>, %arg7: memref<2x64x128xf32, #tpu.memory_space<vmem>>, %arg8: memref<2x!tpu.dma_semaphore, #tpu.memory_space<semaphore_mem>>, %arg9: memref<2x!tpu.dma_semaphore, #tpu.memory_space<semaphore_mem>>) attributes {dimension_semantics = [#tpu.dimension_semantics<core_parallel>, #tpu.dimension_semantics<subcore_parallel>], iteration_bounds = array<i64: 2, 16>, scalar_prefetch = 0 : i64, scratch_operands = 5 : i64, tpu.core_type = #tpu.core_type<sc_vector_subcore>, window_params = [{transform_indices = #map}, {transform_indices = #map}, {transform_indices = #map1}]} {
    %mul3A = arith.constant 2 : i32
    %mul3A_0 = arith.muli %arg1, %mul3A : i32
    %add3A = arith.addi %mul3A_0, %arg0 : i32
    %mul3A_1 = arith.constant 512 : i32
    %mul3A_2 = arith.muli %add3A, %mul3A_1 : i32
    "tpu.region"() ({
      %run_scoped3A = tpu.sem_alloc : memref<!tpu.dma_semaphore, #tpu.memory_space<semaphore_mem>>
      %dma_start3A_63 = arith.constant 0 : i32
      %dma_start3A_64 = tpu.memref_slice %arg2[%dma_start3A_63, %mul3A_2] : memref<50x16384xi32, #tpu.memory_space<hbm>> -> memref<50x512xi32, #tpu.memory_space<hbm>>
      %dma_start3A_65 = arith.constant 0 : i32
      %dma_start3A_66 = tpu.memref_slice %arg2[%dma_start3A_65, %mul3A_2] : memref<50x16384xi32, #tpu.memory_space<hbm>> -> memref<50x512xi32, #tpu.memory_space<hbm>>
      tpu.enqueue_dma source(%dma_start3A_66 : memref<50x512xi32, #tpu.memory_space<hbm>>) target(%arg5 : memref<50x512xi32, #tpu.memory_space<vmem>>) target_semaphore(%run_scoped3A : memref<!tpu.dma_semaphore, #tpu.memory_space<semaphore_mem>>)
      %dma_wait3A_67 = arith.constant 0 : i32
      %dma_wait3A_68 = tpu.memref_slice %arg2[%dma_wait3A_67, %mul3A_2] : memref<50x16384xi32, #tpu.memory_space<hbm>> -> memref<50x512xi32, #tpu.memory_space<hbm>>
      %dma_wait3A_69 = arith.constant 0 : i32
      %dma_wait3A_70 = tpu.memref_slice %arg2[%dma_wait3A_69, %mul3A_2] : memref<50x16384xi32, #tpu.memory_space<hbm>> -> memref<50x512xi32, #tpu.memory_space<hbm>>
      tpu.wait_dma2 semaphore(%run_scoped3A : memref<!tpu.dma_semaphore, #tpu.memory_space<semaphore_mem>>) src(%dma_wait3A_70 : memref<50x512xi32, #tpu.memory_space<hbm>>) dst(%arg5 : memref<50x512xi32, #tpu.memory_space<vmem>>)
      tpu.yield
    }) : () -> ()
    %dma_start3A = arith.constant 0 : i32
    %dma_start3A_3 = arith.constant 0 : i32
    %dma_start3A_4 = arith.constant 0 : i32
    %dma_start3A_5 = arith.constant 0 : i32
    %dma_start3A_6 = arith.constant 0 : i32
    %dma_start3A_7 = tpu.memref_slice %arg6[%dma_start3A_3, %dma_start3A_5, %dma_start3A_6] : memref<2x128x128xf32, #tpu.memory_space<vmem>> -> memref<1x128x128xf32, #tpu.memory_space<vmem>>
    %dma_start3A_8 = tpu.memref_squeeze %dma_start3A_7 : memref<1x128x128xf32, #tpu.memory_space<vmem>> -> memref<128x128xf32, #tpu.memory_space<vmem>>
    %dma_start3A_9 = arith.constant 0 : i32
    %dma_start3A_10 = tpu.memref_slice %arg5[%dma_start3A, %dma_start3A_9] : memref<50x512xi32, #tpu.memory_space<vmem>> -> memref<1x128xi32, #tpu.memory_space<vmem>>
    %dma_start3A_11 = tpu.memref_squeeze %dma_start3A_10 : memref<1x128xi32, #tpu.memory_space<vmem>> -> memref<128xi32, #tpu.memory_space<vmem>>
    %dma_start3A_12 = arith.constant 0 : i32
    %dma_start3A_13 = arith.constant 0 : i32
    %dma_start3A_14 = tpu.memref_slice %arg3[%dma_start3A_12, %dma_start3A_13] : memref<1000000x128xf32, #tpu.memory_space<hbm>> -> memref<1000000x128xf32, #tpu.memory_space<hbm>>
    %dma_start3A_15 = tpu.memref_slice %arg8[%dma_start3A_4] : memref<2x!tpu.dma_semaphore, #tpu.memory_space<semaphore_mem>> -> memref<1x!tpu.dma_semaphore, #tpu.memory_space<semaphore_mem>>
    %dma_start3A_16 = tpu.memref_squeeze %dma_start3A_15 : memref<1x!tpu.dma_semaphore, #tpu.memory_space<semaphore_mem>> -> memref<!tpu.dma_semaphore, #tpu.memory_space<semaphore_mem>>
    tpu.enqueue_indirect_dma source(%dma_start3A_14 : memref<1000000x128xf32, #tpu.memory_space<hbm>>) target(%dma_start3A_8 : memref<128x128xf32, #tpu.memory_space<vmem>>) offsets(%dma_start3A_11 : memref<128xi32, #tpu.memory_space<vmem>>) semaphore(%dma_start3A_16 : memref<!tpu.dma_semaphore, #tpu.memory_space<semaphore_mem>>)
    %scan3A = arith.constant 0 : i32
    %scan3A_17 = arith.constant 0 : i32
    %scan3A_18 = arith.constant 100 : i32
    %scan3A_19 = arith.addi %scan3A_17, %scan3A_18 : i32
    %scan3A_20 = arith.constant 1 : i32
    scf.for %scan3A_63 = %scan3A_17 to %scan3A_19 step %scan3A_20  : i32 {
      %mul3A_64 = arith.constant 2 : i32
      %mul3A_65 = arith.muli %mul3A_64, %scan3A_63 : i32
      %add3A_66 = arith.constant 0 : i32
      %add3A_67 = arith.addi %mul3A_65, %add3A_66 : i32
      %add3A_68 = arith.constant 1 : i32
      %add3A_69 = arith.addi %add3A_67, %add3A_68 : i32
      %lt3A = arith.constant 200 : i32
      %lt3A_70 = arith.cmpi slt, %add3A_69, %lt3A : i32
      %convert_element_type3A = arith.extui %lt3A_70 : i1 to i32
      %cond3A = arith.constant 0 : i32
      %cond3A_71 = arith.cmpi ne, %convert_element_type3A, %cond3A : i32
      scf.if %cond3A_71 {
        %add3A_195 = arith.constant 1 : i32
        %add3A_196 = arith.addi %add3A_67, %add3A_195 : i32
        %shift_right_arithmetic3A_197 = arith.constant 2 : i32
        %shift_right_arithmetic3A_198 = arith.shrsi %add3A_196, %shift_right_arithmetic3A_197 : i32
        %and3A_199 = arith.constant 3 : i32
        %and3A_200 = arith.andi %add3A_196, %and3A_199 : i32
        %mul3A_201 = arith.constant 128 : i32
        %mul3A_202 = arith.muli %and3A_200, %mul3A_201 : i32
        %dma_start3A_203 = arith.constant 1 : i32
        %dma_start3A_204 = arith.constant 1 : i32
        %dma_start3A_205 = arith.constant 0 : i32
        %dma_start3A_206 = arith.constant 0 : i32
        %dma_start3A_207 = tpu.memref_slice %arg6[%dma_start3A_203, %dma_start3A_205, %dma_start3A_206] : memref<2x128x128xf32, #tpu.memory_space<vmem>> -> memref<1x128x128xf32, #tpu.memory_space<vmem>>
        %dma_start3A_208 = tpu.memref_squeeze %dma_start3A_207 : memref<1x128x128xf32, #tpu.memory_space<vmem>> -> memref<128x128xf32, #tpu.memory_space<vmem>>
        %dma_start3A_209 = tpu.memref_slice %arg5[%shift_right_arithmetic3A_198, %mul3A_202] : memref<50x512xi32, #tpu.memory_space<vmem>> -> memref<1x128xi32, #tpu.memory_space<vmem>>
        %dma_start3A_210 = tpu.memref_squeeze %dma_start3A_209 : memref<1x128xi32, #tpu.memory_space<vmem>> -> memref<128xi32, #tpu.memory_space<vmem>>
        %dma_start3A_211 = arith.constant 0 : i32
        %dma_start3A_212 = arith.constant 0 : i32
        %dma_start3A_213 = tpu.memref_slice %arg3[%dma_start3A_211, %dma_start3A_212] : memref<1000000x128xf32, #tpu.memory_space<hbm>> -> memref<1000000x128xf32, #tpu.memory_space<hbm>>
        %dma_start3A_214 = tpu.memref_slice %arg8[%dma_start3A_204] : memref<2x!tpu.dma_semaphore, #tpu.memory_space<semaphore_mem>> -> memref<1x!tpu.dma_semaphore, #tpu.memory_space<semaphore_mem>>
        %dma_start3A_215 = tpu.memref_squeeze %dma_start3A_214 : memref<1x!tpu.dma_semaphore, #tpu.memory_space<semaphore_mem>> -> memref<!tpu.dma_semaphore, #tpu.memory_space<semaphore_mem>>
        tpu.enqueue_indirect_dma source(%dma_start3A_213 : memref<1000000x128xf32, #tpu.memory_space<hbm>>) target(%dma_start3A_208 : memref<128x128xf32, #tpu.memory_space<vmem>>) offsets(%dma_start3A_210 : memref<128xi32, #tpu.memory_space<vmem>>) semaphore(%dma_start3A_215 : memref<!tpu.dma_semaphore, #tpu.memory_space<semaphore_mem>>)
      } else {
      }
      %shift_right_arithmetic3A = arith.constant 2 : i32
      %shift_right_arithmetic3A_72 = arith.shrsi %add3A_67, %shift_right_arithmetic3A : i32
      %and3A = arith.constant 3 : i32
      %and3A_73 = arith.andi %add3A_67, %and3A : i32
      %mul3A_74 = arith.constant 128 : i32
      %mul3A_75 = arith.muli %and3A_73, %mul3A_74 : i32
      %dma_wait3A_76 = arith.constant 0 : i32
      %dma_wait3A_77 = arith.constant 0 : i32
      %dma_wait3A_78 = arith.constant 0 : i32
      %dma_wait3A_79 = arith.constant 0 : i32
      %dma_wait3A_80 = tpu.memref_slice %arg6[%dma_wait3A_76, %dma_wait3A_78, %dma_wait3A_79] : memref<2x128x128xf32, #tpu.memory_space<vmem>> -> memref<1x128x128xf32, #tpu.memory_space<vmem>>
      %dma_wait3A_81 = tpu.memref_squeeze %dma_wait3A_80 : memref<1x128x128xf32, #tpu.memory_space<vmem>> -> memref<128x128xf32, #tpu.memory_space<vmem>>
      %dma_wait3A_82 = tpu.memref_slice %arg5[%shift_right_arithmetic3A_72, %mul3A_75] : memref<50x512xi32, #tpu.memory_space<vmem>> -> memref<1x128xi32, #tpu.memory_space<vmem>>
      %dma_wait3A_83 = tpu.memref_squeeze %dma_wait3A_82 : memref<1x128xi32, #tpu.memory_space<vmem>> -> memref<128xi32, #tpu.memory_space<vmem>>
      %dma_wait3A_84 = arith.constant 0 : i32
      %dma_wait3A_85 = arith.constant 0 : i32
      %dma_wait3A_86 = tpu.memref_slice %arg3[%dma_wait3A_84, %dma_wait3A_85] : memref<1000000x128xf32, #tpu.memory_space<hbm>> -> memref<1000000x128xf32, #tpu.memory_space<hbm>>
      %dma_wait3A_87 = tpu.memref_slice %arg8[%dma_wait3A_77] : memref<2x!tpu.dma_semaphore, #tpu.memory_space<semaphore_mem>> -> memref<1x!tpu.dma_semaphore, #tpu.memory_space<semaphore_mem>>
      %dma_wait3A_88 = tpu.memref_squeeze %dma_wait3A_87 : memref<1x!tpu.dma_semaphore, #tpu.memory_space<semaphore_mem>> -> memref<!tpu.dma_semaphore, #tpu.memory_space<semaphore_mem>>
      tpu.wait_indirect_dma semaphore(%dma_wait3A_88 : memref<!tpu.dma_semaphore, #tpu.memory_space<semaphore_mem>>) src(%dma_wait3A_86 : memref<1000000x128xf32, #tpu.memory_space<hbm>>) dst(%dma_wait3A_81 : memref<128x128xf32, #tpu.memory_space<vmem>>)
      %ge3A = arith.constant 2 : i32
      %ge3A_89 = arith.cmpi sge, %add3A_67, %ge3A : i32
      %convert_element_type3A_90 = arith.extui %ge3A_89 : i1 to i32
      %cond3A_91 = arith.constant 0 : i32
      %cond3A_92 = arith.cmpi ne, %convert_element_type3A_90, %cond3A_91 : i32
      scf.if %cond3A_92 {
        %sub3A = arith.constant 2 : i32
        %sub3A_195 = arith.subi %add3A_67, %sub3A : i32
        %shift_right_arithmetic3A_196 = arith.constant 2 : i32
        %shift_right_arithmetic3A_197 = arith.shrsi %sub3A_195, %shift_right_arithmetic3A_196 : i32
        %and3A_198 = arith.constant 3 : i32
        %and3A_199 = arith.andi %sub3A_195, %and3A_198 : i32
        %mul3A_200 = arith.constant 128 : i32
        %mul3A_201 = arith.muli %and3A_199, %mul3A_200 : i32
        %add3A_202 = arith.addi %mul3A_2, %mul3A_201 : i32
        %dma_wait3A_203 = arith.constant 0 : i32
        %dma_wait3A_204 = arith.constant 0 : i32
        %dma_wait3A_205 = arith.constant 0 : i32
        %dma_wait3A_206 = arith.constant 0 : i32
        %dma_wait3A_207 = tpu.memref_slice %arg7[%dma_wait3A_203, %dma_wait3A_205, %dma_wait3A_206] : memref<2x64x128xf32, #tpu.memory_space<vmem>> -> memref<1x64x128xf32, #tpu.memory_space<vmem>>
        %dma_wait3A_208 = tpu.memref_squeeze %dma_wait3A_207 : memref<1x64x128xf32, #tpu.memory_space<vmem>> -> memref<64x128xf32, #tpu.memory_space<vmem>>
        %dma_wait3A_209 = arith.constant 0 : i32
        %dma_wait3A_210 = tpu.memref_slice %arg4[%shift_right_arithmetic3A_197, %dma_wait3A_209, %add3A_202] : memref<50x64x16384xf32, #tpu.memory_space<hbm>> -> memref<1x64x128xf32, #tpu.memory_space<hbm>>
        %dma_wait3A_211 = tpu.memref_squeeze %dma_wait3A_210 : memref<1x64x128xf32, #tpu.memory_space<hbm>> -> memref<64x128xf32, #tpu.memory_space<hbm>>
        %dma_wait3A_212 = tpu.memref_slice %arg9[%dma_wait3A_204] : memref<2x!tpu.dma_semaphore, #tpu.memory_space<semaphore_mem>> -> memref<1x!tpu.dma_semaphore, #tpu.memory_space<semaphore_mem>>
        %dma_wait3A_213 = tpu.memref_squeeze %dma_wait3A_212 : memref<1x!tpu.dma_semaphore, #tpu.memory_space<semaphore_mem>> -> memref<!tpu.dma_semaphore, #tpu.memory_space<semaphore_mem>>
        %dma_wait3A_214 = arith.constant 0 : i32
        %dma_wait3A_215 = tpu.memref_slice %arg4[%shift_right_arithmetic3A_197, %dma_wait3A_214, %add3A_202] : memref<50x64x16384xf32, #tpu.memory_space<hbm>> -> memref<1x64x128xf32, #tpu.memory_space<hbm>>
        %dma_wait3A_216 = tpu.memref_squeeze %dma_wait3A_215 : memref<1x64x128xf32, #tpu.memory_space<hbm>> -> memref<64x128xf32, #tpu.memory_space<hbm>>
        %dma_wait3A_217 = arith.constant 0 : i32
        %dma_wait3A_218 = arith.constant 0 : i32
        %dma_wait3A_219 = tpu.memref_slice %arg7[%dma_wait3A_203, %dma_wait3A_217, %dma_wait3A_218] : memref<2x64x128xf32, #tpu.memory_space<vmem>> -> memref<1x64x128xf32, #tpu.memory_space<vmem>>
        %dma_wait3A_220 = tpu.memref_squeeze %dma_wait3A_219 : memref<1x64x128xf32, #tpu.memory_space<vmem>> -> memref<64x128xf32, #tpu.memory_space<vmem>>
        tpu.wait_dma2 semaphore(%dma_wait3A_213 : memref<!tpu.dma_semaphore, #tpu.memory_space<semaphore_mem>>) src(%dma_wait3A_220 : memref<64x128xf32, #tpu.memory_space<vmem>>) dst(%dma_wait3A_216 : memref<64x128xf32, #tpu.memory_space<hbm>>)
      } else {
      }
      %iota3A = tpu.iota {dimensions = array<i32: 0>} : vector<16xi32>
      %scan3A_93 = arith.constant 0 : i32
      %scan3A_94 = arith.constant 0 : i32
      %scan3A_95 = arith.constant 0 : i32
      %scan3A_96 = arith.constant 0 : i32
      %scan3A_97 = arith.constant 8 : i32
      %scan3A_98 = arith.addi %scan3A_96, %scan3A_97 : i32
      %scan3A_99 = arith.constant 1 : i32
      scf.for %scan3A_195 = %scan3A_96 to %scan3A_98 step %scan3A_99  : i32 {
        %mul3A_196 = arith.constant 16 : i32
        %mul3A_197 = arith.muli %scan3A_195, %mul3A_196 : i32
        %add3A_198 = vector.broadcast %mul3A_197 : i32 to vector<16xi32>
        %add3A_199 = arith.addi %iota3A, %add3A_198 : vector<16xi32>
        %add3A_200 = arith.constant 0 : i32
        %add3A_201 = vector.broadcast %add3A_200 : i32 to vector<16xi32>
        %add3A_202 = arith.addi %iota3A, %add3A_201 : vector<16xi32>
        %and3A_203 = arith.constant 15 : i32
        %and3A_204 = vector.broadcast %and3A_203 : i32 to vector<16xi32>
        %and3A_205 = arith.andi %add3A_202, %and3A_204 : vector<16xi32>
        %add3A_206 = arith.constant 0 : i32
        %add3A_207 = vector.broadcast %add3A_206 : i32 to vector<16xi32>
        %add3A_208 = arith.addi %and3A_205, %add3A_207 : vector<16xi32>
        %gather3A = arith.constant 0 : i32
        %gather3A_209 = arith.constant 0 : i32
        %gather3A_210 = tpu.memref_slice %arg6[%scan3A_94, %gather3A, %gather3A_209] : memref<2x128x128xf32, #tpu.memory_space<vmem>> -> memref<1x128x128xf32, #tpu.memory_space<vmem>>
        %gather3A_211 = tpu.memref_squeeze %gather3A_210 : memref<1x128x128xf32, #tpu.memory_space<vmem>> -> memref<128x128xf32, #tpu.memory_space<vmem>>
        %gather3A_212 = tpu.vector_load_idx %gather3A_211[%add3A_199, %add3A_208] : memref<128x128xf32, #tpu.memory_space<vmem>>[vector<16xi32>, vector<16xi32>], vector<16xf32>,
        %scatter3A = arith.constant 0 : i32
        %scatter3A_213 = arith.constant 0 : i32
        %scatter3A_214 = tpu.memref_slice %arg7[%scan3A_95, %scatter3A, %scatter3A_213] : memref<2x64x128xf32, #tpu.memory_space<vmem>> -> memref<1x64x128xf32, #tpu.memory_space<vmem>>
        %scatter3A_215 = tpu.memref_squeeze %scatter3A_214 : memref<1x64x128xf32, #tpu.memory_space<vmem>> -> memref<64x128xf32, #tpu.memory_space<vmem>>
        %scatter3A_216 = arith.constant 0 : i32
        %scatter3A_217 = arith.constant 0 : i32
        %scatter3A_218 = tpu.memref_slice %scatter3A_215[%scatter3A_216, %scatter3A_217] : memref<64x128xf32, #tpu.memory_space<vmem>> -> memref<16x128xf32, #tpu.memory_space<vmem>>
        tpu.vector_store_idx %scatter3A_218[%and3A_205, %add3A_199], %gather3A_212 : memref<16x128xf32, #tpu.memory_space<vmem>>[vector<16xi32>, vector<16xi32>], vector<16xf32>,
        %add3A_219 = arith.constant 1 : i32
        %add3A_220 = vector.broadcast %add3A_219 : i32 to vector<16xi32>
        %add3A_221 = arith.addi %iota3A, %add3A_220 : vector<16xi32>
        %and3A_222 = arith.constant 15 : i32
        %and3A_223 = vector.broadcast %and3A_222 : i32 to vector<16xi32>
        %and3A_224 = arith.andi %add3A_221, %and3A_223 : vector<16xi32>
        %add3A_225 = arith.constant 0 : i32
        %add3A_226 = vector.broadcast %add3A_225 : i32 to vector<16xi32>
        %add3A_227 = arith.addi %and3A_224, %add3A_226 : vector<16xi32>
        %gather3A_228 = arith.constant 0 : i32
        %gather3A_229 = arith.constant 0 : i32
        %gather3A_230 = tpu.memref_slice %arg6[%scan3A_94, %gather3A_228, %gather3A_229] : memref<2x128x128xf32, #tpu.memory_space<vmem>> -> memref<1x128x128xf32, #tpu.memory_space<vmem>>
        %gather3A_231 = tpu.memref_squeeze %gather3A_230 : memref<1x128x128xf32, #tpu.memory_space<vmem>> -> memref<128x128xf32, #tpu.memory_space<vmem>>
        %gather3A_232 = tpu.vector_load_idx %gather3A_231[%add3A_199, %add3A_227] : memref<128x128xf32, #tpu.memory_space<vmem>>[vector<16xi32>, vector<16xi32>], vector<16xf32>,
        %scatter3A_233 = arith.constant 0 : i32
        %scatter3A_234 = arith.constant 0 : i32
        %scatter3A_235 = tpu.memref_slice %arg7[%scan3A_95, %scatter3A_233, %scatter3A_234] : memref<2x64x128xf32, #tpu.memory_space<vmem>> -> memref<1x64x128xf32, #tpu.memory_space<vmem>>
        %scatter3A_236 = tpu.memref_squeeze %scatter3A_235 : memref<1x64x128xf32, #tpu.memory_space<vmem>> -> memref<64x128xf32, #tpu.memory_space<vmem>>
        %scatter3A_237 = arith.constant 0 : i32
        %scatter3A_238 = arith.constant 0 : i32
        %scatter3A_239 = tpu.memref_slice %scatter3A_236[%scatter3A_237, %scatter3A_238] : memref<64x128xf32, #tpu.memory_space<vmem>> -> memref<16x128xf32, #tpu.memory_space<vmem>>
        tpu.vector_store_idx %scatter3A_239[%and3A_224, %add3A_199], %gather3A_232 : memref<16x128xf32, #tpu.memory_space<vmem>>[vector<16xi32>, vector<16xi32>], vector<16xf32>,
        %add3A_240 = arith.constant 2 : i32
        %add3A_241 = vector.broadcast %add3A_240 : i32 to vector<16xi32>
        %add3A_242 = arith.addi %iota3A, %add3A_241 : vector<16xi32>
        %and3A_243 = arith.constant 15 : i32
        %and3A_244 = vector.broadcast %and3A_243 : i32 to vector<16xi32>
        %and3A_245 = arith.andi %add3A_242, %and3A_244 : vector<16xi32>
        %add3A_246 = arith.constant 0 : i32
        %add3A_247 = vector.broadcast %add3A_246 : i32 to vector<16xi32>
        %add3A_248 = arith.addi %and3A_245, %add3A_247 : vector<16xi32>
        %gather3A_249 = arith.constant 0 : i32
        %gather3A_250 = arith.constant 0 : i32
        %gather3A_251 = tpu.memref_slice %arg6[%scan3A_94, %gather3A_249, %gather3A_250] : memref<2x128x128xf32, #tpu.memory_space<vmem>> -> memref<1x128x128xf32, #tpu.memory_space<vmem>>
        %gather3A_252 = tpu.memref_squeeze %gather3A_251 : memref<1x128x128xf32, #tpu.memory_space<vmem>> -> memref<128x128xf32, #tpu.memory_space<vmem>>
        %gather3A_253 = tpu.vector_load_idx %gather3A_252[%add3A_199, %add3A_248] : memref<128x128xf32, #tpu.memory_space<vmem>>[vector<16xi32>, vector<16xi32>], vector<16xf32>,
        %scatter3A_254 = arith.constant 0 : i32
        %scatter3A_255 = arith.constant 0 : i32
        %scatter3A_256 = tpu.memref_slice %arg7[%scan3A_95, %scatter3A_254, %scatter3A_255] : memref<2x64x128xf32, #tpu.memory_space<vmem>> -> memref<1x64x128xf32, #tpu.memory_space<vmem>>
        %scatter3A_257 = tpu.memref_squeeze %scatter3A_256 : memref<1x64x128xf32, #tpu.memory_space<vmem>> -> memref<64x128xf32, #tpu.memory_space<vmem>>
        %scatter3A_258 = arith.constant 0 : i32
        %scatter3A_259 = arith.constant 0 : i32
        %scatter3A_260 = tpu.memref_slice %scatter3A_257[%scatter3A_258, %scatter3A_259] : memref<64x128xf32, #tpu.memory_space<vmem>> -> memref<16x128xf32, #tpu.memory_space<vmem>>
        tpu.vector_store_idx %scatter3A_260[%and3A_245, %add3A_199], %gather3A_253 : memref<16x128xf32, #tpu.memory_space<vmem>>[vector<16xi32>, vector<16xi32>], vector<16xf32>,
        %add3A_261 = arith.constant 3 : i32
        %add3A_262 = vector.broadcast %add3A_261 : i32 to vector<16xi32>
        %add3A_263 = arith.addi %iota3A, %add3A_262 : vector<16xi32>
        %and3A_264 = arith.constant 15 : i32
        %and3A_265 = vector.broadcast %and3A_264 : i32 to vector<16xi32>
        %and3A_266 = arith.andi %add3A_263, %and3A_265 : vector<16xi32>
        %add3A_267 = arith.constant 0 : i32
        %add3A_268 = vector.broadcast %add3A_267 : i32 to vector<16xi32>
        %add3A_269 = arith.addi %and3A_266, %add3A_268 : vector<16xi32>
        %gather3A_270 = arith.constant 0 : i32
        %gather3A_271 = arith.constant 0 : i32
        %gather3A_272 = tpu.memref_slice %arg6[%scan3A_94, %gather3A_270, %gather3A_271] : memref<2x128x128xf32, #tpu.memory_space<vmem>> -> memref<1x128x128xf32, #tpu.memory_space<vmem>>
        %gather3A_273 = tpu.memref_squeeze %gather3A_272 : memref<1x128x128xf32, #tpu.memory_space<vmem>> -> memref<128x128xf32, #tpu.memory_space<vmem>>
        %gather3A_274 = tpu.vector_load_idx %gather3A_273[%add3A_199, %add3A_269] : memref<128x128xf32, #tpu.memory_space<vmem>>[vector<16xi32>, vector<16xi32>], vector<16xf32>,
        %scatter3A_275 = arith.constant 0 : i32
        %scatter3A_276 = arith.constant 0 : i32
        %scatter3A_277 = tpu.memref_slice %arg7[%scan3A_95, %scatter3A_275, %scatter3A_276] : memref<2x64x128xf32, #tpu.memory_space<vmem>> -> memref<1x64x128xf32, #tpu.memory_space<vmem>>
        %scatter3A_278 = tpu.memref_squeeze %scatter3A_277 : memref<1x64x128xf32, #tpu.memory_space<vmem>> -> memref<64x128xf32, #tpu.memory_space<vmem>>
        %scatter3A_279 = arith.constant 0 : i32
        %scatter3A_280 = arith.constant 0 : i32
        %scatter3A_281 = tpu.memref_slice %scatter3A_278[%scatter3A_279, %scatter3A_280] : memref<64x128xf32, #tpu.memory_space<vmem>> -> memref<16x128xf32, #tpu.memory_space<vmem>>
        tpu.vector_store_idx %scatter3A_281[%and3A_266, %add3A_199], %gather3A_274 : memref<16x128xf32, #tpu.memory_space<vmem>>[vector<16xi32>, vector<16xi32>], vector<16xf32>,
        %add3A_282 = arith.constant 4 : i32
        %add3A_283 = vector.broadcast %add3A_282 : i32 to vector<16xi32>
        %add3A_284 = arith.addi %iota3A, %add3A_283 : vector<16xi32>
        %and3A_285 = arith.constant 15 : i32
        %and3A_286 = vector.broadcast %and3A_285 : i32 to vector<16xi32>
        %and3A_287 = arith.andi %add3A_284, %and3A_286 : vector<16xi32>
        %add3A_288 = arith.constant 0 : i32
        %add3A_289 = vector.broadcast %add3A_288 : i32 to vector<16xi32>
        %add3A_290 = arith.addi %and3A_287, %add3A_289 : vector<16xi32>
        %gather3A_291 = arith.constant 0 : i32
        %gather3A_292 = arith.constant 0 : i32
        %gather3A_293 = tpu.memref_slice %arg6[%scan3A_94, %gather3A_291, %gather3A_292] : memref<2x128x128xf32, #tpu.memory_space<vmem>> -> memref<1x128x128xf32, #tpu.memory_space<vmem>>
        %gather3A_294 = tpu.memref_squeeze %gather3A_293 : memref<1x128x128xf32, #tpu.memory_space<vmem>> -> memref<128x128xf32, #tpu.memory_space<vmem>>
        %gather3A_295 = tpu.vector_load_idx %gather3A_294[%add3A_199, %add3A_290] : memref<128x128xf32, #tpu.memory_space<vmem>>[vector<16xi32>, vector<16xi32>], vector<16xf32>,
        %scatter3A_296 = arith.constant 0 : i32
        %scatter3A_297 = arith.constant 0 : i32
        %scatter3A_298 = tpu.memref_slice %arg7[%scan3A_95, %scatter3A_296, %scatter3A_297] : memref<2x64x128xf32, #tpu.memory_space<vmem>> -> memref<1x64x128xf32, #tpu.memory_space<vmem>>
        %scatter3A_299 = tpu.memref_squeeze %scatter3A_298 : memref<1x64x128xf32, #tpu.memory_space<vmem>> -> memref<64x128xf32, #tpu.memory_space<vmem>>
        %scatter3A_300 = arith.constant 0 : i32
        %scatter3A_301 = arith.constant 0 : i32
        %scatter3A_302 = tpu.memref_slice %scatter3A_299[%scatter3A_300, %scatter3A_301] : memref<64x128xf32, #tpu.memory_space<vmem>> -> memref<16x128xf32, #tpu.memory_space<vmem>>
        tpu.vector_store_idx %scatter3A_302[%and3A_287, %add3A_199], %gather3A_295 : memref<16x128xf32, #tpu.memory_space<vmem>>[vector<16xi32>, vector<16xi32>], vector<16xf32>,
        %add3A_303 = arith.constant 5 : i32
        %add3A_304 = vector.broadcast %add3A_303 : i32 to vector<16xi32>
        %add3A_305 = arith.addi %iota3A, %add3A_304 : vector<16xi32>
        %and3A_306 = arith.constant 15 : i32
        %and3A_307 = vector.broadcast %and3A_306 : i32 to vector<16xi32>
        %and3A_308 = arith.andi %add3A_305, %and3A_307 : vector<16xi32>
        %add3A_309 = arith.constant 0 : i32
        %add3A_310 = vector.broadcast %add3A_309 : i32 to vector<16xi32>
        %add3A_311 = arith.addi %and3A_308, %add3A_310 : vector<16xi32>
        %gather3A_312 = arith.constant 0 : i32
        %gather3A_313 = arith.constant 0 : i32
        %gather3A_314 = tpu.memref_slice %arg6[%scan3A_94, %gather3A_312, %gather3A_313] : memref<2x128x128xf32, #tpu.memory_space<vmem>> -> memref<1x128x128xf32, #tpu.memory_space<vmem>>
        %gather3A_315 = tpu.memref_squeeze %gather3A_314 : memref<1x128x128xf32, #tpu.memory_space<vmem>> -> memref<128x128xf32, #tpu.memory_space<vmem>>
        %gather3A_316 = tpu.vector_load_idx %gather3A_315[%add3A_199, %add3A_311] : memref<128x128xf32, #tpu.memory_space<vmem>>[vector<16xi32>, vector<16xi32>], vector<16xf32>,
        %scatter3A_317 = arith.constant 0 : i32
        %scatter3A_318 = arith.constant 0 : i32
        %scatter3A_319 = tpu.memref_slice %arg7[%scan3A_95, %scatter3A_317, %scatter3A_318] : memref<2x64x128xf32, #tpu.memory_space<vmem>> -> memref<1x64x128xf32, #tpu.memory_space<vmem>>
        %scatter3A_320 = tpu.memref_squeeze %scatter3A_319 : memref<1x64x128xf32, #tpu.memory_space<vmem>> -> memref<64x128xf32, #tpu.memory_space<vmem>>
        %scatter3A_321 = arith.constant 0 : i32
        %scatter3A_322 = arith.constant 0 : i32
        %scatter3A_323 = tpu.memref_slice %scatter3A_320[%scatter3A_321, %scatter3A_322] : memref<64x128xf32, #tpu.memory_space<vmem>> -> memref<16x128xf32, #tpu.memory_space<vmem>>
        tpu.vector_store_idx %scatter3A_323[%and3A_308, %add3A_199], %gather3A_316 : memref<16x128xf32, #tpu.memory_space<vmem>>[vector<16xi32>, vector<16xi32>], vector<16xf32>,
        %add3A_324 = arith.constant 6 : i32
        %add3A_325 = vector.broadcast %add3A_324 : i32 to vector<16xi32>
        %add3A_326 = arith.addi %iota3A, %add3A_325 : vector<16xi32>
        %and3A_327 = arith.constant 15 : i32
        %and3A_328 = vector.broadcast %and3A_327 : i32 to vector<16xi32>
        %and3A_329 = arith.andi %add3A_326, %and3A_328 : vector<16xi32>
        %add3A_330 = arith.constant 0 : i32
        %add3A_331 = vector.broadcast %add3A_330 : i32 to vector<16xi32>
        %add3A_332 = arith.addi %and3A_329, %add3A_331 : vector<16xi32>
        %gather3A_333 = arith.constant 0 : i32
        %gather3A_334 = arith.constant 0 : i32
        %gather3A_335 = tpu.memref_slice %arg6[%scan3A_94, %gather3A_333, %gather3A_334] : memref<2x128x128xf32, #tpu.memory_space<vmem>> -> memref<1x128x128xf32, #tpu.memory_space<vmem>>
        %gather3A_336 = tpu.memref_squeeze %gather3A_335 : memref<1x128x128xf32, #tpu.memory_space<vmem>> -> memref<128x128xf32, #tpu.memory_space<vmem>>
        %gather3A_337 = tpu.vector_load_idx %gather3A_336[%add3A_199, %add3A_332] : memref<128x128xf32, #tpu.memory_space<vmem>>[vector<16xi32>, vector<16xi32>], vector<16xf32>,
        %scatter3A_338 = arith.constant 0 : i32
        %scatter3A_339 = arith.constant 0 : i32
        %scatter3A_340 = tpu.memref_slice %arg7[%scan3A_95, %scatter3A_338, %scatter3A_339] : memref<2x64x128xf32, #tpu.memory_space<vmem>> -> memref<1x64x128xf32, #tpu.memory_space<vmem>>
        %scatter3A_341 = tpu.memref_squeeze %scatter3A_340 : memref<1x64x128xf32, #tpu.memory_space<vmem>> -> memref<64x128xf32, #tpu.memory_space<vmem>>
        %scatter3A_342 = arith.constant 0 : i32
        %scatter3A_343 = arith.constant 0 : i32
        %scatter3A_344 = tpu.memref_slice %scatter3A_341[%scatter3A_342, %scatter3A_343] : memref<64x128xf32, #tpu.memory_space<vmem>> -> memref<16x128xf32, #tpu.memory_space<vmem>>
        tpu.vector_store_idx %scatter3A_344[%and3A_329, %add3A_199], %gather3A_337 : memref<16x128xf32, #tpu.memory_space<vmem>>[vector<16xi32>, vector<16xi32>], vector<16xf32>,
        %add3A_345 = arith.constant 7 : i32
        %add3A_346 = vector.broadcast %add3A_345 : i32 to vector<16xi32>
        %add3A_347 = arith.addi %iota3A, %add3A_346 : vector<16xi32>
        %and3A_348 = arith.constant 15 : i32
        %and3A_349 = vector.broadcast %and3A_348 : i32 to vector<16xi32>
        %and3A_350 = arith.andi %add3A_347, %and3A_349 : vector<16xi32>
        %add3A_351 = arith.constant 0 : i32
        %add3A_352 = vector.broadcast %add3A_351 : i32 to vector<16xi32>
        %add3A_353 = arith.addi %and3A_350, %add3A_352 : vector<16xi32>
        %gather3A_354 = arith.constant 0 : i32
        %gather3A_355 = arith.constant 0 : i32
        %gather3A_356 = tpu.memref_slice %arg6[%scan3A_94, %gather3A_354, %gather3A_355] : memref<2x128x128xf32, #tpu.memory_space<vmem>> -> memref<1x128x128xf32, #tpu.memory_space<vmem>>
        %gather3A_357 = tpu.memref_squeeze %gather3A_356 : memref<1x128x128xf32, #tpu.memory_space<vmem>> -> memref<128x128xf32, #tpu.memory_space<vmem>>
        %gather3A_358 = tpu.vector_load_idx %gather3A_357[%add3A_199, %add3A_353] : memref<128x128xf32, #tpu.memory_space<vmem>>[vector<16xi32>, vector<16xi32>], vector<16xf32>,
        %scatter3A_359 = arith.constant 0 : i32
        %scatter3A_360 = arith.constant 0 : i32
        %scatter3A_361 = tpu.memref_slice %arg7[%scan3A_95, %scatter3A_359, %scatter3A_360] : memref<2x64x128xf32, #tpu.memory_space<vmem>> -> memref<1x64x128xf32, #tpu.memory_space<vmem>>
        %scatter3A_362 = tpu.memref_squeeze %scatter3A_361 : memref<1x64x128xf32, #tpu.memory_space<vmem>> -> memref<64x128xf32, #tpu.memory_space<vmem>>
        %scatter3A_363 = arith.constant 0 : i32
        %scatter3A_364 = arith.constant 0 : i32
        %scatter3A_365 = tpu.memref_slice %scatter3A_362[%scatter3A_363, %scatter3A_364] : memref<64x128xf32, #tpu.memory_space<vmem>> -> memref<16x128xf32, #tpu.memory_space<vmem>>
        tpu.vector_store_idx %scatter3A_365[%and3A_350, %add3A_199], %gather3A_358 : memref<16x128xf32, #tpu.memory_space<vmem>>[vector<16xi32>, vector<16xi32>], vector<16xf32>,
        %add3A_366 = arith.constant 8 : i32
        %add3A_367 = vector.broadcast %add3A_366 : i32 to vector<16xi32>
        %add3A_368 = arith.addi %iota3A, %add3A_367 : vector<16xi32>
        %and3A_369 = arith.constant 15 : i32
        %and3A_370 = vector.broadcast %and3A_369 : i32 to vector<16xi32>
        %and3A_371 = arith.andi %add3A_368, %and3A_370 : vector<16xi32>
        %add3A_372 = arith.constant 0 : i32
        %add3A_373 = vector.broadcast %add3A_372 : i32 to vector<16xi32>
        %add3A_374 = arith.addi %and3A_371, %add3A_373 : vector<16xi32>
        %gather3A_375 = arith.constant 0 : i32
        %gather3A_376 = arith.constant 0 : i32
        %gather3A_377 = tpu.memref_slice %arg6[%scan3A_94, %gather3A_375, %gather3A_376] : memref<2x128x128xf32, #tpu.memory_space<vmem>> -> memref<1x128x128xf32, #tpu.memory_space<vmem>>
        %gather3A_378 = tpu.memref_squeeze %gather3A_377 : memref<1x128x128xf32, #tpu.memory_space<vmem>> -> memref<128x128xf32, #tpu.memory_space<vmem>>
        %gather3A_379 = tpu.vector_load_idx %gather3A_378[%add3A_199, %add3A_374] : memref<128x128xf32, #tpu.memory_space<vmem>>[vector<16xi32>, vector<16xi32>], vector<16xf32>,
        %scatter3A_380 = arith.constant 0 : i32
        %scatter3A_381 = arith.constant 0 : i32
        %scatter3A_382 = tpu.memref_slice %arg7[%scan3A_95, %scatter3A_380, %scatter3A_381] : memref<2x64x128xf32, #tpu.memory_space<vmem>> -> memref<1x64x128xf32, #tpu.memory_space<vmem>>
        %scatter3A_383 = tpu.memref_squeeze %scatter3A_382 : memref<1x64x128xf32, #tpu.memory_space<vmem>> -> memref<64x128xf32, #tpu.memory_space<vmem>>
        %scatter3A_384 = arith.constant 0 : i32
        %scatter3A_385 = arith.constant 0 : i32
        %scatter3A_386 = tpu.memref_slice %scatter3A_383[%scatter3A_384, %scatter3A_385] : memref<64x128xf32, #tpu.memory_space<vmem>> -> memref<16x128xf32, #tpu.memory_space<vmem>>
        tpu.vector_store_idx %scatter3A_386[%and3A_371, %add3A_199], %gather3A_379 : memref<16x128xf32, #tpu.memory_space<vmem>>[vector<16xi32>, vector<16xi32>], vector<16xf32>,
        %add3A_387 = arith.constant 9 : i32
        %add3A_388 = vector.broadcast %add3A_387 : i32 to vector<16xi32>
        %add3A_389 = arith.addi %iota3A, %add3A_388 : vector<16xi32>
        %and3A_390 = arith.constant 15 : i32
        %and3A_391 = vector.broadcast %and3A_390 : i32 to vector<16xi32>
        %and3A_392 = arith.andi %add3A_389, %and3A_391 : vector<16xi32>
        %add3A_393 = arith.constant 0 : i32
        %add3A_394 = vector.broadcast %add3A_393 : i32 to vector<16xi32>
        %add3A_395 = arith.addi %and3A_392, %add3A_394 : vector<16xi32>
        %gather3A_396 = arith.constant 0 : i32
        %gather3A_397 = arith.constant 0 : i32
        %gather3A_398 = tpu.memref_slice %arg6[%scan3A_94, %gather3A_396, %gather3A_397] : memref<2x128x128xf32, #tpu.memory_space<vmem>> -> memref<1x128x128xf32, #tpu.memory_space<vmem>>
        %gather3A_399 = tpu.memref_squeeze %gather3A_398 : memref<1x128x128xf32, #tpu.memory_space<vmem>> -> memref<128x128xf32, #tpu.memory_space<vmem>>
        %gather3A_400 = tpu.vector_load_idx %gather3A_399[%add3A_199, %add3A_395] : memref<128x128xf32, #tpu.memory_space<vmem>>[vector<16xi32>, vector<16xi32>], vector<16xf32>,
        %scatter3A_401 = arith.constant 0 : i32
        %scatter3A_402 = arith.constant 0 : i32
        %scatter3A_403 = tpu.memref_slice %arg7[%scan3A_95, %scatter3A_401, %scatter3A_402] : memref<2x64x128xf32, #tpu.memory_space<vmem>> -> memref<1x64x128xf32, #tpu.memory_space<vmem>>
        %scatter3A_404 = tpu.memref_squeeze %scatter3A_403 : memref<1x64x128xf32, #tpu.memory_space<vmem>> -> memref<64x128xf32, #tpu.memory_space<vmem>>
        %scatter3A_405 = arith.constant 0 : i32
        %scatter3A_406 = arith.constant 0 : i32
        %scatter3A_407 = tpu.memref_slice %scatter3A_404[%scatter3A_405, %scatter3A_406] : memref<64x128xf32, #tpu.memory_space<vmem>> -> memref<16x128xf32, #tpu.memory_space<vmem>>
        tpu.vector_store_idx %scatter3A_407[%and3A_392, %add3A_199], %gather3A_400 : memref<16x128xf32, #tpu.memory_space<vmem>>[vector<16xi32>, vector<16xi32>], vector<16xf32>,
        %add3A_408 = arith.constant 10 : i32
        %add3A_409 = vector.broadcast %add3A_408 : i32 to vector<16xi32>
        %add3A_410 = arith.addi %iota3A, %add3A_409 : vector<16xi32>
        %and3A_411 = arith.constant 15 : i32
        %and3A_412 = vector.broadcast %and3A_411 : i32 to vector<16xi32>
        %and3A_413 = arith.andi %add3A_410, %and3A_412 : vector<16xi32>
        %add3A_414 = arith.constant 0 : i32
        %add3A_415 = vector.broadcast %add3A_414 : i32 to vector<16xi32>
        %add3A_416 = arith.addi %and3A_413, %add3A_415 : vector<16xi32>
        %gather3A_417 = arith.constant 0 : i32
        %gather3A_418 = arith.constant 0 : i32
        %gather3A_419 = tpu.memref_slice %arg6[%scan3A_94, %gather3A_417, %gather3A_418] : memref<2x128x128xf32, #tpu.memory_space<vmem>> -> memref<1x128x128xf32, #tpu.memory_space<vmem>>
        %gather3A_420 = tpu.memref_squeeze %gather3A_419 : memref<1x128x128xf32, #tpu.memory_space<vmem>> -> memref<128x128xf32, #tpu.memory_space<vmem>>
        %gather3A_421 = tpu.vector_load_idx %gather3A_420[%add3A_199, %add3A_416] : memref<128x128xf32, #tpu.memory_space<vmem>>[vector<16xi32>, vector<16xi32>], vector<16xf32>,
        %scatter3A_422 = arith.constant 0 : i32
        %scatter3A_423 = arith.constant 0 : i32
        %scatter3A_424 = tpu.memref_slice %arg7[%scan3A_95, %scatter3A_422, %scatter3A_423] : memref<2x64x128xf32, #tpu.memory_space<vmem>> -> memref<1x64x128xf32, #tpu.memory_space<vmem>>
        %scatter3A_425 = tpu.memref_squeeze %scatter3A_424 : memref<1x64x128xf32, #tpu.memory_space<vmem>> -> memref<64x128xf32, #tpu.memory_space<vmem>>
        %scatter3A_426 = arith.constant 0 : i32
        %scatter3A_427 = arith.constant 0 : i32
        %scatter3A_428 = tpu.memref_slice %scatter3A_425[%scatter3A_426, %scatter3A_427] : memref<64x128xf32, #tpu.memory_space<vmem>> -> memref<16x128xf32, #tpu.memory_space<vmem>>
        tpu.vector_store_idx %scatter3A_428[%and3A_413, %add3A_199], %gather3A_421 : memref<16x128xf32, #tpu.memory_space<vmem>>[vector<16xi32>, vector<16xi32>], vector<16xf32>,
        %add3A_429 = arith.constant 11 : i32
        %add3A_430 = vector.broadcast %add3A_429 : i32 to vector<16xi32>
        %add3A_431 = arith.addi %iota3A, %add3A_430 : vector<16xi32>
        %and3A_432 = arith.constant 15 : i32
        %and3A_433 = vector.broadcast %and3A_432 : i32 to vector<16xi32>
        %and3A_434 = arith.andi %add3A_431, %and3A_433 : vector<16xi32>
        %add3A_435 = arith.constant 0 : i32
        %add3A_436 = vector.broadcast %add3A_435 : i32 to vector<16xi32>
        %add3A_437 = arith.addi %and3A_434, %add3A_436 : vector<16xi32>
        %gather3A_438 = arith.constant 0 : i32
        %gather3A_439 = arith.constant 0 : i32
        %gather3A_440 = tpu.memref_slice %arg6[%scan3A_94, %gather3A_438, %gather3A_439] : memref<2x128x128xf32, #tpu.memory_space<vmem>> -> memref<1x128x128xf32, #tpu.memory_space<vmem>>
        %gather3A_441 = tpu.memref_squeeze %gather3A_440 : memref<1x128x128xf32, #tpu.memory_space<vmem>> -> memref<128x128xf32, #tpu.memory_space<vmem>>
        %gather3A_442 = tpu.vector_load_idx %gather3A_441[%add3A_199, %add3A_437] : memref<128x128xf32, #tpu.memory_space<vmem>>[vector<16xi32>, vector<16xi32>], vector<16xf32>,
        %scatter3A_443 = arith.constant 0 : i32
        %scatter3A_444 = arith.constant 0 : i32
        %scatter3A_445 = tpu.memref_slice %arg7[%scan3A_95, %scatter3A_443, %scatter3A_444] : memref<2x64x128xf32, #tpu.memory_space<vmem>> -> memref<1x64x128xf32, #tpu.memory_space<vmem>>
        %scatter3A_446 = tpu.memref_squeeze %scatter3A_445 : memref<1x64x128xf32, #tpu.memory_space<vmem>> -> memref<64x128xf32, #tpu.memory_space<vmem>>
        %scatter3A_447 = arith.constant 0 : i32
        %scatter3A_448 = arith.constant 0 : i32
        %scatter3A_449 = tpu.memref_slice %scatter3A_446[%scatter3A_447, %scatter3A_448] : memref<64x128xf32, #tpu.memory_space<vmem>> -> memref<16x128xf32, #tpu.memory_space<vmem>>
        tpu.vector_store_idx %scatter3A_449[%and3A_434, %add3A_199], %gather3A_442 : memref<16x128xf32, #tpu.memory_space<vmem>>[vector<16xi32>, vector<16xi32>], vector<16xf32>,
        %add3A_450 = arith.constant 12 : i32
        %add3A_451 = vector.broadcast %add3A_450 : i32 to vector<16xi32>
        %add3A_452 = arith.addi %iota3A, %add3A_451 : vector<16xi32>
        %and3A_453 = arith.constant 15 : i32
        %and3A_454 = vector.broadcast %and3A_453 : i32 to vector<16xi32>
        %and3A_455 = arith.andi %add3A_452, %and3A_454 : vector<16xi32>
        %add3A_456 = arith.constant 0 : i32
        %add3A_457 = vector.broadcast %add3A_456 : i32 to vector<16xi32>
        %add3A_458 = arith.addi %and3A_455, %add3A_457 : vector<16xi32>
        %gather3A_459 = arith.constant 0 : i32
        %gather3A_460 = arith.constant 0 : i32
        %gather3A_461 = tpu.memref_slice %arg6[%scan3A_94, %gather3A_459, %gather3A_460] : memref<2x128x128xf32, #tpu.memory_space<vmem>> -> memref<1x128x128xf32, #tpu.memory_space<vmem>>
        %gather3A_462 = tpu.memref_squeeze %gather3A_461 : memref<1x128x128xf32, #tpu.memory_space<vmem>> -> memref<128x128xf32, #tpu.memory_space<vmem>>
        %gather3A_463 = tpu.vector_load_idx %gather3A_462[%add3A_199, %add3A_458] : memref<128x128xf32, #tpu.memory_space<vmem>>[vector<16xi32>, vector<16xi32>], vector<16xf32>,
        %scatter3A_464 = arith.constant 0 : i32
        %scatter3A_465 = arith.constant 0 : i32
        %scatter3A_466 = tpu.memref_slice %arg7[%scan3A_95, %scatter3A_464, %scatter3A_465] : memref<2x64x128xf32, #tpu.memory_space<vmem>> -> memref<1x64x128xf32, #tpu.memory_space<vmem>>
        %scatter3A_467 = tpu.memref_squeeze %scatter3A_466 : memref<1x64x128xf32, #tpu.memory_space<vmem>> -> memref<64x128xf32, #tpu.memory_space<vmem>>
        %scatter3A_468 = arith.constant 0 : i32
        %scatter3A_469 = arith.constant 0 : i32
        %scatter3A_470 = tpu.memref_slice %scatter3A_467[%scatter3A_468, %scatter3A_469] : memref<64x128xf32, #tpu.memory_space<vmem>> -> memref<16x128xf32, #tpu.memory_space<vmem>>
        tpu.vector_store_idx %scatter3A_470[%and3A_455, %add3A_199], %gather3A_463 : memref<16x128xf32, #tpu.memory_space<vmem>>[vector<16xi32>, vector<16xi32>], vector<16xf32>,
        %add3A_471 = arith.constant 13 : i32
        %add3A_472 = vector.broadcast %add3A_471 : i32 to vector<16xi32>
        %add3A_473 = arith.addi %iota3A, %add3A_472 : vector<16xi32>
        %and3A_474 = arith.constant 15 : i32
        %and3A_475 = vector.broadcast %and3A_474 : i32 to vector<16xi32>
        %and3A_476 = arith.andi %add3A_473, %and3A_475 : vector<16xi32>
        %add3A_477 = arith.constant 0 : i32
        %add3A_478 = vector.broadcast %add3A_477 : i32 to vector<16xi32>
        %add3A_479 = arith.addi %and3A_476, %add3A_478 : vector<16xi32>
        %gather3A_480 = arith.constant 0 : i32
        %gather3A_481 = arith.constant 0 : i32
        %gather3A_482 = tpu.memref_slice %arg6[%scan3A_94, %gather3A_480, %gather3A_481] : memref<2x128x128xf32, #tpu.memory_space<vmem>> -> memref<1x128x128xf32, #tpu.memory_space<vmem>>
        %gather3A_483 = tpu.memref_squeeze %gather3A_482 : memref<1x128x128xf32, #tpu.memory_space<vmem>> -> memref<128x128xf32, #tpu.memory_space<vmem>>
        %gather3A_484 = tpu.vector_load_idx %gather3A_483[%add3A_199, %add3A_479] : memref<128x128xf32, #tpu.memory_space<vmem>>[vector<16xi32>, vector<16xi32>], vector<16xf32>,
        %scatter3A_485 = arith.constant 0 : i32
        %scatter3A_486 = arith.constant 0 : i32
        %scatter3A_487 = tpu.memref_slice %arg7[%scan3A_95, %scatter3A_485, %scatter3A_486] : memref<2x64x128xf32, #tpu.memory_space<vmem>> -> memref<1x64x128xf32, #tpu.memory_space<vmem>>
        %scatter3A_488 = tpu.memref_squeeze %scatter3A_487 : memref<1x64x128xf32, #tpu.memory_space<vmem>> -> memref<64x128xf32, #tpu.memory_space<vmem>>
        %scatter3A_489 = arith.constant 0 : i32
        %scatter3A_490 = arith.constant 0 : i32
        %scatter3A_491 = tpu.memref_slice %scatter3A_488[%scatter3A_489, %scatter3A_490] : memref<64x128xf32, #tpu.memory_space<vmem>> -> memref<16x128xf32, #tpu.memory_space<vmem>>
        tpu.vector_store_idx %scatter3A_491[%and3A_476, %add3A_199], %gather3A_484 : memref<16x128xf32, #tpu.memory_space<vmem>>[vector<16xi32>, vector<16xi32>], vector<16xf32>,
        %add3A_492 = arith.constant 14 : i32
        %add3A_493 = vector.broadcast %add3A_492 : i32 to vector<16xi32>
        %add3A_494 = arith.addi %iota3A, %add3A_493 : vector<16xi32>
        %and3A_495 = arith.constant 15 : i32
        %and3A_496 = vector.broadcast %and3A_495 : i32 to vector<16xi32>
        %and3A_497 = arith.andi %add3A_494, %and3A_496 : vector<16xi32>
        %add3A_498 = arith.constant 0 : i32
        %add3A_499 = vector.broadcast %add3A_498 : i32 to vector<16xi32>
        %add3A_500 = arith.addi %and3A_497, %add3A_499 : vector<16xi32>
        %gather3A_501 = arith.constant 0 : i32
        %gather3A_502 = arith.constant 0 : i32
        %gather3A_503 = tpu.memref_slice %arg6[%scan3A_94, %gather3A_501, %gather3A_502] : memref<2x128x128xf32, #tpu.memory_space<vmem>> -> memref<1x128x128xf32, #tpu.memory_space<vmem>>
        %gather3A_504 = tpu.memref_squeeze %gather3A_503 : memref<1x128x128xf32, #tpu.memory_space<vmem>> -> memref<128x128xf32, #tpu.memory_space<vmem>>
        %gather3A_505 = tpu.vector_load_idx %gather3A_504[%add3A_199, %add3A_500] : memref<128x128xf32, #tpu.memory_space<vmem>>[vector<16xi32>, vector<16xi32>], vector<16xf32>,
        %scatter3A_506 = arith.constant 0 : i32
        %scatter3A_507 = arith.constant 0 : i32
        %scatter3A_508 = tpu.memref_slice %arg7[%scan3A_95, %scatter3A_506, %scatter3A_507] : memref<2x64x128xf32, #tpu.memory_space<vmem>> -> memref<1x64x128xf32, #tpu.memory_space<vmem>>
        %scatter3A_509 = tpu.memref_squeeze %scatter3A_508 : memref<1x64x128xf32, #tpu.memory_space<vmem>> -> memref<64x128xf32, #tpu.memory_space<vmem>>
        %scatter3A_510 = arith.constant 0 : i32
        %scatter3A_511 = arith.constant 0 : i32
        %scatter3A_512 = tpu.memref_slice %scatter3A_509[%scatter3A_510, %scatter3A_511] : memref<64x128xf32, #tpu.memory_space<vmem>> -> memref<16x128xf32, #tpu.memory_space<vmem>>
        tpu.vector_store_idx %scatter3A_512[%and3A_497, %add3A_199], %gather3A_505 : memref<16x128xf32, #tpu.memory_space<vmem>>[vector<16xi32>, vector<16xi32>], vector<16xf32>,
        %add3A_513 = arith.constant 15 : i32
        %add3A_514 = vector.broadcast %add3A_513 : i32 to vector<16xi32>
        %add3A_515 = arith.addi %iota3A, %add3A_514 : vector<16xi32>
        %and3A_516 = arith.constant 15 : i32
        %and3A_517 = vector.broadcast %and3A_516 : i32 to vector<16xi32>
        %and3A_518 = arith.andi %add3A_515, %and3A_517 : vector<16xi32>
        %add3A_519 = arith.constant 0 : i32
        %add3A_520 = vector.broadcast %add3A_519 : i32 to vector<16xi32>
        %add3A_521 = arith.addi %and3A_518, %add3A_520 : vector<16xi32>
        %gather3A_522 = arith.constant 0 : i32
        %gather3A_523 = arith.constant 0 : i32
        %gather3A_524 = tpu.memref_slice %arg6[%scan3A_94, %gather3A_522, %gather3A_523] : memref<2x128x128xf32, #tpu.memory_space<vmem>> -> memref<1x128x128xf32, #tpu.memory_space<vmem>>
        %gather3A_525 = tpu.memref_squeeze %gather3A_524 : memref<1x128x128xf32, #tpu.memory_space<vmem>> -> memref<128x128xf32, #tpu.memory_space<vmem>>
        %gather3A_526 = tpu.vector_load_idx %gather3A_525[%add3A_199, %add3A_521] : memref<128x128xf32, #tpu.memory_space<vmem>>[vector<16xi32>, vector<16xi32>], vector<16xf32>,
        %scatter3A_527 = arith.constant 0 : i32
        %scatter3A_528 = arith.constant 0 : i32
        %scatter3A_529 = tpu.memref_slice %arg7[%scan3A_95, %scatter3A_527, %scatter3A_528] : memref<2x64x128xf32, #tpu.memory_space<vmem>> -> memref<1x64x128xf32, #tpu.memory_space<vmem>>
        %scatter3A_530 = tpu.memref_squeeze %scatter3A_529 : memref<1x64x128xf32, #tpu.memory_space<vmem>> -> memref<64x128xf32, #tpu.memory_space<vmem>>
        %scatter3A_531 = arith.constant 0 : i32
        %scatter3A_532 = arith.constant 0 : i32
        %scatter3A_533 = tpu.memref_slice %scatter3A_530[%scatter3A_531, %scatter3A_532] : memref<64x128xf32, #tpu.memory_space<vmem>> -> memref<16x128xf32, #tpu.memory_space<vmem>>
        tpu.vector_store_idx %scatter3A_533[%and3A_518, %add3A_199], %gather3A_526 : memref<16x128xf32, #tpu.memory_space<vmem>>[vector<16xi32>, vector<16xi32>], vector<16xf32>,
        %add3A_534 = arith.constant 0 : i32
        %add3A_535 = vector.broadcast %add3A_534 : i32 to vector<16xi32>
        %add3A_536 = arith.addi %iota3A, %add3A_535 : vector<16xi32>
        %and3A_537 = arith.constant 15 : i32
        %and3A_538 = vector.broadcast %and3A_537 : i32 to vector<16xi32>
        %and3A_539 = arith.andi %add3A_536, %and3A_538 : vector<16xi32>
        %add3A_540 = arith.constant 16 : i32
        %add3A_541 = vector.broadcast %add3A_540 : i32 to vector<16xi32>
        %add3A_542 = arith.addi %and3A_539, %add3A_541 : vector<16xi32>
        %gather3A_543 = arith.constant 0 : i32
        %gather3A_544 = arith.constant 0 : i32
        %gather3A_545 = tpu.memref_slice %arg6[%scan3A_94, %gather3A_543, %gather3A_544] : memref<2x128x128xf32, #tpu.memory_space<vmem>> -> memref<1x128x128xf32, #tpu.memory_space<vmem>>
        %gather3A_546 = tpu.memref_squeeze %gather3A_545 : memref<1x128x128xf32, #tpu.memory_space<vmem>> -> memref<128x128xf32, #tpu.memory_space<vmem>>
        %gather3A_547 = tpu.vector_load_idx %gather3A_546[%add3A_199, %add3A_542] : memref<128x128xf32, #tpu.memory_space<vmem>>[vector<16xi32>, vector<16xi32>], vector<16xf32>,
        %scatter3A_548 = arith.constant 0 : i32
        %scatter3A_549 = arith.constant 0 : i32
        %scatter3A_550 = tpu.memref_slice %arg7[%scan3A_95, %scatter3A_548, %scatter3A_549] : memref<2x64x128xf32, #tpu.memory_space<vmem>> -> memref<1x64x128xf32, #tpu.memory_space<vmem>>
        %scatter3A_551 = tpu.memref_squeeze %scatter3A_550 : memref<1x64x128xf32, #tpu.memory_space<vmem>> -> memref<64x128xf32, #tpu.memory_space<vmem>>
        %scatter3A_552 = arith.constant 16 : i32
        %scatter3A_553 = arith.constant 0 : i32
        %scatter3A_554 = tpu.memref_slice %scatter3A_551[%scatter3A_552, %scatter3A_553] : memref<64x128xf32, #tpu.memory_space<vmem>> -> memref<16x128xf32, #tpu.memory_space<vmem>>
        tpu.vector_store_idx %scatter3A_554[%and3A_539, %add3A_199], %gather3A_547 : memref<16x128xf32, #tpu.memory_space<vmem>>[vector<16xi32>, vector<16xi32>], vector<16xf32>,
        %add3A_555 = arith.constant 1 : i32
        %add3A_556 = vector.broadcast %add3A_555 : i32 to vector<16xi32>
        %add3A_557 = arith.addi %iota3A, %add3A_556 : vector<16xi32>
        %and3A_558 = arith.constant 15 : i32
        %and3A_559 = vector.broadcast %and3A_558 : i32 to vector<16xi32>
        %and3A_560 = arith.andi %add3A_557, %and3A_559 : vector<16xi32>
        %add3A_561 = arith.constant 16 : i32
        %add3A_562 = vector.broadcast %add3A_561 : i32 to vector<16xi32>
        %add3A_563 = arith.addi %and3A_560, %add3A_562 : vector<16xi32>
        %gather3A_564 = arith.constant 0 : i32
        %gather3A_565 = arith.constant 0 : i32
        %gather3A_566 = tpu.memref_slice %arg6[%scan3A_94, %gather3A_564, %gather3A_565] : memref<2x128x128xf32, #tpu.memory_space<vmem>> -> memref<1x128x128xf32, #tpu.memory_space<vmem>>
        %gather3A_567 = tpu.memref_squeeze %gather3A_566 : memref<1x128x128xf32, #tpu.memory_space<vmem>> -> memref<128x128xf32, #tpu.memory_space<vmem>>
        %gather3A_568 = tpu.vector_load_idx %gather3A_567[%add3A_199, %add3A_563] : memref<128x128xf32, #tpu.memory_space<vmem>>[vector<16xi32>, vector<16xi32>], vector<16xf32>,
        %scatter3A_569 = arith.constant 0 : i32
        %scatter3A_570 = arith.constant 0 : i32
        %scatter3A_571 = tpu.memref_slice %arg7[%scan3A_95, %scatter3A_569, %scatter3A_570] : memref<2x64x128xf32, #tpu.memory_space<vmem>> -> memref<1x64x128xf32, #tpu.memory_space<vmem>>
        %scatter3A_572 = tpu.memref_squeeze %scatter3A_571 : memref<1x64x128xf32, #tpu.memory_space<vmem>> -> memref<64x128xf32, #tpu.memory_space<vmem>>
        %scatter3A_573 = arith.constant 16 : i32
        %scatter3A_574 = arith.constant 0 : i32
        %scatter3A_575 = tpu.memref_slice %scatter3A_572[%scatter3A_573, %scatter3A_574] : memref<64x128xf32, #tpu.memory_space<vmem>> -> memref<16x128xf32, #tpu.memory_space<vmem>>
        tpu.vector_store_idx %scatter3A_575[%and3A_560, %add3A_199], %gather3A_568 : memref<16x128xf32, #tpu.memory_space<vmem>>[vector<16xi32>, vector<16xi32>], vector<16xf32>,
        %add3A_576 = arith.constant 2 : i32
        %add3A_577 = vector.broadcast %add3A_576 : i32 to vector<16xi32>
        %add3A_578 = arith.addi %iota3A, %add3A_577 : vector<16xi32>
        %and3A_579 = arith.constant 15 : i32
        %and3A_580 = vector.broadcast %and3A_579 : i32 to vector<16xi32>
        %and3A_581 = arith.andi %add3A_578, %and3A_580 : vector<16xi32>
        %add3A_582 = arith.constant 16 : i32
        %add3A_583 = vector.broadcast %add3A_582 : i32 to vector<16xi32>
        %add3A_584 = arith.addi %and3A_581, %add3A_583 : vector<16xi32>
        %gather3A_585 = arith.constant 0 : i32
        %gather3A_586 = arith.constant 0 : i32
        %gather3A_587 = tpu.memref_slice %arg6[%scan3A_94, %gather3A_585, %gather3A_586] : memref<2x128x128xf32, #tpu.memory_space<vmem>> -> memref<1x128x128xf32, #tpu.memory_space<vmem>>
        %gather3A_588 = tpu.memref_squeeze %gather3A_587 : memref<1x128x128xf32, #tpu.memory_space<vmem>> -> memref<128x128xf32, #tpu.memory_space<vmem>>
        %gather3A_589 = tpu.vector_load_idx %gather3A_588[%add3A_199, %add3A_584] : memref<128x128xf32, #tpu.memory_space<vmem>>[vector<16xi32>, vector<16xi32>], vector<16xf32>,
        %scatter3A_590 = arith.constant 0 : i32
        %scatter3A_591 = arith.constant 0 : i32
        %scatter3A_592 = tpu.memref_slice %arg7[%scan3A_95, %scatter3A_590, %scatter3A_591] : memref<2x64x128xf32, #tpu.memory_space<vmem>> -> memref<1x64x128xf32, #tpu.memory_space<vmem>>
        %scatter3A_593 = tpu.memref_squeeze %scatter3A_592 : memref<1x64x128xf32, #tpu.memory_space<vmem>> -> memref<64x128xf32, #tpu.memory_space<vmem>>
        %scatter3A_594 = arith.constant 16 : i32
        %scatter3A_595 = arith.constant 0 : i32
        %scatter3A_596 = tpu.memref_slice %scatter3A_593[%scatter3A_594, %scatter3A_595] : memref<64x128xf32, #tpu.memory_space<vmem>> -> memref<16x128xf32, #tpu.memory_space<vmem>>
        tpu.vector_store_idx %scatter3A_596[%and3A_581, %add3A_199], %gather3A_589 : memref<16x128xf32, #tpu.memory_space<vmem>>[vector<16xi32>, vector<16xi32>], vector<16xf32>,
        %add3A_597 = arith.constant 3 : i32
        %add3A_598 = vector.broadcast %add3A_597 : i32 to vector<16xi32>
        %add3A_599 = arith.addi %iota3A, %add3A_598 : vector<16xi32>
        %and3A_600 = arith.constant 15 : i32
        %and3A_601 = vector.broadcast %and3A_600 : i32 to vector<16xi32>
        %and3A_602 = arith.andi %add3A_599, %and3A_601 : vector<16xi32>
        %add3A_603 = arith.constant 16 : i32
        %add3A_604 = vector.broadcast %add3A_603 : i32 to vector<16xi32>
        %add3A_605 = arith.addi %and3A_602, %add3A_604 : vector<16xi32>
        %gather3A_606 = arith.constant 0 : i32
        %gather3A_607 = arith.constant 0 : i32
        %gather3A_608 = tpu.memref_slice %arg6[%scan3A_94, %gather3A_606, %gather3A_607] : memref<2x128x128xf32, #tpu.memory_space<vmem>> -> memref<1x128x128xf32, #tpu.memory_space<vmem>>
        %gather3A_609 = tpu.memref_squeeze %gather3A_608 : memref<1x128x128xf32, #tpu.memory_space<vmem>> -> memref<128x128xf32, #tpu.memory_space<vmem>>
        %gather3A_610 = tpu.vector_load_idx %gather3A_609[%add3A_199, %add3A_605] : memref<128x128xf32, #tpu.memory_space<vmem>>[vector<16xi32>, vector<16xi32>], vector<16xf32>,
        %scatter3A_611 = arith.constant 0 : i32
        %scatter3A_612 = arith.constant 0 : i32
        %scatter3A_613 = tpu.memref_slice %arg7[%scan3A_95, %scatter3A_611, %scatter3A_612] : memref<2x64x128xf32, #tpu.memory_space<vmem>> -> memref<1x64x128xf32, #tpu.memory_space<vmem>>
        %scatter3A_614 = tpu.memref_squeeze %scatter3A_613 : memref<1x64x128xf32, #tpu.memory_space<vmem>> -> memref<64x128xf32, #tpu.memory_space<vmem>>
        %scatter3A_615 = arith.constant 16 : i32
        %scatter3A_616 = arith.constant 0 : i32
        %scatter3A_617 = tpu.memref_slice %scatter3A_614[%scatter3A_615, %scatter3A_616] : memref<64x128xf32, #tpu.memory_space<vmem>> -> memref<16x128xf32, #tpu.memory_space<vmem>>
        tpu.vector_store_idx %scatter3A_617[%and3A_602, %add3A_199], %gather3A_610 : memref<16x128xf32, #tpu.memory_space<vmem>>[vector<16xi32>, vector<16xi32>], vector<16xf32>,
        %add3A_618 = arith.constant 4 : i32
        %add3A_619 = vector.broadcast %add3A_618 : i32 to vector<16xi32>
        %add3A_620 = arith.addi %iota3A, %add3A_619 : vector<16xi32>
        %and3A_621 = arith.constant 15 : i32
        %and3A_622 = vector.broadcast %and3A_621 : i32 to vector<16xi32>
        %and3A_623 = arith.andi %add3A_620, %and3A_622 : vector<16xi32>
        %add3A_624 = arith.constant 16 : i32
        %add3A_625 = vector.broadcast %add3A_624 : i32 to vector<16xi32>
        %add3A_626 = arith.addi %and3A_623, %add3A_625 : vector<16xi32>
        %gather3A_627 = arith.constant 0 : i32
        %gather3A_628 = arith.constant 0 : i32
        %gather3A_629 = tpu.memref_slice %arg6[%scan3A_94, %gather3A_627, %gather3A_628] : memref<2x128x128xf32, #tpu.memory_space<vmem>> -> memref<1x128x128xf32, #tpu.memory_space<vmem>>
        %gather3A_630 = tpu.memref_squeeze %gather3A_629 : memref<1x128x128xf32, #tpu.memory_space<vmem>> -> memref<128x128xf32, #tpu.memory_space<vmem>>
        %gather3A_631 = tpu.vector_load_idx %gather3A_630[%add3A_199, %add3A_626] : memref<128x128xf32, #tpu.memory_space<vmem>>[vector<16xi32>, vector<16xi32>], vector<16xf32>,
        %scatter3A_632 = arith.constant 0 : i32
        %scatter3A_633 = arith.constant 0 : i32
        %scatter3A_634 = tpu.memref_slice %arg7[%scan3A_95, %scatter3A_632, %scatter3A_633] : memref<2x64x128xf32, #tpu.memory_space<vmem>> -> memref<1x64x128xf32, #tpu.memory_space<vmem>>
        %scatter3A_635 = tpu.memref_squeeze %scatter3A_634 : memref<1x64x128xf32, #tpu.memory_space<vmem>> -> memref<64x128xf32, #tpu.memory_space<vmem>>
        %scatter3A_636 = arith.constant 16 : i32
        %scatter3A_637 = arith.constant 0 : i32
        %scatter3A_638 = tpu.memref_slice %scatter3A_635[%scatter3A_636, %scatter3A_637] : memref<64x128xf32, #tpu.memory_space<vmem>> -> memref<16x128xf32, #tpu.memory_space<vmem>>
        tpu.vector_store_idx %scatter3A_638[%and3A_623, %add3A_199], %gather3A_631 : memref<16x128xf32, #tpu.memory_space<vmem>>[vector<16xi32>, vector<16xi32>], vector<16xf32>,
        %add3A_639 = arith.constant 5 : i32
        %add3A_640 = vector.broadcast %add3A_639 : i32 to vector<16xi32>
        %add3A_641 = arith.addi %iota3A, %add3A_640 : vector<16xi32>
        %and3A_642 = arith.constant 15 : i32
        %and3A_643 = vector.broadcast %and3A_642 : i32 to vector<16xi32>
        %and3A_644 = arith.andi %add3A_641, %and3A_643 : vector<16xi32>
        %add3A_645 = arith.constant 16 : i32
        %add3A_646 = vector.broadcast %add3A_645 : i32 to vector<16xi32>
        %add3A_647 = arith.addi %and3A_644, %add3A_646 : vector<16xi32>
        %gather3A_648 = arith.constant 0 : i32
        %gather3A_649 = arith.constant 0 : i32
        %gather3A_650 = tpu.memref_slice %arg6[%scan3A_94, %gather3A_648, %gather3A_649] : memref<2x128x128xf32, #tpu.memory_space<vmem>> -> memref<1x128x128xf32, #tpu.memory_space<vmem>>
        %gather3A_651 = tpu.memref_squeeze %gather3A_650 : memref<1x128x128xf32, #tpu.memory_space<vmem>> -> memref<128x128xf32, #tpu.memory_space<vmem>>
        %gather3A_652 = tpu.vector_load_idx %gather3A_651[%add3A_199, %add3A_647] : memref<128x128xf32, #tpu.memory_space<vmem>>[vector<16xi32>, vector<16xi32>], vector<16xf32>,
        %scatter3A_653 = arith.constant 0 : i32
        %scatter3A_654 = arith.constant 0 : i32
        %scatter3A_655 = tpu.memref_slice %arg7[%scan3A_95, %scatter3A_653, %scatter3A_654] : memref<2x64x128xf32, #tpu.memory_space<vmem>> -> memref<1x64x128xf32, #tpu.memory_space<vmem>>
        %scatter3A_656 = tpu.memref_squeeze %scatter3A_655 : memref<1x64x128xf32, #tpu.memory_space<vmem>> -> memref<64x128xf32, #tpu.memory_space<vmem>>
        %scatter3A_657 = arith.constant 16 : i32
        %scatter3A_658 = arith.constant 0 : i32
        %scatter3A_659 = tpu.memref_slice %scatter3A_656[%scatter3A_657, %scatter3A_658] : memref<64x128xf32, #tpu.memory_space<vmem>> -> memref<16x128xf32, #tpu.memory_space<vmem>>
        tpu.vector_store_idx %scatter3A_659[%and3A_644, %add3A_199], %gather3A_652 : memref<16x128xf32, #tpu.memory_space<vmem>>[vector<16xi32>, vector<16xi32>], vector<16xf32>,
        %add3A_660 = arith.constant 6 : i32
        %add3A_661 = vector.broadcast %add3A_660 : i32 to vector<16xi32>
        %add3A_662 = arith.addi %iota3A, %add3A_661 : vector<16xi32>
        %and3A_663 = arith.constant 15 : i32
        %and3A_664 = vector.broadcast %and3A_663 : i32 to vector<16xi32>
        %and3A_665 = arith.andi %add3A_662, %and3A_664 : vector<16xi32>
        %add3A_666 = arith.constant 16 : i32
        %add3A_667 = vector.broadcast %add3A_666 : i32 to vector<16xi32>
        %add3A_668 = arith.addi %and3A_665, %add3A_667 : vector<16xi32>
        %gather3A_669 = arith.constant 0 : i32
        %gather3A_670 = arith.constant 0 : i32
        %gather3A_671 = tpu.memref_slice %arg6[%scan3A_94, %gather3A_669, %gather3A_670] : memref<2x128x128xf32, #tpu.memory_space<vmem>> -> memref<1x128x128xf32, #tpu.memory_space<vmem>>
        %gather3A_672 = tpu.memref_squeeze %gather3A_671 : memref<1x128x128xf32, #tpu.memory_space<vmem>> -> memref<128x128xf32, #tpu.memory_space<vmem>>
        %gather3A_673 = tpu.vector_load_idx %gather3A_672[%add3A_199, %add3A_668] : memref<128x128xf32, #tpu.memory_space<vmem>>[vector<16xi32>, vector<16xi32>], vector<16xf32>,
        %scatter3A_674 = arith.constant 0 : i32
        %scatter3A_675 = arith.constant 0 : i32
        %scatter3A_676 = tpu.memref_slice %arg7[%scan3A_95, %scatter3A_674, %scatter3A_675] : memref<2x64x128xf32, #tpu.memory_space<vmem>> -> memref<1x64x128xf32, #tpu.memory_space<vmem>>
        %scatter3A_677 = tpu.memref_squeeze %scatter3A_676 : memref<1x64x128xf32, #tpu.memory_space<vmem>> -> memref<64x128xf32, #tpu.memory_space<vmem>>
        %scatter3A_678 = arith.constant 16 : i32
        %scatter3A_679 = arith.constant 0 : i32
        %scatter3A_680 = tpu.memref_slice %scatter3A_677[%scatter3A_678, %scatter3A_679] : memref<64x128xf32, #tpu.memory_space<vmem>> -> memref<16x128xf32, #tpu.memory_space<vmem>>
        tpu.vector_store_idx %scatter3A_680[%and3A_665, %add3A_199], %gather3A_673 : memref<16x128xf32, #tpu.memory_space<vmem>>[vector<16xi32>, vector<16xi32>], vector<16xf32>,
        %add3A_681 = arith.constant 7 : i32
        %add3A_682 = vector.broadcast %add3A_681 : i32 to vector<16xi32>
        %add3A_683 = arith.addi %iota3A, %add3A_682 : vector<16xi32>
        %and3A_684 = arith.constant 15 : i32
        %and3A_685 = vector.broadcast %and3A_684 : i32 to vector<16xi32>
        %and3A_686 = arith.andi %add3A_683, %and3A_685 : vector<16xi32>
        %add3A_687 = arith.constant 16 : i32
        %add3A_688 = vector.broadcast %add3A_687 : i32 to vector<16xi32>
        %add3A_689 = arith.addi %and3A_686, %add3A_688 : vector<16xi32>
        %gather3A_690 = arith.constant 0 : i32
        %gather3A_691 = arith.constant 0 : i32
        %gather3A_692 = tpu.memref_slice %arg6[%scan3A_94, %gather3A_690, %gather3A_691] : memref<2x128x128xf32, #tpu.memory_space<vmem>> -> memref<1x128x128xf32, #tpu.memory_space<vmem>>
        %gather3A_693 = tpu.memref_squeeze %gather3A_692 : memref<1x128x128xf32, #tpu.memory_space<vmem>> -> memref<128x128xf32, #tpu.memory_space<vmem>>
        %gather3A_694 = tpu.vector_load_idx %gather3A_693[%add3A_199, %add3A_689] : memref<128x128xf32, #tpu.memory_space<vmem>>[vector<16xi32>, vector<16xi32>], vector<16xf32>,
        %scatter3A_695 = arith.constant 0 : i32
        %scatter3A_696 = arith.constant 0 : i32
        %scatter3A_697 = tpu.memref_slice %arg7[%scan3A_95, %scatter3A_695, %scatter3A_696] : memref<2x64x128xf32, #tpu.memory_space<vmem>> -> memref<1x64x128xf32, #tpu.memory_space<vmem>>
        %scatter3A_698 = tpu.memref_squeeze %scatter3A_697 : memref<1x64x128xf32, #tpu.memory_space<vmem>> -> memref<64x128xf32, #tpu.memory_space<vmem>>
        %scatter3A_699 = arith.constant 16 : i32
        %scatter3A_700 = arith.constant 0 : i32
        %scatter3A_701 = tpu.memref_slice %scatter3A_698[%scatter3A_699, %scatter3A_700] : memref<64x128xf32, #tpu.memory_space<vmem>> -> memref<16x128xf32, #tpu.memory_space<vmem>>
        tpu.vector_store_idx %scatter3A_701[%and3A_686, %add3A_199], %gather3A_694 : memref<16x128xf32, #tpu.memory_space<vmem>>[vector<16xi32>, vector<16xi32>], vector<16xf32>,
        %add3A_702 = arith.constant 8 : i32
        %add3A_703 = vector.broadcast %add3A_702 : i32 to vector<16xi32>
        %add3A_704 = arith.addi %iota3A, %add3A_703 : vector<16xi32>
        %and3A_705 = arith.constant 15 : i32
        %and3A_706 = vector.broadcast %and3A_705 : i32 to vector<16xi32>
        %and3A_707 = arith.andi %add3A_704, %and3A_706 : vector<16xi32>
        %add3A_708 = arith.constant 16 : i32
        %add3A_709 = vector.broadcast %add3A_708 : i32 to vector<16xi32>
        %add3A_710 = arith.addi %and3A_707, %add3A_709 : vector<16xi32>
        %gather3A_711 = arith.constant 0 : i32
        %gather3A_712 = arith.constant 0 : i32
        %gather3A_713 = tpu.memref_slice %arg6[%scan3A_94, %gather3A_711, %gather3A_712] : memref<2x128x128xf32, #tpu.memory_space<vmem>> -> memref<1x128x128xf32, #tpu.memory_space<vmem>>
        %gather3A_714 = tpu.memref_squeeze %gather3A_713 : memref<1x128x128xf32, #tpu.memory_space<vmem>> -> memref<128x128xf32, #tpu.memory_space<vmem>>
        %gather3A_715 = tpu.vector_load_idx %gather3A_714[%add3A_199, %add3A_710] : memref<128x128xf32, #tpu.memory_space<vmem>>[vector<16xi32>, vector<16xi32>], vector<16xf32>,
        %scatter3A_716 = arith.constant 0 : i32
        %scatter3A_717 = arith.constant 0 : i32
        %scatter3A_718 = tpu.memref_slice %arg7[%scan3A_95, %scatter3A_716, %scatter3A_717] : memref<2x64x128xf32, #tpu.memory_space<vmem>> -> memref<1x64x128xf32, #tpu.memory_space<vmem>>
        %scatter3A_719 = tpu.memref_squeeze %scatter3A_718 : memref<1x64x128xf32, #tpu.memory_space<vmem>> -> memref<64x128xf32, #tpu.memory_space<vmem>>
        %scatter3A_720 = arith.constant 16 : i32
        %scatter3A_721 = arith.constant 0 : i32
        %scatter3A_722 = tpu.memref_slice %scatter3A_719[%scatter3A_720, %scatter3A_721] : memref<64x128xf32, #tpu.memory_space<vmem>> -> memref<16x128xf32, #tpu.memory_space<vmem>>
        tpu.vector_store_idx %scatter3A_722[%and3A_707, %add3A_199], %gather3A_715 : memref<16x128xf32, #tpu.memory_space<vmem>>[vector<16xi32>, vector<16xi32>], vector<16xf32>,
        %add3A_723 = arith.constant 9 : i32
        %add3A_724 = vector.broadcast %add3A_723 : i32 to vector<16xi32>
        %add3A_725 = arith.addi %iota3A, %add3A_724 : vector<16xi32>
        %and3A_726 = arith.constant 15 : i32
        %and3A_727 = vector.broadcast %and3A_726 : i32 to vector<16xi32>
        %and3A_728 = arith.andi %add3A_725, %and3A_727 : vector<16xi32>
        %add3A_729 = arith.constant 16 : i32
        %add3A_730 = vector.broadcast %add3A_729 : i32 to vector<16xi32>
        %add3A_731 = arith.addi %and3A_728, %add3A_730 : vector<16xi32>
        %gather3A_732 = arith.constant 0 : i32
        %gather3A_733 = arith.constant 0 : i32
        %gather3A_734 = tpu.memref_slice %arg6[%scan3A_94, %gather3A_732, %gather3A_733] : memref<2x128x128xf32, #tpu.memory_space<vmem>> -> memref<1x128x128xf32, #tpu.memory_space<vmem>>
        %gather3A_735 = tpu.memref_squeeze %gather3A_734 : memref<1x128x128xf32, #tpu.memory_space<vmem>> -> memref<128x128xf32, #tpu.memory_space<vmem>>
        %gather3A_736 = tpu.vector_load_idx %gather3A_735[%add3A_199, %add3A_731] : memref<128x128xf32, #tpu.memory_space<vmem>>[vector<16xi32>, vector<16xi32>], vector<16xf32>,
        %scatter3A_737 = arith.constant 0 : i32
        %scatter3A_738 = arith.constant 0 : i32
        %scatter3A_739 = tpu.memref_slice %arg7[%scan3A_95, %scatter3A_737, %scatter3A_738] : memref<2x64x128xf32, #tpu.memory_space<vmem>> -> memref<1x64x128xf32, #tpu.memory_space<vmem>>
        %scatter3A_740 = tpu.memref_squeeze %scatter3A_739 : memref<1x64x128xf32, #tpu.memory_space<vmem>> -> memref<64x128xf32, #tpu.memory_space<vmem>>
        %scatter3A_741 = arith.constant 16 : i32
        %scatter3A_742 = arith.constant 0 : i32
        %scatter3A_743 = tpu.memref_slice %scatter3A_740[%scatter3A_741, %scatter3A_742] : memref<64x128xf32, #tpu.memory_space<vmem>> -> memref<16x128xf32, #tpu.memory_space<vmem>>
        tpu.vector_store_idx %scatter3A_743[%and3A_728, %add3A_199], %gather3A_736 : memref<16x128xf32, #tpu.memory_space<vmem>>[vector<16xi32>, vector<16xi32>], vector<16xf32>,
        %add3A_744 = arith.constant 10 : i32
        %add3A_745 = vector.broadcast %add3A_744 : i32 to vector<16xi32>
        %add3A_746 = arith.addi %iota3A, %add3A_745 : vector<16xi32>
        %and3A_747 = arith.constant 15 : i32
        %and3A_748 = vector.broadcast %and3A_747 : i32 to vector<16xi32>
        %and3A_749 = arith.andi %add3A_746, %and3A_748 : vector<16xi32>
        %add3A_750 = arith.constant 16 : i32
        %add3A_751 = vector.broadcast %add3A_750 : i32 to vector<16xi32>
        %add3A_752 = arith.addi %and3A_749, %add3A_751 : vector<16xi32>
        %gather3A_753 = arith.constant 0 : i32
        %gather3A_754 = arith.constant 0 : i32
        %gather3A_755 = tpu.memref_slice %arg6[%scan3A_94, %gather3A_753, %gather3A_754] : memref<2x128x128xf32, #tpu.memory_space<vmem>> -> memref<1x128x128xf32, #tpu.memory_space<vmem>>
        %gather3A_756 = tpu.memref_squeeze %gather3A_755 : memref<1x128x128xf32, #tpu.memory_space<vmem>> -> memref<128x128xf32, #tpu.memory_space<vmem>>
        %gather3A_757 = tpu.vector_load_idx %gather3A_756[%add3A_199, %add3A_752] : memref<128x128xf32, #tpu.memory_space<vmem>>[vector<16xi32>, vector<16xi32>], vector<16xf32>,
        %scatter3A_758 = arith.constant 0 : i32
        %scatter3A_759 = arith.constant 0 : i32
        %scatter3A_760 = tpu.memref_slice %arg7[%scan3A_95, %scatter3A_758, %scatter3A_759] : memref<2x64x128xf32, #tpu.memory_space<vmem>> -> memref<1x64x128xf32, #tpu.memory_space<vmem>>
        %scatter3A_761 = tpu.memref_squeeze %scatter3A_760 : memref<1x64x128xf32, #tpu.memory_space<vmem>> -> memref<64x128xf32, #tpu.memory_space<vmem>>
        %scatter3A_762 = arith.constant 16 : i32
        %scatter3A_763 = arith.constant 0 : i32
        %scatter3A_764 = tpu.memref_slice %scatter3A_761[%scatter3A_762, %scatter3A_763] : memref<64x128xf32, #tpu.memory_space<vmem>> -> memref<16x128xf32, #tpu.memory_space<vmem>>
        tpu.vector_store_idx %scatter3A_764[%and3A_749, %add3A_199], %gather3A_757 : memref<16x128xf32, #tpu.memory_space<vmem>>[vector<16xi32>, vector<16xi32>], vector<16xf32>,
        %add3A_765 = arith.constant 11 : i32
        %add3A_766 = vector.broadcast %add3A_765 : i32 to vector<16xi32>
        %add3A_767 = arith.addi %iota3A, %add3A_766 : vector<16xi32>
        %and3A_768 = arith.constant 15 : i32
        %and3A_769 = vector.broadcast %and3A_768 : i32 to vector<16xi32>
        %and3A_770 = arith.andi %add3A_767, %and3A_769 : vector<16xi32>
        %add3A_771 = arith.constant 16 : i32
        %add3A_772 = vector.broadcast %add3A_771 : i32 to vector<16xi32>
        %add3A_773 = arith.addi %and3A_770, %add3A_772 : vector<16xi32>
        %gather3A_774 = arith.constant 0 : i32
        %gather3A_775 = arith.constant 0 : i32
        %gather3A_776 = tpu.memref_slice %arg6[%scan3A_94, %gather3A_774, %gather3A_775] : memref<2x128x128xf32, #tpu.memory_space<vmem>> -> memref<1x128x128xf32, #tpu.memory_space<vmem>>
        %gather3A_777 = tpu.memref_squeeze %gather3A_776 : memref<1x128x128xf32, #tpu.memory_space<vmem>> -> memref<128x128xf32, #tpu.memory_space<vmem>>
        %gather3A_778 = tpu.vector_load_idx %gather3A_777[%add3A_199, %add3A_773] : memref<128x128xf32, #tpu.memory_space<vmem>>[vector<16xi32>, vector<16xi32>], vector<16xf32>,
        %scatter3A_779 = arith.constant 0 : i32
        %scatter3A_780 = arith.constant 0 : i32
        %scatter3A_781 = tpu.memref_slice %arg7[%scan3A_95, %scatter3A_779, %scatter3A_780] : memref<2x64x128xf32, #tpu.memory_space<vmem>> -> memref<1x64x128xf32, #tpu.memory_space<vmem>>
        %scatter3A_782 = tpu.memref_squeeze %scatter3A_781 : memref<1x64x128xf32, #tpu.memory_space<vmem>> -> memref<64x128xf32, #tpu.memory_space<vmem>>
        %scatter3A_783 = arith.constant 16 : i32
        %scatter3A_784 = arith.constant 0 : i32
        %scatter3A_785 = tpu.memref_slice %scatter3A_782[%scatter3A_783, %scatter3A_784] : memref<64x128xf32, #tpu.memory_space<vmem>> -> memref<16x128xf32, #tpu.memory_space<vmem>>
        tpu.vector_store_idx %scatter3A_785[%and3A_770, %add3A_199], %gather3A_778 : memref<16x128xf32, #tpu.memory_space<vmem>>[vector<16xi32>, vector<16xi32>], vector<16xf32>,
        %add3A_786 = arith.constant 12 : i32
        %add3A_787 = vector.broadcast %add3A_786 : i32 to vector<16xi32>
        %add3A_788 = arith.addi %iota3A, %add3A_787 : vector<16xi32>
        %and3A_789 = arith.constant 15 : i32
        %and3A_790 = vector.broadcast %and3A_789 : i32 to vector<16xi32>
        %and3A_791 = arith.andi %add3A_788, %and3A_790 : vector<16xi32>
        %add3A_792 = arith.constant 16 : i32
        %add3A_793 = vector.broadcast %add3A_792 : i32 to vector<16xi32>
        %add3A_794 = arith.addi %and3A_791, %add3A_793 : vector<16xi32>
        %gather3A_795 = arith.constant 0 : i32
        %gather3A_796 = arith.constant 0 : i32
        %gather3A_797 = tpu.memref_slice %arg6[%scan3A_94, %gather3A_795, %gather3A_796] : memref<2x128x128xf32, #tpu.memory_space<vmem>> -> memref<1x128x128xf32, #tpu.memory_space<vmem>>
        %gather3A_798 = tpu.memref_squeeze %gather3A_797 : memref<1x128x128xf32, #tpu.memory_space<vmem>> -> memref<128x128xf32, #tpu.memory_space<vmem>>
        %gather3A_799 = tpu.vector_load_idx %gather3A_798[%add3A_199, %add3A_794] : memref<128x128xf32, #tpu.memory_space<vmem>>[vector<16xi32>, vector<16xi32>], vector<16xf32>,
        %scatter3A_800 = arith.constant 0 : i32
        %scatter3A_801 = arith.constant 0 : i32
        %scatter3A_802 = tpu.memref_slice %arg7[%scan3A_95, %scatter3A_800, %scatter3A_801] : memref<2x64x128xf32, #tpu.memory_space<vmem>> -> memref<1x64x128xf32, #tpu.memory_space<vmem>>
        %scatter3A_803 = tpu.memref_squeeze %scatter3A_802 : memref<1x64x128xf32, #tpu.memory_space<vmem>> -> memref<64x128xf32, #tpu.memory_space<vmem>>
        %scatter3A_804 = arith.constant 16 : i32
        %scatter3A_805 = arith.constant 0 : i32
        %scatter3A_806 = tpu.memref_slice %scatter3A_803[%scatter3A_804, %scatter3A_805] : memref<64x128xf32, #tpu.memory_space<vmem>> -> memref<16x128xf32, #tpu.memory_space<vmem>>
        tpu.vector_store_idx %scatter3A_806[%and3A_791, %add3A_199], %gather3A_799 : memref<16x128xf32, #tpu.memory_space<vmem>>[vector<16xi32>, vector<16xi32>], vector<16xf32>,
        %add3A_807 = arith.constant 13 : i32
        %add3A_808 = vector.broadcast %add3A_807 : i32 to vector<16xi32>
        %add3A_809 = arith.addi %iota3A, %add3A_808 : vector<16xi32>
        %and3A_810 = arith.constant 15 : i32
        %and3A_811 = vector.broadcast %and3A_810 : i32 to vector<16xi32>
        %and3A_812 = arith.andi %add3A_809, %and3A_811 : vector<16xi32>
        %add3A_813 = arith.constant 16 : i32
        %add3A_814 = vector.broadcast %add3A_813 : i32 to vector<16xi32>
        %add3A_815 = arith.addi %and3A_812, %add3A_814 : vector<16xi32>
        %gather3A_816 = arith.constant 0 : i32
        %gather3A_817 = arith.constant 0 : i32
        %gather3A_818 = tpu.memref_slice %arg6[%scan3A_94, %gather3A_816, %gather3A_817] : memref<2x128x128xf32, #tpu.memory_space<vmem>> -> memref<1x128x128xf32, #tpu.memory_space<vmem>>
        %gather3A_819 = tpu.memref_squeeze %gather3A_818 : memref<1x128x128xf32, #tpu.memory_space<vmem>> -> memref<128x128xf32, #tpu.memory_space<vmem>>
        %gather3A_820 = tpu.vector_load_idx %gather3A_819[%add3A_199, %add3A_815] : memref<128x128xf32, #tpu.memory_space<vmem>>[vector<16xi32>, vector<16xi32>], vector<16xf32>,
        %scatter3A_821 = arith.constant 0 : i32
        %scatter3A_822 = arith.constant 0 : i32
        %scatter3A_823 = tpu.memref_slice %arg7[%scan3A_95, %scatter3A_821, %scatter3A_822] : memref<2x64x128xf32, #tpu.memory_space<vmem>> -> memref<1x64x128xf32, #tpu.memory_space<vmem>>
        %scatter3A_824 = tpu.memref_squeeze %scatter3A_823 : memref<1x64x128xf32, #tpu.memory_space<vmem>> -> memref<64x128xf32, #tpu.memory_space<vmem>>
        %scatter3A_825 = arith.constant 16 : i32
        %scatter3A_826 = arith.constant 0 : i32
        %scatter3A_827 = tpu.memref_slice %scatter3A_824[%scatter3A_825, %scatter3A_826] : memref<64x128xf32, #tpu.memory_space<vmem>> -> memref<16x128xf32, #tpu.memory_space<vmem>>
        tpu.vector_store_idx %scatter3A_827[%and3A_812, %add3A_199], %gather3A_820 : memref<16x128xf32, #tpu.memory_space<vmem>>[vector<16xi32>, vector<16xi32>], vector<16xf32>,
        %add3A_828 = arith.constant 14 : i32
        %add3A_829 = vector.broadcast %add3A_828 : i32 to vector<16xi32>
        %add3A_830 = arith.addi %iota3A, %add3A_829 : vector<16xi32>
        %and3A_831 = arith.constant 15 : i32
        %and3A_832 = vector.broadcast %and3A_831 : i32 to vector<16xi32>
        %and3A_833 = arith.andi %add3A_830, %and3A_832 : vector<16xi32>
        %add3A_834 = arith.constant 16 : i32
        %add3A_835 = vector.broadcast %add3A_834 : i32 to vector<16xi32>
        %add3A_836 = arith.addi %and3A_833, %add3A_835 : vector<16xi32>
        %gather3A_837 = arith.constant 0 : i32
        %gather3A_838 = arith.constant 0 : i32
        %gather3A_839 = tpu.memref_slice %arg6[%scan3A_94, %gather3A_837, %gather3A_838] : memref<2x128x128xf32, #tpu.memory_space<vmem>> -> memref<1x128x128xf32, #tpu.memory_space<vmem>>
        %gather3A_840 = tpu.memref_squeeze %gather3A_839 : memref<1x128x128xf32, #tpu.memory_space<vmem>> -> memref<128x128xf32, #tpu.memory_space<vmem>>
        %gather3A_841 = tpu.vector_load_idx %gather3A_840[%add3A_199, %add3A_836] : memref<128x128xf32, #tpu.memory_space<vmem>>[vector<16xi32>, vector<16xi32>], vector<16xf32>,
        %scatter3A_842 = arith.constant 0 : i32
        %scatter3A_843 = arith.constant 0 : i32
        %scatter3A_844 = tpu.memref_slice %arg7[%scan3A_95, %scatter3A_842, %scatter3A_843] : memref<2x64x128xf32, #tpu.memory_space<vmem>> -> memref<1x64x128xf32, #tpu.memory_space<vmem>>
        %scatter3A_845 = tpu.memref_squeeze %scatter3A_844 : memref<1x64x128xf32, #tpu.memory_space<vmem>> -> memref<64x128xf32, #tpu.memory_space<vmem>>
        %scatter3A_846 = arith.constant 16 : i32
        %scatter3A_847 = arith.constant 0 : i32
        %scatter3A_848 = tpu.memref_slice %scatter3A_845[%scatter3A_846, %scatter3A_847] : memref<64x128xf32, #tpu.memory_space<vmem>> -> memref<16x128xf32, #tpu.memory_space<vmem>>
        tpu.vector_store_idx %scatter3A_848[%and3A_833, %add3A_199], %gather3A_841 : memref<16x128xf32, #tpu.memory_space<vmem>>[vector<16xi32>, vector<16xi32>], vector<16xf32>,
        %add3A_849 = arith.constant 15 : i32
        %add3A_850 = vector.broadcast %add3A_849 : i32 to vector<16xi32>
        %add3A_851 = arith.addi %iota3A, %add3A_850 : vector<16xi32>
        %and3A_852 = arith.constant 15 : i32
        %and3A_853 = vector.broadcast %and3A_852 : i32 to vector<16xi32>
        %and3A_854 = arith.andi %add3A_851, %and3A_853 : vector<16xi32>
        %add3A_855 = arith.constant 16 : i32
        %add3A_856 = vector.broadcast %add3A_855 : i32 to vector<16xi32>
        %add3A_857 = arith.addi %and3A_854, %add3A_856 : vector<16xi32>
        %gather3A_858 = arith.constant 0 : i32
        %gather3A_859 = arith.constant 0 : i32
        %gather3A_860 = tpu.memref_slice %arg6[%scan3A_94, %gather3A_858, %gather3A_859] : memref<2x128x128xf32, #tpu.memory_space<vmem>> -> memref<1x128x128xf32, #tpu.memory_space<vmem>>
        %gather3A_861 = tpu.memref_squeeze %gather3A_860 : memref<1x128x128xf32, #tpu.memory_space<vmem>> -> memref<128x128xf32, #tpu.memory_space<vmem>>
        %gather3A_862 = tpu.vector_load_idx %gather3A_861[%add3A_199, %add3A_857] : memref<128x128xf32, #tpu.memory_space<vmem>>[vector<16xi32>, vector<16xi32>], vector<16xf32>,
        %scatter3A_863 = arith.constant 0 : i32
        %scatter3A_864 = arith.constant 0 : i32
        %scatter3A_865 = tpu.memref_slice %arg7[%scan3A_95, %scatter3A_863, %scatter3A_864] : memref<2x64x128xf32, #tpu.memory_space<vmem>> -> memref<1x64x128xf32, #tpu.memory_space<vmem>>
        %scatter3A_866 = tpu.memref_squeeze %scatter3A_865 : memref<1x64x128xf32, #tpu.memory_space<vmem>> -> memref<64x128xf32, #tpu.memory_space<vmem>>
        %scatter3A_867 = arith.constant 16 : i32
        %scatter3A_868 = arith.constant 0 : i32
        %scatter3A_869 = tpu.memref_slice %scatter3A_866[%scatter3A_867, %scatter3A_868] : memref<64x128xf32, #tpu.memory_space<vmem>> -> memref<16x128xf32, #tpu.memory_space<vmem>>
        tpu.vector_store_idx %scatter3A_869[%and3A_854, %add3A_199], %gather3A_862 : memref<16x128xf32, #tpu.memory_space<vmem>>[vector<16xi32>, vector<16xi32>], vector<16xf32>,
        %add3A_870 = arith.constant 0 : i32
        %add3A_871 = vector.broadcast %add3A_870 : i32 to vector<16xi32>
        %add3A_872 = arith.addi %iota3A, %add3A_871 : vector<16xi32>
        %and3A_873 = arith.constant 15 : i32
        %and3A_874 = vector.broadcast %and3A_873 : i32 to vector<16xi32>
        %and3A_875 = arith.andi %add3A_872, %and3A_874 : vector<16xi32>
        %add3A_876 = arith.constant 32 : i32
        %add3A_877 = vector.broadcast %add3A_876 : i32 to vector<16xi32>
        %add3A_878 = arith.addi %and3A_875, %add3A_877 : vector<16xi32>
        %gather3A_879 = arith.constant 0 : i32
        %gather3A_880 = arith.constant 0 : i32
        %gather3A_881 = tpu.memref_slice %arg6[%scan3A_94, %gather3A_879, %gather3A_880] : memref<2x128x128xf32, #tpu.memory_space<vmem>> -> memref<1x128x128xf32, #tpu.memory_space<vmem>>
        %gather3A_882 = tpu.memref_squeeze %gather3A_881 : memref<1x128x128xf32, #tpu.memory_space<vmem>> -> memref<128x128xf32, #tpu.memory_space<vmem>>
        %gather3A_883 = tpu.vector_load_idx %gather3A_882[%add3A_199, %add3A_878] : memref<128x128xf32, #tpu.memory_space<vmem>>[vector<16xi32>, vector<16xi32>], vector<16xf32>,
        %scatter3A_884 = arith.constant 0 : i32
        %scatter3A_885 = arith.constant 0 : i32
        %scatter3A_886 = tpu.memref_slice %arg7[%scan3A_95, %scatter3A_884, %scatter3A_885] : memref<2x64x128xf32, #tpu.memory_space<vmem>> -> memref<1x64x128xf32, #tpu.memory_space<vmem>>
        %scatter3A_887 = tpu.memref_squeeze %scatter3A_886 : memref<1x64x128xf32, #tpu.memory_space<vmem>> -> memref<64x128xf32, #tpu.memory_space<vmem>>
        %scatter3A_888 = arith.constant 32 : i32
        %scatter3A_889 = arith.constant 0 : i32
        %scatter3A_890 = tpu.memref_slice %scatter3A_887[%scatter3A_888, %scatter3A_889] : memref<64x128xf32, #tpu.memory_space<vmem>> -> memref<16x128xf32, #tpu.memory_space<vmem>>
        tpu.vector_store_idx %scatter3A_890[%and3A_875, %add3A_199], %gather3A_883 : memref<16x128xf32, #tpu.memory_space<vmem>>[vector<16xi32>, vector<16xi32>], vector<16xf32>,
        %add3A_891 = arith.constant 1 : i32
        %add3A_892 = vector.broadcast %add3A_891 : i32 to vector<16xi32>
        %add3A_893 = arith.addi %iota3A, %add3A_892 : vector<16xi32>
        %and3A_894 = arith.constant 15 : i32
        %and3A_895 = vector.broadcast %and3A_894 : i32 to vector<16xi32>
        %and3A_896 = arith.andi %add3A_893, %and3A_895 : vector<16xi32>
        %add3A_897 = arith.constant 32 : i32
        %add3A_898 = vector.broadcast %add3A_897 : i32 to vector<16xi32>
        %add3A_899 = arith.addi %and3A_896, %add3A_898 : vector<16xi32>
        %gather3A_900 = arith.constant 0 : i32
        %gather3A_901 = arith.constant 0 : i32
        %gather3A_902 = tpu.memref_slice %arg6[%scan3A_94, %gather3A_900, %gather3A_901] : memref<2x128x128xf32, #tpu.memory_space<vmem>> -> memref<1x128x128xf32, #tpu.memory_space<vmem>>
        %gather3A_903 = tpu.memref_squeeze %gather3A_902 : memref<1x128x128xf32, #tpu.memory_space<vmem>> -> memref<128x128xf32, #tpu.memory_space<vmem>>
        %gather3A_904 = tpu.vector_load_idx %gather3A_903[%add3A_199, %add3A_899] : memref<128x128xf32, #tpu.memory_space<vmem>>[vector<16xi32>, vector<16xi32>], vector<16xf32>,
        %scatter3A_905 = arith.constant 0 : i32
        %scatter3A_906 = arith.constant 0 : i32
        %scatter3A_907 = tpu.memref_slice %arg7[%scan3A_95, %scatter3A_905, %scatter3A_906] : memref<2x64x128xf32, #tpu.memory_space<vmem>> -> memref<1x64x128xf32, #tpu.memory_space<vmem>>
        %scatter3A_908 = tpu.memref_squeeze %scatter3A_907 : memref<1x64x128xf32, #tpu.memory_space<vmem>> -> memref<64x128xf32, #tpu.memory_space<vmem>>
        %scatter3A_909 = arith.constant 32 : i32
        %scatter3A_910 = arith.constant 0 : i32
        %scatter3A_911 = tpu.memref_slice %scatter3A_908[%scatter3A_909, %scatter3A_910] : memref<64x128xf32, #tpu.memory_space<vmem>> -> memref<16x128xf32, #tpu.memory_space<vmem>>
        tpu.vector_store_idx %scatter3A_911[%and3A_896, %add3A_199], %gather3A_904 : memref<16x128xf32, #tpu.memory_space<vmem>>[vector<16xi32>, vector<16xi32>], vector<16xf32>,
        %add3A_912 = arith.constant 2 : i32
        %add3A_913 = vector.broadcast %add3A_912 : i32 to vector<16xi32>
        %add3A_914 = arith.addi %iota3A, %add3A_913 : vector<16xi32>
        %and3A_915 = arith.constant 15 : i32
        %and3A_916 = vector.broadcast %and3A_915 : i32 to vector<16xi32>
        %and3A_917 = arith.andi %add3A_914, %and3A_916 : vector<16xi32>
        %add3A_918 = arith.constant 32 : i32
        %add3A_919 = vector.broadcast %add3A_918 : i32 to vector<16xi32>
        %add3A_920 = arith.addi %and3A_917, %add3A_919 : vector<16xi32>
        %gather3A_921 = arith.constant 0 : i32
        %gather3A_922 = arith.constant 0 : i32
        %gather3A_923 = tpu.memref_slice %arg6[%scan3A_94, %gather3A_921, %gather3A_922] : memref<2x128x128xf32, #tpu.memory_space<vmem>> -> memref<1x128x128xf32, #tpu.memory_space<vmem>>
        %gather3A_924 = tpu.memref_squeeze %gather3A_923 : memref<1x128x128xf32, #tpu.memory_space<vmem>> -> memref<128x128xf32, #tpu.memory_space<vmem>>
        %gather3A_925 = tpu.vector_load_idx %gather3A_924[%add3A_199, %add3A_920] : memref<128x128xf32, #tpu.memory_space<vmem>>[vector<16xi32>, vector<16xi32>], vector<16xf32>,
        %scatter3A_926 = arith.constant 0 : i32
        %scatter3A_927 = arith.constant 0 : i32
        %scatter3A_928 = tpu.memref_slice %arg7[%scan3A_95, %scatter3A_926, %scatter3A_927] : memref<2x64x128xf32, #tpu.memory_space<vmem>> -> memref<1x64x128xf32, #tpu.memory_space<vmem>>
        %scatter3A_929 = tpu.memref_squeeze %scatter3A_928 : memref<1x64x128xf32, #tpu.memory_space<vmem>> -> memref<64x128xf32, #tpu.memory_space<vmem>>
        %scatter3A_930 = arith.constant 32 : i32
        %scatter3A_931 = arith.constant 0 : i32
        %scatter3A_932 = tpu.memref_slice %scatter3A_929[%scatter3A_930, %scatter3A_931] : memref<64x128xf32, #tpu.memory_space<vmem>> -> memref<16x128xf32, #tpu.memory_space<vmem>>
        tpu.vector_store_idx %scatter3A_932[%and3A_917, %add3A_199], %gather3A_925 : memref<16x128xf32, #tpu.memory_space<vmem>>[vector<16xi32>, vector<16xi32>], vector<16xf32>,
        %add3A_933 = arith.constant 3 : i32
        %add3A_934 = vector.broadcast %add3A_933 : i32 to vector<16xi32>
        %add3A_935 = arith.addi %iota3A, %add3A_934 : vector<16xi32>
        %and3A_936 = arith.constant 15 : i32
        %and3A_937 = vector.broadcast %and3A_936 : i32 to vector<16xi32>
        %and3A_938 = arith.andi %add3A_935, %and3A_937 : vector<16xi32>
        %add3A_939 = arith.constant 32 : i32
        %add3A_940 = vector.broadcast %add3A_939 : i32 to vector<16xi32>
        %add3A_941 = arith.addi %and3A_938, %add3A_940 : vector<16xi32>
        %gather3A_942 = arith.constant 0 : i32
        %gather3A_943 = arith.constant 0 : i32
        %gather3A_944 = tpu.memref_slice %arg6[%scan3A_94, %gather3A_942, %gather3A_943] : memref<2x128x128xf32, #tpu.memory_space<vmem>> -> memref<1x128x128xf32, #tpu.memory_space<vmem>>
        %gather3A_945 = tpu.memref_squeeze %gather3A_944 : memref<1x128x128xf32, #tpu.memory_space<vmem>> -> memref<128x128xf32, #tpu.memory_space<vmem>>
        %gather3A_946 = tpu.vector_load_idx %gather3A_945[%add3A_199, %add3A_941] : memref<128x128xf32, #tpu.memory_space<vmem>>[vector<16xi32>, vector<16xi32>], vector<16xf32>,
        %scatter3A_947 = arith.constant 0 : i32
        %scatter3A_948 = arith.constant 0 : i32
        %scatter3A_949 = tpu.memref_slice %arg7[%scan3A_95, %scatter3A_947, %scatter3A_948] : memref<2x64x128xf32, #tpu.memory_space<vmem>> -> memref<1x64x128xf32, #tpu.memory_space<vmem>>
        %scatter3A_950 = tpu.memref_squeeze %scatter3A_949 : memref<1x64x128xf32, #tpu.memory_space<vmem>> -> memref<64x128xf32, #tpu.memory_space<vmem>>
        %scatter3A_951 = arith.constant 32 : i32
        %scatter3A_952 = arith.constant 0 : i32
        %scatter3A_953 = tpu.memref_slice %scatter3A_950[%scatter3A_951, %scatter3A_952] : memref<64x128xf32, #tpu.memory_space<vmem>> -> memref<16x128xf32, #tpu.memory_space<vmem>>
        tpu.vector_store_idx %scatter3A_953[%and3A_938, %add3A_199], %gather3A_946 : memref<16x128xf32, #tpu.memory_space<vmem>>[vector<16xi32>, vector<16xi32>], vector<16xf32>,
        %add3A_954 = arith.constant 4 : i32
        %add3A_955 = vector.broadcast %add3A_954 : i32 to vector<16xi32>
        %add3A_956 = arith.addi %iota3A, %add3A_955 : vector<16xi32>
        %and3A_957 = arith.constant 15 : i32
        %and3A_958 = vector.broadcast %and3A_957 : i32 to vector<16xi32>
        %and3A_959 = arith.andi %add3A_956, %and3A_958 : vector<16xi32>
        %add3A_960 = arith.constant 32 : i32
        %add3A_961 = vector.broadcast %add3A_960 : i32 to vector<16xi32>
        %add3A_962 = arith.addi %and3A_959, %add3A_961 : vector<16xi32>
        %gather3A_963 = arith.constant 0 : i32
        %gather3A_964 = arith.constant 0 : i32
        %gather3A_965 = tpu.memref_slice %arg6[%scan3A_94, %gather3A_963, %gather3A_964] : memref<2x128x128xf32, #tpu.memory_space<vmem>> -> memref<1x128x128xf32, #tpu.memory_space<vmem>>
        %gather3A_966 = tpu.memref_squeeze %gather3A_965 : memref<1x128x128xf32, #tpu.memory_space<vmem>> -> memref<128x128xf32, #tpu.memory_space<vmem>>
        %gather3A_967 = tpu.vector_load_idx %gather3A_966[%add3A_199, %add3A_962] : memref<128x128xf32, #tpu.memory_space<vmem>>[vector<16xi32>, vector<16xi32>], vector<16xf32>,
        %scatter3A_968 = arith.constant 0 : i32
        %scatter3A_969 = arith.constant 0 : i32
        %scatter3A_970 = tpu.memref_slice %arg7[%scan3A_95, %scatter3A_968, %scatter3A_969] : memref<2x64x128xf32, #tpu.memory_space<vmem>> -> memref<1x64x128xf32, #tpu.memory_space<vmem>>
        %scatter3A_971 = tpu.memref_squeeze %scatter3A_970 : memref<1x64x128xf32, #tpu.memory_space<vmem>> -> memref<64x128xf32, #tpu.memory_space<vmem>>
        %scatter3A_972 = arith.constant 32 : i32
        %scatter3A_973 = arith.constant 0 : i32
        %scatter3A_974 = tpu.memref_slice %scatter3A_971[%scatter3A_972, %scatter3A_973] : memref<64x128xf32, #tpu.memory_space<vmem>> -> memref<16x128xf32, #tpu.memory_space<vmem>>
        tpu.vector_store_idx %scatter3A_974[%and3A_959, %add3A_199], %gather3A_967 : memref<16x128xf32, #tpu.memory_space<vmem>>[vector<16xi32>, vector<16xi32>], vector<16xf32>,
        %add3A_975 = arith.constant 5 : i32
        %add3A_976 = vector.broadcast %add3A_975 : i32 to vector<16xi32>
        %add3A_977 = arith.addi %iota3A, %add3A_976 : vector<16xi32>
        %and3A_978 = arith.constant 15 : i32
        %and3A_979 = vector.broadcast %and3A_978 : i32 to vector<16xi32>
        %and3A_980 = arith.andi %add3A_977, %and3A_979 : vector<16xi32>
        %add3A_981 = arith.constant 32 : i32
        %add3A_982 = vector.broadcast %add3A_981 : i32 to vector<16xi32>
        %add3A_983 = arith.addi %and3A_980, %add3A_982 : vector<16xi32>
        %gather3A_984 = arith.constant 0 : i32
        %gather3A_985 = arith.constant 0 : i32
        %gather3A_986 = tpu.memref_slice %arg6[%scan3A_94, %gather3A_984, %gather3A_985] : memref<2x128x128xf32, #tpu.memory_space<vmem>> -> memref<1x128x128xf32, #tpu.memory_space<vmem>>
        %gather3A_987 = tpu.memref_squeeze %gather3A_986 : memref<1x128x128xf32, #tpu.memory_space<vmem>> -> memref<128x128xf32, #tpu.memory_space<vmem>>
        %gather3A_988 = tpu.vector_load_idx %gather3A_987[%add3A_199, %add3A_983] : memref<128x128xf32, #tpu.memory_space<vmem>>[vector<16xi32>, vector<16xi32>], vector<16xf32>,
        %scatter3A_989 = arith.constant 0 : i32
        %scatter3A_990 = arith.constant 0 : i32
        %scatter3A_991 = tpu.memref_slice %arg7[%scan3A_95, %scatter3A_989, %scatter3A_990] : memref<2x64x128xf32, #tpu.memory_space<vmem>> -> memref<1x64x128xf32, #tpu.memory_space<vmem>>
        %scatter3A_992 = tpu.memref_squeeze %scatter3A_991 : memref<1x64x128xf32, #tpu.memory_space<vmem>> -> memref<64x128xf32, #tpu.memory_space<vmem>>
        %scatter3A_993 = arith.constant 32 : i32
        %scatter3A_994 = arith.constant 0 : i32
        %scatter3A_995 = tpu.memref_slice %scatter3A_992[%scatter3A_993, %scatter3A_994] : memref<64x128xf32, #tpu.memory_space<vmem>> -> memref<16x128xf32, #tpu.memory_space<vmem>>
        tpu.vector_store_idx %scatter3A_995[%and3A_980, %add3A_199], %gather3A_988 : memref<16x128xf32, #tpu.memory_space<vmem>>[vector<16xi32>, vector<16xi32>], vector<16xf32>,
        %add3A_996 = arith.constant 6 : i32
        %add3A_997 = vector.broadcast %add3A_996 : i32 to vector<16xi32>
        %add3A_998 = arith.addi %iota3A, %add3A_997 : vector<16xi32>
        %and3A_999 = arith.constant 15 : i32
        %and3A_1000 = vector.broadcast %and3A_999 : i32 to vector<16xi32>
        %and3A_1001 = arith.andi %add3A_998, %and3A_1000 : vector<16xi32>
        %add3A_1002 = arith.constant 32 : i32
        %add3A_1003 = vector.broadcast %add3A_1002 : i32 to vector<16xi32>
        %add3A_1004 = arith.addi %and3A_1001, %add3A_1003 : vector<16xi32>
        %gather3A_1005 = arith.constant 0 : i32
        %gather3A_1006 = arith.constant 0 : i32
        %gather3A_1007 = tpu.memref_slice %arg6[%scan3A_94, %gather3A_1005, %gather3A_1006] : memref<2x128x128xf32, #tpu.memory_space<vmem>> -> memref<1x128x128xf32, #tpu.memory_space<vmem>>
        %gather3A_1008 = tpu.memref_squeeze %gather3A_1007 : memref<1x128x128xf32, #tpu.memory_space<vmem>> -> memref<128x128xf32, #tpu.memory_space<vmem>>
        %gather3A_1009 = tpu.vector_load_idx %gather3A_1008[%add3A_199, %add3A_1004] : memref<128x128xf32, #tpu.memory_space<vmem>>[vector<16xi32>, vector<16xi32>], vector<16xf32>,
        %scatter3A_1010 = arith.constant 0 : i32
        %scatter3A_1011 = arith.constant 0 : i32
        %scatter3A_1012 = tpu.memref_slice %arg7[%scan3A_95, %scatter3A_1010, %scatter3A_1011] : memref<2x64x128xf32, #tpu.memory_space<vmem>> -> memref<1x64x128xf32, #tpu.memory_space<vmem>>
        %scatter3A_1013 = tpu.memref_squeeze %scatter3A_1012 : memref<1x64x128xf32, #tpu.memory_space<vmem>> -> memref<64x128xf32, #tpu.memory_space<vmem>>
        %scatter3A_1014 = arith.constant 32 : i32
        %scatter3A_1015 = arith.constant 0 : i32
        %scatter3A_1016 = tpu.memref_slice %scatter3A_1013[%scatter3A_1014, %scatter3A_1015] : memref<64x128xf32, #tpu.memory_space<vmem>> -> memref<16x128xf32, #tpu.memory_space<vmem>>
        tpu.vector_store_idx %scatter3A_1016[%and3A_1001, %add3A_199], %gather3A_1009 : memref<16x128xf32, #tpu.memory_space<vmem>>[vector<16xi32>, vector<16xi32>], vector<16xf32>,
        %add3A_1017 = arith.constant 7 : i32
        %add3A_1018 = vector.broadcast %add3A_1017 : i32 to vector<16xi32>
        %add3A_1019 = arith.addi %iota3A, %add3A_1018 : vector<16xi32>
        %and3A_1020 = arith.constant 15 : i32
        %and3A_1021 = vector.broadcast %and3A_1020 : i32 to vector<16xi32>
        %and3A_1022 = arith.andi %add3A_1019, %and3A_1021 : vector<16xi32>
        %add3A_1023 = arith.constant 32 : i32
        %add3A_1024 = vector.broadcast %add3A_1023 : i32 to vector<16xi32>
        %add3A_1025 = arith.addi %and3A_1022, %add3A_1024 : vector<16xi32>
        %gather3A_1026 = arith.constant 0 : i32
        %gather3A_1027 = arith.constant 0 : i32
        %gather3A_1028 = tpu.memref_slice %arg6[%scan3A_94, %gather3A_1026, %gather3A_1027] : memref<2x128x128xf32, #tpu.memory_space<vmem>> -> memref<1x128x128xf32, #tpu.memory_space<vmem>>
        %gather3A_1029 = tpu.memref_squeeze %gather3A_1028 : memref<1x128x128xf32, #tpu.memory_space<vmem>> -> memref<128x128xf32, #tpu.memory_space<vmem>>
        %gather3A_1030 = tpu.vector_load_idx %gather3A_1029[%add3A_199, %add3A_1025] : memref<128x128xf32, #tpu.memory_space<vmem>>[vector<16xi32>, vector<16xi32>], vector<16xf32>,
        %scatter3A_1031 = arith.constant 0 : i32
        %scatter3A_1032 = arith.constant 0 : i32
        %scatter3A_1033 = tpu.memref_slice %arg7[%scan3A_95, %scatter3A_1031, %scatter3A_1032] : memref<2x64x128xf32, #tpu.memory_space<vmem>> -> memref<1x64x128xf32, #tpu.memory_space<vmem>>
        %scatter3A_1034 = tpu.memref_squeeze %scatter3A_1033 : memref<1x64x128xf32, #tpu.memory_space<vmem>> -> memref<64x128xf32, #tpu.memory_space<vmem>>
        %scatter3A_1035 = arith.constant 32 : i32
        %scatter3A_1036 = arith.constant 0 : i32
        %scatter3A_1037 = tpu.memref_slice %scatter3A_1034[%scatter3A_1035, %scatter3A_1036] : memref<64x128xf32, #tpu.memory_space<vmem>> -> memref<16x128xf32, #tpu.memory_space<vmem>>
        tpu.vector_store_idx %scatter3A_1037[%and3A_1022, %add3A_199], %gather3A_1030 : memref<16x128xf32, #tpu.memory_space<vmem>>[vector<16xi32>, vector<16xi32>], vector<16xf32>,
        %add3A_1038 = arith.constant 8 : i32
        %add3A_1039 = vector.broadcast %add3A_1038 : i32 to vector<16xi32>
        %add3A_1040 = arith.addi %iota3A, %add3A_1039 : vector<16xi32>
        %and3A_1041 = arith.constant 15 : i32
        %and3A_1042 = vector.broadcast %and3A_1041 : i32 to vector<16xi32>
        %and3A_1043 = arith.andi %add3A_1040, %and3A_1042 : vector<16xi32>
        %add3A_1044 = arith.constant 32 : i32
        %add3A_1045 = vector.broadcast %add3A_1044 : i32 to vector<16xi32>
        %add3A_1046 = arith.addi %and3A_1043, %add3A_1045 : vector<16xi32>
        %gather3A_1047 = arith.constant 0 : i32
        %gather3A_1048 = arith.constant 0 : i32
        %gather3A_1049 = tpu.memref_slice %arg6[%scan3A_94, %gather3A_1047, %gather3A_1048] : memref<2x128x128xf32, #tpu.memory_space<vmem>> -> memref<1x128x128xf32, #tpu.memory_space<vmem>>
        %gather3A_1050 = tpu.memref_squeeze %gather3A_1049 : memref<1x128x128xf32, #tpu.memory_space<vmem>> -> memref<128x128xf32, #tpu.memory_space<vmem>>
        %gather3A_1051 = tpu.vector_load_idx %gather3A_1050[%add3A_199, %add3A_1046] : memref<128x128xf32, #tpu.memory_space<vmem>>[vector<16xi32>, vector<16xi32>], vector<16xf32>,
        %scatter3A_1052 = arith.constant 0 : i32
        %scatter3A_1053 = arith.constant 0 : i32
        %scatter3A_1054 = tpu.memref_slice %arg7[%scan3A_95, %scatter3A_1052, %scatter3A_1053] : memref<2x64x128xf32, #tpu.memory_space<vmem>> -> memref<1x64x128xf32, #tpu.memory_space<vmem>>
        %scatter3A_1055 = tpu.memref_squeeze %scatter3A_1054 : memref<1x64x128xf32, #tpu.memory_space<vmem>> -> memref<64x128xf32, #tpu.memory_space<vmem>>
        %scatter3A_1056 = arith.constant 32 : i32
        %scatter3A_1057 = arith.constant 0 : i32
        %scatter3A_1058 = tpu.memref_slice %scatter3A_1055[%scatter3A_1056, %scatter3A_1057] : memref<64x128xf32, #tpu.memory_space<vmem>> -> memref<16x128xf32, #tpu.memory_space<vmem>>
        tpu.vector_store_idx %scatter3A_1058[%and3A_1043, %add3A_199], %gather3A_1051 : memref<16x128xf32, #tpu.memory_space<vmem>>[vector<16xi32>, vector<16xi32>], vector<16xf32>,
        %add3A_1059 = arith.constant 9 : i32
        %add3A_1060 = vector.broadcast %add3A_1059 : i32 to vector<16xi32>
        %add3A_1061 = arith.addi %iota3A, %add3A_1060 : vector<16xi32>
        %and3A_1062 = arith.constant 15 : i32
        %and3A_1063 = vector.broadcast %and3A_1062 : i32 to vector<16xi32>
        %and3A_1064 = arith.andi %add3A_1061, %and3A_1063 : vector<16xi32>
        %add3A_1065 = arith.constant 32 : i32
        %add3A_1066 = vector.broadcast %add3A_1065 : i32 to vector<16xi32>
        %add3A_1067 = arith.addi %and3A_1064, %add3A_1066 : vector<16xi32>
        %gather3A_1068 = arith.constant 0 : i32
        %gather3A_1069 = arith.constant 0 : i32
        %gather3A_1070 = tpu.memref_slice %arg6[%scan3A_94, %gather3A_1068, %gather3A_1069] : memref<2x128x128xf32, #tpu.memory_space<vmem>> -> memref<1x128x128xf32, #tpu.memory_space<vmem>>
        %gather3A_1071 = tpu.memref_squeeze %gather3A_1070 : memref<1x128x128xf32, #tpu.memory_space<vmem>> -> memref<128x128xf32, #tpu.memory_space<vmem>>
        %gather3A_1072 = tpu.vector_load_idx %gather3A_1071[%add3A_199, %add3A_1067] : memref<128x128xf32, #tpu.memory_space<vmem>>[vector<16xi32>, vector<16xi32>], vector<16xf32>,
        %scatter3A_1073 = arith.constant 0 : i32
        %scatter3A_1074 = arith.constant 0 : i32
        %scatter3A_1075 = tpu.memref_slice %arg7[%scan3A_95, %scatter3A_1073, %scatter3A_1074] : memref<2x64x128xf32, #tpu.memory_space<vmem>> -> memref<1x64x128xf32, #tpu.memory_space<vmem>>
        %scatter3A_1076 = tpu.memref_squeeze %scatter3A_1075 : memref<1x64x128xf32, #tpu.memory_space<vmem>> -> memref<64x128xf32, #tpu.memory_space<vmem>>
        %scatter3A_1077 = arith.constant 32 : i32
        %scatter3A_1078 = arith.constant 0 : i32
        %scatter3A_1079 = tpu.memref_slice %scatter3A_1076[%scatter3A_1077, %scatter3A_1078] : memref<64x128xf32, #tpu.memory_space<vmem>> -> memref<16x128xf32, #tpu.memory_space<vmem>>
        tpu.vector_store_idx %scatter3A_1079[%and3A_1064, %add3A_199], %gather3A_1072 : memref<16x128xf32, #tpu.memory_space<vmem>>[vector<16xi32>, vector<16xi32>], vector<16xf32>,
        %add3A_1080 = arith.constant 10 : i32
        %add3A_1081 = vector.broadcast %add3A_1080 : i32 to vector<16xi32>
        %add3A_1082 = arith.addi %iota3A, %add3A_1081 : vector<16xi32>
        %and3A_1083 = arith.constant 15 : i32
        %and3A_1084 = vector.broadcast %and3A_1083 : i32 to vector<16xi32>
        %and3A_1085 = arith.andi %add3A_1082, %and3A_1084 : vector<16xi32>
        %add3A_1086 = arith.constant 32 : i32
        %add3A_1087 = vector.broadcast %add3A_1086 : i32 to vector<16xi32>
        %add3A_1088 = arith.addi %and3A_1085, %add3A_1087 : vector<16xi32>
        %gather3A_1089 = arith.constant 0 : i32
        %gather3A_1090 = arith.constant 0 : i32
        %gather3A_1091 = tpu.memref_slice %arg6[%scan3A_94, %gather3A_1089, %gather3A_1090] : memref<2x128x128xf32, #tpu.memory_space<vmem>> -> memref<1x128x128xf32, #tpu.memory_space<vmem>>
        %gather3A_1092 = tpu.memref_squeeze %gather3A_1091 : memref<1x128x128xf32, #tpu.memory_space<vmem>> -> memref<128x128xf32, #tpu.memory_space<vmem>>
        %gather3A_1093 = tpu.vector_load_idx %gather3A_1092[%add3A_199, %add3A_1088] : memref<128x128xf32, #tpu.memory_space<vmem>>[vector<16xi32>, vector<16xi32>], vector<16xf32>,
        %scatter3A_1094 = arith.constant 0 : i32
        %scatter3A_1095 = arith.constant 0 : i32
        %scatter3A_1096 = tpu.memref_slice %arg7[%scan3A_95, %scatter3A_1094, %scatter3A_1095] : memref<2x64x128xf32, #tpu.memory_space<vmem>> -> memref<1x64x128xf32, #tpu.memory_space<vmem>>
        %scatter3A_1097 = tpu.memref_squeeze %scatter3A_1096 : memref<1x64x128xf32, #tpu.memory_space<vmem>> -> memref<64x128xf32, #tpu.memory_space<vmem>>
        %scatter3A_1098 = arith.constant 32 : i32
        %scatter3A_1099 = arith.constant 0 : i32
        %scatter3A_1100 = tpu.memref_slice %scatter3A_1097[%scatter3A_1098, %scatter3A_1099] : memref<64x128xf32, #tpu.memory_space<vmem>> -> memref<16x128xf32, #tpu.memory_space<vmem>>
        tpu.vector_store_idx %scatter3A_1100[%and3A_1085, %add3A_199], %gather3A_1093 : memref<16x128xf32, #tpu.memory_space<vmem>>[vector<16xi32>, vector<16xi32>], vector<16xf32>,
        %add3A_1101 = arith.constant 11 : i32
        %add3A_1102 = vector.broadcast %add3A_1101 : i32 to vector<16xi32>
        %add3A_1103 = arith.addi %iota3A, %add3A_1102 : vector<16xi32>
        %and3A_1104 = arith.constant 15 : i32
        %and3A_1105 = vector.broadcast %and3A_1104 : i32 to vector<16xi32>
        %and3A_1106 = arith.andi %add3A_1103, %and3A_1105 : vector<16xi32>
        %add3A_1107 = arith.constant 32 : i32
        %add3A_1108 = vector.broadcast %add3A_1107 : i32 to vector<16xi32>
        %add3A_1109 = arith.addi %and3A_1106, %add3A_1108 : vector<16xi32>
        %gather3A_1110 = arith.constant 0 : i32
        %gather3A_1111 = arith.constant 0 : i32
        %gather3A_1112 = tpu.memref_slice %arg6[%scan3A_94, %gather3A_1110, %gather3A_1111] : memref<2x128x128xf32, #tpu.memory_space<vmem>> -> memref<1x128x128xf32, #tpu.memory_space<vmem>>
        %gather3A_1113 = tpu.memref_squeeze %gather3A_1112 : memref<1x128x128xf32, #tpu.memory_space<vmem>> -> memref<128x128xf32, #tpu.memory_space<vmem>>
        %gather3A_1114 = tpu.vector_load_idx %gather3A_1113[%add3A_199, %add3A_1109] : memref<128x128xf32, #tpu.memory_space<vmem>>[vector<16xi32>, vector<16xi32>], vector<16xf32>,
        %scatter3A_1115 = arith.constant 0 : i32
        %scatter3A_1116 = arith.constant 0 : i32
        %scatter3A_1117 = tpu.memref_slice %arg7[%scan3A_95, %scatter3A_1115, %scatter3A_1116] : memref<2x64x128xf32, #tpu.memory_space<vmem>> -> memref<1x64x128xf32, #tpu.memory_space<vmem>>
        %scatter3A_1118 = tpu.memref_squeeze %scatter3A_1117 : memref<1x64x128xf32, #tpu.memory_space<vmem>> -> memref<64x128xf32, #tpu.memory_space<vmem>>
        %scatter3A_1119 = arith.constant 32 : i32
        %scatter3A_1120 = arith.constant 0 : i32
        %scatter3A_1121 = tpu.memref_slice %scatter3A_1118[%scatter3A_1119, %scatter3A_1120] : memref<64x128xf32, #tpu.memory_space<vmem>> -> memref<16x128xf32, #tpu.memory_space<vmem>>
        tpu.vector_store_idx %scatter3A_1121[%and3A_1106, %add3A_199], %gather3A_1114 : memref<16x128xf32, #tpu.memory_space<vmem>>[vector<16xi32>, vector<16xi32>], vector<16xf32>,
        %add3A_1122 = arith.constant 12 : i32
        %add3A_1123 = vector.broadcast %add3A_1122 : i32 to vector<16xi32>
        %add3A_1124 = arith.addi %iota3A, %add3A_1123 : vector<16xi32>
        %and3A_1125 = arith.constant 15 : i32
        %and3A_1126 = vector.broadcast %and3A_1125 : i32 to vector<16xi32>
        %and3A_1127 = arith.andi %add3A_1124, %and3A_1126 : vector<16xi32>
        %add3A_1128 = arith.constant 32 : i32
        %add3A_1129 = vector.broadcast %add3A_1128 : i32 to vector<16xi32>
        %add3A_1130 = arith.addi %and3A_1127, %add3A_1129 : vector<16xi32>
        %gather3A_1131 = arith.constant 0 : i32
        %gather3A_1132 = arith.constant 0 : i32
        %gather3A_1133 = tpu.memref_slice %arg6[%scan3A_94, %gather3A_1131, %gather3A_1132] : memref<2x128x128xf32, #tpu.memory_space<vmem>> -> memref<1x128x128xf32, #tpu.memory_space<vmem>>
        %gather3A_1134 = tpu.memref_squeeze %gather3A_1133 : memref<1x128x128xf32, #tpu.memory_space<vmem>> -> memref<128x128xf32, #tpu.memory_space<vmem>>
        %gather3A_1135 = tpu.vector_load_idx %gather3A_1134[%add3A_199, %add3A_1130] : memref<128x128xf32, #tpu.memory_space<vmem>>[vector<16xi32>, vector<16xi32>], vector<16xf32>,
        %scatter3A_1136 = arith.constant 0 : i32
        %scatter3A_1137 = arith.constant 0 : i32
        %scatter3A_1138 = tpu.memref_slice %arg7[%scan3A_95, %scatter3A_1136, %scatter3A_1137] : memref<2x64x128xf32, #tpu.memory_space<vmem>> -> memref<1x64x128xf32, #tpu.memory_space<vmem>>
        %scatter3A_1139 = tpu.memref_squeeze %scatter3A_1138 : memref<1x64x128xf32, #tpu.memory_space<vmem>> -> memref<64x128xf32, #tpu.memory_space<vmem>>
        %scatter3A_1140 = arith.constant 32 : i32
        %scatter3A_1141 = arith.constant 0 : i32
        %scatter3A_1142 = tpu.memref_slice %scatter3A_1139[%scatter3A_1140, %scatter3A_1141] : memref<64x128xf32, #tpu.memory_space<vmem>> -> memref<16x128xf32, #tpu.memory_space<vmem>>
        tpu.vector_store_idx %scatter3A_1142[%and3A_1127, %add3A_199], %gather3A_1135 : memref<16x128xf32, #tpu.memory_space<vmem>>[vector<16xi32>, vector<16xi32>], vector<16xf32>,
        %add3A_1143 = arith.constant 13 : i32
        %add3A_1144 = vector.broadcast %add3A_1143 : i32 to vector<16xi32>
        %add3A_1145 = arith.addi %iota3A, %add3A_1144 : vector<16xi32>
        %and3A_1146 = arith.constant 15 : i32
        %and3A_1147 = vector.broadcast %and3A_1146 : i32 to vector<16xi32>
        %and3A_1148 = arith.andi %add3A_1145, %and3A_1147 : vector<16xi32>
        %add3A_1149 = arith.constant 32 : i32
        %add3A_1150 = vector.broadcast %add3A_1149 : i32 to vector<16xi32>
        %add3A_1151 = arith.addi %and3A_1148, %add3A_1150 : vector<16xi32>
        %gather3A_1152 = arith.constant 0 : i32
        %gather3A_1153 = arith.constant 0 : i32
        %gather3A_1154 = tpu.memref_slice %arg6[%scan3A_94, %gather3A_1152, %gather3A_1153] : memref<2x128x128xf32, #tpu.memory_space<vmem>> -> memref<1x128x128xf32, #tpu.memory_space<vmem>>
        %gather3A_1155 = tpu.memref_squeeze %gather3A_1154 : memref<1x128x128xf32, #tpu.memory_space<vmem>> -> memref<128x128xf32, #tpu.memory_space<vmem>>
        %gather3A_1156 = tpu.vector_load_idx %gather3A_1155[%add3A_199, %add3A_1151] : memref<128x128xf32, #tpu.memory_space<vmem>>[vector<16xi32>, vector<16xi32>], vector<16xf32>,
        %scatter3A_1157 = arith.constant 0 : i32
        %scatter3A_1158 = arith.constant 0 : i32
        %scatter3A_1159 = tpu.memref_slice %arg7[%scan3A_95, %scatter3A_1157, %scatter3A_1158] : memref<2x64x128xf32, #tpu.memory_space<vmem>> -> memref<1x64x128xf32, #tpu.memory_space<vmem>>
        %scatter3A_1160 = tpu.memref_squeeze %scatter3A_1159 : memref<1x64x128xf32, #tpu.memory_space<vmem>> -> memref<64x128xf32, #tpu.memory_space<vmem>>
        %scatter3A_1161 = arith.constant 32 : i32
        %scatter3A_1162 = arith.constant 0 : i32
        %scatter3A_1163 = tpu.memref_slice %scatter3A_1160[%scatter3A_1161, %scatter3A_1162] : memref<64x128xf32, #tpu.memory_space<vmem>> -> memref<16x128xf32, #tpu.memory_space<vmem>>
        tpu.vector_store_idx %scatter3A_1163[%and3A_1148, %add3A_199], %gather3A_1156 : memref<16x128xf32, #tpu.memory_space<vmem>>[vector<16xi32>, vector<16xi32>], vector<16xf32>,
        %add3A_1164 = arith.constant 14 : i32
        %add3A_1165 = vector.broadcast %add3A_1164 : i32 to vector<16xi32>
        %add3A_1166 = arith.addi %iota3A, %add3A_1165 : vector<16xi32>
        %and3A_1167 = arith.constant 15 : i32
        %and3A_1168 = vector.broadcast %and3A_1167 : i32 to vector<16xi32>
        %and3A_1169 = arith.andi %add3A_1166, %and3A_1168 : vector<16xi32>
        %add3A_1170 = arith.constant 32 : i32
        %add3A_1171 = vector.broadcast %add3A_1170 : i32 to vector<16xi32>
        %add3A_1172 = arith.addi %and3A_1169, %add3A_1171 : vector<16xi32>
        %gather3A_1173 = arith.constant 0 : i32
        %gather3A_1174 = arith.constant 0 : i32
        %gather3A_1175 = tpu.memref_slice %arg6[%scan3A_94, %gather3A_1173, %gather3A_1174] : memref<2x128x128xf32, #tpu.memory_space<vmem>> -> memref<1x128x128xf32, #tpu.memory_space<vmem>>
        %gather3A_1176 = tpu.memref_squeeze %gather3A_1175 : memref<1x128x128xf32, #tpu.memory_space<vmem>> -> memref<128x128xf32, #tpu.memory_space<vmem>>
        %gather3A_1177 = tpu.vector_load_idx %gather3A_1176[%add3A_199, %add3A_1172] : memref<128x128xf32, #tpu.memory_space<vmem>>[vector<16xi32>, vector<16xi32>], vector<16xf32>,
        %scatter3A_1178 = arith.constant 0 : i32
        %scatter3A_1179 = arith.constant 0 : i32
        %scatter3A_1180 = tpu.memref_slice %arg7[%scan3A_95, %scatter3A_1178, %scatter3A_1179] : memref<2x64x128xf32, #tpu.memory_space<vmem>> -> memref<1x64x128xf32, #tpu.memory_space<vmem>>
        %scatter3A_1181 = tpu.memref_squeeze %scatter3A_1180 : memref<1x64x128xf32, #tpu.memory_space<vmem>> -> memref<64x128xf32, #tpu.memory_space<vmem>>
        %scatter3A_1182 = arith.constant 32 : i32
        %scatter3A_1183 = arith.constant 0 : i32
        %scatter3A_1184 = tpu.memref_slice %scatter3A_1181[%scatter3A_1182, %scatter3A_1183] : memref<64x128xf32, #tpu.memory_space<vmem>> -> memref<16x128xf32, #tpu.memory_space<vmem>>
        tpu.vector_store_idx %scatter3A_1184[%and3A_1169, %add3A_199], %gather3A_1177 : memref<16x128xf32, #tpu.memory_space<vmem>>[vector<16xi32>, vector<16xi32>], vector<16xf32>,
        %add3A_1185 = arith.constant 15 : i32
        %add3A_1186 = vector.broadcast %add3A_1185 : i32 to vector<16xi32>
        %add3A_1187 = arith.addi %iota3A, %add3A_1186 : vector<16xi32>
        %and3A_1188 = arith.constant 15 : i32
        %and3A_1189 = vector.broadcast %and3A_1188 : i32 to vector<16xi32>
        %and3A_1190 = arith.andi %add3A_1187, %and3A_1189 : vector<16xi32>
        %add3A_1191 = arith.constant 32 : i32
        %add3A_1192 = vector.broadcast %add3A_1191 : i32 to vector<16xi32>
        %add3A_1193 = arith.addi %and3A_1190, %add3A_1192 : vector<16xi32>
        %gather3A_1194 = arith.constant 0 : i32
        %gather3A_1195 = arith.constant 0 : i32
        %gather3A_1196 = tpu.memref_slice %arg6[%scan3A_94, %gather3A_1194, %gather3A_1195] : memref<2x128x128xf32, #tpu.memory_space<vmem>> -> memref<1x128x128xf32, #tpu.memory_space<vmem>>
        %gather3A_1197 = tpu.memref_squeeze %gather3A_1196 : memref<1x128x128xf32, #tpu.memory_space<vmem>> -> memref<128x128xf32, #tpu.memory_space<vmem>>
        %gather3A_1198 = tpu.vector_load_idx %gather3A_1197[%add3A_199, %add3A_1193] : memref<128x128xf32, #tpu.memory_space<vmem>>[vector<16xi32>, vector<16xi32>], vector<16xf32>,
        %scatter3A_1199 = arith.constant 0 : i32
        %scatter3A_1200 = arith.constant 0 : i32
        %scatter3A_1201 = tpu.memref_slice %arg7[%scan3A_95, %scatter3A_1199, %scatter3A_1200] : memref<2x64x128xf32, #tpu.memory_space<vmem>> -> memref<1x64x128xf32, #tpu.memory_space<vmem>>
        %scatter3A_1202 = tpu.memref_squeeze %scatter3A_1201 : memref<1x64x128xf32, #tpu.memory_space<vmem>> -> memref<64x128xf32, #tpu.memory_space<vmem>>
        %scatter3A_1203 = arith.constant 32 : i32
        %scatter3A_1204 = arith.constant 0 : i32
        %scatter3A_1205 = tpu.memref_slice %scatter3A_1202[%scatter3A_1203, %scatter3A_1204] : memref<64x128xf32, #tpu.memory_space<vmem>> -> memref<16x128xf32, #tpu.memory_space<vmem>>
        tpu.vector_store_idx %scatter3A_1205[%and3A_1190, %add3A_199], %gather3A_1198 : memref<16x128xf32, #tpu.memory_space<vmem>>[vector<16xi32>, vector<16xi32>], vector<16xf32>,
        %add3A_1206 = arith.constant 0 : i32
        %add3A_1207 = vector.broadcast %add3A_1206 : i32 to vector<16xi32>
        %add3A_1208 = arith.addi %iota3A, %add3A_1207 : vector<16xi32>
        %and3A_1209 = arith.constant 15 : i32
        %and3A_1210 = vector.broadcast %and3A_1209 : i32 to vector<16xi32>
        %and3A_1211 = arith.andi %add3A_1208, %and3A_1210 : vector<16xi32>
        %add3A_1212 = arith.constant 48 : i32
        %add3A_1213 = vector.broadcast %add3A_1212 : i32 to vector<16xi32>
        %add3A_1214 = arith.addi %and3A_1211, %add3A_1213 : vector<16xi32>
        %gather3A_1215 = arith.constant 0 : i32
        %gather3A_1216 = arith.constant 0 : i32
        %gather3A_1217 = tpu.memref_slice %arg6[%scan3A_94, %gather3A_1215, %gather3A_1216] : memref<2x128x128xf32, #tpu.memory_space<vmem>> -> memref<1x128x128xf32, #tpu.memory_space<vmem>>
        %gather3A_1218 = tpu.memref_squeeze %gather3A_1217 : memref<1x128x128xf32, #tpu.memory_space<vmem>> -> memref<128x128xf32, #tpu.memory_space<vmem>>
        %gather3A_1219 = tpu.vector_load_idx %gather3A_1218[%add3A_199, %add3A_1214] : memref<128x128xf32, #tpu.memory_space<vmem>>[vector<16xi32>, vector<16xi32>], vector<16xf32>,
        %scatter3A_1220 = arith.constant 0 : i32
        %scatter3A_1221 = arith.constant 0 : i32
        %scatter3A_1222 = tpu.memref_slice %arg7[%scan3A_95, %scatter3A_1220, %scatter3A_1221] : memref<2x64x128xf32, #tpu.memory_space<vmem>> -> memref<1x64x128xf32, #tpu.memory_space<vmem>>
        %scatter3A_1223 = tpu.memref_squeeze %scatter3A_1222 : memref<1x64x128xf32, #tpu.memory_space<vmem>> -> memref<64x128xf32, #tpu.memory_space<vmem>>
        %scatter3A_1224 = arith.constant 48 : i32
        %scatter3A_1225 = arith.constant 0 : i32
        %scatter3A_1226 = tpu.memref_slice %scatter3A_1223[%scatter3A_1224, %scatter3A_1225] : memref<64x128xf32, #tpu.memory_space<vmem>> -> memref<16x128xf32, #tpu.memory_space<vmem>>
        tpu.vector_store_idx %scatter3A_1226[%and3A_1211, %add3A_199], %gather3A_1219 : memref<16x128xf32, #tpu.memory_space<vmem>>[vector<16xi32>, vector<16xi32>], vector<16xf32>,
        %add3A_1227 = arith.constant 1 : i32
        %add3A_1228 = vector.broadcast %add3A_1227 : i32 to vector<16xi32>
        %add3A_1229 = arith.addi %iota3A, %add3A_1228 : vector<16xi32>
        %and3A_1230 = arith.constant 15 : i32
        %and3A_1231 = vector.broadcast %and3A_1230 : i32 to vector<16xi32>
        %and3A_1232 = arith.andi %add3A_1229, %and3A_1231 : vector<16xi32>
        %add3A_1233 = arith.constant 48 : i32
        %add3A_1234 = vector.broadcast %add3A_1233 : i32 to vector<16xi32>
        %add3A_1235 = arith.addi %and3A_1232, %add3A_1234 : vector<16xi32>
        %gather3A_1236 = arith.constant 0 : i32
        %gather3A_1237 = arith.constant 0 : i32
        %gather3A_1238 = tpu.memref_slice %arg6[%scan3A_94, %gather3A_1236, %gather3A_1237] : memref<2x128x128xf32, #tpu.memory_space<vmem>> -> memref<1x128x128xf32, #tpu.memory_space<vmem>>
        %gather3A_1239 = tpu.memref_squeeze %gather3A_1238 : memref<1x128x128xf32, #tpu.memory_space<vmem>> -> memref<128x128xf32, #tpu.memory_space<vmem>>
        %gather3A_1240 = tpu.vector_load_idx %gather3A_1239[%add3A_199, %add3A_1235] : memref<128x128xf32, #tpu.memory_space<vmem>>[vector<16xi32>, vector<16xi32>], vector<16xf32>,
        %scatter3A_1241 = arith.constant 0 : i32
        %scatter3A_1242 = arith.constant 0 : i32
        %scatter3A_1243 = tpu.memref_slice %arg7[%scan3A_95, %scatter3A_1241, %scatter3A_1242] : memref<2x64x128xf32, #tpu.memory_space<vmem>> -> memref<1x64x128xf32, #tpu.memory_space<vmem>>
        %scatter3A_1244 = tpu.memref_squeeze %scatter3A_1243 : memref<1x64x128xf32, #tpu.memory_space<vmem>> -> memref<64x128xf32, #tpu.memory_space<vmem>>
        %scatter3A_1245 = arith.constant 48 : i32
        %scatter3A_1246 = arith.constant 0 : i32
        %scatter3A_1247 = tpu.memref_slice %scatter3A_1244[%scatter3A_1245, %scatter3A_1246] : memref<64x128xf32, #tpu.memory_space<vmem>> -> memref<16x128xf32, #tpu.memory_space<vmem>>
        tpu.vector_store_idx %scatter3A_1247[%and3A_1232, %add3A_199], %gather3A_1240 : memref<16x128xf32, #tpu.memory_space<vmem>>[vector<16xi32>, vector<16xi32>], vector<16xf32>,
        %add3A_1248 = arith.constant 2 : i32
        %add3A_1249 = vector.broadcast %add3A_1248 : i32 to vector<16xi32>
        %add3A_1250 = arith.addi %iota3A, %add3A_1249 : vector<16xi32>
        %and3A_1251 = arith.constant 15 : i32
        %and3A_1252 = vector.broadcast %and3A_1251 : i32 to vector<16xi32>
        %and3A_1253 = arith.andi %add3A_1250, %and3A_1252 : vector<16xi32>
        %add3A_1254 = arith.constant 48 : i32
        %add3A_1255 = vector.broadcast %add3A_1254 : i32 to vector<16xi32>
        %add3A_1256 = arith.addi %and3A_1253, %add3A_1255 : vector<16xi32>
        %gather3A_1257 = arith.constant 0 : i32
        %gather3A_1258 = arith.constant 0 : i32
        %gather3A_1259 = tpu.memref_slice %arg6[%scan3A_94, %gather3A_1257, %gather3A_1258] : memref<2x128x128xf32, #tpu.memory_space<vmem>> -> memref<1x128x128xf32, #tpu.memory_space<vmem>>
        %gather3A_1260 = tpu.memref_squeeze %gather3A_1259 : memref<1x128x128xf32, #tpu.memory_space<vmem>> -> memref<128x128xf32, #tpu.memory_space<vmem>>
        %gather3A_1261 = tpu.vector_load_idx %gather3A_1260[%add3A_199, %add3A_1256] : memref<128x128xf32, #tpu.memory_space<vmem>>[vector<16xi32>, vector<16xi32>], vector<16xf32>,
        %scatter3A_1262 = arith.constant 0 : i32
        %scatter3A_1263 = arith.constant 0 : i32
        %scatter3A_1264 = tpu.memref_slice %arg7[%scan3A_95, %scatter3A_1262, %scatter3A_1263] : memref<2x64x128xf32, #tpu.memory_space<vmem>> -> memref<1x64x128xf32, #tpu.memory_space<vmem>>
        %scatter3A_1265 = tpu.memref_squeeze %scatter3A_1264 : memref<1x64x128xf32, #tpu.memory_space<vmem>> -> memref<64x128xf32, #tpu.memory_space<vmem>>
        %scatter3A_1266 = arith.constant 48 : i32
        %scatter3A_1267 = arith.constant 0 : i32
        %scatter3A_1268 = tpu.memref_slice %scatter3A_1265[%scatter3A_1266, %scatter3A_1267] : memref<64x128xf32, #tpu.memory_space<vmem>> -> memref<16x128xf32, #tpu.memory_space<vmem>>
        tpu.vector_store_idx %scatter3A_1268[%and3A_1253, %add3A_199], %gather3A_1261 : memref<16x128xf32, #tpu.memory_space<vmem>>[vector<16xi32>, vector<16xi32>], vector<16xf32>,
        %add3A_1269 = arith.constant 3 : i32
        %add3A_1270 = vector.broadcast %add3A_1269 : i32 to vector<16xi32>
        %add3A_1271 = arith.addi %iota3A, %add3A_1270 : vector<16xi32>
        %and3A_1272 = arith.constant 15 : i32
        %and3A_1273 = vector.broadcast %and3A_1272 : i32 to vector<16xi32>
        %and3A_1274 = arith.andi %add3A_1271, %and3A_1273 : vector<16xi32>
        %add3A_1275 = arith.constant 48 : i32
        %add3A_1276 = vector.broadcast %add3A_1275 : i32 to vector<16xi32>
        %add3A_1277 = arith.addi %and3A_1274, %add3A_1276 : vector<16xi32>
        %gather3A_1278 = arith.constant 0 : i32
        %gather3A_1279 = arith.constant 0 : i32
        %gather3A_1280 = tpu.memref_slice %arg6[%scan3A_94, %gather3A_1278, %gather3A_1279] : memref<2x128x128xf32, #tpu.memory_space<vmem>> -> memref<1x128x128xf32, #tpu.memory_space<vmem>>
        %gather3A_1281 = tpu.memref_squeeze %gather3A_1280 : memref<1x128x128xf32, #tpu.memory_space<vmem>> -> memref<128x128xf32, #tpu.memory_space<vmem>>
        %gather3A_1282 = tpu.vector_load_idx %gather3A_1281[%add3A_199, %add3A_1277] : memref<128x128xf32, #tpu.memory_space<vmem>>[vector<16xi32>, vector<16xi32>], vector<16xf32>,
        %scatter3A_1283 = arith.constant 0 : i32
        %scatter3A_1284 = arith.constant 0 : i32
        %scatter3A_1285 = tpu.memref_slice %arg7[%scan3A_95, %scatter3A_1283, %scatter3A_1284] : memref<2x64x128xf32, #tpu.memory_space<vmem>> -> memref<1x64x128xf32, #tpu.memory_space<vmem>>
        %scatter3A_1286 = tpu.memref_squeeze %scatter3A_1285 : memref<1x64x128xf32, #tpu.memory_space<vmem>> -> memref<64x128xf32, #tpu.memory_space<vmem>>
        %scatter3A_1287 = arith.constant 48 : i32
        %scatter3A_1288 = arith.constant 0 : i32
        %scatter3A_1289 = tpu.memref_slice %scatter3A_1286[%scatter3A_1287, %scatter3A_1288] : memref<64x128xf32, #tpu.memory_space<vmem>> -> memref<16x128xf32, #tpu.memory_space<vmem>>
        tpu.vector_store_idx %scatter3A_1289[%and3A_1274, %add3A_199], %gather3A_1282 : memref<16x128xf32, #tpu.memory_space<vmem>>[vector<16xi32>, vector<16xi32>], vector<16xf32>,
        %add3A_1290 = arith.constant 4 : i32
        %add3A_1291 = vector.broadcast %add3A_1290 : i32 to vector<16xi32>
        %add3A_1292 = arith.addi %iota3A, %add3A_1291 : vector<16xi32>
        %and3A_1293 = arith.constant 15 : i32
        %and3A_1294 = vector.broadcast %and3A_1293 : i32 to vector<16xi32>
        %and3A_1295 = arith.andi %add3A_1292, %and3A_1294 : vector<16xi32>
        %add3A_1296 = arith.constant 48 : i32
        %add3A_1297 = vector.broadcast %add3A_1296 : i32 to vector<16xi32>
        %add3A_1298 = arith.addi %and3A_1295, %add3A_1297 : vector<16xi32>
        %gather3A_1299 = arith.constant 0 : i32
        %gather3A_1300 = arith.constant 0 : i32
        %gather3A_1301 = tpu.memref_slice %arg6[%scan3A_94, %gather3A_1299, %gather3A_1300] : memref<2x128x128xf32, #tpu.memory_space<vmem>> -> memref<1x128x128xf32, #tpu.memory_space<vmem>>
        %gather3A_1302 = tpu.memref_squeeze %gather3A_1301 : memref<1x128x128xf32, #tpu.memory_space<vmem>> -> memref<128x128xf32, #tpu.memory_space<vmem>>
        %gather3A_1303 = tpu.vector_load_idx %gather3A_1302[%add3A_199, %add3A_1298] : memref<128x128xf32, #tpu.memory_space<vmem>>[vector<16xi32>, vector<16xi32>], vector<16xf32>,
        %scatter3A_1304 = arith.constant 0 : i32
        %scatter3A_1305 = arith.constant 0 : i32
        %scatter3A_1306 = tpu.memref_slice %arg7[%scan3A_95, %scatter3A_1304, %scatter3A_1305] : memref<2x64x128xf32, #tpu.memory_space<vmem>> -> memref<1x64x128xf32, #tpu.memory_space<vmem>>
        %scatter3A_1307 = tpu.memref_squeeze %scatter3A_1306 : memref<1x64x128xf32, #tpu.memory_space<vmem>> -> memref<64x128xf32, #tpu.memory_space<vmem>>
        %scatter3A_1308 = arith.constant 48 : i32
        %scatter3A_1309 = arith.constant 0 : i32
        %scatter3A_1310 = tpu.memref_slice %scatter3A_1307[%scatter3A_1308, %scatter3A_1309] : memref<64x128xf32, #tpu.memory_space<vmem>> -> memref<16x128xf32, #tpu.memory_space<vmem>>
        tpu.vector_store_idx %scatter3A_1310[%and3A_1295, %add3A_199], %gather3A_1303 : memref<16x128xf32, #tpu.memory_space<vmem>>[vector<16xi32>, vector<16xi32>], vector<16xf32>,
        %add3A_1311 = arith.constant 5 : i32
        %add3A_1312 = vector.broadcast %add3A_1311 : i32 to vector<16xi32>
        %add3A_1313 = arith.addi %iota3A, %add3A_1312 : vector<16xi32>
        %and3A_1314 = arith.constant 15 : i32
        %and3A_1315 = vector.broadcast %and3A_1314 : i32 to vector<16xi32>
        %and3A_1316 = arith.andi %add3A_1313, %and3A_1315 : vector<16xi32>
        %add3A_1317 = arith.constant 48 : i32
        %add3A_1318 = vector.broadcast %add3A_1317 : i32 to vector<16xi32>
        %add3A_1319 = arith.addi %and3A_1316, %add3A_1318 : vector<16xi32>
        %gather3A_1320 = arith.constant 0 : i32
        %gather3A_1321 = arith.constant 0 : i32
        %gather3A_1322 = tpu.memref_slice %arg6[%scan3A_94, %gather3A_1320, %gather3A_1321] : memref<2x128x128xf32, #tpu.memory_space<vmem>> -> memref<1x128x128xf32, #tpu.memory_space<vmem>>
        %gather3A_1323 = tpu.memref_squeeze %gather3A_1322 : memref<1x128x128xf32, #tpu.memory_space<vmem>> -> memref<128x128xf32, #tpu.memory_space<vmem>>
        %gather3A_1324 = tpu.vector_load_idx %gather3A_1323[%add3A_199, %add3A_1319] : memref<128x128xf32, #tpu.memory_space<vmem>>[vector<16xi32>, vector<16xi32>], vector<16xf32>,
        %scatter3A_1325 = arith.constant 0 : i32
        %scatter3A_1326 = arith.constant 0 : i32
        %scatter3A_1327 = tpu.memref_slice %arg7[%scan3A_95, %scatter3A_1325, %scatter3A_1326] : memref<2x64x128xf32, #tpu.memory_space<vmem>> -> memref<1x64x128xf32, #tpu.memory_space<vmem>>
        %scatter3A_1328 = tpu.memref_squeeze %scatter3A_1327 : memref<1x64x128xf32, #tpu.memory_space<vmem>> -> memref<64x128xf32, #tpu.memory_space<vmem>>
        %scatter3A_1329 = arith.constant 48 : i32
        %scatter3A_1330 = arith.constant 0 : i32
        %scatter3A_1331 = tpu.memref_slice %scatter3A_1328[%scatter3A_1329, %scatter3A_1330] : memref<64x128xf32, #tpu.memory_space<vmem>> -> memref<16x128xf32, #tpu.memory_space<vmem>>
        tpu.vector_store_idx %scatter3A_1331[%and3A_1316, %add3A_199], %gather3A_1324 : memref<16x128xf32, #tpu.memory_space<vmem>>[vector<16xi32>, vector<16xi32>], vector<16xf32>,
        %add3A_1332 = arith.constant 6 : i32
        %add3A_1333 = vector.broadcast %add3A_1332 : i32 to vector<16xi32>
        %add3A_1334 = arith.addi %iota3A, %add3A_1333 : vector<16xi32>
        %and3A_1335 = arith.constant 15 : i32
        %and3A_1336 = vector.broadcast %and3A_1335 : i32 to vector<16xi32>
        %and3A_1337 = arith.andi %add3A_1334, %and3A_1336 : vector<16xi32>
        %add3A_1338 = arith.constant 48 : i32
        %add3A_1339 = vector.broadcast %add3A_1338 : i32 to vector<16xi32>
        %add3A_1340 = arith.addi %and3A_1337, %add3A_1339 : vector<16xi32>
        %gather3A_1341 = arith.constant 0 : i32
        %gather3A_1342 = arith.constant 0 : i32
        %gather3A_1343 = tpu.memref_slice %arg6[%scan3A_94, %gather3A_1341, %gather3A_1342] : memref<2x128x128xf32, #tpu.memory_space<vmem>> -> memref<1x128x128xf32, #tpu.memory_space<vmem>>
        %gather3A_1344 = tpu.memref_squeeze %gather3A_1343 : memref<1x128x128xf32, #tpu.memory_space<vmem>> -> memref<128x128xf32, #tpu.memory_space<vmem>>
        %gather3A_1345 = tpu.vector_load_idx %gather3A_1344[%add3A_199, %add3A_1340] : memref<128x128xf32, #tpu.memory_space<vmem>>[vector<16xi32>, vector<16xi32>], vector<16xf32>,
        %scatter3A_1346 = arith.constant 0 : i32
        %scatter3A_1347 = arith.constant 0 : i32
        %scatter3A_1348 = tpu.memref_slice %arg7[%scan3A_95, %scatter3A_1346, %scatter3A_1347] : memref<2x64x128xf32, #tpu.memory_space<vmem>> -> memref<1x64x128xf32, #tpu.memory_space<vmem>>
        %scatter3A_1349 = tpu.memref_squeeze %scatter3A_1348 : memref<1x64x128xf32, #tpu.memory_space<vmem>> -> memref<64x128xf32, #tpu.memory_space<vmem>>
        %scatter3A_1350 = arith.constant 48 : i32
        %scatter3A_1351 = arith.constant 0 : i32
        %scatter3A_1352 = tpu.memref_slice %scatter3A_1349[%scatter3A_1350, %scatter3A_1351] : memref<64x128xf32, #tpu.memory_space<vmem>> -> memref<16x128xf32, #tpu.memory_space<vmem>>
        tpu.vector_store_idx %scatter3A_1352[%and3A_1337, %add3A_199], %gather3A_1345 : memref<16x128xf32, #tpu.memory_space<vmem>>[vector<16xi32>, vector<16xi32>], vector<16xf32>,
        %add3A_1353 = arith.constant 7 : i32
        %add3A_1354 = vector.broadcast %add3A_1353 : i32 to vector<16xi32>
        %add3A_1355 = arith.addi %iota3A, %add3A_1354 : vector<16xi32>
        %and3A_1356 = arith.constant 15 : i32
        %and3A_1357 = vector.broadcast %and3A_1356 : i32 to vector<16xi32>
        %and3A_1358 = arith.andi %add3A_1355, %and3A_1357 : vector<16xi32>
        %add3A_1359 = arith.constant 48 : i32
        %add3A_1360 = vector.broadcast %add3A_1359 : i32 to vector<16xi32>
        %add3A_1361 = arith.addi %and3A_1358, %add3A_1360 : vector<16xi32>
        %gather3A_1362 = arith.constant 0 : i32
        %gather3A_1363 = arith.constant 0 : i32
        %gather3A_1364 = tpu.memref_slice %arg6[%scan3A_94, %gather3A_1362, %gather3A_1363] : memref<2x128x128xf32, #tpu.memory_space<vmem>> -> memref<1x128x128xf32, #tpu.memory_space<vmem>>
        %gather3A_1365 = tpu.memref_squeeze %gather3A_1364 : memref<1x128x128xf32, #tpu.memory_space<vmem>> -> memref<128x128xf32, #tpu.memory_space<vmem>>
        %gather3A_1366 = tpu.vector_load_idx %gather3A_1365[%add3A_199, %add3A_1361] : memref<128x128xf32, #tpu.memory_space<vmem>>[vector<16xi32>, vector<16xi32>], vector<16xf32>,
        %scatter3A_1367 = arith.constant 0 : i32
        %scatter3A_1368 = arith.constant 0 : i32
        %scatter3A_1369 = tpu.memref_slice %arg7[%scan3A_95, %scatter3A_1367, %scatter3A_1368] : memref<2x64x128xf32, #tpu.memory_space<vmem>> -> memref<1x64x128xf32, #tpu.memory_space<vmem>>
        %scatter3A_1370 = tpu.memref_squeeze %scatter3A_1369 : memref<1x64x128xf32, #tpu.memory_space<vmem>> -> memref<64x128xf32, #tpu.memory_space<vmem>>
        %scatter3A_1371 = arith.constant 48 : i32
        %scatter3A_1372 = arith.constant 0 : i32
        %scatter3A_1373 = tpu.memref_slice %scatter3A_1370[%scatter3A_1371, %scatter3A_1372] : memref<64x128xf32, #tpu.memory_space<vmem>> -> memref<16x128xf32, #tpu.memory_space<vmem>>
        tpu.vector_store_idx %scatter3A_1373[%and3A_1358, %add3A_199], %gather3A_1366 : memref<16x128xf32, #tpu.memory_space<vmem>>[vector<16xi32>, vector<16xi32>], vector<16xf32>,
        %add3A_1374 = arith.constant 8 : i32
        %add3A_1375 = vector.broadcast %add3A_1374 : i32 to vector<16xi32>
        %add3A_1376 = arith.addi %iota3A, %add3A_1375 : vector<16xi32>
        %and3A_1377 = arith.constant 15 : i32
        %and3A_1378 = vector.broadcast %and3A_1377 : i32 to vector<16xi32>
        %and3A_1379 = arith.andi %add3A_1376, %and3A_1378 : vector<16xi32>
        %add3A_1380 = arith.constant 48 : i32
        %add3A_1381 = vector.broadcast %add3A_1380 : i32 to vector<16xi32>
        %add3A_1382 = arith.addi %and3A_1379, %add3A_1381 : vector<16xi32>
        %gather3A_1383 = arith.constant 0 : i32
        %gather3A_1384 = arith.constant 0 : i32
        %gather3A_1385 = tpu.memref_slice %arg6[%scan3A_94, %gather3A_1383, %gather3A_1384] : memref<2x128x128xf32, #tpu.memory_space<vmem>> -> memref<1x128x128xf32, #tpu.memory_space<vmem>>
        %gather3A_1386 = tpu.memref_squeeze %gather3A_1385 : memref<1x128x128xf32, #tpu.memory_space<vmem>> -> memref<128x128xf32, #tpu.memory_space<vmem>>
        %gather3A_1387 = tpu.vector_load_idx %gather3A_1386[%add3A_199, %add3A_1382] : memref<128x128xf32, #tpu.memory_space<vmem>>[vector<16xi32>, vector<16xi32>], vector<16xf32>,
        %scatter3A_1388 = arith.constant 0 : i32
        %scatter3A_1389 = arith.constant 0 : i32
        %scatter3A_1390 = tpu.memref_slice %arg7[%scan3A_95, %scatter3A_1388, %scatter3A_1389] : memref<2x64x128xf32, #tpu.memory_space<vmem>> -> memref<1x64x128xf32, #tpu.memory_space<vmem>>
        %scatter3A_1391 = tpu.memref_squeeze %scatter3A_1390 : memref<1x64x128xf32, #tpu.memory_space<vmem>> -> memref<64x128xf32, #tpu.memory_space<vmem>>
        %scatter3A_1392 = arith.constant 48 : i32
        %scatter3A_1393 = arith.constant 0 : i32
        %scatter3A_1394 = tpu.memref_slice %scatter3A_1391[%scatter3A_1392, %scatter3A_1393] : memref<64x128xf32, #tpu.memory_space<vmem>> -> memref<16x128xf32, #tpu.memory_space<vmem>>
        tpu.vector_store_idx %scatter3A_1394[%and3A_1379, %add3A_199], %gather3A_1387 : memref<16x128xf32, #tpu.memory_space<vmem>>[vector<16xi32>, vector<16xi32>], vector<16xf32>,
        %add3A_1395 = arith.constant 9 : i32
        %add3A_1396 = vector.broadcast %add3A_1395 : i32 to vector<16xi32>
        %add3A_1397 = arith.addi %iota3A, %add3A_1396 : vector<16xi32>
        %and3A_1398 = arith.constant 15 : i32
        %and3A_1399 = vector.broadcast %and3A_1398 : i32 to vector<16xi32>
        %and3A_1400 = arith.andi %add3A_1397, %and3A_1399 : vector<16xi32>
        %add3A_1401 = arith.constant 48 : i32
        %add3A_1402 = vector.broadcast %add3A_1401 : i32 to vector<16xi32>
        %add3A_1403 = arith.addi %and3A_1400, %add3A_1402 : vector<16xi32>
        %gather3A_1404 = arith.constant 0 : i32
        %gather3A_1405 = arith.constant 0 : i32
        %gather3A_1406 = tpu.memref_slice %arg6[%scan3A_94, %gather3A_1404, %gather3A_1405] : memref<2x128x128xf32, #tpu.memory_space<vmem>> -> memref<1x128x128xf32, #tpu.memory_space<vmem>>
        %gather3A_1407 = tpu.memref_squeeze %gather3A_1406 : memref<1x128x128xf32, #tpu.memory_space<vmem>> -> memref<128x128xf32, #tpu.memory_space<vmem>>
        %gather3A_1408 = tpu.vector_load_idx %gather3A_1407[%add3A_199, %add3A_1403] : memref<128x128xf32, #tpu.memory_space<vmem>>[vector<16xi32>, vector<16xi32>], vector<16xf32>,
        %scatter3A_1409 = arith.constant 0 : i32
        %scatter3A_1410 = arith.constant 0 : i32
        %scatter3A_1411 = tpu.memref_slice %arg7[%scan3A_95, %scatter3A_1409, %scatter3A_1410] : memref<2x64x128xf32, #tpu.memory_space<vmem>> -> memref<1x64x128xf32, #tpu.memory_space<vmem>>
        %scatter3A_1412 = tpu.memref_squeeze %scatter3A_1411 : memref<1x64x128xf32, #tpu.memory_space<vmem>> -> memref<64x128xf32, #tpu.memory_space<vmem>>
        %scatter3A_1413 = arith.constant 48 : i32
        %scatter3A_1414 = arith.constant 0 : i32
        %scatter3A_1415 = tpu.memref_slice %scatter3A_1412[%scatter3A_1413, %scatter3A_1414] : memref<64x128xf32, #tpu.memory_space<vmem>> -> memref<16x128xf32, #tpu.memory_space<vmem>>
        tpu.vector_store_idx %scatter3A_1415[%and3A_1400, %add3A_199], %gather3A_1408 : memref<16x128xf32, #tpu.memory_space<vmem>>[vector<16xi32>, vector<16xi32>], vector<16xf32>,
        %add3A_1416 = arith.constant 10 : i32
        %add3A_1417 = vector.broadcast %add3A_1416 : i32 to vector<16xi32>
        %add3A_1418 = arith.addi %iota3A, %add3A_1417 : vector<16xi32>
        %and3A_1419 = arith.constant 15 : i32
        %and3A_1420 = vector.broadcast %and3A_1419 : i32 to vector<16xi32>
        %and3A_1421 = arith.andi %add3A_1418, %and3A_1420 : vector<16xi32>
        %add3A_1422 = arith.constant 48 : i32
        %add3A_1423 = vector.broadcast %add3A_1422 : i32 to vector<16xi32>
        %add3A_1424 = arith.addi %and3A_1421, %add3A_1423 : vector<16xi32>
        %gather3A_1425 = arith.constant 0 : i32
        %gather3A_1426 = arith.constant 0 : i32
        %gather3A_1427 = tpu.memref_slice %arg6[%scan3A_94, %gather3A_1425, %gather3A_1426] : memref<2x128x128xf32, #tpu.memory_space<vmem>> -> memref<1x128x128xf32, #tpu.memory_space<vmem>>
        %gather3A_1428 = tpu.memref_squeeze %gather3A_1427 : memref<1x128x128xf32, #tpu.memory_space<vmem>> -> memref<128x128xf32, #tpu.memory_space<vmem>>
        %gather3A_1429 = tpu.vector_load_idx %gather3A_1428[%add3A_199, %add3A_1424] : memref<128x128xf32, #tpu.memory_space<vmem>>[vector<16xi32>, vector<16xi32>], vector<16xf32>,
        %scatter3A_1430 = arith.constant 0 : i32
        %scatter3A_1431 = arith.constant 0 : i32
        %scatter3A_1432 = tpu.memref_slice %arg7[%scan3A_95, %scatter3A_1430, %scatter3A_1431] : memref<2x64x128xf32, #tpu.memory_space<vmem>> -> memref<1x64x128xf32, #tpu.memory_space<vmem>>
        %scatter3A_1433 = tpu.memref_squeeze %scatter3A_1432 : memref<1x64x128xf32, #tpu.memory_space<vmem>> -> memref<64x128xf32, #tpu.memory_space<vmem>>
        %scatter3A_1434 = arith.constant 48 : i32
        %scatter3A_1435 = arith.constant 0 : i32
        %scatter3A_1436 = tpu.memref_slice %scatter3A_1433[%scatter3A_1434, %scatter3A_1435] : memref<64x128xf32, #tpu.memory_space<vmem>> -> memref<16x128xf32, #tpu.memory_space<vmem>>
        tpu.vector_store_idx %scatter3A_1436[%and3A_1421, %add3A_199], %gather3A_1429 : memref<16x128xf32, #tpu.memory_space<vmem>>[vector<16xi32>, vector<16xi32>], vector<16xf32>,
        %add3A_1437 = arith.constant 11 : i32
        %add3A_1438 = vector.broadcast %add3A_1437 : i32 to vector<16xi32>
        %add3A_1439 = arith.addi %iota3A, %add3A_1438 : vector<16xi32>
        %and3A_1440 = arith.constant 15 : i32
        %and3A_1441 = vector.broadcast %and3A_1440 : i32 to vector<16xi32>
        %and3A_1442 = arith.andi %add3A_1439, %and3A_1441 : vector<16xi32>
        %add3A_1443 = arith.constant 48 : i32
        %add3A_1444 = vector.broadcast %add3A_1443 : i32 to vector<16xi32>
        %add3A_1445 = arith.addi %and3A_1442, %add3A_1444 : vector<16xi32>
        %gather3A_1446 = arith.constant 0 : i32
        %gather3A_1447 = arith.constant 0 : i32
        %gather3A_1448 = tpu.memref_slice %arg6[%scan3A_94, %gather3A_1446, %gather3A_1447] : memref<2x128x128xf32, #tpu.memory_space<vmem>> -> memref<1x128x128xf32, #tpu.memory_space<vmem>>
        %gather3A_1449 = tpu.memref_squeeze %gather3A_1448 : memref<1x128x128xf32, #tpu.memory_space<vmem>> -> memref<128x128xf32, #tpu.memory_space<vmem>>
        %gather3A_1450 = tpu.vector_load_idx %gather3A_1449[%add3A_199, %add3A_1445] : memref<128x128xf32, #tpu.memory_space<vmem>>[vector<16xi32>, vector<16xi32>], vector<16xf32>,
        %scatter3A_1451 = arith.constant 0 : i32
        %scatter3A_1452 = arith.constant 0 : i32
        %scatter3A_1453 = tpu.memref_slice %arg7[%scan3A_95, %scatter3A_1451, %scatter3A_1452] : memref<2x64x128xf32, #tpu.memory_space<vmem>> -> memref<1x64x128xf32, #tpu.memory_space<vmem>>
        %scatter3A_1454 = tpu.memref_squeeze %scatter3A_1453 : memref<1x64x128xf32, #tpu.memory_space<vmem>> -> memref<64x128xf32, #tpu.memory_space<vmem>>
        %scatter3A_1455 = arith.constant 48 : i32
        %scatter3A_1456 = arith.constant 0 : i32
        %scatter3A_1457 = tpu.memref_slice %scatter3A_1454[%scatter3A_1455, %scatter3A_1456] : memref<64x128xf32, #tpu.memory_space<vmem>> -> memref<16x128xf32, #tpu.memory_space<vmem>>
        tpu.vector_store_idx %scatter3A_1457[%and3A_1442, %add3A_199], %gather3A_1450 : memref<16x128xf32, #tpu.memory_space<vmem>>[vector<16xi32>, vector<16xi32>], vector<16xf32>,
        %add3A_1458 = arith.constant 12 : i32
        %add3A_1459 = vector.broadcast %add3A_1458 : i32 to vector<16xi32>
        %add3A_1460 = arith.addi %iota3A, %add3A_1459 : vector<16xi32>
        %and3A_1461 = arith.constant 15 : i32
        %and3A_1462 = vector.broadcast %and3A_1461 : i32 to vector<16xi32>
        %and3A_1463 = arith.andi %add3A_1460, %and3A_1462 : vector<16xi32>
        %add3A_1464 = arith.constant 48 : i32
        %add3A_1465 = vector.broadcast %add3A_1464 : i32 to vector<16xi32>
        %add3A_1466 = arith.addi %and3A_1463, %add3A_1465 : vector<16xi32>
        %gather3A_1467 = arith.constant 0 : i32
        %gather3A_1468 = arith.constant 0 : i32
        %gather3A_1469 = tpu.memref_slice %arg6[%scan3A_94, %gather3A_1467, %gather3A_1468] : memref<2x128x128xf32, #tpu.memory_space<vmem>> -> memref<1x128x128xf32, #tpu.memory_space<vmem>>
        %gather3A_1470 = tpu.memref_squeeze %gather3A_1469 : memref<1x128x128xf32, #tpu.memory_space<vmem>> -> memref<128x128xf32, #tpu.memory_space<vmem>>
        %gather3A_1471 = tpu.vector_load_idx %gather3A_1470[%add3A_199, %add3A_1466] : memref<128x128xf32, #tpu.memory_space<vmem>>[vector<16xi32>, vector<16xi32>], vector<16xf32>,
        %scatter3A_1472 = arith.constant 0 : i32
        %scatter3A_1473 = arith.constant 0 : i32
        %scatter3A_1474 = tpu.memref_slice %arg7[%scan3A_95, %scatter3A_1472, %scatter3A_1473] : memref<2x64x128xf32, #tpu.memory_space<vmem>> -> memref<1x64x128xf32, #tpu.memory_space<vmem>>
        %scatter3A_1475 = tpu.memref_squeeze %scatter3A_1474 : memref<1x64x128xf32, #tpu.memory_space<vmem>> -> memref<64x128xf32, #tpu.memory_space<vmem>>
        %scatter3A_1476 = arith.constant 48 : i32
        %scatter3A_1477 = arith.constant 0 : i32
        %scatter3A_1478 = tpu.memref_slice %scatter3A_1475[%scatter3A_1476, %scatter3A_1477] : memref<64x128xf32, #tpu.memory_space<vmem>> -> memref<16x128xf32, #tpu.memory_space<vmem>>
        tpu.vector_store_idx %scatter3A_1478[%and3A_1463, %add3A_199], %gather3A_1471 : memref<16x128xf32, #tpu.memory_space<vmem>>[vector<16xi32>, vector<16xi32>], vector<16xf32>,
        %add3A_1479 = arith.constant 13 : i32
        %add3A_1480 = vector.broadcast %add3A_1479 : i32 to vector<16xi32>
        %add3A_1481 = arith.addi %iota3A, %add3A_1480 : vector<16xi32>
        %and3A_1482 = arith.constant 15 : i32
        %and3A_1483 = vector.broadcast %and3A_1482 : i32 to vector<16xi32>
        %and3A_1484 = arith.andi %add3A_1481, %and3A_1483 : vector<16xi32>
        %add3A_1485 = arith.constant 48 : i32
        %add3A_1486 = vector.broadcast %add3A_1485 : i32 to vector<16xi32>
        %add3A_1487 = arith.addi %and3A_1484, %add3A_1486 : vector<16xi32>
        %gather3A_1488 = arith.constant 0 : i32
        %gather3A_1489 = arith.constant 0 : i32
        %gather3A_1490 = tpu.memref_slice %arg6[%scan3A_94, %gather3A_1488, %gather3A_1489] : memref<2x128x128xf32, #tpu.memory_space<vmem>> -> memref<1x128x128xf32, #tpu.memory_space<vmem>>
        %gather3A_1491 = tpu.memref_squeeze %gather3A_1490 : memref<1x128x128xf32, #tpu.memory_space<vmem>> -> memref<128x128xf32, #tpu.memory_space<vmem>>
        %gather3A_1492 = tpu.vector_load_idx %gather3A_1491[%add3A_199, %add3A_1487] : memref<128x128xf32, #tpu.memory_space<vmem>>[vector<16xi32>, vector<16xi32>], vector<16xf32>,
        %scatter3A_1493 = arith.constant 0 : i32
        %scatter3A_1494 = arith.constant 0 : i32
        %scatter3A_1495 = tpu.memref_slice %arg7[%scan3A_95, %scatter3A_1493, %scatter3A_1494] : memref<2x64x128xf32, #tpu.memory_space<vmem>> -> memref<1x64x128xf32, #tpu.memory_space<vmem>>
        %scatter3A_1496 = tpu.memref_squeeze %scatter3A_1495 : memref<1x64x128xf32, #tpu.memory_space<vmem>> -> memref<64x128xf32, #tpu.memory_space<vmem>>
        %scatter3A_1497 = arith.constant 48 : i32
        %scatter3A_1498 = arith.constant 0 : i32
        %scatter3A_1499 = tpu.memref_slice %scatter3A_1496[%scatter3A_1497, %scatter3A_1498] : memref<64x128xf32, #tpu.memory_space<vmem>> -> memref<16x128xf32, #tpu.memory_space<vmem>>
        tpu.vector_store_idx %scatter3A_1499[%and3A_1484, %add3A_199], %gather3A_1492 : memref<16x128xf32, #tpu.memory_space<vmem>>[vector<16xi32>, vector<16xi32>], vector<16xf32>,
        %add3A_1500 = arith.constant 14 : i32
        %add3A_1501 = vector.broadcast %add3A_1500 : i32 to vector<16xi32>
        %add3A_1502 = arith.addi %iota3A, %add3A_1501 : vector<16xi32>
        %and3A_1503 = arith.constant 15 : i32
        %and3A_1504 = vector.broadcast %and3A_1503 : i32 to vector<16xi32>
        %and3A_1505 = arith.andi %add3A_1502, %and3A_1504 : vector<16xi32>
        %add3A_1506 = arith.constant 48 : i32
        %add3A_1507 = vector.broadcast %add3A_1506 : i32 to vector<16xi32>
        %add3A_1508 = arith.addi %and3A_1505, %add3A_1507 : vector<16xi32>
        %gather3A_1509 = arith.constant 0 : i32
        %gather3A_1510 = arith.constant 0 : i32
        %gather3A_1511 = tpu.memref_slice %arg6[%scan3A_94, %gather3A_1509, %gather3A_1510] : memref<2x128x128xf32, #tpu.memory_space<vmem>> -> memref<1x128x128xf32, #tpu.memory_space<vmem>>
        %gather3A_1512 = tpu.memref_squeeze %gather3A_1511 : memref<1x128x128xf32, #tpu.memory_space<vmem>> -> memref<128x128xf32, #tpu.memory_space<vmem>>
        %gather3A_1513 = tpu.vector_load_idx %gather3A_1512[%add3A_199, %add3A_1508] : memref<128x128xf32, #tpu.memory_space<vmem>>[vector<16xi32>, vector<16xi32>], vector<16xf32>,
        %scatter3A_1514 = arith.constant 0 : i32
        %scatter3A_1515 = arith.constant 0 : i32
        %scatter3A_1516 = tpu.memref_slice %arg7[%scan3A_95, %scatter3A_1514, %scatter3A_1515] : memref<2x64x128xf32, #tpu.memory_space<vmem>> -> memref<1x64x128xf32, #tpu.memory_space<vmem>>
        %scatter3A_1517 = tpu.memref_squeeze %scatter3A_1516 : memref<1x64x128xf32, #tpu.memory_space<vmem>> -> memref<64x128xf32, #tpu.memory_space<vmem>>
        %scatter3A_1518 = arith.constant 48 : i32
        %scatter3A_1519 = arith.constant 0 : i32
        %scatter3A_1520 = tpu.memref_slice %scatter3A_1517[%scatter3A_1518, %scatter3A_1519] : memref<64x128xf32, #tpu.memory_space<vmem>> -> memref<16x128xf32, #tpu.memory_space<vmem>>
        tpu.vector_store_idx %scatter3A_1520[%and3A_1505, %add3A_199], %gather3A_1513 : memref<16x128xf32, #tpu.memory_space<vmem>>[vector<16xi32>, vector<16xi32>], vector<16xf32>,
        %add3A_1521 = arith.constant 15 : i32
        %add3A_1522 = vector.broadcast %add3A_1521 : i32 to vector<16xi32>
        %add3A_1523 = arith.addi %iota3A, %add3A_1522 : vector<16xi32>
        %and3A_1524 = arith.constant 15 : i32
        %and3A_1525 = vector.broadcast %and3A_1524 : i32 to vector<16xi32>
        %and3A_1526 = arith.andi %add3A_1523, %and3A_1525 : vector<16xi32>
        %add3A_1527 = arith.constant 48 : i32
        %add3A_1528 = vector.broadcast %add3A_1527 : i32 to vector<16xi32>
        %add3A_1529 = arith.addi %and3A_1526, %add3A_1528 : vector<16xi32>
        %gather3A_1530 = arith.constant 0 : i32
        %gather3A_1531 = arith.constant 0 : i32
        %gather3A_1532 = tpu.memref_slice %arg6[%scan3A_94, %gather3A_1530, %gather3A_1531] : memref<2x128x128xf32, #tpu.memory_space<vmem>> -> memref<1x128x128xf32, #tpu.memory_space<vmem>>
        %gather3A_1533 = tpu.memref_squeeze %gather3A_1532 : memref<1x128x128xf32, #tpu.memory_space<vmem>> -> memref<128x128xf32, #tpu.memory_space<vmem>>
        %gather3A_1534 = tpu.vector_load_idx %gather3A_1533[%add3A_199, %add3A_1529] : memref<128x128xf32, #tpu.memory_space<vmem>>[vector<16xi32>, vector<16xi32>], vector<16xf32>,
        %scatter3A_1535 = arith.constant 0 : i32
        %scatter3A_1536 = arith.constant 0 : i32
        %scatter3A_1537 = tpu.memref_slice %arg7[%scan3A_95, %scatter3A_1535, %scatter3A_1536] : memref<2x64x128xf32, #tpu.memory_space<vmem>> -> memref<1x64x128xf32, #tpu.memory_space<vmem>>
        %scatter3A_1538 = tpu.memref_squeeze %scatter3A_1537 : memref<1x64x128xf32, #tpu.memory_space<vmem>> -> memref<64x128xf32, #tpu.memory_space<vmem>>
        %scatter3A_1539 = arith.constant 48 : i32
        %scatter3A_1540 = arith.constant 0 : i32
        %scatter3A_1541 = tpu.memref_slice %scatter3A_1538[%scatter3A_1539, %scatter3A_1540] : memref<64x128xf32, #tpu.memory_space<vmem>> -> memref<16x128xf32, #tpu.memory_space<vmem>>
        tpu.vector_store_idx %scatter3A_1541[%and3A_1526, %add3A_199], %gather3A_1534 : memref<16x128xf32, #tpu.memory_space<vmem>>[vector<16xi32>, vector<16xi32>], vector<16xf32>,
      }
      %scan3A_100 = arith.constant 8 : i32
      %shift_right_arithmetic3A_101 = arith.constant 2 : i32
      %shift_right_arithmetic3A_102 = arith.shrsi %add3A_67, %shift_right_arithmetic3A_101 : i32
      %and3A_103 = arith.constant 3 : i32
      %and3A_104 = arith.andi %add3A_67, %and3A_103 : i32
      %mul3A_105 = arith.constant 128 : i32
      %mul3A_106 = arith.muli %and3A_104, %mul3A_105 : i32
      %add3A_107 = arith.addi %mul3A_2, %mul3A_106 : i32
      %dma_start3A_108 = arith.constant 0 : i32
      %dma_start3A_109 = arith.constant 0 : i32
      %dma_start3A_110 = arith.constant 0 : i32
      %dma_start3A_111 = arith.constant 0 : i32
      %dma_start3A_112 = tpu.memref_slice %arg7[%dma_start3A_108, %dma_start3A_110, %dma_start3A_111] : memref<2x64x128xf32, #tpu.memory_space<vmem>> -> memref<1x64x128xf32, #tpu.memory_space<vmem>>
      %dma_start3A_113 = tpu.memref_squeeze %dma_start3A_112 : memref<1x64x128xf32, #tpu.memory_space<vmem>> -> memref<64x128xf32, #tpu.memory_space<vmem>>
      %dma_start3A_114 = arith.constant 0 : i32
      %dma_start3A_115 = tpu.memref_slice %arg4[%shift_right_arithmetic3A_102, %dma_start3A_114, %add3A_107] : memref<50x64x16384xf32, #tpu.memory_space<hbm>> -> memref<1x64x128xf32, #tpu.memory_space<hbm>>
      %dma_start3A_116 = tpu.memref_squeeze %dma_start3A_115 : memref<1x64x128xf32, #tpu.memory_space<hbm>> -> memref<64x128xf32, #tpu.memory_space<hbm>>
      %dma_start3A_117 = tpu.memref_slice %arg9[%dma_start3A_109] : memref<2x!tpu.dma_semaphore, #tpu.memory_space<semaphore_mem>> -> memref<1x!tpu.dma_semaphore, #tpu.memory_space<semaphore_mem>>
      %dma_start3A_118 = tpu.memref_squeeze %dma_start3A_117 : memref<1x!tpu.dma_semaphore, #tpu.memory_space<semaphore_mem>> -> memref<!tpu.dma_semaphore, #tpu.memory_space<semaphore_mem>>
      %dma_start3A_119 = arith.constant 0 : i32
      %dma_start3A_120 = tpu.memref_slice %arg4[%shift_right_arithmetic3A_102, %dma_start3A_119, %add3A_107] : memref<50x64x16384xf32, #tpu.memory_space<hbm>> -> memref<1x64x128xf32, #tpu.memory_space<hbm>>
      %dma_start3A_121 = tpu.memref_squeeze %dma_start3A_120 : memref<1x64x128xf32, #tpu.memory_space<hbm>> -> memref<64x128xf32, #tpu.memory_space<hbm>>
      %dma_start3A_122 = arith.constant 0 : i32
      %dma_start3A_123 = arith.constant 0 : i32
      %dma_start3A_124 = tpu.memref_slice %arg7[%dma_start3A_108, %dma_start3A_122, %dma_start3A_123] : memref<2x64x128xf32, #tpu.memory_space<vmem>> -> memref<1x64x128xf32, #tpu.memory_space<vmem>>
      %dma_start3A_125 = tpu.memref_squeeze %dma_start3A_124 : memref<1x64x128xf32, #tpu.memory_space<vmem>> -> memref<64x128xf32, #tpu.memory_space<vmem>>
      tpu.enqueue_dma source(%dma_start3A_125 : memref<64x128xf32, #tpu.memory_space<vmem>>) target(%dma_start3A_121 : memref<64x128xf32, #tpu.memory_space<hbm>>) target_semaphore(%dma_start3A_118 : memref<!tpu.dma_semaphore, #tpu.memory_space<semaphore_mem>>)
      %mul3A_126 = arith.constant 2 : i32
      %mul3A_127 = arith.muli %mul3A_126, %scan3A_63 : i32
      %add3A_128 = arith.constant 1 : i32
      %add3A_129 = arith.addi %mul3A_127, %add3A_128 : i32
      %add3A_130 = arith.constant 1 : i32
      %add3A_131 = arith.addi %add3A_129, %add3A_130 : i32
      %lt3A_132 = arith.constant 200 : i32
      %lt3A_133 = arith.cmpi slt, %add3A_131, %lt3A_132 : i32
      %convert_element_type3A_134 = arith.extui %lt3A_133 : i1 to i32
      %cond3A_135 = arith.constant 0 : i32
      %cond3A_136 = arith.cmpi ne, %convert_element_type3A_134, %cond3A_135 : i32
      scf.if %cond3A_136 {
        %add3A_195 = arith.constant 1 : i32
        %add3A_196 = arith.addi %add3A_129, %add3A_195 : i32
        %shift_right_arithmetic3A_197 = arith.constant 2 : i32
        %shift_right_arithmetic3A_198 = arith.shrsi %add3A_196, %shift_right_arithmetic3A_197 : i32
        %and3A_199 = arith.constant 3 : i32
        %and3A_200 = arith.andi %add3A_196, %and3A_199 : i32
        %mul3A_201 = arith.constant 128 : i32
        %mul3A_202 = arith.muli %and3A_200, %mul3A_201 : i32
        %dma_start3A_203 = arith.constant 0 : i32
        %dma_start3A_204 = arith.constant 0 : i32
        %dma_start3A_205 = arith.constant 0 : i32
        %dma_start3A_206 = arith.constant 0 : i32
        %dma_start3A_207 = tpu.memref_slice %arg6[%dma_start3A_203, %dma_start3A_205, %dma_start3A_206] : memref<2x128x128xf32, #tpu.memory_space<vmem>> -> memref<1x128x128xf32, #tpu.memory_space<vmem>>
        %dma_start3A_208 = tpu.memref_squeeze %dma_start3A_207 : memref<1x128x128xf32, #tpu.memory_space<vmem>> -> memref<128x128xf32, #tpu.memory_space<vmem>>
        %dma_start3A_209 = tpu.memref_slice %arg5[%shift_right_arithmetic3A_198, %mul3A_202] : memref<50x512xi32, #tpu.memory_space<vmem>> -> memref<1x128xi32, #tpu.memory_space<vmem>>
        %dma_start3A_210 = tpu.memref_squeeze %dma_start3A_209 : memref<1x128xi32, #tpu.memory_space<vmem>> -> memref<128xi32, #tpu.memory_space<vmem>>
        %dma_start3A_211 = arith.constant 0 : i32
        %dma_start3A_212 = arith.constant 0 : i32
        %dma_start3A_213 = tpu.memref_slice %arg3[%dma_start3A_211, %dma_start3A_212] : memref<1000000x128xf32, #tpu.memory_space<hbm>> -> memref<1000000x128xf32, #tpu.memory_space<hbm>>
        %dma_start3A_214 = tpu.memref_slice %arg8[%dma_start3A_204] : memref<2x!tpu.dma_semaphore, #tpu.memory_space<semaphore_mem>> -> memref<1x!tpu.dma_semaphore, #tpu.memory_space<semaphore_mem>>
        %dma_start3A_215 = tpu.memref_squeeze %dma_start3A_214 : memref<1x!tpu.dma_semaphore, #tpu.memory_space<semaphore_mem>> -> memref<!tpu.dma_semaphore, #tpu.memory_space<semaphore_mem>>
        tpu.enqueue_indirect_dma source(%dma_start3A_213 : memref<1000000x128xf32, #tpu.memory_space<hbm>>) target(%dma_start3A_208 : memref<128x128xf32, #tpu.memory_space<vmem>>) offsets(%dma_start3A_210 : memref<128xi32, #tpu.memory_space<vmem>>) semaphore(%dma_start3A_215 : memref<!tpu.dma_semaphore, #tpu.memory_space<semaphore_mem>>)
      } else {
      }
      %shift_right_arithmetic3A_137 = arith.constant 2 : i32
      %shift_right_arithmetic3A_138 = arith.shrsi %add3A_129, %shift_right_arithmetic3A_137 : i32
      %and3A_139 = arith.constant 3 : i32
      %and3A_140 = arith.andi %add3A_129, %and3A_139 : i32
      %mul3A_141 = arith.constant 128 : i32
      %mul3A_142 = arith.muli %and3A_140, %mul3A_141 : i32
      %dma_wait3A_143 = arith.constant 1 : i32
      %dma_wait3A_144 = arith.constant 1 : i32
      %dma_wait3A_145 = arith.constant 0 : i32
      %dma_wait3A_146 = arith.constant 0 : i32
      %dma_wait3A_147 = tpu.memref_slice %arg6[%dma_wait3A_143, %dma_wait3A_145, %dma_wait3A_146] : memref<2x128x128xf32, #tpu.memory_space<vmem>> -> memref<1x128x128xf32, #tpu.memory_space<vmem>>
      %dma_wait3A_148 = tpu.memref_squeeze %dma_wait3A_147 : memref<1x128x128xf32, #tpu.memory_space<vmem>> -> memref<128x128xf32, #tpu.memory_space<vmem>>
      %dma_wait3A_149 = tpu.memref_slice %arg5[%shift_right_arithmetic3A_138, %mul3A_142] : memref<50x512xi32, #tpu.memory_space<vmem>> -> memref<1x128xi32, #tpu.memory_space<vmem>>
      %dma_wait3A_150 = tpu.memref_squeeze %dma_wait3A_149 : memref<1x128xi32, #tpu.memory_space<vmem>> -> memref<128xi32, #tpu.memory_space<vmem>>
      %dma_wait3A_151 = arith.constant 0 : i32
      %dma_wait3A_152 = arith.constant 0 : i32
      %dma_wait3A_153 = tpu.memref_slice %arg3[%dma_wait3A_151, %dma_wait3A_152] : memref<1000000x128xf32, #tpu.memory_space<hbm>> -> memref<1000000x128xf32, #tpu.memory_space<hbm>>
      %dma_wait3A_154 = tpu.memref_slice %arg8[%dma_wait3A_144] : memref<2x!tpu.dma_semaphore, #tpu.memory_space<semaphore_mem>> -> memref<1x!tpu.dma_semaphore, #tpu.memory_space<semaphore_mem>>
      %dma_wait3A_155 = tpu.memref_squeeze %dma_wait3A_154 : memref<1x!tpu.dma_semaphore, #tpu.memory_space<semaphore_mem>> -> memref<!tpu.dma_semaphore, #tpu.memory_space<semaphore_mem>>
      tpu.wait_indirect_dma semaphore(%dma_wait3A_155 : memref<!tpu.dma_semaphore, #tpu.memory_space<semaphore_mem>>) src(%dma_wait3A_153 : memref<1000000x128xf32, #tpu.memory_space<hbm>>) dst(%dma_wait3A_148 : memref<128x128xf32, #tpu.memory_space<vmem>>)
      %ge3A_156 = arith.constant 2 : i32
      %ge3A_157 = arith.cmpi sge, %add3A_129, %ge3A_156 : i32
      %convert_element_type3A_158 = arith.extui %ge3A_157 : i1 to i32
      %cond3A_159 = arith.constant 0 : i32
      %cond3A_160 = arith.cmpi ne, %convert_element_type3A_158, %cond3A_159 : i32
      scf.if %cond3A_160 {
        %sub3A = arith.constant 2 : i32
        %sub3A_195 = arith.subi %add3A_129, %sub3A : i32
        %shift_right_arithmetic3A_196 = arith.constant 2 : i32
        %shift_right_arithmetic3A_197 = arith.shrsi %sub3A_195, %shift_right_arithmetic3A_196 : i32
        %and3A_198 = arith.constant 3 : i32
        %and3A_199 = arith.andi %sub3A_195, %and3A_198 : i32
        %mul3A_200 = arith.constant 128 : i32
        %mul3A_201 = arith.muli %and3A_199, %mul3A_200 : i32
        %add3A_202 = arith.addi %mul3A_2, %mul3A_201 : i32
        %dma_wait3A_203 = arith.constant 1 : i32
        %dma_wait3A_204 = arith.constant 1 : i32
        %dma_wait3A_205 = arith.constant 0 : i32
        %dma_wait3A_206 = arith.constant 0 : i32
        %dma_wait3A_207 = tpu.memref_slice %arg7[%dma_wait3A_203, %dma_wait3A_205, %dma_wait3A_206] : memref<2x64x128xf32, #tpu.memory_space<vmem>> -> memref<1x64x128xf32, #tpu.memory_space<vmem>>
        %dma_wait3A_208 = tpu.memref_squeeze %dma_wait3A_207 : memref<1x64x128xf32, #tpu.memory_space<vmem>> -> memref<64x128xf32, #tpu.memory_space<vmem>>
        %dma_wait3A_209 = arith.constant 0 : i32
        %dma_wait3A_210 = tpu.memref_slice %arg4[%shift_right_arithmetic3A_197, %dma_wait3A_209, %add3A_202] : memref<50x64x16384xf32, #tpu.memory_space<hbm>> -> memref<1x64x128xf32, #tpu.memory_space<hbm>>
        %dma_wait3A_211 = tpu.memref_squeeze %dma_wait3A_210 : memref<1x64x128xf32, #tpu.memory_space<hbm>> -> memref<64x128xf32, #tpu.memory_space<hbm>>
        %dma_wait3A_212 = tpu.memref_slice %arg9[%dma_wait3A_204] : memref<2x!tpu.dma_semaphore, #tpu.memory_space<semaphore_mem>> -> memref<1x!tpu.dma_semaphore, #tpu.memory_space<semaphore_mem>>
        %dma_wait3A_213 = tpu.memref_squeeze %dma_wait3A_212 : memref<1x!tpu.dma_semaphore, #tpu.memory_space<semaphore_mem>> -> memref<!tpu.dma_semaphore, #tpu.memory_space<semaphore_mem>>
        %dma_wait3A_214 = arith.constant 0 : i32
        %dma_wait3A_215 = tpu.memref_slice %arg4[%shift_right_arithmetic3A_197, %dma_wait3A_214, %add3A_202] : memref<50x64x16384xf32, #tpu.memory_space<hbm>> -> memref<1x64x128xf32, #tpu.memory_space<hbm>>
        %dma_wait3A_216 = tpu.memref_squeeze %dma_wait3A_215 : memref<1x64x128xf32, #tpu.memory_space<hbm>> -> memref<64x128xf32, #tpu.memory_space<hbm>>
        %dma_wait3A_217 = arith.constant 0 : i32
        %dma_wait3A_218 = arith.constant 0 : i32
        %dma_wait3A_219 = tpu.memref_slice %arg7[%dma_wait3A_203, %dma_wait3A_217, %dma_wait3A_218] : memref<2x64x128xf32, #tpu.memory_space<vmem>> -> memref<1x64x128xf32, #tpu.memory_space<vmem>>
        %dma_wait3A_220 = tpu.memref_squeeze %dma_wait3A_219 : memref<1x64x128xf32, #tpu.memory_space<vmem>> -> memref<64x128xf32, #tpu.memory_space<vmem>>
        tpu.wait_dma2 semaphore(%dma_wait3A_213 : memref<!tpu.dma_semaphore, #tpu.memory_space<semaphore_mem>>) src(%dma_wait3A_220 : memref<64x128xf32, #tpu.memory_space<vmem>>) dst(%dma_wait3A_216 : memref<64x128xf32, #tpu.memory_space<hbm>>)
      } else {
      }
      %iota3A_161 = tpu.iota {dimensions = array<i32: 0>} : vector<16xi32>
      %scan3A_162 = arith.constant 0 : i32
      %scan3A_163 = arith.constant 1 : i32
      %scan3A_164 = arith.constant 1 : i32
      %scan3A_165 = arith.constant 0 : i32
      %scan3A_166 = arith.constant 8 : i32
      %scan3A_167 = arith.addi %scan3A_165, %scan3A_166 : i32
      %scan3A_168 = arith.constant 1 : i32
      scf.for %scan3A_195 = %scan3A_165 to %scan3A_167 step %scan3A_168  : i32 {
        %mul3A_196 = arith.constant 16 : i32
        %mul3A_197 = arith.muli %scan3A_195, %mul3A_196 : i32
        %add3A_198 = vector.broadcast %mul3A_197 : i32 to vector<16xi32>
        %add3A_199 = arith.addi %iota3A_161, %add3A_198 : vector<16xi32>
        %add3A_200 = arith.constant 0 : i32
        %add3A_201 = vector.broadcast %add3A_200 : i32 to vector<16xi32>
        %add3A_202 = arith.addi %iota3A_161, %add3A_201 : vector<16xi32>
        %and3A_203 = arith.constant 15 : i32
        %and3A_204 = vector.broadcast %and3A_203 : i32 to vector<16xi32>
        %and3A_205 = arith.andi %add3A_202, %and3A_204 : vector<16xi32>
        %add3A_206 = arith.constant 0 : i32
        %add3A_207 = vector.broadcast %add3A_206 : i32 to vector<16xi32>
        %add3A_208 = arith.addi %and3A_205, %add3A_207 : vector<16xi32>
        %gather3A = arith.constant 0 : i32
        %gather3A_209 = arith.constant 0 : i32
        %gather3A_210 = tpu.memref_slice %arg6[%scan3A_163, %gather3A, %gather3A_209] : memref<2x128x128xf32, #tpu.memory_space<vmem>> -> memref<1x128x128xf32, #tpu.memory_space<vmem>>
        %gather3A_211 = tpu.memref_squeeze %gather3A_210 : memref<1x128x128xf32, #tpu.memory_space<vmem>> -> memref<128x128xf32, #tpu.memory_space<vmem>>
        %gather3A_212 = tpu.vector_load_idx %gather3A_211[%add3A_199, %add3A_208] : memref<128x128xf32, #tpu.memory_space<vmem>>[vector<16xi32>, vector<16xi32>], vector<16xf32>,
        %scatter3A = arith.constant 0 : i32
        %scatter3A_213 = arith.constant 0 : i32
        %scatter3A_214 = tpu.memref_slice %arg7[%scan3A_164, %scatter3A, %scatter3A_213] : memref<2x64x128xf32, #tpu.memory_space<vmem>> -> memref<1x64x128xf32, #tpu.memory_space<vmem>>
        %scatter3A_215 = tpu.memref_squeeze %scatter3A_214 : memref<1x64x128xf32, #tpu.memory_space<vmem>> -> memref<64x128xf32, #tpu.memory_space<vmem>>
        %scatter3A_216 = arith.constant 0 : i32
        %scatter3A_217 = arith.constant 0 : i32
        %scatter3A_218 = tpu.memref_slice %scatter3A_215[%scatter3A_216, %scatter3A_217] : memref<64x128xf32, #tpu.memory_space<vmem>> -> memref<16x128xf32, #tpu.memory_space<vmem>>
        tpu.vector_store_idx %scatter3A_218[%and3A_205, %add3A_199], %gather3A_212 : memref<16x128xf32, #tpu.memory_space<vmem>>[vector<16xi32>, vector<16xi32>], vector<16xf32>,
        %add3A_219 = arith.constant 1 : i32
        %add3A_220 = vector.broadcast %add3A_219 : i32 to vector<16xi32>
        %add3A_221 = arith.addi %iota3A_161, %add3A_220 : vector<16xi32>
        %and3A_222 = arith.constant 15 : i32
        %and3A_223 = vector.broadcast %and3A_222 : i32 to vector<16xi32>
        %and3A_224 = arith.andi %add3A_221, %and3A_223 : vector<16xi32>
        %add3A_225 = arith.constant 0 : i32
        %add3A_226 = vector.broadcast %add3A_225 : i32 to vector<16xi32>
        %add3A_227 = arith.addi %and3A_224, %add3A_226 : vector<16xi32>
        %gather3A_228 = arith.constant 0 : i32
        %gather3A_229 = arith.constant 0 : i32
        %gather3A_230 = tpu.memref_slice %arg6[%scan3A_163, %gather3A_228, %gather3A_229] : memref<2x128x128xf32, #tpu.memory_space<vmem>> -> memref<1x128x128xf32, #tpu.memory_space<vmem>>
        %gather3A_231 = tpu.memref_squeeze %gather3A_230 : memref<1x128x128xf32, #tpu.memory_space<vmem>> -> memref<128x128xf32, #tpu.memory_space<vmem>>
        %gather3A_232 = tpu.vector_load_idx %gather3A_231[%add3A_199, %add3A_227] : memref<128x128xf32, #tpu.memory_space<vmem>>[vector<16xi32>, vector<16xi32>], vector<16xf32>,
        %scatter3A_233 = arith.constant 0 : i32
        %scatter3A_234 = arith.constant 0 : i32
        %scatter3A_235 = tpu.memref_slice %arg7[%scan3A_164, %scatter3A_233, %scatter3A_234] : memref<2x64x128xf32, #tpu.memory_space<vmem>> -> memref<1x64x128xf32, #tpu.memory_space<vmem>>
        %scatter3A_236 = tpu.memref_squeeze %scatter3A_235 : memref<1x64x128xf32, #tpu.memory_space<vmem>> -> memref<64x128xf32, #tpu.memory_space<vmem>>
        %scatter3A_237 = arith.constant 0 : i32
        %scatter3A_238 = arith.constant 0 : i32
        %scatter3A_239 = tpu.memref_slice %scatter3A_236[%scatter3A_237, %scatter3A_238] : memref<64x128xf32, #tpu.memory_space<vmem>> -> memref<16x128xf32, #tpu.memory_space<vmem>>
        tpu.vector_store_idx %scatter3A_239[%and3A_224, %add3A_199], %gather3A_232 : memref<16x128xf32, #tpu.memory_space<vmem>>[vector<16xi32>, vector<16xi32>], vector<16xf32>,
        %add3A_240 = arith.constant 2 : i32
        %add3A_241 = vector.broadcast %add3A_240 : i32 to vector<16xi32>
        %add3A_242 = arith.addi %iota3A_161, %add3A_241 : vector<16xi32>
        %and3A_243 = arith.constant 15 : i32
        %and3A_244 = vector.broadcast %and3A_243 : i32 to vector<16xi32>
        %and3A_245 = arith.andi %add3A_242, %and3A_244 : vector<16xi32>
        %add3A_246 = arith.constant 0 : i32
        %add3A_247 = vector.broadcast %add3A_246 : i32 to vector<16xi32>
        %add3A_248 = arith.addi %and3A_245, %add3A_247 : vector<16xi32>
        %gather3A_249 = arith.constant 0 : i32
        %gather3A_250 = arith.constant 0 : i32
        %gather3A_251 = tpu.memref_slice %arg6[%scan3A_163, %gather3A_249, %gather3A_250] : memref<2x128x128xf32, #tpu.memory_space<vmem>> -> memref<1x128x128xf32, #tpu.memory_space<vmem>>
        %gather3A_252 = tpu.memref_squeeze %gather3A_251 : memref<1x128x128xf32, #tpu.memory_space<vmem>> -> memref<128x128xf32, #tpu.memory_space<vmem>>
        %gather3A_253 = tpu.vector_load_idx %gather3A_252[%add3A_199, %add3A_248] : memref<128x128xf32, #tpu.memory_space<vmem>>[vector<16xi32>, vector<16xi32>], vector<16xf32>,
        %scatter3A_254 = arith.constant 0 : i32
        %scatter3A_255 = arith.constant 0 : i32
        %scatter3A_256 = tpu.memref_slice %arg7[%scan3A_164, %scatter3A_254, %scatter3A_255] : memref<2x64x128xf32, #tpu.memory_space<vmem>> -> memref<1x64x128xf32, #tpu.memory_space<vmem>>
        %scatter3A_257 = tpu.memref_squeeze %scatter3A_256 : memref<1x64x128xf32, #tpu.memory_space<vmem>> -> memref<64x128xf32, #tpu.memory_space<vmem>>
        %scatter3A_258 = arith.constant 0 : i32
        %scatter3A_259 = arith.constant 0 : i32
        %scatter3A_260 = tpu.memref_slice %scatter3A_257[%scatter3A_258, %scatter3A_259] : memref<64x128xf32, #tpu.memory_space<vmem>> -> memref<16x128xf32, #tpu.memory_space<vmem>>
        tpu.vector_store_idx %scatter3A_260[%and3A_245, %add3A_199], %gather3A_253 : memref<16x128xf32, #tpu.memory_space<vmem>>[vector<16xi32>, vector<16xi32>], vector<16xf32>,
        %add3A_261 = arith.constant 3 : i32
        %add3A_262 = vector.broadcast %add3A_261 : i32 to vector<16xi32>
        %add3A_263 = arith.addi %iota3A_161, %add3A_262 : vector<16xi32>
        %and3A_264 = arith.constant 15 : i32
        %and3A_265 = vector.broadcast %and3A_264 : i32 to vector<16xi32>
        %and3A_266 = arith.andi %add3A_263, %and3A_265 : vector<16xi32>
        %add3A_267 = arith.constant 0 : i32
        %add3A_268 = vector.broadcast %add3A_267 : i32 to vector<16xi32>
        %add3A_269 = arith.addi %and3A_266, %add3A_268 : vector<16xi32>
        %gather3A_270 = arith.constant 0 : i32
        %gather3A_271 = arith.constant 0 : i32
        %gather3A_272 = tpu.memref_slice %arg6[%scan3A_163, %gather3A_270, %gather3A_271] : memref<2x128x128xf32, #tpu.memory_space<vmem>> -> memref<1x128x128xf32, #tpu.memory_space<vmem>>
        %gather3A_273 = tpu.memref_squeeze %gather3A_272 : memref<1x128x128xf32, #tpu.memory_space<vmem>> -> memref<128x128xf32, #tpu.memory_space<vmem>>
        %gather3A_274 = tpu.vector_load_idx %gather3A_273[%add3A_199, %add3A_269] : memref<128x128xf32, #tpu.memory_space<vmem>>[vector<16xi32>, vector<16xi32>], vector<16xf32>,
        %scatter3A_275 = arith.constant 0 : i32
        %scatter3A_276 = arith.constant 0 : i32
        %scatter3A_277 = tpu.memref_slice %arg7[%scan3A_164, %scatter3A_275, %scatter3A_276] : memref<2x64x128xf32, #tpu.memory_space<vmem>> -> memref<1x64x128xf32, #tpu.memory_space<vmem>>
        %scatter3A_278 = tpu.memref_squeeze %scatter3A_277 : memref<1x64x128xf32, #tpu.memory_space<vmem>> -> memref<64x128xf32, #tpu.memory_space<vmem>>
        %scatter3A_279 = arith.constant 0 : i32
        %scatter3A_280 = arith.constant 0 : i32
        %scatter3A_281 = tpu.memref_slice %scatter3A_278[%scatter3A_279, %scatter3A_280] : memref<64x128xf32, #tpu.memory_space<vmem>> -> memref<16x128xf32, #tpu.memory_space<vmem>>
        tpu.vector_store_idx %scatter3A_281[%and3A_266, %add3A_199], %gather3A_274 : memref<16x128xf32, #tpu.memory_space<vmem>>[vector<16xi32>, vector<16xi32>], vector<16xf32>,
        %add3A_282 = arith.constant 4 : i32
        %add3A_283 = vector.broadcast %add3A_282 : i32 to vector<16xi32>
        %add3A_284 = arith.addi %iota3A_161, %add3A_283 : vector<16xi32>
        %and3A_285 = arith.constant 15 : i32
        %and3A_286 = vector.broadcast %and3A_285 : i32 to vector<16xi32>
        %and3A_287 = arith.andi %add3A_284, %and3A_286 : vector<16xi32>
        %add3A_288 = arith.constant 0 : i32
        %add3A_289 = vector.broadcast %add3A_288 : i32 to vector<16xi32>
        %add3A_290 = arith.addi %and3A_287, %add3A_289 : vector<16xi32>
        %gather3A_291 = arith.constant 0 : i32
        %gather3A_292 = arith.constant 0 : i32
        %gather3A_293 = tpu.memref_slice %arg6[%scan3A_163, %gather3A_291, %gather3A_292] : memref<2x128x128xf32, #tpu.memory_space<vmem>> -> memref<1x128x128xf32, #tpu.memory_space<vmem>>
        %gather3A_294 = tpu.memref_squeeze %gather3A_293 : memref<1x128x128xf32, #tpu.memory_space<vmem>> -> memref<128x128xf32, #tpu.memory_space<vmem>>
        %gather3A_295 = tpu.vector_load_idx %gather3A_294[%add3A_199, %add3A_290] : memref<128x128xf32, #tpu.memory_space<vmem>>[vector<16xi32>, vector<16xi32>], vector<16xf32>,
        %scatter3A_296 = arith.constant 0 : i32
        %scatter3A_297 = arith.constant 0 : i32
        %scatter3A_298 = tpu.memref_slice %arg7[%scan3A_164, %scatter3A_296, %scatter3A_297] : memref<2x64x128xf32, #tpu.memory_space<vmem>> -> memref<1x64x128xf32, #tpu.memory_space<vmem>>
        %scatter3A_299 = tpu.memref_squeeze %scatter3A_298 : memref<1x64x128xf32, #tpu.memory_space<vmem>> -> memref<64x128xf32, #tpu.memory_space<vmem>>
        %scatter3A_300 = arith.constant 0 : i32
        %scatter3A_301 = arith.constant 0 : i32
        %scatter3A_302 = tpu.memref_slice %scatter3A_299[%scatter3A_300, %scatter3A_301] : memref<64x128xf32, #tpu.memory_space<vmem>> -> memref<16x128xf32, #tpu.memory_space<vmem>>
        tpu.vector_store_idx %scatter3A_302[%and3A_287, %add3A_199], %gather3A_295 : memref<16x128xf32, #tpu.memory_space<vmem>>[vector<16xi32>, vector<16xi32>], vector<16xf32>,
        %add3A_303 = arith.constant 5 : i32
        %add3A_304 = vector.broadcast %add3A_303 : i32 to vector<16xi32>
        %add3A_305 = arith.addi %iota3A_161, %add3A_304 : vector<16xi32>
        %and3A_306 = arith.constant 15 : i32
        %and3A_307 = vector.broadcast %and3A_306 : i32 to vector<16xi32>
        %and3A_308 = arith.andi %add3A_305, %and3A_307 : vector<16xi32>
        %add3A_309 = arith.constant 0 : i32
        %add3A_310 = vector.broadcast %add3A_309 : i32 to vector<16xi32>
        %add3A_311 = arith.addi %and3A_308, %add3A_310 : vector<16xi32>
        %gather3A_312 = arith.constant 0 : i32
        %gather3A_313 = arith.constant 0 : i32
        %gather3A_314 = tpu.memref_slice %arg6[%scan3A_163, %gather3A_312, %gather3A_313] : memref<2x128x128xf32, #tpu.memory_space<vmem>> -> memref<1x128x128xf32, #tpu.memory_space<vmem>>
        %gather3A_315 = tpu.memref_squeeze %gather3A_314 : memref<1x128x128xf32, #tpu.memory_space<vmem>> -> memref<128x128xf32, #tpu.memory_space<vmem>>
        %gather3A_316 = tpu.vector_load_idx %gather3A_315[%add3A_199, %add3A_311] : memref<128x128xf32, #tpu.memory_space<vmem>>[vector<16xi32>, vector<16xi32>], vector<16xf32>,
        %scatter3A_317 = arith.constant 0 : i32
        %scatter3A_318 = arith.constant 0 : i32
        %scatter3A_319 = tpu.memref_slice %arg7[%scan3A_164, %scatter3A_317, %scatter3A_318] : memref<2x64x128xf32, #tpu.memory_space<vmem>> -> memref<1x64x128xf32, #tpu.memory_space<vmem>>
        %scatter3A_320 = tpu.memref_squeeze %scatter3A_319 : memref<1x64x128xf32, #tpu.memory_space<vmem>> -> memref<64x128xf32, #tpu.memory_space<vmem>>
        %scatter3A_321 = arith.constant 0 : i32
        %scatter3A_322 = arith.constant 0 : i32
        %scatter3A_323 = tpu.memref_slice %scatter3A_320[%scatter3A_321, %scatter3A_322] : memref<64x128xf32, #tpu.memory_space<vmem>> -> memref<16x128xf32, #tpu.memory_space<vmem>>
        tpu.vector_store_idx %scatter3A_323[%and3A_308, %add3A_199], %gather3A_316 : memref<16x128xf32, #tpu.memory_space<vmem>>[vector<16xi32>, vector<16xi32>], vector<16xf32>,
        %add3A_324 = arith.constant 6 : i32
        %add3A_325 = vector.broadcast %add3A_324 : i32 to vector<16xi32>
        %add3A_326 = arith.addi %iota3A_161, %add3A_325 : vector<16xi32>
        %and3A_327 = arith.constant 15 : i32
        %and3A_328 = vector.broadcast %and3A_327 : i32 to vector<16xi32>
        %and3A_329 = arith.andi %add3A_326, %and3A_328 : vector<16xi32>
        %add3A_330 = arith.constant 0 : i32
        %add3A_331 = vector.broadcast %add3A_330 : i32 to vector<16xi32>
        %add3A_332 = arith.addi %and3A_329, %add3A_331 : vector<16xi32>
        %gather3A_333 = arith.constant 0 : i32
        %gather3A_334 = arith.constant 0 : i32
        %gather3A_335 = tpu.memref_slice %arg6[%scan3A_163, %gather3A_333, %gather3A_334] : memref<2x128x128xf32, #tpu.memory_space<vmem>> -> memref<1x128x128xf32, #tpu.memory_space<vmem>>
        %gather3A_336 = tpu.memref_squeeze %gather3A_335 : memref<1x128x128xf32, #tpu.memory_space<vmem>> -> memref<128x128xf32, #tpu.memory_space<vmem>>
        %gather3A_337 = tpu.vector_load_idx %gather3A_336[%add3A_199, %add3A_332] : memref<128x128xf32, #tpu.memory_space<vmem>>[vector<16xi32>, vector<16xi32>], vector<16xf32>,
        %scatter3A_338 = arith.constant 0 : i32
        %scatter3A_339 = arith.constant 0 : i32
        %scatter3A_340 = tpu.memref_slice %arg7[%scan3A_164, %scatter3A_338, %scatter3A_339] : memref<2x64x128xf32, #tpu.memory_space<vmem>> -> memref<1x64x128xf32, #tpu.memory_space<vmem>>
        %scatter3A_341 = tpu.memref_squeeze %scatter3A_340 : memref<1x64x128xf32, #tpu.memory_space<vmem>> -> memref<64x128xf32, #tpu.memory_space<vmem>>
        %scatter3A_342 = arith.constant 0 : i32
        %scatter3A_343 = arith.constant 0 : i32
        %scatter3A_344 = tpu.memref_slice %scatter3A_341[%scatter3A_342, %scatter3A_343] : memref<64x128xf32, #tpu.memory_space<vmem>> -> memref<16x128xf32, #tpu.memory_space<vmem>>
        tpu.vector_store_idx %scatter3A_344[%and3A_329, %add3A_199], %gather3A_337 : memref<16x128xf32, #tpu.memory_space<vmem>>[vector<16xi32>, vector<16xi32>], vector<16xf32>,
        %add3A_345 = arith.constant 7 : i32
        %add3A_346 = vector.broadcast %add3A_345 : i32 to vector<16xi32>
        %add3A_347 = arith.addi %iota3A_161, %add3A_346 : vector<16xi32>
        %and3A_348 = arith.constant 15 : i32
        %and3A_349 = vector.broadcast %and3A_348 : i32 to vector<16xi32>
        %and3A_350 = arith.andi %add3A_347, %and3A_349 : vector<16xi32>
        %add3A_351 = arith.constant 0 : i32
        %add3A_352 = vector.broadcast %add3A_351 : i32 to vector<16xi32>
        %add3A_353 = arith.addi %and3A_350, %add3A_352 : vector<16xi32>
        %gather3A_354 = arith.constant 0 : i32
        %gather3A_355 = arith.constant 0 : i32
        %gather3A_356 = tpu.memref_slice %arg6[%scan3A_163, %gather3A_354, %gather3A_355] : memref<2x128x128xf32, #tpu.memory_space<vmem>> -> memref<1x128x128xf32, #tpu.memory_space<vmem>>
        %gather3A_357 = tpu.memref_squeeze %gather3A_356 : memref<1x128x128xf32, #tpu.memory_space<vmem>> -> memref<128x128xf32, #tpu.memory_space<vmem>>
        %gather3A_358 = tpu.vector_load_idx %gather3A_357[%add3A_199, %add3A_353] : memref<128x128xf32, #tpu.memory_space<vmem>>[vector<16xi32>, vector<16xi32>], vector<16xf32>,
        %scatter3A_359 = arith.constant 0 : i32
        %scatter3A_360 = arith.constant 0 : i32
        %scatter3A_361 = tpu.memref_slice %arg7[%scan3A_164, %scatter3A_359, %scatter3A_360] : memref<2x64x128xf32, #tpu.memory_space<vmem>> -> memref<1x64x128xf32, #tpu.memory_space<vmem>>
        %scatter3A_362 = tpu.memref_squeeze %scatter3A_361 : memref<1x64x128xf32, #tpu.memory_space<vmem>> -> memref<64x128xf32, #tpu.memory_space<vmem>>
        %scatter3A_363 = arith.constant 0 : i32
        %scatter3A_364 = arith.constant 0 : i32
        %scatter3A_365 = tpu.memref_slice %scatter3A_362[%scatter3A_363, %scatter3A_364] : memref<64x128xf32, #tpu.memory_space<vmem>> -> memref<16x128xf32, #tpu.memory_space<vmem>>
        tpu.vector_store_idx %scatter3A_365[%and3A_350, %add3A_199], %gather3A_358 : memref<16x128xf32, #tpu.memory_space<vmem>>[vector<16xi32>, vector<16xi32>], vector<16xf32>,
        %add3A_366 = arith.constant 8 : i32
        %add3A_367 = vector.broadcast %add3A_366 : i32 to vector<16xi32>
        %add3A_368 = arith.addi %iota3A_161, %add3A_367 : vector<16xi32>
        %and3A_369 = arith.constant 15 : i32
        %and3A_370 = vector.broadcast %and3A_369 : i32 to vector<16xi32>
        %and3A_371 = arith.andi %add3A_368, %and3A_370 : vector<16xi32>
        %add3A_372 = arith.constant 0 : i32
        %add3A_373 = vector.broadcast %add3A_372 : i32 to vector<16xi32>
        %add3A_374 = arith.addi %and3A_371, %add3A_373 : vector<16xi32>
        %gather3A_375 = arith.constant 0 : i32
        %gather3A_376 = arith.constant 0 : i32
        %gather3A_377 = tpu.memref_slice %arg6[%scan3A_163, %gather3A_375, %gather3A_376] : memref<2x128x128xf32, #tpu.memory_space<vmem>> -> memref<1x128x128xf32, #tpu.memory_space<vmem>>
        %gather3A_378 = tpu.memref_squeeze %gather3A_377 : memref<1x128x128xf32, #tpu.memory_space<vmem>> -> memref<128x128xf32, #tpu.memory_space<vmem>>
        %gather3A_379 = tpu.vector_load_idx %gather3A_378[%add3A_199, %add3A_374] : memref<128x128xf32, #tpu.memory_space<vmem>>[vector<16xi32>, vector<16xi32>], vector<16xf32>,
        %scatter3A_380 = arith.constant 0 : i32
        %scatter3A_381 = arith.constant 0 : i32
        %scatter3A_382 = tpu.memref_slice %arg7[%scan3A_164, %scatter3A_380, %scatter3A_381] : memref<2x64x128xf32, #tpu.memory_space<vmem>> -> memref<1x64x128xf32, #tpu.memory_space<vmem>>
        %scatter3A_383 = tpu.memref_squeeze %scatter3A_382 : memref<1x64x128xf32, #tpu.memory_space<vmem>> -> memref<64x128xf32, #tpu.memory_space<vmem>>
        %scatter3A_384 = arith.constant 0 : i32
        %scatter3A_385 = arith.constant 0 : i32
        %scatter3A_386 = tpu.memref_slice %scatter3A_383[%scatter3A_384, %scatter3A_385] : memref<64x128xf32, #tpu.memory_space<vmem>> -> memref<16x128xf32, #tpu.memory_space<vmem>>
        tpu.vector_store_idx %scatter3A_386[%and3A_371, %add3A_199], %gather3A_379 : memref<16x128xf32, #tpu.memory_space<vmem>>[vector<16xi32>, vector<16xi32>], vector<16xf32>,
        %add3A_387 = arith.constant 9 : i32
        %add3A_388 = vector.broadcast %add3A_387 : i32 to vector<16xi32>
        %add3A_389 = arith.addi %iota3A_161, %add3A_388 : vector<16xi32>
        %and3A_390 = arith.constant 15 : i32
        %and3A_391 = vector.broadcast %and3A_390 : i32 to vector<16xi32>
        %and3A_392 = arith.andi %add3A_389, %and3A_391 : vector<16xi32>
        %add3A_393 = arith.constant 0 : i32
        %add3A_394 = vector.broadcast %add3A_393 : i32 to vector<16xi32>
        %add3A_395 = arith.addi %and3A_392, %add3A_394 : vector<16xi32>
        %gather3A_396 = arith.constant 0 : i32
        %gather3A_397 = arith.constant 0 : i32
        %gather3A_398 = tpu.memref_slice %arg6[%scan3A_163, %gather3A_396, %gather3A_397] : memref<2x128x128xf32, #tpu.memory_space<vmem>> -> memref<1x128x128xf32, #tpu.memory_space<vmem>>
        %gather3A_399 = tpu.memref_squeeze %gather3A_398 : memref<1x128x128xf32, #tpu.memory_space<vmem>> -> memref<128x128xf32, #tpu.memory_space<vmem>>
        %gather3A_400 = tpu.vector_load_idx %gather3A_399[%add3A_199, %add3A_395] : memref<128x128xf32, #tpu.memory_space<vmem>>[vector<16xi32>, vector<16xi32>], vector<16xf32>,
        %scatter3A_401 = arith.constant 0 : i32
        %scatter3A_402 = arith.constant 0 : i32
        %scatter3A_403 = tpu.memref_slice %arg7[%scan3A_164, %scatter3A_401, %scatter3A_402] : memref<2x64x128xf32, #tpu.memory_space<vmem>> -> memref<1x64x128xf32, #tpu.memory_space<vmem>>
        %scatter3A_404 = tpu.memref_squeeze %scatter3A_403 : memref<1x64x128xf32, #tpu.memory_space<vmem>> -> memref<64x128xf32, #tpu.memory_space<vmem>>
        %scatter3A_405 = arith.constant 0 : i32
        %scatter3A_406 = arith.constant 0 : i32
        %scatter3A_407 = tpu.memref_slice %scatter3A_404[%scatter3A_405, %scatter3A_406] : memref<64x128xf32, #tpu.memory_space<vmem>> -> memref<16x128xf32, #tpu.memory_space<vmem>>
        tpu.vector_store_idx %scatter3A_407[%and3A_392, %add3A_199], %gather3A_400 : memref<16x128xf32, #tpu.memory_space<vmem>>[vector<16xi32>, vector<16xi32>], vector<16xf32>,
        %add3A_408 = arith.constant 10 : i32
        %add3A_409 = vector.broadcast %add3A_408 : i32 to vector<16xi32>
        %add3A_410 = arith.addi %iota3A_161, %add3A_409 : vector<16xi32>
        %and3A_411 = arith.constant 15 : i32
        %and3A_412 = vector.broadcast %and3A_411 : i32 to vector<16xi32>
        %and3A_413 = arith.andi %add3A_410, %and3A_412 : vector<16xi32>
        %add3A_414 = arith.constant 0 : i32
        %add3A_415 = vector.broadcast %add3A_414 : i32 to vector<16xi32>
        %add3A_416 = arith.addi %and3A_413, %add3A_415 : vector<16xi32>
        %gather3A_417 = arith.constant 0 : i32
        %gather3A_418 = arith.constant 0 : i32
        %gather3A_419 = tpu.memref_slice %arg6[%scan3A_163, %gather3A_417, %gather3A_418] : memref<2x128x128xf32, #tpu.memory_space<vmem>> -> memref<1x128x128xf32, #tpu.memory_space<vmem>>
        %gather3A_420 = tpu.memref_squeeze %gather3A_419 : memref<1x128x128xf32, #tpu.memory_space<vmem>> -> memref<128x128xf32, #tpu.memory_space<vmem>>
        %gather3A_421 = tpu.vector_load_idx %gather3A_420[%add3A_199, %add3A_416] : memref<128x128xf32, #tpu.memory_space<vmem>>[vector<16xi32>, vector<16xi32>], vector<16xf32>,
        %scatter3A_422 = arith.constant 0 : i32
        %scatter3A_423 = arith.constant 0 : i32
        %scatter3A_424 = tpu.memref_slice %arg7[%scan3A_164, %scatter3A_422, %scatter3A_423] : memref<2x64x128xf32, #tpu.memory_space<vmem>> -> memref<1x64x128xf32, #tpu.memory_space<vmem>>
        %scatter3A_425 = tpu.memref_squeeze %scatter3A_424 : memref<1x64x128xf32, #tpu.memory_space<vmem>> -> memref<64x128xf32, #tpu.memory_space<vmem>>
        %scatter3A_426 = arith.constant 0 : i32
        %scatter3A_427 = arith.constant 0 : i32
        %scatter3A_428 = tpu.memref_slice %scatter3A_425[%scatter3A_426, %scatter3A_427] : memref<64x128xf32, #tpu.memory_space<vmem>> -> memref<16x128xf32, #tpu.memory_space<vmem>>
        tpu.vector_store_idx %scatter3A_428[%and3A_413, %add3A_199], %gather3A_421 : memref<16x128xf32, #tpu.memory_space<vmem>>[vector<16xi32>, vector<16xi32>], vector<16xf32>,
        %add3A_429 = arith.constant 11 : i32
        %add3A_430 = vector.broadcast %add3A_429 : i32 to vector<16xi32>
        %add3A_431 = arith.addi %iota3A_161, %add3A_430 : vector<16xi32>
        %and3A_432 = arith.constant 15 : i32
        %and3A_433 = vector.broadcast %and3A_432 : i32 to vector<16xi32>
        %and3A_434 = arith.andi %add3A_431, %and3A_433 : vector<16xi32>
        %add3A_435 = arith.constant 0 : i32
        %add3A_436 = vector.broadcast %add3A_435 : i32 to vector<16xi32>
        %add3A_437 = arith.addi %and3A_434, %add3A_436 : vector<16xi32>
        %gather3A_438 = arith.constant 0 : i32
        %gather3A_439 = arith.constant 0 : i32
        %gather3A_440 = tpu.memref_slice %arg6[%scan3A_163, %gather3A_438, %gather3A_439] : memref<2x128x128xf32, #tpu.memory_space<vmem>> -> memref<1x128x128xf32, #tpu.memory_space<vmem>>
        %gather3A_441 = tpu.memref_squeeze %gather3A_440 : memref<1x128x128xf32, #tpu.memory_space<vmem>> -> memref<128x128xf32, #tpu.memory_space<vmem>>
        %gather3A_442 = tpu.vector_load_idx %gather3A_441[%add3A_199, %add3A_437] : memref<128x128xf32, #tpu.memory_space<vmem>>[vector<16xi32>, vector<16xi32>], vector<16xf32>,
        %scatter3A_443 = arith.constant 0 : i32
        %scatter3A_444 = arith.constant 0 : i32
        %scatter3A_445 = tpu.memref_slice %arg7[%scan3A_164, %scatter3A_443, %scatter3A_444] : memref<2x64x128xf32, #tpu.memory_space<vmem>> -> memref<1x64x128xf32, #tpu.memory_space<vmem>>
        %scatter3A_446 = tpu.memref_squeeze %scatter3A_445 : memref<1x64x128xf32, #tpu.memory_space<vmem>> -> memref<64x128xf32, #tpu.memory_space<vmem>>
        %scatter3A_447 = arith.constant 0 : i32
        %scatter3A_448 = arith.constant 0 : i32
        %scatter3A_449 = tpu.memref_slice %scatter3A_446[%scatter3A_447, %scatter3A_448] : memref<64x128xf32, #tpu.memory_space<vmem>> -> memref<16x128xf32, #tpu.memory_space<vmem>>
        tpu.vector_store_idx %scatter3A_449[%and3A_434, %add3A_199], %gather3A_442 : memref<16x128xf32, #tpu.memory_space<vmem>>[vector<16xi32>, vector<16xi32>], vector<16xf32>,
        %add3A_450 = arith.constant 12 : i32
        %add3A_451 = vector.broadcast %add3A_450 : i32 to vector<16xi32>
        %add3A_452 = arith.addi %iota3A_161, %add3A_451 : vector<16xi32>
        %and3A_453 = arith.constant 15 : i32
        %and3A_454 = vector.broadcast %and3A_453 : i32 to vector<16xi32>
        %and3A_455 = arith.andi %add3A_452, %and3A_454 : vector<16xi32>
        %add3A_456 = arith.constant 0 : i32
        %add3A_457 = vector.broadcast %add3A_456 : i32 to vector<16xi32>
        %add3A_458 = arith.addi %and3A_455, %add3A_457 : vector<16xi32>
        %gather3A_459 = arith.constant 0 : i32
        %gather3A_460 = arith.constant 0 : i32
        %gather3A_461 = tpu.memref_slice %arg6[%scan3A_163, %gather3A_459, %gather3A_460] : memref<2x128x128xf32, #tpu.memory_space<vmem>> -> memref<1x128x128xf32, #tpu.memory_space<vmem>>
        %gather3A_462 = tpu.memref_squeeze %gather3A_461 : memref<1x128x128xf32, #tpu.memory_space<vmem>> -> memref<128x128xf32, #tpu.memory_space<vmem>>
        %gather3A_463 = tpu.vector_load_idx %gather3A_462[%add3A_199, %add3A_458] : memref<128x128xf32, #tpu.memory_space<vmem>>[vector<16xi32>, vector<16xi32>], vector<16xf32>,
        %scatter3A_464 = arith.constant 0 : i32
        %scatter3A_465 = arith.constant 0 : i32
        %scatter3A_466 = tpu.memref_slice %arg7[%scan3A_164, %scatter3A_464, %scatter3A_465] : memref<2x64x128xf32, #tpu.memory_space<vmem>> -> memref<1x64x128xf32, #tpu.memory_space<vmem>>
        %scatter3A_467 = tpu.memref_squeeze %scatter3A_466 : memref<1x64x128xf32, #tpu.memory_space<vmem>> -> memref<64x128xf32, #tpu.memory_space<vmem>>
        %scatter3A_468 = arith.constant 0 : i32
        %scatter3A_469 = arith.constant 0 : i32
        %scatter3A_470 = tpu.memref_slice %scatter3A_467[%scatter3A_468, %scatter3A_469] : memref<64x128xf32, #tpu.memory_space<vmem>> -> memref<16x128xf32, #tpu.memory_space<vmem>>
        tpu.vector_store_idx %scatter3A_470[%and3A_455, %add3A_199], %gather3A_463 : memref<16x128xf32, #tpu.memory_space<vmem>>[vector<16xi32>, vector<16xi32>], vector<16xf32>,
        %add3A_471 = arith.constant 13 : i32
        %add3A_472 = vector.broadcast %add3A_471 : i32 to vector<16xi32>
        %add3A_473 = arith.addi %iota3A_161, %add3A_472 : vector<16xi32>
        %and3A_474 = arith.constant 15 : i32
        %and3A_475 = vector.broadcast %and3A_474 : i32 to vector<16xi32>
        %and3A_476 = arith.andi %add3A_473, %and3A_475 : vector<16xi32>
        %add3A_477 = arith.constant 0 : i32
        %add3A_478 = vector.broadcast %add3A_477 : i32 to vector<16xi32>
        %add3A_479 = arith.addi %and3A_476, %add3A_478 : vector<16xi32>
        %gather3A_480 = arith.constant 0 : i32
        %gather3A_481 = arith.constant 0 : i32
        %gather3A_482 = tpu.memref_slice %arg6[%scan3A_163, %gather3A_480, %gather3A_481] : memref<2x128x128xf32, #tpu.memory_space<vmem>> -> memref<1x128x128xf32, #tpu.memory_space<vmem>>
        %gather3A_483 = tpu.memref_squeeze %gather3A_482 : memref<1x128x128xf32, #tpu.memory_space<vmem>> -> memref<128x128xf32, #tpu.memory_space<vmem>>
        %gather3A_484 = tpu.vector_load_idx %gather3A_483[%add3A_199, %add3A_479] : memref<128x128xf32, #tpu.memory_space<vmem>>[vector<16xi32>, vector<16xi32>], vector<16xf32>,
        %scatter3A_485 = arith.constant 0 : i32
        %scatter3A_486 = arith.constant 0 : i32
        %scatter3A_487 = tpu.memref_slice %arg7[%scan3A_164, %scatter3A_485, %scatter3A_486] : memref<2x64x128xf32, #tpu.memory_space<vmem>> -> memref<1x64x128xf32, #tpu.memory_space<vmem>>
        %scatter3A_488 = tpu.memref_squeeze %scatter3A_487 : memref<1x64x128xf32, #tpu.memory_space<vmem>> -> memref<64x128xf32, #tpu.memory_space<vmem>>
        %scatter3A_489 = arith.constant 0 : i32
        %scatter3A_490 = arith.constant 0 : i32
        %scatter3A_491 = tpu.memref_slice %scatter3A_488[%scatter3A_489, %scatter3A_490] : memref<64x128xf32, #tpu.memory_space<vmem>> -> memref<16x128xf32, #tpu.memory_space<vmem>>
        tpu.vector_store_idx %scatter3A_491[%and3A_476, %add3A_199], %gather3A_484 : memref<16x128xf32, #tpu.memory_space<vmem>>[vector<16xi32>, vector<16xi32>], vector<16xf32>,
        %add3A_492 = arith.constant 14 : i32
        %add3A_493 = vector.broadcast %add3A_492 : i32 to vector<16xi32>
        %add3A_494 = arith.addi %iota3A_161, %add3A_493 : vector<16xi32>
        %and3A_495 = arith.constant 15 : i32
        %and3A_496 = vector.broadcast %and3A_495 : i32 to vector<16xi32>
        %and3A_497 = arith.andi %add3A_494, %and3A_496 : vector<16xi32>
        %add3A_498 = arith.constant 0 : i32
        %add3A_499 = vector.broadcast %add3A_498 : i32 to vector<16xi32>
        %add3A_500 = arith.addi %and3A_497, %add3A_499 : vector<16xi32>
        %gather3A_501 = arith.constant 0 : i32
        %gather3A_502 = arith.constant 0 : i32
        %gather3A_503 = tpu.memref_slice %arg6[%scan3A_163, %gather3A_501, %gather3A_502] : memref<2x128x128xf32, #tpu.memory_space<vmem>> -> memref<1x128x128xf32, #tpu.memory_space<vmem>>
        %gather3A_504 = tpu.memref_squeeze %gather3A_503 : memref<1x128x128xf32, #tpu.memory_space<vmem>> -> memref<128x128xf32, #tpu.memory_space<vmem>>
        %gather3A_505 = tpu.vector_load_idx %gather3A_504[%add3A_199, %add3A_500] : memref<128x128xf32, #tpu.memory_space<vmem>>[vector<16xi32>, vector<16xi32>], vector<16xf32>,
        %scatter3A_506 = arith.constant 0 : i32
        %scatter3A_507 = arith.constant 0 : i32
        %scatter3A_508 = tpu.memref_slice %arg7[%scan3A_164, %scatter3A_506, %scatter3A_507] : memref<2x64x128xf32, #tpu.memory_space<vmem>> -> memref<1x64x128xf32, #tpu.memory_space<vmem>>
        %scatter3A_509 = tpu.memref_squeeze %scatter3A_508 : memref<1x64x128xf32, #tpu.memory_space<vmem>> -> memref<64x128xf32, #tpu.memory_space<vmem>>
        %scatter3A_510 = arith.constant 0 : i32
        %scatter3A_511 = arith.constant 0 : i32
        %scatter3A_512 = tpu.memref_slice %scatter3A_509[%scatter3A_510, %scatter3A_511] : memref<64x128xf32, #tpu.memory_space<vmem>> -> memref<16x128xf32, #tpu.memory_space<vmem>>
        tpu.vector_store_idx %scatter3A_512[%and3A_497, %add3A_199], %gather3A_505 : memref<16x128xf32, #tpu.memory_space<vmem>>[vector<16xi32>, vector<16xi32>], vector<16xf32>,
        %add3A_513 = arith.constant 15 : i32
        %add3A_514 = vector.broadcast %add3A_513 : i32 to vector<16xi32>
        %add3A_515 = arith.addi %iota3A_161, %add3A_514 : vector<16xi32>
        %and3A_516 = arith.constant 15 : i32
        %and3A_517 = vector.broadcast %and3A_516 : i32 to vector<16xi32>
        %and3A_518 = arith.andi %add3A_515, %and3A_517 : vector<16xi32>
        %add3A_519 = arith.constant 0 : i32
        %add3A_520 = vector.broadcast %add3A_519 : i32 to vector<16xi32>
        %add3A_521 = arith.addi %and3A_518, %add3A_520 : vector<16xi32>
        %gather3A_522 = arith.constant 0 : i32
        %gather3A_523 = arith.constant 0 : i32
        %gather3A_524 = tpu.memref_slice %arg6[%scan3A_163, %gather3A_522, %gather3A_523] : memref<2x128x128xf32, #tpu.memory_space<vmem>> -> memref<1x128x128xf32, #tpu.memory_space<vmem>>
        %gather3A_525 = tpu.memref_squeeze %gather3A_524 : memref<1x128x128xf32, #tpu.memory_space<vmem>> -> memref<128x128xf32, #tpu.memory_space<vmem>>
        %gather3A_526 = tpu.vector_load_idx %gather3A_525[%add3A_199, %add3A_521] : memref<128x128xf32, #tpu.memory_space<vmem>>[vector<16xi32>, vector<16xi32>], vector<16xf32>,
        %scatter3A_527 = arith.constant 0 : i32
        %scatter3A_528 = arith.constant 0 : i32
        %scatter3A_529 = tpu.memref_slice %arg7[%scan3A_164, %scatter3A_527, %scatter3A_528] : memref<2x64x128xf32, #tpu.memory_space<vmem>> -> memref<1x64x128xf32, #tpu.memory_space<vmem>>
        %scatter3A_530 = tpu.memref_squeeze %scatter3A_529 : memref<1x64x128xf32, #tpu.memory_space<vmem>> -> memref<64x128xf32, #tpu.memory_space<vmem>>
        %scatter3A_531 = arith.constant 0 : i32
        %scatter3A_532 = arith.constant 0 : i32
        %scatter3A_533 = tpu.memref_slice %scatter3A_530[%scatter3A_531, %scatter3A_532] : memref<64x128xf32, #tpu.memory_space<vmem>> -> memref<16x128xf32, #tpu.memory_space<vmem>>
        tpu.vector_store_idx %scatter3A_533[%and3A_518, %add3A_199], %gather3A_526 : memref<16x128xf32, #tpu.memory_space<vmem>>[vector<16xi32>, vector<16xi32>], vector<16xf32>,
        %add3A_534 = arith.constant 0 : i32
        %add3A_535 = vector.broadcast %add3A_534 : i32 to vector<16xi32>
        %add3A_536 = arith.addi %iota3A_161, %add3A_535 : vector<16xi32>
        %and3A_537 = arith.constant 15 : i32
        %and3A_538 = vector.broadcast %and3A_537 : i32 to vector<16xi32>
        %and3A_539 = arith.andi %add3A_536, %and3A_538 : vector<16xi32>
        %add3A_540 = arith.constant 16 : i32
        %add3A_541 = vector.broadcast %add3A_540 : i32 to vector<16xi32>
        %add3A_542 = arith.addi %and3A_539, %add3A_541 : vector<16xi32>
        %gather3A_543 = arith.constant 0 : i32
        %gather3A_544 = arith.constant 0 : i32
        %gather3A_545 = tpu.memref_slice %arg6[%scan3A_163, %gather3A_543, %gather3A_544] : memref<2x128x128xf32, #tpu.memory_space<vmem>> -> memref<1x128x128xf32, #tpu.memory_space<vmem>>
        %gather3A_546 = tpu.memref_squeeze %gather3A_545 : memref<1x128x128xf32, #tpu.memory_space<vmem>> -> memref<128x128xf32, #tpu.memory_space<vmem>>
        %gather3A_547 = tpu.vector_load_idx %gather3A_546[%add3A_199, %add3A_542] : memref<128x128xf32, #tpu.memory_space<vmem>>[vector<16xi32>, vector<16xi32>], vector<16xf32>,
        %scatter3A_548 = arith.constant 0 : i32
        %scatter3A_549 = arith.constant 0 : i32
        %scatter3A_550 = tpu.memref_slice %arg7[%scan3A_164, %scatter3A_548, %scatter3A_549] : memref<2x64x128xf32, #tpu.memory_space<vmem>> -> memref<1x64x128xf32, #tpu.memory_space<vmem>>
        %scatter3A_551 = tpu.memref_squeeze %scatter3A_550 : memref<1x64x128xf32, #tpu.memory_space<vmem>> -> memref<64x128xf32, #tpu.memory_space<vmem>>
        %scatter3A_552 = arith.constant 16 : i32
        %scatter3A_553 = arith.constant 0 : i32
        %scatter3A_554 = tpu.memref_slice %scatter3A_551[%scatter3A_552, %scatter3A_553] : memref<64x128xf32, #tpu.memory_space<vmem>> -> memref<16x128xf32, #tpu.memory_space<vmem>>
        tpu.vector_store_idx %scatter3A_554[%and3A_539, %add3A_199], %gather3A_547 : memref<16x128xf32, #tpu.memory_space<vmem>>[vector<16xi32>, vector<16xi32>], vector<16xf32>,
        %add3A_555 = arith.constant 1 : i32
        %add3A_556 = vector.broadcast %add3A_555 : i32 to vector<16xi32>
        %add3A_557 = arith.addi %iota3A_161, %add3A_556 : vector<16xi32>
        %and3A_558 = arith.constant 15 : i32
        %and3A_559 = vector.broadcast %and3A_558 : i32 to vector<16xi32>
        %and3A_560 = arith.andi %add3A_557, %and3A_559 : vector<16xi32>
        %add3A_561 = arith.constant 16 : i32
        %add3A_562 = vector.broadcast %add3A_561 : i32 to vector<16xi32>
        %add3A_563 = arith.addi %and3A_560, %add3A_562 : vector<16xi32>
        %gather3A_564 = arith.constant 0 : i32
        %gather3A_565 = arith.constant 0 : i32
        %gather3A_566 = tpu.memref_slice %arg6[%scan3A_163, %gather3A_564, %gather3A_565] : memref<2x128x128xf32, #tpu.memory_space<vmem>> -> memref<1x128x128xf32, #tpu.memory_space<vmem>>
        %gather3A_567 = tpu.memref_squeeze %gather3A_566 : memref<1x128x128xf32, #tpu.memory_space<vmem>> -> memref<128x128xf32, #tpu.memory_space<vmem>>
        %gather3A_568 = tpu.vector_load_idx %gather3A_567[%add3A_199, %add3A_563] : memref<128x128xf32, #tpu.memory_space<vmem>>[vector<16xi32>, vector<16xi32>], vector<16xf32>,
        %scatter3A_569 = arith.constant 0 : i32
        %scatter3A_570 = arith.constant 0 : i32
        %scatter3A_571 = tpu.memref_slice %arg7[%scan3A_164, %scatter3A_569, %scatter3A_570] : memref<2x64x128xf32, #tpu.memory_space<vmem>> -> memref<1x64x128xf32, #tpu.memory_space<vmem>>
        %scatter3A_572 = tpu.memref_squeeze %scatter3A_571 : memref<1x64x128xf32, #tpu.memory_space<vmem>> -> memref<64x128xf32, #tpu.memory_space<vmem>>
        %scatter3A_573 = arith.constant 16 : i32
        %scatter3A_574 = arith.constant 0 : i32
        %scatter3A_575 = tpu.memref_slice %scatter3A_572[%scatter3A_573, %scatter3A_574] : memref<64x128xf32, #tpu.memory_space<vmem>> -> memref<16x128xf32, #tpu.memory_space<vmem>>
        tpu.vector_store_idx %scatter3A_575[%and3A_560, %add3A_199], %gather3A_568 : memref<16x128xf32, #tpu.memory_space<vmem>>[vector<16xi32>, vector<16xi32>], vector<16xf32>,
        %add3A_576 = arith.constant 2 : i32
        %add3A_577 = vector.broadcast %add3A_576 : i32 to vector<16xi32>
        %add3A_578 = arith.addi %iota3A_161, %add3A_577 : vector<16xi32>
        %and3A_579 = arith.constant 15 : i32
        %and3A_580 = vector.broadcast %and3A_579 : i32 to vector<16xi32>
        %and3A_581 = arith.andi %add3A_578, %and3A_580 : vector<16xi32>
        %add3A_582 = arith.constant 16 : i32
        %add3A_583 = vector.broadcast %add3A_582 : i32 to vector<16xi32>
        %add3A_584 = arith.addi %and3A_581, %add3A_583 : vector<16xi32>
        %gather3A_585 = arith.constant 0 : i32
        %gather3A_586 = arith.constant 0 : i32
        %gather3A_587 = tpu.memref_slice %arg6[%scan3A_163, %gather3A_585, %gather3A_586] : memref<2x128x128xf32, #tpu.memory_space<vmem>> -> memref<1x128x128xf32, #tpu.memory_space<vmem>>
        %gather3A_588 = tpu.memref_squeeze %gather3A_587 : memref<1x128x128xf32, #tpu.memory_space<vmem>> -> memref<128x128xf32, #tpu.memory_space<vmem>>
        %gather3A_589 = tpu.vector_load_idx %gather3A_588[%add3A_199, %add3A_584] : memref<128x128xf32, #tpu.memory_space<vmem>>[vector<16xi32>, vector<16xi32>], vector<16xf32>,
        %scatter3A_590 = arith.constant 0 : i32
        %scatter3A_591 = arith.constant 0 : i32
        %scatter3A_592 = tpu.memref_slice %arg7[%scan3A_164, %scatter3A_590, %scatter3A_591] : memref<2x64x128xf32, #tpu.memory_space<vmem>> -> memref<1x64x128xf32, #tpu.memory_space<vmem>>
        %scatter3A_593 = tpu.memref_squeeze %scatter3A_592 : memref<1x64x128xf32, #tpu.memory_space<vmem>> -> memref<64x128xf32, #tpu.memory_space<vmem>>
        %scatter3A_594 = arith.constant 16 : i32
        %scatter3A_595 = arith.constant 0 : i32
        %scatter3A_596 = tpu.memref_slice %scatter3A_593[%scatter3A_594, %scatter3A_595] : memref<64x128xf32, #tpu.memory_space<vmem>> -> memref<16x128xf32, #tpu.memory_space<vmem>>
        tpu.vector_store_idx %scatter3A_596[%and3A_581, %add3A_199], %gather3A_589 : memref<16x128xf32, #tpu.memory_space<vmem>>[vector<16xi32>, vector<16xi32>], vector<16xf32>,
        %add3A_597 = arith.constant 3 : i32
        %add3A_598 = vector.broadcast %add3A_597 : i32 to vector<16xi32>
        %add3A_599 = arith.addi %iota3A_161, %add3A_598 : vector<16xi32>
        %and3A_600 = arith.constant 15 : i32
        %and3A_601 = vector.broadcast %and3A_600 : i32 to vector<16xi32>
        %and3A_602 = arith.andi %add3A_599, %and3A_601 : vector<16xi32>
        %add3A_603 = arith.constant 16 : i32
        %add3A_604 = vector.broadcast %add3A_603 : i32 to vector<16xi32>
        %add3A_605 = arith.addi %and3A_602, %add3A_604 : vector<16xi32>
        %gather3A_606 = arith.constant 0 : i32
        %gather3A_607 = arith.constant 0 : i32
        %gather3A_608 = tpu.memref_slice %arg6[%scan3A_163, %gather3A_606, %gather3A_607] : memref<2x128x128xf32, #tpu.memory_space<vmem>> -> memref<1x128x128xf32, #tpu.memory_space<vmem>>
        %gather3A_609 = tpu.memref_squeeze %gather3A_608 : memref<1x128x128xf32, #tpu.memory_space<vmem>> -> memref<128x128xf32, #tpu.memory_space<vmem>>
        %gather3A_610 = tpu.vector_load_idx %gather3A_609[%add3A_199, %add3A_605] : memref<128x128xf32, #tpu.memory_space<vmem>>[vector<16xi32>, vector<16xi32>], vector<16xf32>,
        %scatter3A_611 = arith.constant 0 : i32
        %scatter3A_612 = arith.constant 0 : i32
        %scatter3A_613 = tpu.memref_slice %arg7[%scan3A_164, %scatter3A_611, %scatter3A_612] : memref<2x64x128xf32, #tpu.memory_space<vmem>> -> memref<1x64x128xf32, #tpu.memory_space<vmem>>
        %scatter3A_614 = tpu.memref_squeeze %scatter3A_613 : memref<1x64x128xf32, #tpu.memory_space<vmem>> -> memref<64x128xf32, #tpu.memory_space<vmem>>
        %scatter3A_615 = arith.constant 16 : i32
        %scatter3A_616 = arith.constant 0 : i32
        %scatter3A_617 = tpu.memref_slice %scatter3A_614[%scatter3A_615, %scatter3A_616] : memref<64x128xf32, #tpu.memory_space<vmem>> -> memref<16x128xf32, #tpu.memory_space<vmem>>
        tpu.vector_store_idx %scatter3A_617[%and3A_602, %add3A_199], %gather3A_610 : memref<16x128xf32, #tpu.memory_space<vmem>>[vector<16xi32>, vector<16xi32>], vector<16xf32>,
        %add3A_618 = arith.constant 4 : i32
        %add3A_619 = vector.broadcast %add3A_618 : i32 to vector<16xi32>
        %add3A_620 = arith.addi %iota3A_161, %add3A_619 : vector<16xi32>
        %and3A_621 = arith.constant 15 : i32
        %and3A_622 = vector.broadcast %and3A_621 : i32 to vector<16xi32>
        %and3A_623 = arith.andi %add3A_620, %and3A_622 : vector<16xi32>
        %add3A_624 = arith.constant 16 : i32
        %add3A_625 = vector.broadcast %add3A_624 : i32 to vector<16xi32>
        %add3A_626 = arith.addi %and3A_623, %add3A_625 : vector<16xi32>
        %gather3A_627 = arith.constant 0 : i32
        %gather3A_628 = arith.constant 0 : i32
        %gather3A_629 = tpu.memref_slice %arg6[%scan3A_163, %gather3A_627, %gather3A_628] : memref<2x128x128xf32, #tpu.memory_space<vmem>> -> memref<1x128x128xf32, #tpu.memory_space<vmem>>
        %gather3A_630 = tpu.memref_squeeze %gather3A_629 : memref<1x128x128xf32, #tpu.memory_space<vmem>> -> memref<128x128xf32, #tpu.memory_space<vmem>>
        %gather3A_631 = tpu.vector_load_idx %gather3A_630[%add3A_199, %add3A_626] : memref<128x128xf32, #tpu.memory_space<vmem>>[vector<16xi32>, vector<16xi32>], vector<16xf32>,
        %scatter3A_632 = arith.constant 0 : i32
        %scatter3A_633 = arith.constant 0 : i32
        %scatter3A_634 = tpu.memref_slice %arg7[%scan3A_164, %scatter3A_632, %scatter3A_633] : memref<2x64x128xf32, #tpu.memory_space<vmem>> -> memref<1x64x128xf32, #tpu.memory_space<vmem>>
        %scatter3A_635 = tpu.memref_squeeze %scatter3A_634 : memref<1x64x128xf32, #tpu.memory_space<vmem>> -> memref<64x128xf32, #tpu.memory_space<vmem>>
        %scatter3A_636 = arith.constant 16 : i32
        %scatter3A_637 = arith.constant 0 : i32
        %scatter3A_638 = tpu.memref_slice %scatter3A_635[%scatter3A_636, %scatter3A_637] : memref<64x128xf32, #tpu.memory_space<vmem>> -> memref<16x128xf32, #tpu.memory_space<vmem>>
        tpu.vector_store_idx %scatter3A_638[%and3A_623, %add3A_199], %gather3A_631 : memref<16x128xf32, #tpu.memory_space<vmem>>[vector<16xi32>, vector<16xi32>], vector<16xf32>,
        %add3A_639 = arith.constant 5 : i32
        %add3A_640 = vector.broadcast %add3A_639 : i32 to vector<16xi32>
        %add3A_641 = arith.addi %iota3A_161, %add3A_640 : vector<16xi32>
        %and3A_642 = arith.constant 15 : i32
        %and3A_643 = vector.broadcast %and3A_642 : i32 to vector<16xi32>
        %and3A_644 = arith.andi %add3A_641, %and3A_643 : vector<16xi32>
        %add3A_645 = arith.constant 16 : i32
        %add3A_646 = vector.broadcast %add3A_645 : i32 to vector<16xi32>
        %add3A_647 = arith.addi %and3A_644, %add3A_646 : vector<16xi32>
        %gather3A_648 = arith.constant 0 : i32
        %gather3A_649 = arith.constant 0 : i32
        %gather3A_650 = tpu.memref_slice %arg6[%scan3A_163, %gather3A_648, %gather3A_649] : memref<2x128x128xf32, #tpu.memory_space<vmem>> -> memref<1x128x128xf32, #tpu.memory_space<vmem>>
        %gather3A_651 = tpu.memref_squeeze %gather3A_650 : memref<1x128x128xf32, #tpu.memory_space<vmem>> -> memref<128x128xf32, #tpu.memory_space<vmem>>
        %gather3A_652 = tpu.vector_load_idx %gather3A_651[%add3A_199, %add3A_647] : memref<128x128xf32, #tpu.memory_space<vmem>>[vector<16xi32>, vector<16xi32>], vector<16xf32>,
        %scatter3A_653 = arith.constant 0 : i32
        %scatter3A_654 = arith.constant 0 : i32
        %scatter3A_655 = tpu.memref_slice %arg7[%scan3A_164, %scatter3A_653, %scatter3A_654] : memref<2x64x128xf32, #tpu.memory_space<vmem>> -> memref<1x64x128xf32, #tpu.memory_space<vmem>>
        %scatter3A_656 = tpu.memref_squeeze %scatter3A_655 : memref<1x64x128xf32, #tpu.memory_space<vmem>> -> memref<64x128xf32, #tpu.memory_space<vmem>>
        %scatter3A_657 = arith.constant 16 : i32
        %scatter3A_658 = arith.constant 0 : i32
        %scatter3A_659 = tpu.memref_slice %scatter3A_656[%scatter3A_657, %scatter3A_658] : memref<64x128xf32, #tpu.memory_space<vmem>> -> memref<16x128xf32, #tpu.memory_space<vmem>>
        tpu.vector_store_idx %scatter3A_659[%and3A_644, %add3A_199], %gather3A_652 : memref<16x128xf32, #tpu.memory_space<vmem>>[vector<16xi32>, vector<16xi32>], vector<16xf32>,
        %add3A_660 = arith.constant 6 : i32
        %add3A_661 = vector.broadcast %add3A_660 : i32 to vector<16xi32>
        %add3A_662 = arith.addi %iota3A_161, %add3A_661 : vector<16xi32>
        %and3A_663 = arith.constant 15 : i32
        %and3A_664 = vector.broadcast %and3A_663 : i32 to vector<16xi32>
        %and3A_665 = arith.andi %add3A_662, %and3A_664 : vector<16xi32>
        %add3A_666 = arith.constant 16 : i32
        %add3A_667 = vector.broadcast %add3A_666 : i32 to vector<16xi32>
        %add3A_668 = arith.addi %and3A_665, %add3A_667 : vector<16xi32>
        %gather3A_669 = arith.constant 0 : i32
        %gather3A_670 = arith.constant 0 : i32
        %gather3A_671 = tpu.memref_slice %arg6[%scan3A_163, %gather3A_669, %gather3A_670] : memref<2x128x128xf32, #tpu.memory_space<vmem>> -> memref<1x128x128xf32, #tpu.memory_space<vmem>>
        %gather3A_672 = tpu.memref_squeeze %gather3A_671 : memref<1x128x128xf32, #tpu.memory_space<vmem>> -> memref<128x128xf32, #tpu.memory_space<vmem>>
        %gather3A_673 = tpu.vector_load_idx %gather3A_672[%add3A_199, %add3A_668] : memref<128x128xf32, #tpu.memory_space<vmem>>[vector<16xi32>, vector<16xi32>], vector<16xf32>,
        %scatter3A_674 = arith.constant 0 : i32
        %scatter3A_675 = arith.constant 0 : i32
        %scatter3A_676 = tpu.memref_slice %arg7[%scan3A_164, %scatter3A_674, %scatter3A_675] : memref<2x64x128xf32, #tpu.memory_space<vmem>> -> memref<1x64x128xf32, #tpu.memory_space<vmem>>
        %scatter3A_677 = tpu.memref_squeeze %scatter3A_676 : memref<1x64x128xf32, #tpu.memory_space<vmem>> -> memref<64x128xf32, #tpu.memory_space<vmem>>
        %scatter3A_678 = arith.constant 16 : i32
        %scatter3A_679 = arith.constant 0 : i32
        %scatter3A_680 = tpu.memref_slice %scatter3A_677[%scatter3A_678, %scatter3A_679] : memref<64x128xf32, #tpu.memory_space<vmem>> -> memref<16x128xf32, #tpu.memory_space<vmem>>
        tpu.vector_store_idx %scatter3A_680[%and3A_665, %add3A_199], %gather3A_673 : memref<16x128xf32, #tpu.memory_space<vmem>>[vector<16xi32>, vector<16xi32>], vector<16xf32>,
        %add3A_681 = arith.constant 7 : i32
        %add3A_682 = vector.broadcast %add3A_681 : i32 to vector<16xi32>
        %add3A_683 = arith.addi %iota3A_161, %add3A_682 : vector<16xi32>
        %and3A_684 = arith.constant 15 : i32
        %and3A_685 = vector.broadcast %and3A_684 : i32 to vector<16xi32>
        %and3A_686 = arith.andi %add3A_683, %and3A_685 : vector<16xi32>
        %add3A_687 = arith.constant 16 : i32
        %add3A_688 = vector.broadcast %add3A_687 : i32 to vector<16xi32>
        %add3A_689 = arith.addi %and3A_686, %add3A_688 : vector<16xi32>
        %gather3A_690 = arith.constant 0 : i32
        %gather3A_691 = arith.constant 0 : i32
        %gather3A_692 = tpu.memref_slice %arg6[%scan3A_163, %gather3A_690, %gather3A_691] : memref<2x128x128xf32, #tpu.memory_space<vmem>> -> memref<1x128x128xf32, #tpu.memory_space<vmem>>
        %gather3A_693 = tpu.memref_squeeze %gather3A_692 : memref<1x128x128xf32, #tpu.memory_space<vmem>> -> memref<128x128xf32, #tpu.memory_space<vmem>>
        %gather3A_694 = tpu.vector_load_idx %gather3A_693[%add3A_199, %add3A_689] : memref<128x128xf32, #tpu.memory_space<vmem>>[vector<16xi32>, vector<16xi32>], vector<16xf32>,
        %scatter3A_695 = arith.constant 0 : i32
        %scatter3A_696 = arith.constant 0 : i32
        %scatter3A_697 = tpu.memref_slice %arg7[%scan3A_164, %scatter3A_695, %scatter3A_696] : memref<2x64x128xf32, #tpu.memory_space<vmem>> -> memref<1x64x128xf32, #tpu.memory_space<vmem>>
        %scatter3A_698 = tpu.memref_squeeze %scatter3A_697 : memref<1x64x128xf32, #tpu.memory_space<vmem>> -> memref<64x128xf32, #tpu.memory_space<vmem>>
        %scatter3A_699 = arith.constant 16 : i32
        %scatter3A_700 = arith.constant 0 : i32
        %scatter3A_701 = tpu.memref_slice %scatter3A_698[%scatter3A_699, %scatter3A_700] : memref<64x128xf32, #tpu.memory_space<vmem>> -> memref<16x128xf32, #tpu.memory_space<vmem>>
        tpu.vector_store_idx %scatter3A_701[%and3A_686, %add3A_199], %gather3A_694 : memref<16x128xf32, #tpu.memory_space<vmem>>[vector<16xi32>, vector<16xi32>], vector<16xf32>,
        %add3A_702 = arith.constant 8 : i32
        %add3A_703 = vector.broadcast %add3A_702 : i32 to vector<16xi32>
        %add3A_704 = arith.addi %iota3A_161, %add3A_703 : vector<16xi32>
        %and3A_705 = arith.constant 15 : i32
        %and3A_706 = vector.broadcast %and3A_705 : i32 to vector<16xi32>
        %and3A_707 = arith.andi %add3A_704, %and3A_706 : vector<16xi32>
        %add3A_708 = arith.constant 16 : i32
        %add3A_709 = vector.broadcast %add3A_708 : i32 to vector<16xi32>
        %add3A_710 = arith.addi %and3A_707, %add3A_709 : vector<16xi32>
        %gather3A_711 = arith.constant 0 : i32
        %gather3A_712 = arith.constant 0 : i32
        %gather3A_713 = tpu.memref_slice %arg6[%scan3A_163, %gather3A_711, %gather3A_712] : memref<2x128x128xf32, #tpu.memory_space<vmem>> -> memref<1x128x128xf32, #tpu.memory_space<vmem>>
        %gather3A_714 = tpu.memref_squeeze %gather3A_713 : memref<1x128x128xf32, #tpu.memory_space<vmem>> -> memref<128x128xf32, #tpu.memory_space<vmem>>
        %gather3A_715 = tpu.vector_load_idx %gather3A_714[%add3A_199, %add3A_710] : memref<128x128xf32, #tpu.memory_space<vmem>>[vector<16xi32>, vector<16xi32>], vector<16xf32>,
        %scatter3A_716 = arith.constant 0 : i32
        %scatter3A_717 = arith.constant 0 : i32
        %scatter3A_718 = tpu.memref_slice %arg7[%scan3A_164, %scatter3A_716, %scatter3A_717] : memref<2x64x128xf32, #tpu.memory_space<vmem>> -> memref<1x64x128xf32, #tpu.memory_space<vmem>>
        %scatter3A_719 = tpu.memref_squeeze %scatter3A_718 : memref<1x64x128xf32, #tpu.memory_space<vmem>> -> memref<64x128xf32, #tpu.memory_space<vmem>>
        %scatter3A_720 = arith.constant 16 : i32
        %scatter3A_721 = arith.constant 0 : i32
        %scatter3A_722 = tpu.memref_slice %scatter3A_719[%scatter3A_720, %scatter3A_721] : memref<64x128xf32, #tpu.memory_space<vmem>> -> memref<16x128xf32, #tpu.memory_space<vmem>>
        tpu.vector_store_idx %scatter3A_722[%and3A_707, %add3A_199], %gather3A_715 : memref<16x128xf32, #tpu.memory_space<vmem>>[vector<16xi32>, vector<16xi32>], vector<16xf32>,
        %add3A_723 = arith.constant 9 : i32
        %add3A_724 = vector.broadcast %add3A_723 : i32 to vector<16xi32>
        %add3A_725 = arith.addi %iota3A_161, %add3A_724 : vector<16xi32>
        %and3A_726 = arith.constant 15 : i32
        %and3A_727 = vector.broadcast %and3A_726 : i32 to vector<16xi32>
        %and3A_728 = arith.andi %add3A_725, %and3A_727 : vector<16xi32>
        %add3A_729 = arith.constant 16 : i32
        %add3A_730 = vector.broadcast %add3A_729 : i32 to vector<16xi32>
        %add3A_731 = arith.addi %and3A_728, %add3A_730 : vector<16xi32>
        %gather3A_732 = arith.constant 0 : i32
        %gather3A_733 = arith.constant 0 : i32
        %gather3A_734 = tpu.memref_slice %arg6[%scan3A_163, %gather3A_732, %gather3A_733] : memref<2x128x128xf32, #tpu.memory_space<vmem>> -> memref<1x128x128xf32, #tpu.memory_space<vmem>>
        %gather3A_735 = tpu.memref_squeeze %gather3A_734 : memref<1x128x128xf32, #tpu.memory_space<vmem>> -> memref<128x128xf32, #tpu.memory_space<vmem>>
        %gather3A_736 = tpu.vector_load_idx %gather3A_735[%add3A_199, %add3A_731] : memref<128x128xf32, #tpu.memory_space<vmem>>[vector<16xi32>, vector<16xi32>], vector<16xf32>,
        %scatter3A_737 = arith.constant 0 : i32
        %scatter3A_738 = arith.constant 0 : i32
        %scatter3A_739 = tpu.memref_slice %arg7[%scan3A_164, %scatter3A_737, %scatter3A_738] : memref<2x64x128xf32, #tpu.memory_space<vmem>> -> memref<1x64x128xf32, #tpu.memory_space<vmem>>
        %scatter3A_740 = tpu.memref_squeeze %scatter3A_739 : memref<1x64x128xf32, #tpu.memory_space<vmem>> -> memref<64x128xf32, #tpu.memory_space<vmem>>
        %scatter3A_741 = arith.constant 16 : i32
        %scatter3A_742 = arith.constant 0 : i32
        %scatter3A_743 = tpu.memref_slice %scatter3A_740[%scatter3A_741, %scatter3A_742] : memref<64x128xf32, #tpu.memory_space<vmem>> -> memref<16x128xf32, #tpu.memory_space<vmem>>
        tpu.vector_store_idx %scatter3A_743[%and3A_728, %add3A_199], %gather3A_736 : memref<16x128xf32, #tpu.memory_space<vmem>>[vector<16xi32>, vector<16xi32>], vector<16xf32>,
        %add3A_744 = arith.constant 10 : i32
        %add3A_745 = vector.broadcast %add3A_744 : i32 to vector<16xi32>
        %add3A_746 = arith.addi %iota3A_161, %add3A_745 : vector<16xi32>
        %and3A_747 = arith.constant 15 : i32
        %and3A_748 = vector.broadcast %and3A_747 : i32 to vector<16xi32>
        %and3A_749 = arith.andi %add3A_746, %and3A_748 : vector<16xi32>
        %add3A_750 = arith.constant 16 : i32
        %add3A_751 = vector.broadcast %add3A_750 : i32 to vector<16xi32>
        %add3A_752 = arith.addi %and3A_749, %add3A_751 : vector<16xi32>
        %gather3A_753 = arith.constant 0 : i32
        %gather3A_754 = arith.constant 0 : i32
        %gather3A_755 = tpu.memref_slice %arg6[%scan3A_163, %gather3A_753, %gather3A_754] : memref<2x128x128xf32, #tpu.memory_space<vmem>> -> memref<1x128x128xf32, #tpu.memory_space<vmem>>
        %gather3A_756 = tpu.memref_squeeze %gather3A_755 : memref<1x128x128xf32, #tpu.memory_space<vmem>> -> memref<128x128xf32, #tpu.memory_space<vmem>>
        %gather3A_757 = tpu.vector_load_idx %gather3A_756[%add3A_199, %add3A_752] : memref<128x128xf32, #tpu.memory_space<vmem>>[vector<16xi32>, vector<16xi32>], vector<16xf32>,
        %scatter3A_758 = arith.constant 0 : i32
        %scatter3A_759 = arith.constant 0 : i32
        %scatter3A_760 = tpu.memref_slice %arg7[%scan3A_164, %scatter3A_758, %scatter3A_759] : memref<2x64x128xf32, #tpu.memory_space<vmem>> -> memref<1x64x128xf32, #tpu.memory_space<vmem>>
        %scatter3A_761 = tpu.memref_squeeze %scatter3A_760 : memref<1x64x128xf32, #tpu.memory_space<vmem>> -> memref<64x128xf32, #tpu.memory_space<vmem>>
        %scatter3A_762 = arith.constant 16 : i32
        %scatter3A_763 = arith.constant 0 : i32
        %scatter3A_764 = tpu.memref_slice %scatter3A_761[%scatter3A_762, %scatter3A_763] : memref<64x128xf32, #tpu.memory_space<vmem>> -> memref<16x128xf32, #tpu.memory_space<vmem>>
        tpu.vector_store_idx %scatter3A_764[%and3A_749, %add3A_199], %gather3A_757 : memref<16x128xf32, #tpu.memory_space<vmem>>[vector<16xi32>, vector<16xi32>], vector<16xf32>,
        %add3A_765 = arith.constant 11 : i32
        %add3A_766 = vector.broadcast %add3A_765 : i32 to vector<16xi32>
        %add3A_767 = arith.addi %iota3A_161, %add3A_766 : vector<16xi32>
        %and3A_768 = arith.constant 15 : i32
        %and3A_769 = vector.broadcast %and3A_768 : i32 to vector<16xi32>
        %and3A_770 = arith.andi %add3A_767, %and3A_769 : vector<16xi32>
        %add3A_771 = arith.constant 16 : i32
        %add3A_772 = vector.broadcast %add3A_771 : i32 to vector<16xi32>
        %add3A_773 = arith.addi %and3A_770, %add3A_772 : vector<16xi32>
        %gather3A_774 = arith.constant 0 : i32
        %gather3A_775 = arith.constant 0 : i32
        %gather3A_776 = tpu.memref_slice %arg6[%scan3A_163, %gather3A_774, %gather3A_775] : memref<2x128x128xf32, #tpu.memory_space<vmem>> -> memref<1x128x128xf32, #tpu.memory_space<vmem>>
        %gather3A_777 = tpu.memref_squeeze %gather3A_776 : memref<1x128x128xf32, #tpu.memory_space<vmem>> -> memref<128x128xf32, #tpu.memory_space<vmem>>
        %gather3A_778 = tpu.vector_load_idx %gather3A_777[%add3A_199, %add3A_773] : memref<128x128xf32, #tpu.memory_space<vmem>>[vector<16xi32>, vector<16xi32>], vector<16xf32>,
        %scatter3A_779 = arith.constant 0 : i32
        %scatter3A_780 = arith.constant 0 : i32
        %scatter3A_781 = tpu.memref_slice %arg7[%scan3A_164, %scatter3A_779, %scatter3A_780] : memref<2x64x128xf32, #tpu.memory_space<vmem>> -> memref<1x64x128xf32, #tpu.memory_space<vmem>>
        %scatter3A_782 = tpu.memref_squeeze %scatter3A_781 : memref<1x64x128xf32, #tpu.memory_space<vmem>> -> memref<64x128xf32, #tpu.memory_space<vmem>>
        %scatter3A_783 = arith.constant 16 : i32
        %scatter3A_784 = arith.constant 0 : i32
        %scatter3A_785 = tpu.memref_slice %scatter3A_782[%scatter3A_783, %scatter3A_784] : memref<64x128xf32, #tpu.memory_space<vmem>> -> memref<16x128xf32, #tpu.memory_space<vmem>>
        tpu.vector_store_idx %scatter3A_785[%and3A_770, %add3A_199], %gather3A_778 : memref<16x128xf32, #tpu.memory_space<vmem>>[vector<16xi32>, vector<16xi32>], vector<16xf32>,
        %add3A_786 = arith.constant 12 : i32
        %add3A_787 = vector.broadcast %add3A_786 : i32 to vector<16xi32>
        %add3A_788 = arith.addi %iota3A_161, %add3A_787 : vector<16xi32>
        %and3A_789 = arith.constant 15 : i32
        %and3A_790 = vector.broadcast %and3A_789 : i32 to vector<16xi32>
        %and3A_791 = arith.andi %add3A_788, %and3A_790 : vector<16xi32>
        %add3A_792 = arith.constant 16 : i32
        %add3A_793 = vector.broadcast %add3A_792 : i32 to vector<16xi32>
        %add3A_794 = arith.addi %and3A_791, %add3A_793 : vector<16xi32>
        %gather3A_795 = arith.constant 0 : i32
        %gather3A_796 = arith.constant 0 : i32
        %gather3A_797 = tpu.memref_slice %arg6[%scan3A_163, %gather3A_795, %gather3A_796] : memref<2x128x128xf32, #tpu.memory_space<vmem>> -> memref<1x128x128xf32, #tpu.memory_space<vmem>>
        %gather3A_798 = tpu.memref_squeeze %gather3A_797 : memref<1x128x128xf32, #tpu.memory_space<vmem>> -> memref<128x128xf32, #tpu.memory_space<vmem>>
        %gather3A_799 = tpu.vector_load_idx %gather3A_798[%add3A_199, %add3A_794] : memref<128x128xf32, #tpu.memory_space<vmem>>[vector<16xi32>, vector<16xi32>], vector<16xf32>,
        %scatter3A_800 = arith.constant 0 : i32
        %scatter3A_801 = arith.constant 0 : i32
        %scatter3A_802 = tpu.memref_slice %arg7[%scan3A_164, %scatter3A_800, %scatter3A_801] : memref<2x64x128xf32, #tpu.memory_space<vmem>> -> memref<1x64x128xf32, #tpu.memory_space<vmem>>
        %scatter3A_803 = tpu.memref_squeeze %scatter3A_802 : memref<1x64x128xf32, #tpu.memory_space<vmem>> -> memref<64x128xf32, #tpu.memory_space<vmem>>
        %scatter3A_804 = arith.constant 16 : i32
        %scatter3A_805 = arith.constant 0 : i32
        %scatter3A_806 = tpu.memref_slice %scatter3A_803[%scatter3A_804, %scatter3A_805] : memref<64x128xf32, #tpu.memory_space<vmem>> -> memref<16x128xf32, #tpu.memory_space<vmem>>
        tpu.vector_store_idx %scatter3A_806[%and3A_791, %add3A_199], %gather3A_799 : memref<16x128xf32, #tpu.memory_space<vmem>>[vector<16xi32>, vector<16xi32>], vector<16xf32>,
        %add3A_807 = arith.constant 13 : i32
        %add3A_808 = vector.broadcast %add3A_807 : i32 to vector<16xi32>
        %add3A_809 = arith.addi %iota3A_161, %add3A_808 : vector<16xi32>
        %and3A_810 = arith.constant 15 : i32
        %and3A_811 = vector.broadcast %and3A_810 : i32 to vector<16xi32>
        %and3A_812 = arith.andi %add3A_809, %and3A_811 : vector<16xi32>
        %add3A_813 = arith.constant 16 : i32
        %add3A_814 = vector.broadcast %add3A_813 : i32 to vector<16xi32>
        %add3A_815 = arith.addi %and3A_812, %add3A_814 : vector<16xi32>
        %gather3A_816 = arith.constant 0 : i32
        %gather3A_817 = arith.constant 0 : i32
        %gather3A_818 = tpu.memref_slice %arg6[%scan3A_163, %gather3A_816, %gather3A_817] : memref<2x128x128xf32, #tpu.memory_space<vmem>> -> memref<1x128x128xf32, #tpu.memory_space<vmem>>
        %gather3A_819 = tpu.memref_squeeze %gather3A_818 : memref<1x128x128xf32, #tpu.memory_space<vmem>> -> memref<128x128xf32, #tpu.memory_space<vmem>>
        %gather3A_820 = tpu.vector_load_idx %gather3A_819[%add3A_199, %add3A_815] : memref<128x128xf32, #tpu.memory_space<vmem>>[vector<16xi32>, vector<16xi32>], vector<16xf32>,
        %scatter3A_821 = arith.constant 0 : i32
        %scatter3A_822 = arith.constant 0 : i32
        %scatter3A_823 = tpu.memref_slice %arg7[%scan3A_164, %scatter3A_821, %scatter3A_822] : memref<2x64x128xf32, #tpu.memory_space<vmem>> -> memref<1x64x128xf32, #tpu.memory_space<vmem>>
        %scatter3A_824 = tpu.memref_squeeze %scatter3A_823 : memref<1x64x128xf32, #tpu.memory_space<vmem>> -> memref<64x128xf32, #tpu.memory_space<vmem>>
        %scatter3A_825 = arith.constant 16 : i32
        %scatter3A_826 = arith.constant 0 : i32
        %scatter3A_827 = tpu.memref_slice %scatter3A_824[%scatter3A_825, %scatter3A_826] : memref<64x128xf32, #tpu.memory_space<vmem>> -> memref<16x128xf32, #tpu.memory_space<vmem>>
        tpu.vector_store_idx %scatter3A_827[%and3A_812, %add3A_199], %gather3A_820 : memref<16x128xf32, #tpu.memory_space<vmem>>[vector<16xi32>, vector<16xi32>], vector<16xf32>,
        %add3A_828 = arith.constant 14 : i32
        %add3A_829 = vector.broadcast %add3A_828 : i32 to vector<16xi32>
        %add3A_830 = arith.addi %iota3A_161, %add3A_829 : vector<16xi32>
        %and3A_831 = arith.constant 15 : i32
        %and3A_832 = vector.broadcast %and3A_831 : i32 to vector<16xi32>
        %and3A_833 = arith.andi %add3A_830, %and3A_832 : vector<16xi32>
        %add3A_834 = arith.constant 16 : i32
        %add3A_835 = vector.broadcast %add3A_834 : i32 to vector<16xi32>
        %add3A_836 = arith.addi %and3A_833, %add3A_835 : vector<16xi32>
        %gather3A_837 = arith.constant 0 : i32
        %gather3A_838 = arith.constant 0 : i32
        %gather3A_839 = tpu.memref_slice %arg6[%scan3A_163, %gather3A_837, %gather3A_838] : memref<2x128x128xf32, #tpu.memory_space<vmem>> -> memref<1x128x128xf32, #tpu.memory_space<vmem>>
        %gather3A_840 = tpu.memref_squeeze %gather3A_839 : memref<1x128x128xf32, #tpu.memory_space<vmem>> -> memref<128x128xf32, #tpu.memory_space<vmem>>
        %gather3A_841 = tpu.vector_load_idx %gather3A_840[%add3A_199, %add3A_836] : memref<128x128xf32, #tpu.memory_space<vmem>>[vector<16xi32>, vector<16xi32>], vector<16xf32>,
        %scatter3A_842 = arith.constant 0 : i32
        %scatter3A_843 = arith.constant 0 : i32
        %scatter3A_844 = tpu.memref_slice %arg7[%scan3A_164, %scatter3A_842, %scatter3A_843] : memref<2x64x128xf32, #tpu.memory_space<vmem>> -> memref<1x64x128xf32, #tpu.memory_space<vmem>>
        %scatter3A_845 = tpu.memref_squeeze %scatter3A_844 : memref<1x64x128xf32, #tpu.memory_space<vmem>> -> memref<64x128xf32, #tpu.memory_space<vmem>>
        %scatter3A_846 = arith.constant 16 : i32
        %scatter3A_847 = arith.constant 0 : i32
        %scatter3A_848 = tpu.memref_slice %scatter3A_845[%scatter3A_846, %scatter3A_847] : memref<64x128xf32, #tpu.memory_space<vmem>> -> memref<16x128xf32, #tpu.memory_space<vmem>>
        tpu.vector_store_idx %scatter3A_848[%and3A_833, %add3A_199], %gather3A_841 : memref<16x128xf32, #tpu.memory_space<vmem>>[vector<16xi32>, vector<16xi32>], vector<16xf32>,
        %add3A_849 = arith.constant 15 : i32
        %add3A_850 = vector.broadcast %add3A_849 : i32 to vector<16xi32>
        %add3A_851 = arith.addi %iota3A_161, %add3A_850 : vector<16xi32>
        %and3A_852 = arith.constant 15 : i32
        %and3A_853 = vector.broadcast %and3A_852 : i32 to vector<16xi32>
        %and3A_854 = arith.andi %add3A_851, %and3A_853 : vector<16xi32>
        %add3A_855 = arith.constant 16 : i32
        %add3A_856 = vector.broadcast %add3A_855 : i32 to vector<16xi32>
        %add3A_857 = arith.addi %and3A_854, %add3A_856 : vector<16xi32>
        %gather3A_858 = arith.constant 0 : i32
        %gather3A_859 = arith.constant 0 : i32
        %gather3A_860 = tpu.memref_slice %arg6[%scan3A_163, %gather3A_858, %gather3A_859] : memref<2x128x128xf32, #tpu.memory_space<vmem>> -> memref<1x128x128xf32, #tpu.memory_space<vmem>>
        %gather3A_861 = tpu.memref_squeeze %gather3A_860 : memref<1x128x128xf32, #tpu.memory_space<vmem>> -> memref<128x128xf32, #tpu.memory_space<vmem>>
        %gather3A_862 = tpu.vector_load_idx %gather3A_861[%add3A_199, %add3A_857] : memref<128x128xf32, #tpu.memory_space<vmem>>[vector<16xi32>, vector<16xi32>], vector<16xf32>,
        %scatter3A_863 = arith.constant 0 : i32
        %scatter3A_864 = arith.constant 0 : i32
        %scatter3A_865 = tpu.memref_slice %arg7[%scan3A_164, %scatter3A_863, %scatter3A_864] : memref<2x64x128xf32, #tpu.memory_space<vmem>> -> memref<1x64x128xf32, #tpu.memory_space<vmem>>
        %scatter3A_866 = tpu.memref_squeeze %scatter3A_865 : memref<1x64x128xf32, #tpu.memory_space<vmem>> -> memref<64x128xf32, #tpu.memory_space<vmem>>
        %scatter3A_867 = arith.constant 16 : i32
        %scatter3A_868 = arith.constant 0 : i32
        %scatter3A_869 = tpu.memref_slice %scatter3A_866[%scatter3A_867, %scatter3A_868] : memref<64x128xf32, #tpu.memory_space<vmem>> -> memref<16x128xf32, #tpu.memory_space<vmem>>
        tpu.vector_store_idx %scatter3A_869[%and3A_854, %add3A_199], %gather3A_862 : memref<16x128xf32, #tpu.memory_space<vmem>>[vector<16xi32>, vector<16xi32>], vector<16xf32>,
        %add3A_870 = arith.constant 0 : i32
        %add3A_871 = vector.broadcast %add3A_870 : i32 to vector<16xi32>
        %add3A_872 = arith.addi %iota3A_161, %add3A_871 : vector<16xi32>
        %and3A_873 = arith.constant 15 : i32
        %and3A_874 = vector.broadcast %and3A_873 : i32 to vector<16xi32>
        %and3A_875 = arith.andi %add3A_872, %and3A_874 : vector<16xi32>
        %add3A_876 = arith.constant 32 : i32
        %add3A_877 = vector.broadcast %add3A_876 : i32 to vector<16xi32>
        %add3A_878 = arith.addi %and3A_875, %add3A_877 : vector<16xi32>
        %gather3A_879 = arith.constant 0 : i32
        %gather3A_880 = arith.constant 0 : i32
        %gather3A_881 = tpu.memref_slice %arg6[%scan3A_163, %gather3A_879, %gather3A_880] : memref<2x128x128xf32, #tpu.memory_space<vmem>> -> memref<1x128x128xf32, #tpu.memory_space<vmem>>
        %gather3A_882 = tpu.memref_squeeze %gather3A_881 : memref<1x128x128xf32, #tpu.memory_space<vmem>> -> memref<128x128xf32, #tpu.memory_space<vmem>>
        %gather3A_883 = tpu.vector_load_idx %gather3A_882[%add3A_199, %add3A_878] : memref<128x128xf32, #tpu.memory_space<vmem>>[vector<16xi32>, vector<16xi32>], vector<16xf32>,
        %scatter3A_884 = arith.constant 0 : i32
        %scatter3A_885 = arith.constant 0 : i32
        %scatter3A_886 = tpu.memref_slice %arg7[%scan3A_164, %scatter3A_884, %scatter3A_885] : memref<2x64x128xf32, #tpu.memory_space<vmem>> -> memref<1x64x128xf32, #tpu.memory_space<vmem>>
        %scatter3A_887 = tpu.memref_squeeze %scatter3A_886 : memref<1x64x128xf32, #tpu.memory_space<vmem>> -> memref<64x128xf32, #tpu.memory_space<vmem>>
        %scatter3A_888 = arith.constant 32 : i32
        %scatter3A_889 = arith.constant 0 : i32
        %scatter3A_890 = tpu.memref_slice %scatter3A_887[%scatter3A_888, %scatter3A_889] : memref<64x128xf32, #tpu.memory_space<vmem>> -> memref<16x128xf32, #tpu.memory_space<vmem>>
        tpu.vector_store_idx %scatter3A_890[%and3A_875, %add3A_199], %gather3A_883 : memref<16x128xf32, #tpu.memory_space<vmem>>[vector<16xi32>, vector<16xi32>], vector<16xf32>,
        %add3A_891 = arith.constant 1 : i32
        %add3A_892 = vector.broadcast %add3A_891 : i32 to vector<16xi32>
        %add3A_893 = arith.addi %iota3A_161, %add3A_892 : vector<16xi32>
        %and3A_894 = arith.constant 15 : i32
        %and3A_895 = vector.broadcast %and3A_894 : i32 to vector<16xi32>
        %and3A_896 = arith.andi %add3A_893, %and3A_895 : vector<16xi32>
        %add3A_897 = arith.constant 32 : i32
        %add3A_898 = vector.broadcast %add3A_897 : i32 to vector<16xi32>
        %add3A_899 = arith.addi %and3A_896, %add3A_898 : vector<16xi32>
        %gather3A_900 = arith.constant 0 : i32
        %gather3A_901 = arith.constant 0 : i32
        %gather3A_902 = tpu.memref_slice %arg6[%scan3A_163, %gather3A_900, %gather3A_901] : memref<2x128x128xf32, #tpu.memory_space<vmem>> -> memref<1x128x128xf32, #tpu.memory_space<vmem>>
        %gather3A_903 = tpu.memref_squeeze %gather3A_902 : memref<1x128x128xf32, #tpu.memory_space<vmem>> -> memref<128x128xf32, #tpu.memory_space<vmem>>
        %gather3A_904 = tpu.vector_load_idx %gather3A_903[%add3A_199, %add3A_899] : memref<128x128xf32, #tpu.memory_space<vmem>>[vector<16xi32>, vector<16xi32>], vector<16xf32>,
        %scatter3A_905 = arith.constant 0 : i32
        %scatter3A_906 = arith.constant 0 : i32
        %scatter3A_907 = tpu.memref_slice %arg7[%scan3A_164, %scatter3A_905, %scatter3A_906] : memref<2x64x128xf32, #tpu.memory_space<vmem>> -> memref<1x64x128xf32, #tpu.memory_space<vmem>>
        %scatter3A_908 = tpu.memref_squeeze %scatter3A_907 : memref<1x64x128xf32, #tpu.memory_space<vmem>> -> memref<64x128xf32, #tpu.memory_space<vmem>>
        %scatter3A_909 = arith.constant 32 : i32
        %scatter3A_910 = arith.constant 0 : i32
        %scatter3A_911 = tpu.memref_slice %scatter3A_908[%scatter3A_909, %scatter3A_910] : memref<64x128xf32, #tpu.memory_space<vmem>> -> memref<16x128xf32, #tpu.memory_space<vmem>>
        tpu.vector_store_idx %scatter3A_911[%and3A_896, %add3A_199], %gather3A_904 : memref<16x128xf32, #tpu.memory_space<vmem>>[vector<16xi32>, vector<16xi32>], vector<16xf32>,
        %add3A_912 = arith.constant 2 : i32
        %add3A_913 = vector.broadcast %add3A_912 : i32 to vector<16xi32>
        %add3A_914 = arith.addi %iota3A_161, %add3A_913 : vector<16xi32>
        %and3A_915 = arith.constant 15 : i32
        %and3A_916 = vector.broadcast %and3A_915 : i32 to vector<16xi32>
        %and3A_917 = arith.andi %add3A_914, %and3A_916 : vector<16xi32>
        %add3A_918 = arith.constant 32 : i32
        %add3A_919 = vector.broadcast %add3A_918 : i32 to vector<16xi32>
        %add3A_920 = arith.addi %and3A_917, %add3A_919 : vector<16xi32>
        %gather3A_921 = arith.constant 0 : i32
        %gather3A_922 = arith.constant 0 : i32
        %gather3A_923 = tpu.memref_slice %arg6[%scan3A_163, %gather3A_921, %gather3A_922] : memref<2x128x128xf32, #tpu.memory_space<vmem>> -> memref<1x128x128xf32, #tpu.memory_space<vmem>>
        %gather3A_924 = tpu.memref_squeeze %gather3A_923 : memref<1x128x128xf32, #tpu.memory_space<vmem>> -> memref<128x128xf32, #tpu.memory_space<vmem>>
        %gather3A_925 = tpu.vector_load_idx %gather3A_924[%add3A_199, %add3A_920] : memref<128x128xf32, #tpu.memory_space<vmem>>[vector<16xi32>, vector<16xi32>], vector<16xf32>,
        %scatter3A_926 = arith.constant 0 : i32
        %scatter3A_927 = arith.constant 0 : i32
        %scatter3A_928 = tpu.memref_slice %arg7[%scan3A_164, %scatter3A_926, %scatter3A_927] : memref<2x64x128xf32, #tpu.memory_space<vmem>> -> memref<1x64x128xf32, #tpu.memory_space<vmem>>
        %scatter3A_929 = tpu.memref_squeeze %scatter3A_928 : memref<1x64x128xf32, #tpu.memory_space<vmem>> -> memref<64x128xf32, #tpu.memory_space<vmem>>
        %scatter3A_930 = arith.constant 32 : i32
        %scatter3A_931 = arith.constant 0 : i32
        %scatter3A_932 = tpu.memref_slice %scatter3A_929[%scatter3A_930, %scatter3A_931] : memref<64x128xf32, #tpu.memory_space<vmem>> -> memref<16x128xf32, #tpu.memory_space<vmem>>
        tpu.vector_store_idx %scatter3A_932[%and3A_917, %add3A_199], %gather3A_925 : memref<16x128xf32, #tpu.memory_space<vmem>>[vector<16xi32>, vector<16xi32>], vector<16xf32>,
        %add3A_933 = arith.constant 3 : i32
        %add3A_934 = vector.broadcast %add3A_933 : i32 to vector<16xi32>
        %add3A_935 = arith.addi %iota3A_161, %add3A_934 : vector<16xi32>
        %and3A_936 = arith.constant 15 : i32
        %and3A_937 = vector.broadcast %and3A_936 : i32 to vector<16xi32>
        %and3A_938 = arith.andi %add3A_935, %and3A_937 : vector<16xi32>
        %add3A_939 = arith.constant 32 : i32
        %add3A_940 = vector.broadcast %add3A_939 : i32 to vector<16xi32>
        %add3A_941 = arith.addi %and3A_938, %add3A_940 : vector<16xi32>
        %gather3A_942 = arith.constant 0 : i32
        %gather3A_943 = arith.constant 0 : i32
        %gather3A_944 = tpu.memref_slice %arg6[%scan3A_163, %gather3A_942, %gather3A_943] : memref<2x128x128xf32, #tpu.memory_space<vmem>> -> memref<1x128x128xf32, #tpu.memory_space<vmem>>
        %gather3A_945 = tpu.memref_squeeze %gather3A_944 : memref<1x128x128xf32, #tpu.memory_space<vmem>> -> memref<128x128xf32, #tpu.memory_space<vmem>>
        %gather3A_946 = tpu.vector_load_idx %gather3A_945[%add3A_199, %add3A_941] : memref<128x128xf32, #tpu.memory_space<vmem>>[vector<16xi32>, vector<16xi32>], vector<16xf32>,
        %scatter3A_947 = arith.constant 0 : i32
        %scatter3A_948 = arith.constant 0 : i32
        %scatter3A_949 = tpu.memref_slice %arg7[%scan3A_164, %scatter3A_947, %scatter3A_948] : memref<2x64x128xf32, #tpu.memory_space<vmem>> -> memref<1x64x128xf32, #tpu.memory_space<vmem>>
        %scatter3A_950 = tpu.memref_squeeze %scatter3A_949 : memref<1x64x128xf32, #tpu.memory_space<vmem>> -> memref<64x128xf32, #tpu.memory_space<vmem>>
        %scatter3A_951 = arith.constant 32 : i32
        %scatter3A_952 = arith.constant 0 : i32
        %scatter3A_953 = tpu.memref_slice %scatter3A_950[%scatter3A_951, %scatter3A_952] : memref<64x128xf32, #tpu.memory_space<vmem>> -> memref<16x128xf32, #tpu.memory_space<vmem>>
        tpu.vector_store_idx %scatter3A_953[%and3A_938, %add3A_199], %gather3A_946 : memref<16x128xf32, #tpu.memory_space<vmem>>[vector<16xi32>, vector<16xi32>], vector<16xf32>,
        %add3A_954 = arith.constant 4 : i32
        %add3A_955 = vector.broadcast %add3A_954 : i32 to vector<16xi32>
        %add3A_956 = arith.addi %iota3A_161, %add3A_955 : vector<16xi32>
        %and3A_957 = arith.constant 15 : i32
        %and3A_958 = vector.broadcast %and3A_957 : i32 to vector<16xi32>
        %and3A_959 = arith.andi %add3A_956, %and3A_958 : vector<16xi32>
        %add3A_960 = arith.constant 32 : i32
        %add3A_961 = vector.broadcast %add3A_960 : i32 to vector<16xi32>
        %add3A_962 = arith.addi %and3A_959, %add3A_961 : vector<16xi32>
        %gather3A_963 = arith.constant 0 : i32
        %gather3A_964 = arith.constant 0 : i32
        %gather3A_965 = tpu.memref_slice %arg6[%scan3A_163, %gather3A_963, %gather3A_964] : memref<2x128x128xf32, #tpu.memory_space<vmem>> -> memref<1x128x128xf32, #tpu.memory_space<vmem>>
        %gather3A_966 = tpu.memref_squeeze %gather3A_965 : memref<1x128x128xf32, #tpu.memory_space<vmem>> -> memref<128x128xf32, #tpu.memory_space<vmem>>
        %gather3A_967 = tpu.vector_load_idx %gather3A_966[%add3A_199, %add3A_962] : memref<128x128xf32, #tpu.memory_space<vmem>>[vector<16xi32>, vector<16xi32>], vector<16xf32>,
        %scatter3A_968 = arith.constant 0 : i32
        %scatter3A_969 = arith.constant 0 : i32
        %scatter3A_970 = tpu.memref_slice %arg7[%scan3A_164, %scatter3A_968, %scatter3A_969] : memref<2x64x128xf32, #tpu.memory_space<vmem>> -> memref<1x64x128xf32, #tpu.memory_space<vmem>>
        %scatter3A_971 = tpu.memref_squeeze %scatter3A_970 : memref<1x64x128xf32, #tpu.memory_space<vmem>> -> memref<64x128xf32, #tpu.memory_space<vmem>>
        %scatter3A_972 = arith.constant 32 : i32
        %scatter3A_973 = arith.constant 0 : i32
        %scatter3A_974 = tpu.memref_slice %scatter3A_971[%scatter3A_972, %scatter3A_973] : memref<64x128xf32, #tpu.memory_space<vmem>> -> memref<16x128xf32, #tpu.memory_space<vmem>>
        tpu.vector_store_idx %scatter3A_974[%and3A_959, %add3A_199], %gather3A_967 : memref<16x128xf32, #tpu.memory_space<vmem>>[vector<16xi32>, vector<16xi32>], vector<16xf32>,
        %add3A_975 = arith.constant 5 : i32
        %add3A_976 = vector.broadcast %add3A_975 : i32 to vector<16xi32>
        %add3A_977 = arith.addi %iota3A_161, %add3A_976 : vector<16xi32>
        %and3A_978 = arith.constant 15 : i32
        %and3A_979 = vector.broadcast %and3A_978 : i32 to vector<16xi32>
        %and3A_980 = arith.andi %add3A_977, %and3A_979 : vector<16xi32>
        %add3A_981 = arith.constant 32 : i32
        %add3A_982 = vector.broadcast %add3A_981 : i32 to vector<16xi32>
        %add3A_983 = arith.addi %and3A_980, %add3A_982 : vector<16xi32>
        %gather3A_984 = arith.constant 0 : i32
        %gather3A_985 = arith.constant 0 : i32
        %gather3A_986 = tpu.memref_slice %arg6[%scan3A_163, %gather3A_984, %gather3A_985] : memref<2x128x128xf32, #tpu.memory_space<vmem>> -> memref<1x128x128xf32, #tpu.memory_space<vmem>>
        %gather3A_987 = tpu.memref_squeeze %gather3A_986 : memref<1x128x128xf32, #tpu.memory_space<vmem>> -> memref<128x128xf32, #tpu.memory_space<vmem>>
        %gather3A_988 = tpu.vector_load_idx %gather3A_987[%add3A_199, %add3A_983] : memref<128x128xf32, #tpu.memory_space<vmem>>[vector<16xi32>, vector<16xi32>], vector<16xf32>,
        %scatter3A_989 = arith.constant 0 : i32
        %scatter3A_990 = arith.constant 0 : i32
        %scatter3A_991 = tpu.memref_slice %arg7[%scan3A_164, %scatter3A_989, %scatter3A_990] : memref<2x64x128xf32, #tpu.memory_space<vmem>> -> memref<1x64x128xf32, #tpu.memory_space<vmem>>
        %scatter3A_992 = tpu.memref_squeeze %scatter3A_991 : memref<1x64x128xf32, #tpu.memory_space<vmem>> -> memref<64x128xf32, #tpu.memory_space<vmem>>
        %scatter3A_993 = arith.constant 32 : i32
        %scatter3A_994 = arith.constant 0 : i32
        %scatter3A_995 = tpu.memref_slice %scatter3A_992[%scatter3A_993, %scatter3A_994] : memref<64x128xf32, #tpu.memory_space<vmem>> -> memref<16x128xf32, #tpu.memory_space<vmem>>
        tpu.vector_store_idx %scatter3A_995[%and3A_980, %add3A_199], %gather3A_988 : memref<16x128xf32, #tpu.memory_space<vmem>>[vector<16xi32>, vector<16xi32>], vector<16xf32>,
        %add3A_996 = arith.constant 6 : i32
        %add3A_997 = vector.broadcast %add3A_996 : i32 to vector<16xi32>
        %add3A_998 = arith.addi %iota3A_161, %add3A_997 : vector<16xi32>
        %and3A_999 = arith.constant 15 : i32
        %and3A_1000 = vector.broadcast %and3A_999 : i32 to vector<16xi32>
        %and3A_1001 = arith.andi %add3A_998, %and3A_1000 : vector<16xi32>
        %add3A_1002 = arith.constant 32 : i32
        %add3A_1003 = vector.broadcast %add3A_1002 : i32 to vector<16xi32>
        %add3A_1004 = arith.addi %and3A_1001, %add3A_1003 : vector<16xi32>
        %gather3A_1005 = arith.constant 0 : i32
        %gather3A_1006 = arith.constant 0 : i32
        %gather3A_1007 = tpu.memref_slice %arg6[%scan3A_163, %gather3A_1005, %gather3A_1006] : memref<2x128x128xf32, #tpu.memory_space<vmem>> -> memref<1x128x128xf32, #tpu.memory_space<vmem>>
        %gather3A_1008 = tpu.memref_squeeze %gather3A_1007 : memref<1x128x128xf32, #tpu.memory_space<vmem>> -> memref<128x128xf32, #tpu.memory_space<vmem>>
        %gather3A_1009 = tpu.vector_load_idx %gather3A_1008[%add3A_199, %add3A_1004] : memref<128x128xf32, #tpu.memory_space<vmem>>[vector<16xi32>, vector<16xi32>], vector<16xf32>,
        %scatter3A_1010 = arith.constant 0 : i32
        %scatter3A_1011 = arith.constant 0 : i32
        %scatter3A_1012 = tpu.memref_slice %arg7[%scan3A_164, %scatter3A_1010, %scatter3A_1011] : memref<2x64x128xf32, #tpu.memory_space<vmem>> -> memref<1x64x128xf32, #tpu.memory_space<vmem>>
        %scatter3A_1013 = tpu.memref_squeeze %scatter3A_1012 : memref<1x64x128xf32, #tpu.memory_space<vmem>> -> memref<64x128xf32, #tpu.memory_space<vmem>>
        %scatter3A_1014 = arith.constant 32 : i32
        %scatter3A_1015 = arith.constant 0 : i32
        %scatter3A_1016 = tpu.memref_slice %scatter3A_1013[%scatter3A_1014, %scatter3A_1015] : memref<64x128xf32, #tpu.memory_space<vmem>> -> memref<16x128xf32, #tpu.memory_space<vmem>>
        tpu.vector_store_idx %scatter3A_1016[%and3A_1001, %add3A_199], %gather3A_1009 : memref<16x128xf32, #tpu.memory_space<vmem>>[vector<16xi32>, vector<16xi32>], vector<16xf32>,
        %add3A_1017 = arith.constant 7 : i32
        %add3A_1018 = vector.broadcast %add3A_1017 : i32 to vector<16xi32>
        %add3A_1019 = arith.addi %iota3A_161, %add3A_1018 : vector<16xi32>
        %and3A_1020 = arith.constant 15 : i32
        %and3A_1021 = vector.broadcast %and3A_1020 : i32 to vector<16xi32>
        %and3A_1022 = arith.andi %add3A_1019, %and3A_1021 : vector<16xi32>
        %add3A_1023 = arith.constant 32 : i32
        %add3A_1024 = vector.broadcast %add3A_1023 : i32 to vector<16xi32>
        %add3A_1025 = arith.addi %and3A_1022, %add3A_1024 : vector<16xi32>
        %gather3A_1026 = arith.constant 0 : i32
        %gather3A_1027 = arith.constant 0 : i32
        %gather3A_1028 = tpu.memref_slice %arg6[%scan3A_163, %gather3A_1026, %gather3A_1027] : memref<2x128x128xf32, #tpu.memory_space<vmem>> -> memref<1x128x128xf32, #tpu.memory_space<vmem>>
        %gather3A_1029 = tpu.memref_squeeze %gather3A_1028 : memref<1x128x128xf32, #tpu.memory_space<vmem>> -> memref<128x128xf32, #tpu.memory_space<vmem>>
        %gather3A_1030 = tpu.vector_load_idx %gather3A_1029[%add3A_199, %add3A_1025] : memref<128x128xf32, #tpu.memory_space<vmem>>[vector<16xi32>, vector<16xi32>], vector<16xf32>,
        %scatter3A_1031 = arith.constant 0 : i32
        %scatter3A_1032 = arith.constant 0 : i32
        %scatter3A_1033 = tpu.memref_slice %arg7[%scan3A_164, %scatter3A_1031, %scatter3A_1032] : memref<2x64x128xf32, #tpu.memory_space<vmem>> -> memref<1x64x128xf32, #tpu.memory_space<vmem>>
        %scatter3A_1034 = tpu.memref_squeeze %scatter3A_1033 : memref<1x64x128xf32, #tpu.memory_space<vmem>> -> memref<64x128xf32, #tpu.memory_space<vmem>>
        %scatter3A_1035 = arith.constant 32 : i32
        %scatter3A_1036 = arith.constant 0 : i32
        %scatter3A_1037 = tpu.memref_slice %scatter3A_1034[%scatter3A_1035, %scatter3A_1036] : memref<64x128xf32, #tpu.memory_space<vmem>> -> memref<16x128xf32, #tpu.memory_space<vmem>>
        tpu.vector_store_idx %scatter3A_1037[%and3A_1022, %add3A_199], %gather3A_1030 : memref<16x128xf32, #tpu.memory_space<vmem>>[vector<16xi32>, vector<16xi32>], vector<16xf32>,
        %add3A_1038 = arith.constant 8 : i32
        %add3A_1039 = vector.broadcast %add3A_1038 : i32 to vector<16xi32>
        %add3A_1040 = arith.addi %iota3A_161, %add3A_1039 : vector<16xi32>
        %and3A_1041 = arith.constant 15 : i32
        %and3A_1042 = vector.broadcast %and3A_1041 : i32 to vector<16xi32>
        %and3A_1043 = arith.andi %add3A_1040, %and3A_1042 : vector<16xi32>
        %add3A_1044 = arith.constant 32 : i32
        %add3A_1045 = vector.broadcast %add3A_1044 : i32 to vector<16xi32>
        %add3A_1046 = arith.addi %and3A_1043, %add3A_1045 : vector<16xi32>
        %gather3A_1047 = arith.constant 0 : i32
        %gather3A_1048 = arith.constant 0 : i32
        %gather3A_1049 = tpu.memref_slice %arg6[%scan3A_163, %gather3A_1047, %gather3A_1048] : memref<2x128x128xf32, #tpu.memory_space<vmem>> -> memref<1x128x128xf32, #tpu.memory_space<vmem>>
        %gather3A_1050 = tpu.memref_squeeze %gather3A_1049 : memref<1x128x128xf32, #tpu.memory_space<vmem>> -> memref<128x128xf32, #tpu.memory_space<vmem>>
        %gather3A_1051 = tpu.vector_load_idx %gather3A_1050[%add3A_199, %add3A_1046] : memref<128x128xf32, #tpu.memory_space<vmem>>[vector<16xi32>, vector<16xi32>], vector<16xf32>,
        %scatter3A_1052 = arith.constant 0 : i32
        %scatter3A_1053 = arith.constant 0 : i32
        %scatter3A_1054 = tpu.memref_slice %arg7[%scan3A_164, %scatter3A_1052, %scatter3A_1053] : memref<2x64x128xf32, #tpu.memory_space<vmem>> -> memref<1x64x128xf32, #tpu.memory_space<vmem>>
        %scatter3A_1055 = tpu.memref_squeeze %scatter3A_1054 : memref<1x64x128xf32, #tpu.memory_space<vmem>> -> memref<64x128xf32, #tpu.memory_space<vmem>>
        %scatter3A_1056 = arith.constant 32 : i32
        %scatter3A_1057 = arith.constant 0 : i32
        %scatter3A_1058 = tpu.memref_slice %scatter3A_1055[%scatter3A_1056, %scatter3A_1057] : memref<64x128xf32, #tpu.memory_space<vmem>> -> memref<16x128xf32, #tpu.memory_space<vmem>>
        tpu.vector_store_idx %scatter3A_1058[%and3A_1043, %add3A_199], %gather3A_1051 : memref<16x128xf32, #tpu.memory_space<vmem>>[vector<16xi32>, vector<16xi32>], vector<16xf32>,
        %add3A_1059 = arith.constant 9 : i32
        %add3A_1060 = vector.broadcast %add3A_1059 : i32 to vector<16xi32>
        %add3A_1061 = arith.addi %iota3A_161, %add3A_1060 : vector<16xi32>
        %and3A_1062 = arith.constant 15 : i32
        %and3A_1063 = vector.broadcast %and3A_1062 : i32 to vector<16xi32>
        %and3A_1064 = arith.andi %add3A_1061, %and3A_1063 : vector<16xi32>
        %add3A_1065 = arith.constant 32 : i32
        %add3A_1066 = vector.broadcast %add3A_1065 : i32 to vector<16xi32>
        %add3A_1067 = arith.addi %and3A_1064, %add3A_1066 : vector<16xi32>
        %gather3A_1068 = arith.constant 0 : i32
        %gather3A_1069 = arith.constant 0 : i32
        %gather3A_1070 = tpu.memref_slice %arg6[%scan3A_163, %gather3A_1068, %gather3A_1069] : memref<2x128x128xf32, #tpu.memory_space<vmem>> -> memref<1x128x128xf32, #tpu.memory_space<vmem>>
        %gather3A_1071 = tpu.memref_squeeze %gather3A_1070 : memref<1x128x128xf32, #tpu.memory_space<vmem>> -> memref<128x128xf32, #tpu.memory_space<vmem>>
        %gather3A_1072 = tpu.vector_load_idx %gather3A_1071[%add3A_199, %add3A_1067] : memref<128x128xf32, #tpu.memory_space<vmem>>[vector<16xi32>, vector<16xi32>], vector<16xf32>,
        %scatter3A_1073 = arith.constant 0 : i32
        %scatter3A_1074 = arith.constant 0 : i32
        %scatter3A_1075 = tpu.memref_slice %arg7[%scan3A_164, %scatter3A_1073, %scatter3A_1074] : memref<2x64x128xf32, #tpu.memory_space<vmem>> -> memref<1x64x128xf32, #tpu.memory_space<vmem>>
        %scatter3A_1076 = tpu.memref_squeeze %scatter3A_1075 : memref<1x64x128xf32, #tpu.memory_space<vmem>> -> memref<64x128xf32, #tpu.memory_space<vmem>>
        %scatter3A_1077 = arith.constant 32 : i32
        %scatter3A_1078 = arith.constant 0 : i32
        %scatter3A_1079 = tpu.memref_slice %scatter3A_1076[%scatter3A_1077, %scatter3A_1078] : memref<64x128xf32, #tpu.memory_space<vmem>> -> memref<16x128xf32, #tpu.memory_space<vmem>>
        tpu.vector_store_idx %scatter3A_1079[%and3A_1064, %add3A_199], %gather3A_1072 : memref<16x128xf32, #tpu.memory_space<vmem>>[vector<16xi32>, vector<16xi32>], vector<16xf32>,
        %add3A_1080 = arith.constant 10 : i32
        %add3A_1081 = vector.broadcast %add3A_1080 : i32 to vector<16xi32>
        %add3A_1082 = arith.addi %iota3A_161, %add3A_1081 : vector<16xi32>
        %and3A_1083 = arith.constant 15 : i32
        %and3A_1084 = vector.broadcast %and3A_1083 : i32 to vector<16xi32>
        %and3A_1085 = arith.andi %add3A_1082, %and3A_1084 : vector<16xi32>
        %add3A_1086 = arith.constant 32 : i32
        %add3A_1087 = vector.broadcast %add3A_1086 : i32 to vector<16xi32>
        %add3A_1088 = arith.addi %and3A_1085, %add3A_1087 : vector<16xi32>
        %gather3A_1089 = arith.constant 0 : i32
        %gather3A_1090 = arith.constant 0 : i32
        %gather3A_1091 = tpu.memref_slice %arg6[%scan3A_163, %gather3A_1089, %gather3A_1090] : memref<2x128x128xf32, #tpu.memory_space<vmem>> -> memref<1x128x128xf32, #tpu.memory_space<vmem>>
        %gather3A_1092 = tpu.memref_squeeze %gather3A_1091 : memref<1x128x128xf32, #tpu.memory_space<vmem>> -> memref<128x128xf32, #tpu.memory_space<vmem>>
        %gather3A_1093 = tpu.vector_load_idx %gather3A_1092[%add3A_199, %add3A_1088] : memref<128x128xf32, #tpu.memory_space<vmem>>[vector<16xi32>, vector<16xi32>], vector<16xf32>,
        %scatter3A_1094 = arith.constant 0 : i32
        %scatter3A_1095 = arith.constant 0 : i32
        %scatter3A_1096 = tpu.memref_slice %arg7[%scan3A_164, %scatter3A_1094, %scatter3A_1095] : memref<2x64x128xf32, #tpu.memory_space<vmem>> -> memref<1x64x128xf32, #tpu.memory_space<vmem>>
        %scatter3A_1097 = tpu.memref_squeeze %scatter3A_1096 : memref<1x64x128xf32, #tpu.memory_space<vmem>> -> memref<64x128xf32, #tpu.memory_space<vmem>>
        %scatter3A_1098 = arith.constant 32 : i32
        %scatter3A_1099 = arith.constant 0 : i32
        %scatter3A_1100 = tpu.memref_slice %scatter3A_1097[%scatter3A_1098, %scatter3A_1099] : memref<64x128xf32, #tpu.memory_space<vmem>> -> memref<16x128xf32, #tpu.memory_space<vmem>>
        tpu.vector_store_idx %scatter3A_1100[%and3A_1085, %add3A_199], %gather3A_1093 : memref<16x128xf32, #tpu.memory_space<vmem>>[vector<16xi32>, vector<16xi32>], vector<16xf32>,
        %add3A_1101 = arith.constant 11 : i32
        %add3A_1102 = vector.broadcast %add3A_1101 : i32 to vector<16xi32>
        %add3A_1103 = arith.addi %iota3A_161, %add3A_1102 : vector<16xi32>
        %and3A_1104 = arith.constant 15 : i32
        %and3A_1105 = vector.broadcast %and3A_1104 : i32 to vector<16xi32>
        %and3A_1106 = arith.andi %add3A_1103, %and3A_1105 : vector<16xi32>
        %add3A_1107 = arith.constant 32 : i32
        %add3A_1108 = vector.broadcast %add3A_1107 : i32 to vector<16xi32>
        %add3A_1109 = arith.addi %and3A_1106, %add3A_1108 : vector<16xi32>
        %gather3A_1110 = arith.constant 0 : i32
        %gather3A_1111 = arith.constant 0 : i32
        %gather3A_1112 = tpu.memref_slice %arg6[%scan3A_163, %gather3A_1110, %gather3A_1111] : memref<2x128x128xf32, #tpu.memory_space<vmem>> -> memref<1x128x128xf32, #tpu.memory_space<vmem>>
        %gather3A_1113 = tpu.memref_squeeze %gather3A_1112 : memref<1x128x128xf32, #tpu.memory_space<vmem>> -> memref<128x128xf32, #tpu.memory_space<vmem>>
        %gather3A_1114 = tpu.vector_load_idx %gather3A_1113[%add3A_199, %add3A_1109] : memref<128x128xf32, #tpu.memory_space<vmem>>[vector<16xi32>, vector<16xi32>], vector<16xf32>,
        %scatter3A_1115 = arith.constant 0 : i32
        %scatter3A_1116 = arith.constant 0 : i32
        %scatter3A_1117 = tpu.memref_slice %arg7[%scan3A_164, %scatter3A_1115, %scatter3A_1116] : memref<2x64x128xf32, #tpu.memory_space<vmem>> -> memref<1x64x128xf32, #tpu.memory_space<vmem>>
        %scatter3A_1118 = tpu.memref_squeeze %scatter3A_1117 : memref<1x64x128xf32, #tpu.memory_space<vmem>> -> memref<64x128xf32, #tpu.memory_space<vmem>>
        %scatter3A_1119 = arith.constant 32 : i32
        %scatter3A_1120 = arith.constant 0 : i32
        %scatter3A_1121 = tpu.memref_slice %scatter3A_1118[%scatter3A_1119, %scatter3A_1120] : memref<64x128xf32, #tpu.memory_space<vmem>> -> memref<16x128xf32, #tpu.memory_space<vmem>>
        tpu.vector_store_idx %scatter3A_1121[%and3A_1106, %add3A_199], %gather3A_1114 : memref<16x128xf32, #tpu.memory_space<vmem>>[vector<16xi32>, vector<16xi32>], vector<16xf32>,
        %add3A_1122 = arith.constant 12 : i32
        %add3A_1123 = vector.broadcast %add3A_1122 : i32 to vector<16xi32>
        %add3A_1124 = arith.addi %iota3A_161, %add3A_1123 : vector<16xi32>
        %and3A_1125 = arith.constant 15 : i32
        %and3A_1126 = vector.broadcast %and3A_1125 : i32 to vector<16xi32>
        %and3A_1127 = arith.andi %add3A_1124, %and3A_1126 : vector<16xi32>
        %add3A_1128 = arith.constant 32 : i32
        %add3A_1129 = vector.broadcast %add3A_1128 : i32 to vector<16xi32>
        %add3A_1130 = arith.addi %and3A_1127, %add3A_1129 : vector<16xi32>
        %gather3A_1131 = arith.constant 0 : i32
        %gather3A_1132 = arith.constant 0 : i32
        %gather3A_1133 = tpu.memref_slice %arg6[%scan3A_163, %gather3A_1131, %gather3A_1132] : memref<2x128x128xf32, #tpu.memory_space<vmem>> -> memref<1x128x128xf32, #tpu.memory_space<vmem>>
        %gather3A_1134 = tpu.memref_squeeze %gather3A_1133 : memref<1x128x128xf32, #tpu.memory_space<vmem>> -> memref<128x128xf32, #tpu.memory_space<vmem>>
        %gather3A_1135 = tpu.vector_load_idx %gather3A_1134[%add3A_199, %add3A_1130] : memref<128x128xf32, #tpu.memory_space<vmem>>[vector<16xi32>, vector<16xi32>], vector<16xf32>,
        %scatter3A_1136 = arith.constant 0 : i32
        %scatter3A_1137 = arith.constant 0 : i32
        %scatter3A_1138 = tpu.memref_slice %arg7[%scan3A_164, %scatter3A_1136, %scatter3A_1137] : memref<2x64x128xf32, #tpu.memory_space<vmem>> -> memref<1x64x128xf32, #tpu.memory_space<vmem>>
        %scatter3A_1139 = tpu.memref_squeeze %scatter3A_1138 : memref<1x64x128xf32, #tpu.memory_space<vmem>> -> memref<64x128xf32, #tpu.memory_space<vmem>>
        %scatter3A_1140 = arith.constant 32 : i32
        %scatter3A_1141 = arith.constant 0 : i32
        %scatter3A_1142 = tpu.memref_slice %scatter3A_1139[%scatter3A_1140, %scatter3A_1141] : memref<64x128xf32, #tpu.memory_space<vmem>> -> memref<16x128xf32, #tpu.memory_space<vmem>>
        tpu.vector_store_idx %scatter3A_1142[%and3A_1127, %add3A_199], %gather3A_1135 : memref<16x128xf32, #tpu.memory_space<vmem>>[vector<16xi32>, vector<16xi32>], vector<16xf32>,
        %add3A_1143 = arith.constant 13 : i32
        %add3A_1144 = vector.broadcast %add3A_1143 : i32 to vector<16xi32>
        %add3A_1145 = arith.addi %iota3A_161, %add3A_1144 : vector<16xi32>
        %and3A_1146 = arith.constant 15 : i32
        %and3A_1147 = vector.broadcast %and3A_1146 : i32 to vector<16xi32>
        %and3A_1148 = arith.andi %add3A_1145, %and3A_1147 : vector<16xi32>
        %add3A_1149 = arith.constant 32 : i32
        %add3A_1150 = vector.broadcast %add3A_1149 : i32 to vector<16xi32>
        %add3A_1151 = arith.addi %and3A_1148, %add3A_1150 : vector<16xi32>
        %gather3A_1152 = arith.constant 0 : i32
        %gather3A_1153 = arith.constant 0 : i32
        %gather3A_1154 = tpu.memref_slice %arg6[%scan3A_163, %gather3A_1152, %gather3A_1153] : memref<2x128x128xf32, #tpu.memory_space<vmem>> -> memref<1x128x128xf32, #tpu.memory_space<vmem>>
        %gather3A_1155 = tpu.memref_squeeze %gather3A_1154 : memref<1x128x128xf32, #tpu.memory_space<vmem>> -> memref<128x128xf32, #tpu.memory_space<vmem>>
        %gather3A_1156 = tpu.vector_load_idx %gather3A_1155[%add3A_199, %add3A_1151] : memref<128x128xf32, #tpu.memory_space<vmem>>[vector<16xi32>, vector<16xi32>], vector<16xf32>,
        %scatter3A_1157 = arith.constant 0 : i32
        %scatter3A_1158 = arith.constant 0 : i32
        %scatter3A_1159 = tpu.memref_slice %arg7[%scan3A_164, %scatter3A_1157, %scatter3A_1158] : memref<2x64x128xf32, #tpu.memory_space<vmem>> -> memref<1x64x128xf32, #tpu.memory_space<vmem>>
        %scatter3A_1160 = tpu.memref_squeeze %scatter3A_1159 : memref<1x64x128xf32, #tpu.memory_space<vmem>> -> memref<64x128xf32, #tpu.memory_space<vmem>>
        %scatter3A_1161 = arith.constant 32 : i32
        %scatter3A_1162 = arith.constant 0 : i32
        %scatter3A_1163 = tpu.memref_slice %scatter3A_1160[%scatter3A_1161, %scatter3A_1162] : memref<64x128xf32, #tpu.memory_space<vmem>> -> memref<16x128xf32, #tpu.memory_space<vmem>>
        tpu.vector_store_idx %scatter3A_1163[%and3A_1148, %add3A_199], %gather3A_1156 : memref<16x128xf32, #tpu.memory_space<vmem>>[vector<16xi32>, vector<16xi32>], vector<16xf32>,
        %add3A_1164 = arith.constant 14 : i32
        %add3A_1165 = vector.broadcast %add3A_1164 : i32 to vector<16xi32>
        %add3A_1166 = arith.addi %iota3A_161, %add3A_1165 : vector<16xi32>
        %and3A_1167 = arith.constant 15 : i32
        %and3A_1168 = vector.broadcast %and3A_1167 : i32 to vector<16xi32>
        %and3A_1169 = arith.andi %add3A_1166, %and3A_1168 : vector<16xi32>
        %add3A_1170 = arith.constant 32 : i32
        %add3A_1171 = vector.broadcast %add3A_1170 : i32 to vector<16xi32>
        %add3A_1172 = arith.addi %and3A_1169, %add3A_1171 : vector<16xi32>
        %gather3A_1173 = arith.constant 0 : i32
        %gather3A_1174 = arith.constant 0 : i32
        %gather3A_1175 = tpu.memref_slice %arg6[%scan3A_163, %gather3A_1173, %gather3A_1174] : memref<2x128x128xf32, #tpu.memory_space<vmem>> -> memref<1x128x128xf32, #tpu.memory_space<vmem>>
        %gather3A_1176 = tpu.memref_squeeze %gather3A_1175 : memref<1x128x128xf32, #tpu.memory_space<vmem>> -> memref<128x128xf32, #tpu.memory_space<vmem>>
        %gather3A_1177 = tpu.vector_load_idx %gather3A_1176[%add3A_199, %add3A_1172] : memref<128x128xf32, #tpu.memory_space<vmem>>[vector<16xi32>, vector<16xi32>], vector<16xf32>,
        %scatter3A_1178 = arith.constant 0 : i32
        %scatter3A_1179 = arith.constant 0 : i32
        %scatter3A_1180 = tpu.memref_slice %arg7[%scan3A_164, %scatter3A_1178, %scatter3A_1179] : memref<2x64x128xf32, #tpu.memory_space<vmem>> -> memref<1x64x128xf32, #tpu.memory_space<vmem>>
        %scatter3A_1181 = tpu.memref_squeeze %scatter3A_1180 : memref<1x64x128xf32, #tpu.memory_space<vmem>> -> memref<64x128xf32, #tpu.memory_space<vmem>>
        %scatter3A_1182 = arith.constant 32 : i32
        %scatter3A_1183 = arith.constant 0 : i32
        %scatter3A_1184 = tpu.memref_slice %scatter3A_1181[%scatter3A_1182, %scatter3A_1183] : memref<64x128xf32, #tpu.memory_space<vmem>> -> memref<16x128xf32, #tpu.memory_space<vmem>>
        tpu.vector_store_idx %scatter3A_1184[%and3A_1169, %add3A_199], %gather3A_1177 : memref<16x128xf32, #tpu.memory_space<vmem>>[vector<16xi32>, vector<16xi32>], vector<16xf32>,
        %add3A_1185 = arith.constant 15 : i32
        %add3A_1186 = vector.broadcast %add3A_1185 : i32 to vector<16xi32>
        %add3A_1187 = arith.addi %iota3A_161, %add3A_1186 : vector<16xi32>
        %and3A_1188 = arith.constant 15 : i32
        %and3A_1189 = vector.broadcast %and3A_1188 : i32 to vector<16xi32>
        %and3A_1190 = arith.andi %add3A_1187, %and3A_1189 : vector<16xi32>
        %add3A_1191 = arith.constant 32 : i32
        %add3A_1192 = vector.broadcast %add3A_1191 : i32 to vector<16xi32>
        %add3A_1193 = arith.addi %and3A_1190, %add3A_1192 : vector<16xi32>
        %gather3A_1194 = arith.constant 0 : i32
        %gather3A_1195 = arith.constant 0 : i32
        %gather3A_1196 = tpu.memref_slice %arg6[%scan3A_163, %gather3A_1194, %gather3A_1195] : memref<2x128x128xf32, #tpu.memory_space<vmem>> -> memref<1x128x128xf32, #tpu.memory_space<vmem>>
        %gather3A_1197 = tpu.memref_squeeze %gather3A_1196 : memref<1x128x128xf32, #tpu.memory_space<vmem>> -> memref<128x128xf32, #tpu.memory_space<vmem>>
        %gather3A_1198 = tpu.vector_load_idx %gather3A_1197[%add3A_199, %add3A_1193] : memref<128x128xf32, #tpu.memory_space<vmem>>[vector<16xi32>, vector<16xi32>], vector<16xf32>,
        %scatter3A_1199 = arith.constant 0 : i32
        %scatter3A_1200 = arith.constant 0 : i32
        %scatter3A_1201 = tpu.memref_slice %arg7[%scan3A_164, %scatter3A_1199, %scatter3A_1200] : memref<2x64x128xf32, #tpu.memory_space<vmem>> -> memref<1x64x128xf32, #tpu.memory_space<vmem>>
        %scatter3A_1202 = tpu.memref_squeeze %scatter3A_1201 : memref<1x64x128xf32, #tpu.memory_space<vmem>> -> memref<64x128xf32, #tpu.memory_space<vmem>>
        %scatter3A_1203 = arith.constant 32 : i32
        %scatter3A_1204 = arith.constant 0 : i32
        %scatter3A_1205 = tpu.memref_slice %scatter3A_1202[%scatter3A_1203, %scatter3A_1204] : memref<64x128xf32, #tpu.memory_space<vmem>> -> memref<16x128xf32, #tpu.memory_space<vmem>>
        tpu.vector_store_idx %scatter3A_1205[%and3A_1190, %add3A_199], %gather3A_1198 : memref<16x128xf32, #tpu.memory_space<vmem>>[vector<16xi32>, vector<16xi32>], vector<16xf32>,
        %add3A_1206 = arith.constant 0 : i32
        %add3A_1207 = vector.broadcast %add3A_1206 : i32 to vector<16xi32>
        %add3A_1208 = arith.addi %iota3A_161, %add3A_1207 : vector<16xi32>
        %and3A_1209 = arith.constant 15 : i32
        %and3A_1210 = vector.broadcast %and3A_1209 : i32 to vector<16xi32>
        %and3A_1211 = arith.andi %add3A_1208, %and3A_1210 : vector<16xi32>
        %add3A_1212 = arith.constant 48 : i32
        %add3A_1213 = vector.broadcast %add3A_1212 : i32 to vector<16xi32>
        %add3A_1214 = arith.addi %and3A_1211, %add3A_1213 : vector<16xi32>
        %gather3A_1215 = arith.constant 0 : i32
        %gather3A_1216 = arith.constant 0 : i32
        %gather3A_1217 = tpu.memref_slice %arg6[%scan3A_163, %gather3A_1215, %gather3A_1216] : memref<2x128x128xf32, #tpu.memory_space<vmem>> -> memref<1x128x128xf32, #tpu.memory_space<vmem>>
        %gather3A_1218 = tpu.memref_squeeze %gather3A_1217 : memref<1x128x128xf32, #tpu.memory_space<vmem>> -> memref<128x128xf32, #tpu.memory_space<vmem>>
        %gather3A_1219 = tpu.vector_load_idx %gather3A_1218[%add3A_199, %add3A_1214] : memref<128x128xf32, #tpu.memory_space<vmem>>[vector<16xi32>, vector<16xi32>], vector<16xf32>,
        %scatter3A_1220 = arith.constant 0 : i32
        %scatter3A_1221 = arith.constant 0 : i32
        %scatter3A_1222 = tpu.memref_slice %arg7[%scan3A_164, %scatter3A_1220, %scatter3A_1221] : memref<2x64x128xf32, #tpu.memory_space<vmem>> -> memref<1x64x128xf32, #tpu.memory_space<vmem>>
        %scatter3A_1223 = tpu.memref_squeeze %scatter3A_1222 : memref<1x64x128xf32, #tpu.memory_space<vmem>> -> memref<64x128xf32, #tpu.memory_space<vmem>>
        %scatter3A_1224 = arith.constant 48 : i32
        %scatter3A_1225 = arith.constant 0 : i32
        %scatter3A_1226 = tpu.memref_slice %scatter3A_1223[%scatter3A_1224, %scatter3A_1225] : memref<64x128xf32, #tpu.memory_space<vmem>> -> memref<16x128xf32, #tpu.memory_space<vmem>>
        tpu.vector_store_idx %scatter3A_1226[%and3A_1211, %add3A_199], %gather3A_1219 : memref<16x128xf32, #tpu.memory_space<vmem>>[vector<16xi32>, vector<16xi32>], vector<16xf32>,
        %add3A_1227 = arith.constant 1 : i32
        %add3A_1228 = vector.broadcast %add3A_1227 : i32 to vector<16xi32>
        %add3A_1229 = arith.addi %iota3A_161, %add3A_1228 : vector<16xi32>
        %and3A_1230 = arith.constant 15 : i32
        %and3A_1231 = vector.broadcast %and3A_1230 : i32 to vector<16xi32>
        %and3A_1232 = arith.andi %add3A_1229, %and3A_1231 : vector<16xi32>
        %add3A_1233 = arith.constant 48 : i32
        %add3A_1234 = vector.broadcast %add3A_1233 : i32 to vector<16xi32>
        %add3A_1235 = arith.addi %and3A_1232, %add3A_1234 : vector<16xi32>
        %gather3A_1236 = arith.constant 0 : i32
        %gather3A_1237 = arith.constant 0 : i32
        %gather3A_1238 = tpu.memref_slice %arg6[%scan3A_163, %gather3A_1236, %gather3A_1237] : memref<2x128x128xf32, #tpu.memory_space<vmem>> -> memref<1x128x128xf32, #tpu.memory_space<vmem>>
        %gather3A_1239 = tpu.memref_squeeze %gather3A_1238 : memref<1x128x128xf32, #tpu.memory_space<vmem>> -> memref<128x128xf32, #tpu.memory_space<vmem>>
        %gather3A_1240 = tpu.vector_load_idx %gather3A_1239[%add3A_199, %add3A_1235] : memref<128x128xf32, #tpu.memory_space<vmem>>[vector<16xi32>, vector<16xi32>], vector<16xf32>,
        %scatter3A_1241 = arith.constant 0 : i32
        %scatter3A_1242 = arith.constant 0 : i32
        %scatter3A_1243 = tpu.memref_slice %arg7[%scan3A_164, %scatter3A_1241, %scatter3A_1242] : memref<2x64x128xf32, #tpu.memory_space<vmem>> -> memref<1x64x128xf32, #tpu.memory_space<vmem>>
        %scatter3A_1244 = tpu.memref_squeeze %scatter3A_1243 : memref<1x64x128xf32, #tpu.memory_space<vmem>> -> memref<64x128xf32, #tpu.memory_space<vmem>>
        %scatter3A_1245 = arith.constant 48 : i32
        %scatter3A_1246 = arith.constant 0 : i32
        %scatter3A_1247 = tpu.memref_slice %scatter3A_1244[%scatter3A_1245, %scatter3A_1246] : memref<64x128xf32, #tpu.memory_space<vmem>> -> memref<16x128xf32, #tpu.memory_space<vmem>>
        tpu.vector_store_idx %scatter3A_1247[%and3A_1232, %add3A_199], %gather3A_1240 : memref<16x128xf32, #tpu.memory_space<vmem>>[vector<16xi32>, vector<16xi32>], vector<16xf32>,
        %add3A_1248 = arith.constant 2 : i32
        %add3A_1249 = vector.broadcast %add3A_1248 : i32 to vector<16xi32>
        %add3A_1250 = arith.addi %iota3A_161, %add3A_1249 : vector<16xi32>
        %and3A_1251 = arith.constant 15 : i32
        %and3A_1252 = vector.broadcast %and3A_1251 : i32 to vector<16xi32>
        %and3A_1253 = arith.andi %add3A_1250, %and3A_1252 : vector<16xi32>
        %add3A_1254 = arith.constant 48 : i32
        %add3A_1255 = vector.broadcast %add3A_1254 : i32 to vector<16xi32>
        %add3A_1256 = arith.addi %and3A_1253, %add3A_1255 : vector<16xi32>
        %gather3A_1257 = arith.constant 0 : i32
        %gather3A_1258 = arith.constant 0 : i32
        %gather3A_1259 = tpu.memref_slice %arg6[%scan3A_163, %gather3A_1257, %gather3A_1258] : memref<2x128x128xf32, #tpu.memory_space<vmem>> -> memref<1x128x128xf32, #tpu.memory_space<vmem>>
        %gather3A_1260 = tpu.memref_squeeze %gather3A_1259 : memref<1x128x128xf32, #tpu.memory_space<vmem>> -> memref<128x128xf32, #tpu.memory_space<vmem>>
        %gather3A_1261 = tpu.vector_load_idx %gather3A_1260[%add3A_199, %add3A_1256] : memref<128x128xf32, #tpu.memory_space<vmem>>[vector<16xi32>, vector<16xi32>], vector<16xf32>,
        %scatter3A_1262 = arith.constant 0 : i32
        %scatter3A_1263 = arith.constant 0 : i32
        %scatter3A_1264 = tpu.memref_slice %arg7[%scan3A_164, %scatter3A_1262, %scatter3A_1263] : memref<2x64x128xf32, #tpu.memory_space<vmem>> -> memref<1x64x128xf32, #tpu.memory_space<vmem>>
        %scatter3A_1265 = tpu.memref_squeeze %scatter3A_1264 : memref<1x64x128xf32, #tpu.memory_space<vmem>> -> memref<64x128xf32, #tpu.memory_space<vmem>>
        %scatter3A_1266 = arith.constant 48 : i32
        %scatter3A_1267 = arith.constant 0 : i32
        %scatter3A_1268 = tpu.memref_slice %scatter3A_1265[%scatter3A_1266, %scatter3A_1267] : memref<64x128xf32, #tpu.memory_space<vmem>> -> memref<16x128xf32, #tpu.memory_space<vmem>>
        tpu.vector_store_idx %scatter3A_1268[%and3A_1253, %add3A_199], %gather3A_1261 : memref<16x128xf32, #tpu.memory_space<vmem>>[vector<16xi32>, vector<16xi32>], vector<16xf32>,
        %add3A_1269 = arith.constant 3 : i32
        %add3A_1270 = vector.broadcast %add3A_1269 : i32 to vector<16xi32>
        %add3A_1271 = arith.addi %iota3A_161, %add3A_1270 : vector<16xi32>
        %and3A_1272 = arith.constant 15 : i32
        %and3A_1273 = vector.broadcast %and3A_1272 : i32 to vector<16xi32>
        %and3A_1274 = arith.andi %add3A_1271, %and3A_1273 : vector<16xi32>
        %add3A_1275 = arith.constant 48 : i32
        %add3A_1276 = vector.broadcast %add3A_1275 : i32 to vector<16xi32>
        %add3A_1277 = arith.addi %and3A_1274, %add3A_1276 : vector<16xi32>
        %gather3A_1278 = arith.constant 0 : i32
        %gather3A_1279 = arith.constant 0 : i32
        %gather3A_1280 = tpu.memref_slice %arg6[%scan3A_163, %gather3A_1278, %gather3A_1279] : memref<2x128x128xf32, #tpu.memory_space<vmem>> -> memref<1x128x128xf32, #tpu.memory_space<vmem>>
        %gather3A_1281 = tpu.memref_squeeze %gather3A_1280 : memref<1x128x128xf32, #tpu.memory_space<vmem>> -> memref<128x128xf32, #tpu.memory_space<vmem>>
        %gather3A_1282 = tpu.vector_load_idx %gather3A_1281[%add3A_199, %add3A_1277] : memref<128x128xf32, #tpu.memory_space<vmem>>[vector<16xi32>, vector<16xi32>], vector<16xf32>,
        %scatter3A_1283 = arith.constant 0 : i32
        %scatter3A_1284 = arith.constant 0 : i32
        %scatter3A_1285 = tpu.memref_slice %arg7[%scan3A_164, %scatter3A_1283, %scatter3A_1284] : memref<2x64x128xf32, #tpu.memory_space<vmem>> -> memref<1x64x128xf32, #tpu.memory_space<vmem>>
        %scatter3A_1286 = tpu.memref_squeeze %scatter3A_1285 : memref<1x64x128xf32, #tpu.memory_space<vmem>> -> memref<64x128xf32, #tpu.memory_space<vmem>>
        %scatter3A_1287 = arith.constant 48 : i32
        %scatter3A_1288 = arith.constant 0 : i32
        %scatter3A_1289 = tpu.memref_slice %scatter3A_1286[%scatter3A_1287, %scatter3A_1288] : memref<64x128xf32, #tpu.memory_space<vmem>> -> memref<16x128xf32, #tpu.memory_space<vmem>>
        tpu.vector_store_idx %scatter3A_1289[%and3A_1274, %add3A_199], %gather3A_1282 : memref<16x128xf32, #tpu.memory_space<vmem>>[vector<16xi32>, vector<16xi32>], vector<16xf32>,
        %add3A_1290 = arith.constant 4 : i32
        %add3A_1291 = vector.broadcast %add3A_1290 : i32 to vector<16xi32>
        %add3A_1292 = arith.addi %iota3A_161, %add3A_1291 : vector<16xi32>
        %and3A_1293 = arith.constant 15 : i32
        %and3A_1294 = vector.broadcast %and3A_1293 : i32 to vector<16xi32>
        %and3A_1295 = arith.andi %add3A_1292, %and3A_1294 : vector<16xi32>
        %add3A_1296 = arith.constant 48 : i32
        %add3A_1297 = vector.broadcast %add3A_1296 : i32 to vector<16xi32>
        %add3A_1298 = arith.addi %and3A_1295, %add3A_1297 : vector<16xi32>
        %gather3A_1299 = arith.constant 0 : i32
        %gather3A_1300 = arith.constant 0 : i32
        %gather3A_1301 = tpu.memref_slice %arg6[%scan3A_163, %gather3A_1299, %gather3A_1300] : memref<2x128x128xf32, #tpu.memory_space<vmem>> -> memref<1x128x128xf32, #tpu.memory_space<vmem>>
        %gather3A_1302 = tpu.memref_squeeze %gather3A_1301 : memref<1x128x128xf32, #tpu.memory_space<vmem>> -> memref<128x128xf32, #tpu.memory_space<vmem>>
        %gather3A_1303 = tpu.vector_load_idx %gather3A_1302[%add3A_199, %add3A_1298] : memref<128x128xf32, #tpu.memory_space<vmem>>[vector<16xi32>, vector<16xi32>], vector<16xf32>,
        %scatter3A_1304 = arith.constant 0 : i32
        %scatter3A_1305 = arith.constant 0 : i32
        %scatter3A_1306 = tpu.memref_slice %arg7[%scan3A_164, %scatter3A_1304, %scatter3A_1305] : memref<2x64x128xf32, #tpu.memory_space<vmem>> -> memref<1x64x128xf32, #tpu.memory_space<vmem>>
        %scatter3A_1307 = tpu.memref_squeeze %scatter3A_1306 : memref<1x64x128xf32, #tpu.memory_space<vmem>> -> memref<64x128xf32, #tpu.memory_space<vmem>>
        %scatter3A_1308 = arith.constant 48 : i32
        %scatter3A_1309 = arith.constant 0 : i32
        %scatter3A_1310 = tpu.memref_slice %scatter3A_1307[%scatter3A_1308, %scatter3A_1309] : memref<64x128xf32, #tpu.memory_space<vmem>> -> memref<16x128xf32, #tpu.memory_space<vmem>>
        tpu.vector_store_idx %scatter3A_1310[%and3A_1295, %add3A_199], %gather3A_1303 : memref<16x128xf32, #tpu.memory_space<vmem>>[vector<16xi32>, vector<16xi32>], vector<16xf32>,
        %add3A_1311 = arith.constant 5 : i32
        %add3A_1312 = vector.broadcast %add3A_1311 : i32 to vector<16xi32>
        %add3A_1313 = arith.addi %iota3A_161, %add3A_1312 : vector<16xi32>
        %and3A_1314 = arith.constant 15 : i32
        %and3A_1315 = vector.broadcast %and3A_1314 : i32 to vector<16xi32>
        %and3A_1316 = arith.andi %add3A_1313, %and3A_1315 : vector<16xi32>
        %add3A_1317 = arith.constant 48 : i32
        %add3A_1318 = vector.broadcast %add3A_1317 : i32 to vector<16xi32>
        %add3A_1319 = arith.addi %and3A_1316, %add3A_1318 : vector<16xi32>
        %gather3A_1320 = arith.constant 0 : i32
        %gather3A_1321 = arith.constant 0 : i32
        %gather3A_1322 = tpu.memref_slice %arg6[%scan3A_163, %gather3A_1320, %gather3A_1321] : memref<2x128x128xf32, #tpu.memory_space<vmem>> -> memref<1x128x128xf32, #tpu.memory_space<vmem>>
        %gather3A_1323 = tpu.memref_squeeze %gather3A_1322 : memref<1x128x128xf32, #tpu.memory_space<vmem>> -> memref<128x128xf32, #tpu.memory_space<vmem>>
        %gather3A_1324 = tpu.vector_load_idx %gather3A_1323[%add3A_199, %add3A_1319] : memref<128x128xf32, #tpu.memory_space<vmem>>[vector<16xi32>, vector<16xi32>], vector<16xf32>,
        %scatter3A_1325 = arith.constant 0 : i32
        %scatter3A_1326 = arith.constant 0 : i32
        %scatter3A_1327 = tpu.memref_slice %arg7[%scan3A_164, %scatter3A_1325, %scatter3A_1326] : memref<2x64x128xf32, #tpu.memory_space<vmem>> -> memref<1x64x128xf32, #tpu.memory_space<vmem>>
        %scatter3A_1328 = tpu.memref_squeeze %scatter3A_1327 : memref<1x64x128xf32, #tpu.memory_space<vmem>> -> memref<64x128xf32, #tpu.memory_space<vmem>>
        %scatter3A_1329 = arith.constant 48 : i32
        %scatter3A_1330 = arith.constant 0 : i32
        %scatter3A_1331 = tpu.memref_slice %scatter3A_1328[%scatter3A_1329, %scatter3A_1330] : memref<64x128xf32, #tpu.memory_space<vmem>> -> memref<16x128xf32, #tpu.memory_space<vmem>>
        tpu.vector_store_idx %scatter3A_1331[%and3A_1316, %add3A_199], %gather3A_1324 : memref<16x128xf32, #tpu.memory_space<vmem>>[vector<16xi32>, vector<16xi32>], vector<16xf32>,
        %add3A_1332 = arith.constant 6 : i32
        %add3A_1333 = vector.broadcast %add3A_1332 : i32 to vector<16xi32>
        %add3A_1334 = arith.addi %iota3A_161, %add3A_1333 : vector<16xi32>
        %and3A_1335 = arith.constant 15 : i32
        %and3A_1336 = vector.broadcast %and3A_1335 : i32 to vector<16xi32>
        %and3A_1337 = arith.andi %add3A_1334, %and3A_1336 : vector<16xi32>
        %add3A_1338 = arith.constant 48 : i32
        %add3A_1339 = vector.broadcast %add3A_1338 : i32 to vector<16xi32>
        %add3A_1340 = arith.addi %and3A_1337, %add3A_1339 : vector<16xi32>
        %gather3A_1341 = arith.constant 0 : i32
        %gather3A_1342 = arith.constant 0 : i32
        %gather3A_1343 = tpu.memref_slice %arg6[%scan3A_163, %gather3A_1341, %gather3A_1342] : memref<2x128x128xf32, #tpu.memory_space<vmem>> -> memref<1x128x128xf32, #tpu.memory_space<vmem>>
        %gather3A_1344 = tpu.memref_squeeze %gather3A_1343 : memref<1x128x128xf32, #tpu.memory_space<vmem>> -> memref<128x128xf32, #tpu.memory_space<vmem>>
        %gather3A_1345 = tpu.vector_load_idx %gather3A_1344[%add3A_199, %add3A_1340] : memref<128x128xf32, #tpu.memory_space<vmem>>[vector<16xi32>, vector<16xi32>], vector<16xf32>,
        %scatter3A_1346 = arith.constant 0 : i32
        %scatter3A_1347 = arith.constant 0 : i32
        %scatter3A_1348 = tpu.memref_slice %arg7[%scan3A_164, %scatter3A_1346, %scatter3A_1347] : memref<2x64x128xf32, #tpu.memory_space<vmem>> -> memref<1x64x128xf32, #tpu.memory_space<vmem>>
        %scatter3A_1349 = tpu.memref_squeeze %scatter3A_1348 : memref<1x64x128xf32, #tpu.memory_space<vmem>> -> memref<64x128xf32, #tpu.memory_space<vmem>>
        %scatter3A_1350 = arith.constant 48 : i32
        %scatter3A_1351 = arith.constant 0 : i32
        %scatter3A_1352 = tpu.memref_slice %scatter3A_1349[%scatter3A_1350, %scatter3A_1351] : memref<64x128xf32, #tpu.memory_space<vmem>> -> memref<16x128xf32, #tpu.memory_space<vmem>>
        tpu.vector_store_idx %scatter3A_1352[%and3A_1337, %add3A_199], %gather3A_1345 : memref<16x128xf32, #tpu.memory_space<vmem>>[vector<16xi32>, vector<16xi32>], vector<16xf32>,
        %add3A_1353 = arith.constant 7 : i32
        %add3A_1354 = vector.broadcast %add3A_1353 : i32 to vector<16xi32>
        %add3A_1355 = arith.addi %iota3A_161, %add3A_1354 : vector<16xi32>
        %and3A_1356 = arith.constant 15 : i32
        %and3A_1357 = vector.broadcast %and3A_1356 : i32 to vector<16xi32>
        %and3A_1358 = arith.andi %add3A_1355, %and3A_1357 : vector<16xi32>
        %add3A_1359 = arith.constant 48 : i32
        %add3A_1360 = vector.broadcast %add3A_1359 : i32 to vector<16xi32>
        %add3A_1361 = arith.addi %and3A_1358, %add3A_1360 : vector<16xi32>
        %gather3A_1362 = arith.constant 0 : i32
        %gather3A_1363 = arith.constant 0 : i32
        %gather3A_1364 = tpu.memref_slice %arg6[%scan3A_163, %gather3A_1362, %gather3A_1363] : memref<2x128x128xf32, #tpu.memory_space<vmem>> -> memref<1x128x128xf32, #tpu.memory_space<vmem>>
        %gather3A_1365 = tpu.memref_squeeze %gather3A_1364 : memref<1x128x128xf32, #tpu.memory_space<vmem>> -> memref<128x128xf32, #tpu.memory_space<vmem>>
        %gather3A_1366 = tpu.vector_load_idx %gather3A_1365[%add3A_199, %add3A_1361] : memref<128x128xf32, #tpu.memory_space<vmem>>[vector<16xi32>, vector<16xi32>], vector<16xf32>,
        %scatter3A_1367 = arith.constant 0 : i32
        %scatter3A_1368 = arith.constant 0 : i32
        %scatter3A_1369 = tpu.memref_slice %arg7[%scan3A_164, %scatter3A_1367, %scatter3A_1368] : memref<2x64x128xf32, #tpu.memory_space<vmem>> -> memref<1x64x128xf32, #tpu.memory_space<vmem>>
        %scatter3A_1370 = tpu.memref_squeeze %scatter3A_1369 : memref<1x64x128xf32, #tpu.memory_space<vmem>> -> memref<64x128xf32, #tpu.memory_space<vmem>>
        %scatter3A_1371 = arith.constant 48 : i32
        %scatter3A_1372 = arith.constant 0 : i32
        %scatter3A_1373 = tpu.memref_slice %scatter3A_1370[%scatter3A_1371, %scatter3A_1372] : memref<64x128xf32, #tpu.memory_space<vmem>> -> memref<16x128xf32, #tpu.memory_space<vmem>>
        tpu.vector_store_idx %scatter3A_1373[%and3A_1358, %add3A_199], %gather3A_1366 : memref<16x128xf32, #tpu.memory_space<vmem>>[vector<16xi32>, vector<16xi32>], vector<16xf32>,
        %add3A_1374 = arith.constant 8 : i32
        %add3A_1375 = vector.broadcast %add3A_1374 : i32 to vector<16xi32>
        %add3A_1376 = arith.addi %iota3A_161, %add3A_1375 : vector<16xi32>
        %and3A_1377 = arith.constant 15 : i32
        %and3A_1378 = vector.broadcast %and3A_1377 : i32 to vector<16xi32>
        %and3A_1379 = arith.andi %add3A_1376, %and3A_1378 : vector<16xi32>
        %add3A_1380 = arith.constant 48 : i32
        %add3A_1381 = vector.broadcast %add3A_1380 : i32 to vector<16xi32>
        %add3A_1382 = arith.addi %and3A_1379, %add3A_1381 : vector<16xi32>
        %gather3A_1383 = arith.constant 0 : i32
        %gather3A_1384 = arith.constant 0 : i32
        %gather3A_1385 = tpu.memref_slice %arg6[%scan3A_163, %gather3A_1383, %gather3A_1384] : memref<2x128x128xf32, #tpu.memory_space<vmem>> -> memref<1x128x128xf32, #tpu.memory_space<vmem>>
        %gather3A_1386 = tpu.memref_squeeze %gather3A_1385 : memref<1x128x128xf32, #tpu.memory_space<vmem>> -> memref<128x128xf32, #tpu.memory_space<vmem>>
        %gather3A_1387 = tpu.vector_load_idx %gather3A_1386[%add3A_199, %add3A_1382] : memref<128x128xf32, #tpu.memory_space<vmem>>[vector<16xi32>, vector<16xi32>], vector<16xf32>,
        %scatter3A_1388 = arith.constant 0 : i32
        %scatter3A_1389 = arith.constant 0 : i32
        %scatter3A_1390 = tpu.memref_slice %arg7[%scan3A_164, %scatter3A_1388, %scatter3A_1389] : memref<2x64x128xf32, #tpu.memory_space<vmem>> -> memref<1x64x128xf32, #tpu.memory_space<vmem>>
        %scatter3A_1391 = tpu.memref_squeeze %scatter3A_1390 : memref<1x64x128xf32, #tpu.memory_space<vmem>> -> memref<64x128xf32, #tpu.memory_space<vmem>>
        %scatter3A_1392 = arith.constant 48 : i32
        %scatter3A_1393 = arith.constant 0 : i32
        %scatter3A_1394 = tpu.memref_slice %scatter3A_1391[%scatter3A_1392, %scatter3A_1393] : memref<64x128xf32, #tpu.memory_space<vmem>> -> memref<16x128xf32, #tpu.memory_space<vmem>>
        tpu.vector_store_idx %scatter3A_1394[%and3A_1379, %add3A_199], %gather3A_1387 : memref<16x128xf32, #tpu.memory_space<vmem>>[vector<16xi32>, vector<16xi32>], vector<16xf32>,
        %add3A_1395 = arith.constant 9 : i32
        %add3A_1396 = vector.broadcast %add3A_1395 : i32 to vector<16xi32>
        %add3A_1397 = arith.addi %iota3A_161, %add3A_1396 : vector<16xi32>
        %and3A_1398 = arith.constant 15 : i32
        %and3A_1399 = vector.broadcast %and3A_1398 : i32 to vector<16xi32>
        %and3A_1400 = arith.andi %add3A_1397, %and3A_1399 : vector<16xi32>
        %add3A_1401 = arith.constant 48 : i32
        %add3A_1402 = vector.broadcast %add3A_1401 : i32 to vector<16xi32>
        %add3A_1403 = arith.addi %and3A_1400, %add3A_1402 : vector<16xi32>
        %gather3A_1404 = arith.constant 0 : i32
        %gather3A_1405 = arith.constant 0 : i32
        %gather3A_1406 = tpu.memref_slice %arg6[%scan3A_163, %gather3A_1404, %gather3A_1405] : memref<2x128x128xf32, #tpu.memory_space<vmem>> -> memref<1x128x128xf32, #tpu.memory_space<vmem>>
        %gather3A_1407 = tpu.memref_squeeze %gather3A_1406 : memref<1x128x128xf32, #tpu.memory_space<vmem>> -> memref<128x128xf32, #tpu.memory_space<vmem>>
        %gather3A_1408 = tpu.vector_load_idx %gather3A_1407[%add3A_199, %add3A_1403] : memref<128x128xf32, #tpu.memory_space<vmem>>[vector<16xi32>, vector<16xi32>], vector<16xf32>,
        %scatter3A_1409 = arith.constant 0 : i32
        %scatter3A_1410 = arith.constant 0 : i32
        %scatter3A_1411 = tpu.memref_slice %arg7[%scan3A_164, %scatter3A_1409, %scatter3A_1410] : memref<2x64x128xf32, #tpu.memory_space<vmem>> -> memref<1x64x128xf32, #tpu.memory_space<vmem>>
        %scatter3A_1412 = tpu.memref_squeeze %scatter3A_1411 : memref<1x64x128xf32, #tpu.memory_space<vmem>> -> memref<64x128xf32, #tpu.memory_space<vmem>>
        %scatter3A_1413 = arith.constant 48 : i32
        %scatter3A_1414 = arith.constant 0 : i32
        %scatter3A_1415 = tpu.memref_slice %scatter3A_1412[%scatter3A_1413, %scatter3A_1414] : memref<64x128xf32, #tpu.memory_space<vmem>> -> memref<16x128xf32, #tpu.memory_space<vmem>>
        tpu.vector_store_idx %scatter3A_1415[%and3A_1400, %add3A_199], %gather3A_1408 : memref<16x128xf32, #tpu.memory_space<vmem>>[vector<16xi32>, vector<16xi32>], vector<16xf32>,
        %add3A_1416 = arith.constant 10 : i32
        %add3A_1417 = vector.broadcast %add3A_1416 : i32 to vector<16xi32>
        %add3A_1418 = arith.addi %iota3A_161, %add3A_1417 : vector<16xi32>
        %and3A_1419 = arith.constant 15 : i32
        %and3A_1420 = vector.broadcast %and3A_1419 : i32 to vector<16xi32>
        %and3A_1421 = arith.andi %add3A_1418, %and3A_1420 : vector<16xi32>
        %add3A_1422 = arith.constant 48 : i32
        %add3A_1423 = vector.broadcast %add3A_1422 : i32 to vector<16xi32>
        %add3A_1424 = arith.addi %and3A_1421, %add3A_1423 : vector<16xi32>
        %gather3A_1425 = arith.constant 0 : i32
        %gather3A_1426 = arith.constant 0 : i32
        %gather3A_1427 = tpu.memref_slice %arg6[%scan3A_163, %gather3A_1425, %gather3A_1426] : memref<2x128x128xf32, #tpu.memory_space<vmem>> -> memref<1x128x128xf32, #tpu.memory_space<vmem>>
        %gather3A_1428 = tpu.memref_squeeze %gather3A_1427 : memref<1x128x128xf32, #tpu.memory_space<vmem>> -> memref<128x128xf32, #tpu.memory_space<vmem>>
        %gather3A_1429 = tpu.vector_load_idx %gather3A_1428[%add3A_199, %add3A_1424] : memref<128x128xf32, #tpu.memory_space<vmem>>[vector<16xi32>, vector<16xi32>], vector<16xf32>,
        %scatter3A_1430 = arith.constant 0 : i32
        %scatter3A_1431 = arith.constant 0 : i32
        %scatter3A_1432 = tpu.memref_slice %arg7[%scan3A_164, %scatter3A_1430, %scatter3A_1431] : memref<2x64x128xf32, #tpu.memory_space<vmem>> -> memref<1x64x128xf32, #tpu.memory_space<vmem>>
        %scatter3A_1433 = tpu.memref_squeeze %scatter3A_1432 : memref<1x64x128xf32, #tpu.memory_space<vmem>> -> memref<64x128xf32, #tpu.memory_space<vmem>>
        %scatter3A_1434 = arith.constant 48 : i32
        %scatter3A_1435 = arith.constant 0 : i32
        %scatter3A_1436 = tpu.memref_slice %scatter3A_1433[%scatter3A_1434, %scatter3A_1435] : memref<64x128xf32, #tpu.memory_space<vmem>> -> memref<16x128xf32, #tpu.memory_space<vmem>>
        tpu.vector_store_idx %scatter3A_1436[%and3A_1421, %add3A_199], %gather3A_1429 : memref<16x128xf32, #tpu.memory_space<vmem>>[vector<16xi32>, vector<16xi32>], vector<16xf32>,
        %add3A_1437 = arith.constant 11 : i32
        %add3A_1438 = vector.broadcast %add3A_1437 : i32 to vector<16xi32>
        %add3A_1439 = arith.addi %iota3A_161, %add3A_1438 : vector<16xi32>
        %and3A_1440 = arith.constant 15 : i32
        %and3A_1441 = vector.broadcast %and3A_1440 : i32 to vector<16xi32>
        %and3A_1442 = arith.andi %add3A_1439, %and3A_1441 : vector<16xi32>
        %add3A_1443 = arith.constant 48 : i32
        %add3A_1444 = vector.broadcast %add3A_1443 : i32 to vector<16xi32>
        %add3A_1445 = arith.addi %and3A_1442, %add3A_1444 : vector<16xi32>
        %gather3A_1446 = arith.constant 0 : i32
        %gather3A_1447 = arith.constant 0 : i32
        %gather3A_1448 = tpu.memref_slice %arg6[%scan3A_163, %gather3A_1446, %gather3A_1447] : memref<2x128x128xf32, #tpu.memory_space<vmem>> -> memref<1x128x128xf32, #tpu.memory_space<vmem>>
        %gather3A_1449 = tpu.memref_squeeze %gather3A_1448 : memref<1x128x128xf32, #tpu.memory_space<vmem>> -> memref<128x128xf32, #tpu.memory_space<vmem>>
        %gather3A_1450 = tpu.vector_load_idx %gather3A_1449[%add3A_199, %add3A_1445] : memref<128x128xf32, #tpu.memory_space<vmem>>[vector<16xi32>, vector<16xi32>], vector<16xf32>,
        %scatter3A_1451 = arith.constant 0 : i32
        %scatter3A_1452 = arith.constant 0 : i32
        %scatter3A_1453 = tpu.memref_slice %arg7[%scan3A_164, %scatter3A_1451, %scatter3A_1452] : memref<2x64x128xf32, #tpu.memory_space<vmem>> -> memref<1x64x128xf32, #tpu.memory_space<vmem>>
        %scatter3A_1454 = tpu.memref_squeeze %scatter3A_1453 : memref<1x64x128xf32, #tpu.memory_space<vmem>> -> memref<64x128xf32, #tpu.memory_space<vmem>>
        %scatter3A_1455 = arith.constant 48 : i32
        %scatter3A_1456 = arith.constant 0 : i32
        %scatter3A_1457 = tpu.memref_slice %scatter3A_1454[%scatter3A_1455, %scatter3A_1456] : memref<64x128xf32, #tpu.memory_space<vmem>> -> memref<16x128xf32, #tpu.memory_space<vmem>>
        tpu.vector_store_idx %scatter3A_1457[%and3A_1442, %add3A_199], %gather3A_1450 : memref<16x128xf32, #tpu.memory_space<vmem>>[vector<16xi32>, vector<16xi32>], vector<16xf32>,
        %add3A_1458 = arith.constant 12 : i32
        %add3A_1459 = vector.broadcast %add3A_1458 : i32 to vector<16xi32>
        %add3A_1460 = arith.addi %iota3A_161, %add3A_1459 : vector<16xi32>
        %and3A_1461 = arith.constant 15 : i32
        %and3A_1462 = vector.broadcast %and3A_1461 : i32 to vector<16xi32>
        %and3A_1463 = arith.andi %add3A_1460, %and3A_1462 : vector<16xi32>
        %add3A_1464 = arith.constant 48 : i32
        %add3A_1465 = vector.broadcast %add3A_1464 : i32 to vector<16xi32>
        %add3A_1466 = arith.addi %and3A_1463, %add3A_1465 : vector<16xi32>
        %gather3A_1467 = arith.constant 0 : i32
        %gather3A_1468 = arith.constant 0 : i32
        %gather3A_1469 = tpu.memref_slice %arg6[%scan3A_163, %gather3A_1467, %gather3A_1468] : memref<2x128x128xf32, #tpu.memory_space<vmem>> -> memref<1x128x128xf32, #tpu.memory_space<vmem>>
        %gather3A_1470 = tpu.memref_squeeze %gather3A_1469 : memref<1x128x128xf32, #tpu.memory_space<vmem>> -> memref<128x128xf32, #tpu.memory_space<vmem>>
        %gather3A_1471 = tpu.vector_load_idx %gather3A_1470[%add3A_199, %add3A_1466] : memref<128x128xf32, #tpu.memory_space<vmem>>[vector<16xi32>, vector<16xi32>], vector<16xf32>,
        %scatter3A_1472 = arith.constant 0 : i32
        %scatter3A_1473 = arith.constant 0 : i32
        %scatter3A_1474 = tpu.memref_slice %arg7[%scan3A_164, %scatter3A_1472, %scatter3A_1473] : memref<2x64x128xf32, #tpu.memory_space<vmem>> -> memref<1x64x128xf32, #tpu.memory_space<vmem>>
        %scatter3A_1475 = tpu.memref_squeeze %scatter3A_1474 : memref<1x64x128xf32, #tpu.memory_space<vmem>> -> memref<64x128xf32, #tpu.memory_space<vmem>>
        %scatter3A_1476 = arith.constant 48 : i32
        %scatter3A_1477 = arith.constant 0 : i32
        %scatter3A_1478 = tpu.memref_slice %scatter3A_1475[%scatter3A_1476, %scatter3A_1477] : memref<64x128xf32, #tpu.memory_space<vmem>> -> memref<16x128xf32, #tpu.memory_space<vmem>>
        tpu.vector_store_idx %scatter3A_1478[%and3A_1463, %add3A_199], %gather3A_1471 : memref<16x128xf32, #tpu.memory_space<vmem>>[vector<16xi32>, vector<16xi32>], vector<16xf32>,
        %add3A_1479 = arith.constant 13 : i32
        %add3A_1480 = vector.broadcast %add3A_1479 : i32 to vector<16xi32>
        %add3A_1481 = arith.addi %iota3A_161, %add3A_1480 : vector<16xi32>
        %and3A_1482 = arith.constant 15 : i32
        %and3A_1483 = vector.broadcast %and3A_1482 : i32 to vector<16xi32>
        %and3A_1484 = arith.andi %add3A_1481, %and3A_1483 : vector<16xi32>
        %add3A_1485 = arith.constant 48 : i32
        %add3A_1486 = vector.broadcast %add3A_1485 : i32 to vector<16xi32>
        %add3A_1487 = arith.addi %and3A_1484, %add3A_1486 : vector<16xi32>
        %gather3A_1488 = arith.constant 0 : i32
        %gather3A_1489 = arith.constant 0 : i32
        %gather3A_1490 = tpu.memref_slice %arg6[%scan3A_163, %gather3A_1488, %gather3A_1489] : memref<2x128x128xf32, #tpu.memory_space<vmem>> -> memref<1x128x128xf32, #tpu.memory_space<vmem>>
        %gather3A_1491 = tpu.memref_squeeze %gather3A_1490 : memref<1x128x128xf32, #tpu.memory_space<vmem>> -> memref<128x128xf32, #tpu.memory_space<vmem>>
        %gather3A_1492 = tpu.vector_load_idx %gather3A_1491[%add3A_199, %add3A_1487] : memref<128x128xf32, #tpu.memory_space<vmem>>[vector<16xi32>, vector<16xi32>], vector<16xf32>,
        %scatter3A_1493 = arith.constant 0 : i32
        %scatter3A_1494 = arith.constant 0 : i32
        %scatter3A_1495 = tpu.memref_slice %arg7[%scan3A_164, %scatter3A_1493, %scatter3A_1494] : memref<2x64x128xf32, #tpu.memory_space<vmem>> -> memref<1x64x128xf32, #tpu.memory_space<vmem>>
        %scatter3A_1496 = tpu.memref_squeeze %scatter3A_1495 : memref<1x64x128xf32, #tpu.memory_space<vmem>> -> memref<64x128xf32, #tpu.memory_space<vmem>>
        %scatter3A_1497 = arith.constant 48 : i32
        %scatter3A_1498 = arith.constant 0 : i32
        %scatter3A_1499 = tpu.memref_slice %scatter3A_1496[%scatter3A_1497, %scatter3A_1498] : memref<64x128xf32, #tpu.memory_space<vmem>> -> memref<16x128xf32, #tpu.memory_space<vmem>>
        tpu.vector_store_idx %scatter3A_1499[%and3A_1484, %add3A_199], %gather3A_1492 : memref<16x128xf32, #tpu.memory_space<vmem>>[vector<16xi32>, vector<16xi32>], vector<16xf32>,
        %add3A_1500 = arith.constant 14 : i32
        %add3A_1501 = vector.broadcast %add3A_1500 : i32 to vector<16xi32>
        %add3A_1502 = arith.addi %iota3A_161, %add3A_1501 : vector<16xi32>
        %and3A_1503 = arith.constant 15 : i32
        %and3A_1504 = vector.broadcast %and3A_1503 : i32 to vector<16xi32>
        %and3A_1505 = arith.andi %add3A_1502, %and3A_1504 : vector<16xi32>
        %add3A_1506 = arith.constant 48 : i32
        %add3A_1507 = vector.broadcast %add3A_1506 : i32 to vector<16xi32>
        %add3A_1508 = arith.addi %and3A_1505, %add3A_1507 : vector<16xi32>
        %gather3A_1509 = arith.constant 0 : i32
        %gather3A_1510 = arith.constant 0 : i32
        %gather3A_1511 = tpu.memref_slice %arg6[%scan3A_163, %gather3A_1509, %gather3A_1510] : memref<2x128x128xf32, #tpu.memory_space<vmem>> -> memref<1x128x128xf32, #tpu.memory_space<vmem>>
        %gather3A_1512 = tpu.memref_squeeze %gather3A_1511 : memref<1x128x128xf32, #tpu.memory_space<vmem>> -> memref<128x128xf32, #tpu.memory_space<vmem>>
        %gather3A_1513 = tpu.vector_load_idx %gather3A_1512[%add3A_199, %add3A_1508] : memref<128x128xf32, #tpu.memory_space<vmem>>[vector<16xi32>, vector<16xi32>], vector<16xf32>,
        %scatter3A_1514 = arith.constant 0 : i32
        %scatter3A_1515 = arith.constant 0 : i32
        %scatter3A_1516 = tpu.memref_slice %arg7[%scan3A_164, %scatter3A_1514, %scatter3A_1515] : memref<2x64x128xf32, #tpu.memory_space<vmem>> -> memref<1x64x128xf32, #tpu.memory_space<vmem>>
        %scatter3A_1517 = tpu.memref_squeeze %scatter3A_1516 : memref<1x64x128xf32, #tpu.memory_space<vmem>> -> memref<64x128xf32, #tpu.memory_space<vmem>>
        %scatter3A_1518 = arith.constant 48 : i32
        %scatter3A_1519 = arith.constant 0 : i32
        %scatter3A_1520 = tpu.memref_slice %scatter3A_1517[%scatter3A_1518, %scatter3A_1519] : memref<64x128xf32, #tpu.memory_space<vmem>> -> memref<16x128xf32, #tpu.memory_space<vmem>>
        tpu.vector_store_idx %scatter3A_1520[%and3A_1505, %add3A_199], %gather3A_1513 : memref<16x128xf32, #tpu.memory_space<vmem>>[vector<16xi32>, vector<16xi32>], vector<16xf32>,
        %add3A_1521 = arith.constant 15 : i32
        %add3A_1522 = vector.broadcast %add3A_1521 : i32 to vector<16xi32>
        %add3A_1523 = arith.addi %iota3A_161, %add3A_1522 : vector<16xi32>
        %and3A_1524 = arith.constant 15 : i32
        %and3A_1525 = vector.broadcast %and3A_1524 : i32 to vector<16xi32>
        %and3A_1526 = arith.andi %add3A_1523, %and3A_1525 : vector<16xi32>
        %add3A_1527 = arith.constant 48 : i32
        %add3A_1528 = vector.broadcast %add3A_1527 : i32 to vector<16xi32>
        %add3A_1529 = arith.addi %and3A_1526, %add3A_1528 : vector<16xi32>
        %gather3A_1530 = arith.constant 0 : i32
        %gather3A_1531 = arith.constant 0 : i32
        %gather3A_1532 = tpu.memref_slice %arg6[%scan3A_163, %gather3A_1530, %gather3A_1531] : memref<2x128x128xf32, #tpu.memory_space<vmem>> -> memref<1x128x128xf32, #tpu.memory_space<vmem>>
        %gather3A_1533 = tpu.memref_squeeze %gather3A_1532 : memref<1x128x128xf32, #tpu.memory_space<vmem>> -> memref<128x128xf32, #tpu.memory_space<vmem>>
        %gather3A_1534 = tpu.vector_load_idx %gather3A_1533[%add3A_199, %add3A_1529] : memref<128x128xf32, #tpu.memory_space<vmem>>[vector<16xi32>, vector<16xi32>], vector<16xf32>,
        %scatter3A_1535 = arith.constant 0 : i32
        %scatter3A_1536 = arith.constant 0 : i32
        %scatter3A_1537 = tpu.memref_slice %arg7[%scan3A_164, %scatter3A_1535, %scatter3A_1536] : memref<2x64x128xf32, #tpu.memory_space<vmem>> -> memref<1x64x128xf32, #tpu.memory_space<vmem>>
        %scatter3A_1538 = tpu.memref_squeeze %scatter3A_1537 : memref<1x64x128xf32, #tpu.memory_space<vmem>> -> memref<64x128xf32, #tpu.memory_space<vmem>>
        %scatter3A_1539 = arith.constant 48 : i32
        %scatter3A_1540 = arith.constant 0 : i32
        %scatter3A_1541 = tpu.memref_slice %scatter3A_1538[%scatter3A_1539, %scatter3A_1540] : memref<64x128xf32, #tpu.memory_space<vmem>> -> memref<16x128xf32, #tpu.memory_space<vmem>>
        tpu.vector_store_idx %scatter3A_1541[%and3A_1526, %add3A_199], %gather3A_1534 : memref<16x128xf32, #tpu.memory_space<vmem>>[vector<16xi32>, vector<16xi32>], vector<16xf32>,
      }
      %scan3A_169 = arith.constant 8 : i32
      %shift_right_arithmetic3A_170 = arith.constant 2 : i32
      %shift_right_arithmetic3A_171 = arith.shrsi %add3A_129, %shift_right_arithmetic3A_170 : i32
      %and3A_172 = arith.constant 3 : i32
      %and3A_173 = arith.andi %add3A_129, %and3A_172 : i32
      %mul3A_174 = arith.constant 128 : i32
      %mul3A_175 = arith.muli %and3A_173, %mul3A_174 : i32
      %add3A_176 = arith.addi %mul3A_2, %mul3A_175 : i32
      %dma_start3A_177 = arith.constant 1 : i32
      %dma_start3A_178 = arith.constant 1 : i32
      %dma_start3A_179 = arith.constant 0 : i32
      %dma_start3A_180 = arith.constant 0 : i32
      %dma_start3A_181 = tpu.memref_slice %arg7[%dma_start3A_177, %dma_start3A_179, %dma_start3A_180] : memref<2x64x128xf32, #tpu.memory_space<vmem>> -> memref<1x64x128xf32, #tpu.memory_space<vmem>>
      %dma_start3A_182 = tpu.memref_squeeze %dma_start3A_181 : memref<1x64x128xf32, #tpu.memory_space<vmem>> -> memref<64x128xf32, #tpu.memory_space<vmem>>
      %dma_start3A_183 = arith.constant 0 : i32
      %dma_start3A_184 = tpu.memref_slice %arg4[%shift_right_arithmetic3A_171, %dma_start3A_183, %add3A_176] : memref<50x64x16384xf32, #tpu.memory_space<hbm>> -> memref<1x64x128xf32, #tpu.memory_space<hbm>>
      %dma_start3A_185 = tpu.memref_squeeze %dma_start3A_184 : memref<1x64x128xf32, #tpu.memory_space<hbm>> -> memref<64x128xf32, #tpu.memory_space<hbm>>
      %dma_start3A_186 = tpu.memref_slice %arg9[%dma_start3A_178] : memref<2x!tpu.dma_semaphore, #tpu.memory_space<semaphore_mem>> -> memref<1x!tpu.dma_semaphore, #tpu.memory_space<semaphore_mem>>
      %dma_start3A_187 = tpu.memref_squeeze %dma_start3A_186 : memref<1x!tpu.dma_semaphore, #tpu.memory_space<semaphore_mem>> -> memref<!tpu.dma_semaphore, #tpu.memory_space<semaphore_mem>>
      %dma_start3A_188 = arith.constant 0 : i32
      %dma_start3A_189 = tpu.memref_slice %arg4[%shift_right_arithmetic3A_171, %dma_start3A_188, %add3A_176] : memref<50x64x16384xf32, #tpu.memory_space<hbm>> -> memref<1x64x128xf32, #tpu.memory_space<hbm>>
      %dma_start3A_190 = tpu.memref_squeeze %dma_start3A_189 : memref<1x64x128xf32, #tpu.memory_space<hbm>> -> memref<64x128xf32, #tpu.memory_space<hbm>>
      %dma_start3A_191 = arith.constant 0 : i32
      %dma_start3A_192 = arith.constant 0 : i32
      %dma_start3A_193 = tpu.memref_slice %arg7[%dma_start3A_177, %dma_start3A_191, %dma_start3A_192] : memref<2x64x128xf32, #tpu.memory_space<vmem>> -> memref<1x64x128xf32, #tpu.memory_space<vmem>>
      %dma_start3A_194 = tpu.memref_squeeze %dma_start3A_193 : memref<1x64x128xf32, #tpu.memory_space<vmem>> -> memref<64x128xf32, #tpu.memory_space<vmem>>
      tpu.enqueue_dma source(%dma_start3A_194 : memref<64x128xf32, #tpu.memory_space<vmem>>) target(%dma_start3A_190 : memref<64x128xf32, #tpu.memory_space<hbm>>) target_semaphore(%dma_start3A_187 : memref<!tpu.dma_semaphore, #tpu.memory_space<semaphore_mem>>)
    }
    %scan3A_21 = arith.constant 100 : i32
    %add3A_22 = arith.constant 256 : i32
    %add3A_23 = arith.addi %mul3A_2, %add3A_22 : i32
    %dma_wait3A = arith.constant 0 : i32
    %dma_wait3A_24 = arith.constant 49 : i32
    %dma_wait3A_25 = arith.constant 0 : i32
    %dma_wait3A_26 = arith.constant 0 : i32
    %dma_wait3A_27 = arith.constant 0 : i32
    %dma_wait3A_28 = tpu.memref_slice %arg7[%dma_wait3A, %dma_wait3A_26, %dma_wait3A_27] : memref<2x64x128xf32, #tpu.memory_space<vmem>> -> memref<1x64x128xf32, #tpu.memory_space<vmem>>
    %dma_wait3A_29 = tpu.memref_squeeze %dma_wait3A_28 : memref<1x64x128xf32, #tpu.memory_space<vmem>> -> memref<64x128xf32, #tpu.memory_space<vmem>>
    %dma_wait3A_30 = arith.constant 0 : i32
    %dma_wait3A_31 = tpu.memref_slice %arg4[%dma_wait3A_24, %dma_wait3A_30, %add3A_23] : memref<50x64x16384xf32, #tpu.memory_space<hbm>> -> memref<1x64x128xf32, #tpu.memory_space<hbm>>
    %dma_wait3A_32 = tpu.memref_squeeze %dma_wait3A_31 : memref<1x64x128xf32, #tpu.memory_space<hbm>> -> memref<64x128xf32, #tpu.memory_space<hbm>>
    %dma_wait3A_33 = tpu.memref_slice %arg9[%dma_wait3A_25] : memref<2x!tpu.dma_semaphore, #tpu.memory_space<semaphore_mem>> -> memref<1x!tpu.dma_semaphore, #tpu.memory_space<semaphore_mem>>
    %dma_wait3A_34 = tpu.memref_squeeze %dma_wait3A_33 : memref<1x!tpu.dma_semaphore, #tpu.memory_space<semaphore_mem>> -> memref<!tpu.dma_semaphore, #tpu.memory_space<semaphore_mem>>
    %dma_wait3A_35 = arith.constant 0 : i32
    %dma_wait3A_36 = tpu.memref_slice %arg4[%dma_wait3A_24, %dma_wait3A_35, %add3A_23] : memref<50x64x16384xf32, #tpu.memory_space<hbm>> -> memref<1x64x128xf32, #tpu.memory_space<hbm>>
    %dma_wait3A_37 = tpu.memref_squeeze %dma_wait3A_36 : memref<1x64x128xf32, #tpu.memory_space<hbm>> -> memref<64x128xf32, #tpu.memory_space<hbm>>
    %dma_wait3A_38 = arith.constant 0 : i32
    %dma_wait3A_39 = arith.constant 0 : i32
    %dma_wait3A_40 = tpu.memref_slice %arg7[%dma_wait3A, %dma_wait3A_38, %dma_wait3A_39] : memref<2x64x128xf32, #tpu.memory_space<vmem>> -> memref<1x64x128xf32, #tpu.memory_space<vmem>>
    %dma_wait3A_41 = tpu.memref_squeeze %dma_wait3A_40 : memref<1x64x128xf32, #tpu.memory_space<vmem>> -> memref<64x128xf32, #tpu.memory_space<vmem>>
    tpu.wait_dma2 semaphore(%dma_wait3A_34 : memref<!tpu.dma_semaphore, #tpu.memory_space<semaphore_mem>>) src(%dma_wait3A_41 : memref<64x128xf32, #tpu.memory_space<vmem>>) dst(%dma_wait3A_37 : memref<64x128xf32, #tpu.memory_space<hbm>>)
    %add3A_42 = arith.constant 384 : i32
    %add3A_43 = arith.addi %mul3A_2, %add3A_42 : i32
    %dma_wait3A_44 = arith.constant 1 : i32
    %dma_wait3A_45 = arith.constant 49 : i32
    %dma_wait3A_46 = arith.constant 1 : i32
    %dma_wait3A_47 = arith.constant 0 : i32
    %dma_wait3A_48 = arith.constant 0 : i32
    %dma_wait3A_49 = tpu.memref_slice %arg7[%dma_wait3A_44, %dma_wait3A_47, %dma_wait3A_48] : memref<2x64x128xf32, #tpu.memory_space<vmem>> -> memref<1x64x128xf32, #tpu.memory_space<vmem>>
    %dma_wait3A_50 = tpu.memref_squeeze %dma_wait3A_49 : memref<1x64x128xf32, #tpu.memory_space<vmem>> -> memref<64x128xf32, #tpu.memory_space<vmem>>
    %dma_wait3A_51 = arith.constant 0 : i32
    %dma_wait3A_52 = tpu.memref_slice %arg4[%dma_wait3A_45, %dma_wait3A_51, %add3A_43] : memref<50x64x16384xf32, #tpu.memory_space<hbm>> -> memref<1x64x128xf32, #tpu.memory_space<hbm>>
    %dma_wait3A_53 = tpu.memref_squeeze %dma_wait3A_52 : memref<1x64x128xf32, #tpu.memory_space<hbm>> -> memref<64x128xf32, #tpu.memory_space<hbm>>
    %dma_wait3A_54 = tpu.memref_slice %arg9[%dma_wait3A_46] : memref<2x!tpu.dma_semaphore, #tpu.memory_space<semaphore_mem>> -> memref<1x!tpu.dma_semaphore, #tpu.memory_space<semaphore_mem>>
    %dma_wait3A_55 = tpu.memref_squeeze %dma_wait3A_54 : memref<1x!tpu.dma_semaphore, #tpu.memory_space<semaphore_mem>> -> memref<!tpu.dma_semaphore, #tpu.memory_space<semaphore_mem>>
    %dma_wait3A_56 = arith.constant 0 : i32
    %dma_wait3A_57 = tpu.memref_slice %arg4[%dma_wait3A_45, %dma_wait3A_56, %add3A_43] : memref<50x64x16384xf32, #tpu.memory_space<hbm>> -> memref<1x64x128xf32, #tpu.memory_space<hbm>>
    %dma_wait3A_58 = tpu.memref_squeeze %dma_wait3A_57 : memref<1x64x128xf32, #tpu.memory_space<hbm>> -> memref<64x128xf32, #tpu.memory_space<hbm>>
    %dma_wait3A_59 = arith.constant 0 : i32
    %dma_wait3A_60 = arith.constant 0 : i32
    %dma_wait3A_61 = tpu.memref_slice %arg7[%dma_wait3A_44, %dma_wait3A_59, %dma_wait3A_60] : memref<2x64x128xf32, #tpu.memory_space<vmem>> -> memref<1x64x128xf32, #tpu.memory_space<vmem>>
    %dma_wait3A_62 = tpu.memref_squeeze %dma_wait3A_61 : memref<1x64x128xf32, #tpu.memory_space<vmem>> -> memref<64x128xf32, #tpu.memory_space<vmem>>
    tpu.wait_dma2 semaphore(%dma_wait3A_55 : memref<!tpu.dma_semaphore, #tpu.memory_space<semaphore_mem>>) src(%dma_wait3A_62 : memref<64x128xf32, #tpu.memory_space<vmem>>) dst(%dma_wait3A_58 : memref<64x128xf32, #tpu.memory_space<hbm>>)
    return
  }
}

</mosaic_0001>

<sc_bundles>
// kernel: kernel.3.cloned.1.call-start
scs
__scs_entry_jumppad:
0x0: {  	(pc) =	sbr.rel $0x88, $3  }
0x1: {  	(tag) =	ssettag $0x0;
	lr =	simm.s32 $0x1  }
0x2: {  	[smem:$0x3F9F] =	sst lr;
	_ =	strace $0xD0000000  }
0x3: {  	_ = 	snop  }
0x4: {  	_ = 	snop  }
0x5: {  	_ = 	snop  }
0x6: {  	_ = 	snop  }
0x7: {  	_ = 	snop  }
__scs_overlays_trampoline_lowered:
0x8: {  	[smem:$0x3FAE] =	sst s0  }
0x9: {  	[smem:$0x3FAF] =	sst s1  }
0xa: {  	[smem:$0x3FB0] =	sst s2  }
0xb: {  	[smem:$0x3FB1] =	sst s3  }
0xc: {  	[smem:$0x3FB2] =	sst s4  }
0xd: {  	[smem:$0x3FB3] =	sst s5  }
0xe: {  	[smem:$0x3FB4] =	sst s6  }
0xf: {  	[smem:$0x3FB5] =	sst s7  }
0x10: {  	[smem:$0x3FB6] =	sst s8  }
0x11: {  	[smem:$0x3FB7] =	sst s9;
	s0 =	simm.s32 @!p0 $0x0  }
0x12: {  	s1 =	sld [smem:$0x3F9D];
	s0 =	simm.s32 @p0 $0x1  }
0x13: {  	[smem:$0x3FB8] =	sst s0;
	s0 =	simm.s32 @!p1 $0x0  }
0x14: {  	s2 =	sld [smem:$0x3F9C];
	s0 =	simm.s32 @p1 $0x1  }
0x15: {  	[smem:$0x3FB9] =	sst s0;
	s0 =	simm.s32 @!p2 $0x0  }
0x16: {  	s3 =	sld [smem:$0x3FDB];
	s0 =	simm.s32 @p2 $0x1  }
0x17: {  	s4 =	simm.s32 $0x1BF5;
	[smem:$0x3FBB] =	sst s0  }
0x18: {  	s0 =	sld [smem:$0x3F9E];
	_ =	swait.ge [sflag:s4], $0x0  }
0x19: {  	s7 =	sld [smem:$0x3F9F]  }
0x1a: {  	s8 =	sadd.s32 $0xFFFFE003, lr  }
0x1b: {  	s9 =	sadd.s32 $0xFFFFFEF7, lr;
	s5 =	simm.s32 $0xFFFFFFFF;
	p2 =	slt.u32 s8, $0xFFFFF086  }
0x1c: {  	p1 =	slt.u32 s9, $0xF7A;
	s5 =	simm.s32 @!p2 $0x0  }
0x1d: {  	s5 =	simm.s32 @p1 $0x1;
	p0 =	seq.s32 s7, s2  }
0x1e: {  	s7 =	smul.u32 @!p0 $0xF7A, s2;
	p2 =	seq.s32 @!p0 s5, $0x0  }
0x1f: {  	s9 =	smul.u32 $0xF7A, s1;
	s8 =	simm.s32 @!p0 $0x1BF5;
	p2 =	por !p2, p0  }
0x20: {  	[sflag:s8] =	ssyncset.s32 @!p0 $0xFFFFF086;
	s6 =	sadd.s32 @!p0 s3, s7;
	s7 =	simm.s32 @!p0 $0x108  }
0x21: {  	s3 =	sadd.s32 s3, s9;
	s6 =	sadd.s32 @!p0 $0x88, s6;
	s7 =	simm.s32 @p2 $0x1082  }
0x22: {  	[simem:s7], [sflag:s8] =	dma.local @!p0 [hbm:s6], $0xF7A  }
0x23: {  	s9 =	sor.u32 $0xD0000000, s2;
	s6 =	simm.s32 $0x108;
	_ =	swait.ge @!p0 [sflag:s8], $0x0  }
0x24: {  	s3 =	sadd.s32 $0x88, s3;
	s6 =	simm.s32 @!p1 $0x1082;
	[sflag:s4] =	ssyncset.s32 $0xFFFFF086  }
0x25: {  	[simem:s6], [sflag:s4] =	dma.local [hbm:s3], $0xF7A  }
0x26: {  	[smem:$0x3F9F] =	sst s1;
	(tag) =	ssettag s2;
	_ =	strace s9  }
0x27: {  	s1 =	sld [smem:$0x3FAF]  }
0x28: {  	s2 =	sld [smem:$0x3FB0]  }
0x29: {  	s4 =	sld [smem:$0x3FB2]  }
0x2a: {  	p0 =	seq.s32 s5, $0x0;
	s5 =	sld [smem:$0x3FB3]  }
0x2b: {  	s6 =	sld [smem:$0x3FB4]  }
0x2c: {  	s7 =	sld [smem:$0x3FB5]  }
0x2d: {  	s3 =	simm.s32 $0x108;
	s8 =	sld [smem:$0x3FB6]  }
0x2e: {  	s3 =	simm.s32 @!p0 $0x1082;
	s9 =	sld [smem:$0x3FB7]  }
0x2f: {  	lr =	sadd.s32 s0, s3;
	s0 =	sld [smem:$0x3FAE]  }
0x30: {  	s3 =	sld [smem:$0x3FB1]  }
0x31: {  	[smem:$0x3FBA] =	sst s10  }
0x32: {  	s10 =	sld [smem:$0x3FB8];
	_ =	sdelay $0x3  }
0x33: {  	p0 =	seq.s32 s10, $0x1;
	s10 =	sld [smem:$0x3FBA];
	_ =	sdelay $0x3  }
0x34: {  	[smem:$0x3FBA] =	sst s10  }
0x35: {  	s10 =	sld [smem:$0x3FB9];
	_ =	sdelay $0x3  }
0x36: {  	p1 =	seq.s32 s10, $0x1;
	s10 =	sld [smem:$0x3FBA];
	_ =	sdelay $0x3  }
0x37: {  	[smem:$0x3FBA] =	sst s10  }
0x38: {  	s10 =	sld [smem:$0x3FBB]  }
0x39: {  	_ = 	snop;
	(pc) =	sbr.ind lr, $3  }
0x3a: {  	_ = 	snop  }
0x3b: {  	_ = 	snop  }
0x3c: {  	p2 =	seq.s32 s10, $0x1;
	s10 =	sld [smem:$0x3FBA]  }
0x3d: {  	_ =	shalt  }
0x3e: {  	_ =	shalt  }
0x3f: {  	_ =	shalt  }
0x40: {  	_ =	shalt  }
0x41: {  	_ =	shalt  }
0x42: {  	_ =	shalt  }
0x43: {  	_ =	shalt  }
0x44: {  	_ =	shalt  }
0x45: {  	_ =	shalt  }
0x46: {  	_ =	shalt  }
0x47: {  	_ =	shalt  }
0x48: {  	_ =	shalt  }
0x49: {  	_ =	shalt  }
0x4a: {  	_ =	shalt  }
0x4b: {  	_ =	shalt  }
0x4c: {  	_ =	shalt  }
0x4d: {  	_ =	shalt  }
0x4e: {  	_ =	shalt  }
0x4f: {  	_ =	shalt  }
0x50: {  	_ =	shalt  }
0x51: {  	_ =	shalt  }
0x52: {  	_ =	shalt  }
0x53: {  	_ =	shalt  }
0x54: {  	_ =	shalt  }
0x55: {  	_ =	shalt  }
0x56: {  	_ =	shalt  }
0x57: {  	_ =	shalt  }
0x58: {  	_ =	shalt  }
0x59: {  	_ =	shalt  }
0x5a: {  	_ =	shalt  }
0x5b: {  	_ =	shalt  }
0x5c: {  	_ =	shalt  }
0x5d: {  	_ =	shalt  }
0x5e: {  	_ =	shalt  }
0x5f: {  	_ =	shalt  }
0x60: {  	_ =	shalt  }
0x61: {  	_ =	shalt  }
0x62: {  	_ =	shalt  }
0x63: {  	_ =	shalt  }
0x64: {  	_ =	shalt  }
0x65: {  	_ =	shalt  }
0x66: {  	_ =	shalt  }
0x67: {  	_ =	shalt  }
0x68: {  	_ =	shalt  }
0x69: {  	_ =	shalt  }
0x6a: {  	_ =	shalt  }
0x6b: {  	_ =	shalt  }
0x6c: {  	_ =	shalt  }
0x6d: {  	_ =	shalt  }
0x6e: {  	_ =	shalt  }
0x6f: {  	_ =	shalt  }
0x70: {  	_ =	shalt  }
0x71: {  	_ =	shalt  }
0x72: {  	_ =	shalt  }
0x73: {  	_ =	shalt  }
0x74: {  	_ =	shalt  }
0x75: {  	_ =	shalt  }
0x76: {  	_ =	shalt  }
0x77: {  	_ =	shalt  }
0x78: {  	_ =	shalt  }
0x79: {  	_ =	shalt  }
0x7a: {  	_ =	shalt  }
0x7b: {  	_ =	shalt  }
0x7c: {  	_ =	shalt  }
0x7d: {  	_ =	shalt  }
0x7e: {  	_ =	shalt  }
0x7f: {  	_ =	shalt  }
0x80: {  	_ =	shalt  }
0x81: {  	_ =	shalt  }
0x82: {  	_ =	shalt  }
0x83: {  	_ =	shalt  }
0x84: {  	_ =	shalt  }
0x85: {  	_ =	shalt  }
0x86: {  	_ =	shalt  }
0x87: {  	_ =	shalt  }
.Lfunc_end0:
.L_simem_size_0:
called_computation_lowered:
.L_overlay_start_0:
0x88: {  	s2 =	sld [smem:$0x3FD9]  }
0x89: {  	s3 =	sld [smem:$0x3FFE];
	_ =	sdelay $0x1  }
0x8a: {  	s1 =	srdreg.scid  }
0x8b: {  	s0 =	sand.u32 $0x1, s1  }
0x8c: {  	s17 =	sshll.u32 s0, $0xA;
	s2 =	sadd.s32 s3, s2  }
0x8d: {  	s2 =	sadd.s32 s2, s17  }
0x8e: {  	[smem:$0x3FC6] =	sst s2  }
0x8f: {  	_ = 	snop  }
0x90: {  	s2 =	sld [smem:$0x3FC9]  }
0x91: {  	s18 =	sld [smem:$0x3FD0];
	(tm) =	ssettm $0x1  }
0x92: {  	s4 =	sld [smem:$0x3FFB];
	_ =	sdelay $0x3  }
0x93: {  	_ =	strace s4  }
0x94: {  	s4 =	sld [smem:$0x3FFC];
	_ =	sdelay $0x3  }
0x95: {  	_ =	strace s4  }
0x96: {  	s4 =	sld [smem:$0x3FFD];
	_ =	sdelay $0x3  }
0x97: {  	_ =	strace s4  }
0x98: {  	_ =	strace $0x8FFFFFFF  }
0x99: {  	s19 =	sld [smem:$0x3FDB];
	_ =	sdelay $0x1  }
0x9a: {  	s5 =	simm.s32 $_scs_section_size  }
0x9b: {  	s6 =	simm.s32 $_size__tile_overlayer_lowered;
	s7 =	simm.s32 $_tile_overlayer_lowered  }
0x9c: {  	s22 =	simm.s32 $0x1BFF;
	s21 =	sshll.u32 s7, $0x1;
	s4 =	sadd.s32 s5, s19  }
0x9d: {  	s8 =	simm.s32 $0x0;
	s20 =	sshll.u32 s6, $0x1;
	s6 =	sadd.s32 s21, s4  }
0x9e: {  	[timem:s8], [sflag:s22] =	dma.local [hbm:s6], s20  }
0x9f: {  	_ =	swait.ge [sflag:s22], s20  }
0xa0: {  	s5 =	ssub.s32 $0x0, s20;
	[sflag:s22] =	ssyncset.done $0x0  }
0xa1: {  	[sflag:s22] =	ssyncadd.s32 s5;
	_ =	sdelay $0x1  }
0xa2: {  	s23 =	simm.s32 $0x1B8B  }
0xa3: {  	_ =	swait.ge [sflag:s23], $0x1  }
0xa4: {  	[sflag:s23] =	ssyncset.done $0x0  }
0xa5: {  	s25 =	simm.s32 $0x1B8E;
	s24 =	sld [smem:$0x3FFE];
	[sflag:s23] =	ssyncadd.s32 $0xFFFFFFFF  }
0xa6: {  	s26 =	simm.s32 $execute0_lowered;
	[smem:$0x3FD2] =	sst s25  }
0xa7: {  	s6 =	sshll.u32 s26, $0x1;
	_ =	strace $0x80000046;
	[dreg:$0x1] =	wrdreg $0xFFFFFFFF  }
0xa8: {  	s28 =	simm.s32 $_size_execute0_lowered;
	s4 =	sadd.s32 s4, s6;
	[dreg:$0x0] =	wrdreg $0x0  }
0xa9: {  	s6 =	sshll.u32 s28, $0x1;
	[dreg:$0x2] =	wrdreg s4  }
0xaa: {  	[dreg:$0x3] =	wrdreg s6  }
0xab: {  	[dreg:$0x4] =	wrdreg $0xC0  }
0xac: {  	_ =	task [dreg:s8], $0x5FFFF  }
0xad: {  	[dreg:$0x1] =	wrdreg $0xFFFFFFFF  }
0xae: {  	[dreg:$0x0] =	wrdreg $0x60  }
0xaf: {  	[dreg:$0x2] =	wrdreg s2  }
0xb0: {  	[dreg:$0x3] =	wrdreg s24  }
0xb1: {  	[dreg:$0x4] =	wrdreg s18  }
0xb2: {  	[dreg:$0x5] =	wrdreg $0x9  }
0xb3: {  	_ =	task.clear_ibuf [dreg:s8], $0x6FFFF;
	_ =	strace $0x90000046  }
0xb4: {  	s29 =	simm.s32 $0x9;
	_ =	strace $0x80000048  }
0xb5: {  	_ =	swait.ge [sflag:s29], $0x1  }
0xb6: {  	[sflag:s29] =	ssyncadd.s32 $0xFFFFFFFF  }
0xb7: {  	_ =	strace $0x90000048  }
0xb8: {  	_ =	sfence  }
0xb9: {  	s30 =	sld [smem:$0x0];
	_ =	sdelay $0x2  }
0xba: {  	s31 =	sshll.u32 s1, $0xD;
	s1 =	sshrl.u32 s1, $0x2  }
0xbb: {  	s3 =	sand.u32 $0x4000, s31;
	s1 =	sadd.s32 s1, s30  }
0xbc: {  	s0 =	sor.u32 s3, s0;
	s1 =	sshll.u32 s1, $0x11  }
0xbd: {  	s0 =	sor.u32 s1, s0  }
0xbe: {  	s0 =	sadd.s32 $0x8F2B, s0  }
0xbf: {  	[sflag:s0] =	ssyncadd.remote.s32 $0x1  }
0xc0: {  	_ =	sfence.sel $0xFFFF  }
0xc1: {  	[dreg:$0x0] =	wrdreg $0xFFFFFFFF;
	(pc) =	sbr.abs _section_cstart, $3  }
0xc2: {  	[dreg:$0x1] =	wrdreg $0xFFFFFFFF  }
0xc3: {  	_ =	task.clear_ibuf [dreg:s8], $0x2FFFF;
	_ =	strace $0x9FFFFFFF  }
0xc4: {  	(tm) =	ssettm $0x7FFFFFFF  }
0xc5: {  	_ =	shalt  }
tec
execute0_lowered:
.L_overlay_start_1:
0x0: {  	(tag) =	ssettag $0x1  }
0x1: {  	vm5 =	vcmask $0x300;
	v1 =	vimm.s32 $0xF;
	vm8 =	vcmask $0x704  }
0x2: {  	v2 =	vimm.s32 $0x87654321;
	vm9 =	vcmask $0xB08;
	vm10 =	vcmask $0xF0C  }
0x3: {  	vm11 =	vcmask $0x1310;
	vm12 =	vcmask $0x1714;
	vm6 =	vcmask $0x1B18  }
0x4: {  	vm7 =	vcmask $0x1F1C;
	vm0 =	vcmask $0x2320;
	v4 =	vimm.s32 $0x8F  }
0x5: {  	vm1 =	vcmask $0x2724;
	vm2 =	vcmask $0x2B28;
	vm3 =	vcmask $0x2F2C  }
0x6: {  	vm4 =	vcmask $0x3330;
	vm13 =	vcmask $0x3734;
	v45 =	vimm.s32 $0x10FEDCBA  }
0x7: {  	v5 =	vimm.s32 $0x98765432;
	vm14 =	vcmask $0x3B38;
	v46 =	vimm.s32 $0x10F  }
0x8: {  	v51 =	vimm.s32 $0x210FEDCB;
	v8 =	vimm.s32 $0xA9876543;
	v12 =	vimm.s32 $0x28F  }
0x9: {  	v15 =	vimm.s32 $0xEDCBA987;
	v1 =	vsel vm5, $0x80, v1;
	v2 =	vunpack.c.l.s4.s8 v2  }
0xa: {  	v4 =	vsel vm5, $0x100, v4;
	v5 =	vunpack.c.l.s4.s8 v5;
	v49 =	vsel vm5, $0x180, v46  }
0xb: {  	v8 =	vunpack.c.l.s4.s8 v8;
	v12 =	vsel vm5, $0x300, v12;
	v1 =	vsel vm8, $0x101, v1  }
0xc: {  	v4 =	vsel vm8, $0x181, v4;
	v1 =	vsel vm9, $0x182, v1;
	v41 =	vunpack.c.0.s8.s32 v2  }
0xd: {  	v4 =	vsel vm9, $0x202, v4;
	v7 =	vunpack.c.0.s8.s32 v5;
	v3 =	vsel vm10, $0x203, v1  }
0xe: {  	v5 =	vunpack.c.l.s4.s8 v51;
	v4 =	vsel vm10, $0x283, v4;
	v42 =	vsel vm11, $0x284, v3  }
0xf: {  	v54 =	vunpack.c.0.s8.s32 v8;
	v44 =	vsel vm11, $0x304, v4;
	v2 =	vsel vm12, $0x305, v42  }
0x10: {  	v8 =	vimm.s32 $0x18F;
	v3 =	vsel vm12, $0x385, v44;
	v2 =	vsel vm6, $0x386, v2  }
0x11: {  	v8 =	vsel vm5, $0x200, v8;
	v3 =	vsel vm6, $0x406, v3;
	v2 =	vsel vm7, $0x407, v2  }
0x12: {  	v4 =	vunpack.c.l.s4.s8 v45;
	v3 =	vsel vm7, $0x487, v3;
	v2 =	vsel vm0, $0x488, v2  }
0x13: {  	v53 =	vunpack.c.0.s8.s32 v5;
	v3 =	vsel vm0, $0x508, v3;
	v2 =	vsel vm1, $0x509, v2  }
0x14: {  	v57 =	vsel vm8, $0x281, v8;
	v3 =	vsel vm1, $0x589, v3;
	v2 =	vsel vm2, $0x58A, v2  }
0x15: {  	v47 =	vsel vm2, $0x60A, v3;
	v3 =	vsel vm8, $0x201, v49;
	v2 =	vsel vm3, $0x60B, v2  }
0x16: {  	v8 =	vimm.s32 $0x3210FEDC;
	v3 =	vsel vm9, $0x282, v3;
	v2 =	vsel vm4, $0x68C, v2  }
0x17: {  	v8 =	vunpack.c.l.s4.s8 v8;
	v3 =	vsel vm10, $0x303, v3;
	v2 =	vsel vm13, $0x70D, v2  }
0x18: {  	v9 =	vsel vm11, $0x384, v3;
	v30 =	vsel vm14, $0x78E, v2;
	v2 =	vsel vm3, $0x68B, v47  }
0x19: {  	v55 =	vsel vm12, $0x405, v9;
	v9 =	vcombine.low v54, v53;
	v52 =	vsel vm4, $0x70C, v2  }
0x1a: {  	v6 =	vunpack.c.0.s8.s32 v4;
	v5 =	vsel vm6, $0x486, v55;
	v4 =	vsel vm13, $0x78D, v52  }
0x1b: {  	v5 =	vsel vm7, $0x507, v5;
	v62 =	vand.u32 $0xF, v9;
	v9 =	vimm.s32 $0xBA987654  }
0x1c: {  	v29 =	vsel vm14, $0xE, v4;
	v56 =	vsel vm0, $0x588, v5;
	v5 =	vsel vm9, $0x302, v57  }
0x1d: {  	v9 =	vunpack.c.l.s4.s8 v9;
	v4 =	vsel vm1, $0x609, v56;
	v5 =	vsel vm10, $0x383, v5  }
0x1e: {  	v58 =	vunpack.c.0.s8.s32 v8;
	v4 =	vsel vm2, $0x68A, v4;
	v5 =	vsel vm11, $0x404, v5  }
0x1f: {  	v59 =	vunpack.c.0.s8.s32 v9;
	v9 =	vimm.s32 $0x20F;
	v4 =	vsel vm3, $0x70B, v4  }
0x20: {  	v5 =	vsel vm12, $0x485, v5;
	v9 =	vsel vm5, $0x280, v9;
	v10 =	vsel vm4, $0x78C, v4  }
0x21: {  	v8 =	vsel vm6, $0x506, v5;
	v11 =	vcombine.low v59, v58;
	v9 =	vsel vm8, $0x301, v9  }
0x22: {  	v8 =	vsel vm7, $0x587, v8;
	v10 =	vsel vm13, $0xD, v10;
	v9 =	vsel vm9, $0x382, v9  }
0x23: {  	v8 =	vsel vm0, $0x608, v8;
	v21 =	vsel vm14, $0x8E, v10;
	v22 =	vand.u32 $0xF, v11  }
0x24: {  	v9 =	vsel vm10, $0x403, v9;
	v10 =	vimm.s32 $0x43210FED;
	v11 =	vimm.s32 $0xCBA98765  }
0x25: {  	v8 =	vsel vm1, $0x689, v8;
	v9 =	vsel vm11, $0x484, v9;
	v10 =	vunpack.c.l.s4.s8 v10  }
0x26: {  	v11 =	vunpack.c.l.s4.s8 v11;
	v8 =	vsel vm2, $0x70A, v8;
	v9 =	vsel vm12, $0x505, v9  }
0x27: {  	v15 =	vunpack.c.l.s4.s8 v15;
	v8 =	vsel vm3, $0x78B, v8;
	v9 =	vsel vm6, $0x586, v9  }
0x28: {  	v10 =	vunpack.c.0.s8.s32 v10;
	v13 =	vunpack.c.0.s8.s32 v11;
	v11 =	vsel vm8, $0x381, v12  }
0x29: {  	v8 =	vsel vm4, $0xC, v8;
	v9 =	vsel vm7, $0x607, v9;
	v11 =	vsel vm9, $0x402, v11  }
0x2a: {  	v9 =	vsel vm0, $0x688, v9;
	v8 =	vsel vm13, $0x8D, v8;
	v12 =	vcombine.low v13, v10  }
0x2b: {  	v11 =	vsel vm10, $0x483, v11;
	v9 =	vsel vm1, $0x709, v9;
	v23 =	vsel vm14, $0x10E, v8  }
0x2c: {  	v9 =	vsel vm2, $0x78A, v9;
	v24 =	vand.u32 $0xF, v12;
	v12 =	vimm.s32 $0x30F  }
0x2d: {  	v8 =	vsel vm3, $0xB, v9;
	v9 =	vsel vm11, $0x504, v11;
	v11 =	vimm.s32 $0x543210FE  }
0x2e: {  	v12 =	vsel vm5, $0x380, v12;
	v8 =	vsel vm4, $0x8C, v8;
	v9 =	vsel vm12, $0x585, v9  }
0x2f: {  	v12 =	vsel vm8, $0x401, v12;
	v8 =	vsel vm13, $0x10D, v8;
	v9 =	vsel vm6, $0x606, v9  }
0x30: {  	v12 =	vsel vm9, $0x482, v12;
	v25 =	vsel vm14, $0x18E, v8;
	v9 =	vsel vm7, $0x687, v9  }
0x31: {  	v8 =	vunpack.c.l.s4.s8 v11;
	v11 =	vimm.s32 $0xDCBA9876;
	v9 =	vsel vm0, $0x708, v9  }
0x32: {  	v12 =	vsel vm10, $0x503, v12;
	v11 =	vunpack.c.l.s4.s8 v11;
	v9 =	vsel vm1, $0x789, v9  }
0x33: {  	v12 =	vsel vm11, $0x584, v12;
	v8 =	vunpack.c.0.s8.s32 v8;
	v14 =	vsel vm2, $0xA, v9  }
0x34: {  	v9 =	vunpack.c.0.s8.s32 v11;
	v11 =	vsel vm3, $0x8B, v14;
	v14 =	vimm.s32 $0x6543210F  }
0x35: {  	v18 =	vsel vm12, $0x605, v12;
	v14 =	vunpack.c.l.s4.s8 v14  }
0x36: {  	v12 =	vunpack.c.0.s8.s32 v15;
	v16 =	vcombine.low v9, v8;
	v17 =	vsel vm4, $0x10C, v11  }
0x37: {  	v15 =	vsel vm13, $0x18D, v17;
	v11 =	vunpack.c.0.s8.s32 v14;
	v14 =	vsel vm6, $0x686, v18  }
0x38: {  	v17 =	vimm.s32 $0x38F;
	v26 =	vand.u32 $0xF, v16;
	v14 =	vsel vm7, $0x707, v14  }
0x39: {  	v27 =	vsel vm14, $0x20E, v15;
	v15 =	vsel vm5, $0x400, v17;
	v14 =	vsel vm0, $0x788, v14  }
0x3a: {  	v15 =	vsel vm8, $0x481, v15;
	v16 =	vcombine.low v12, v11;
	v14 =	vsel vm1, $0x9, v14  }
0x3b: {  	v0 =	vimm.s32 $0xFEDCBA9;
	v15 =	vsel vm9, $0x502, v15;
	v14 =	vsel vm2, $0x8A, v14  }
0x3c: {  	v28 =	vand.u32 $0xF, v16;
	v16 =	vimm.s32 $0x40F;
	v14 =	vsel vm3, $0x10B, v14  }
0x3d: {  	v15 =	vsel vm10, $0x583, v15;
	v16 =	vsel vm5, $0x480, v16;
	v14 =	vsel vm4, $0x18C, v14  }
0x3e: {  	v15 =	vsel vm11, $0x604, v15;
	v16 =	vsel vm8, $0x501, v16;
	v14 =	vsel vm13, $0x20D, v14  }
0x3f: {  	v63 =	vsel vm14, $0x28E, v14;
	v14 =	vsel vm12, $0x685, v15;
	v15 =	vsel vm9, $0x582, v16  }
0x40: {  	v34 =	vimm.s32 $0x50F;
	v0 =	vunpack.c.l.s4.s8 v0;
	v15 =	vsel vm10, $0x603, v15  }
0x41: {  	v37 =	vimm.s32 $0x58F;
	v14 =	vsel vm6, $0x706, v14;
	v15 =	vsel vm11, $0x684, v15  }
0x42: {  	v0 =	vunpack.c.0.s8.s32 v0;
	v14 =	vsel vm7, $0x787, v14;
	v15 =	vsel vm12, $0x705, v15  }
0x43: {  	v36 =	vsel vm5, $0x580, v34;
	v14 =	vsel vm0, $0x8, v14;
	v15 =	vsel vm6, $0x786, v15  }
0x44: {  	v43 =	vcombine.low v41, v0;
	v14 =	vsel vm1, $0x89, v14;
	v15 =	vsel vm7, $0x7, v15  }
0x45: {  	v0 =	vcombine.low v0, v41;
	v14 =	vsel vm2, $0x10A, v14;
	v15 =	vsel vm0, $0x88, v15  }
0x46: {  	v42 =	vimm.s32 $0x60F;
	v14 =	vsel vm3, $0x18B, v14;
	v15 =	vsel vm1, $0x109, v15  }
0x47: {  	v50 =	vcombine.low v7, v6;
	v14 =	vsel vm4, $0x20C, v14;
	v15 =	vsel vm2, $0x18A, v15  }
0x48: {  	v14 =	vsel vm13, $0x28D, v14;
	v61 =	vsel vm3, $0x20B, v15;
	v15 =	vimm.s32 $0x48F  }
0x49: {  	v6 =	vcombine.low v6, v7;
	v31 =	vsel vm14, $0x30E, v14;
	v14 =	vsel vm5, $0x500, v15  }
0x4a: {  	v0 =	vand.u32 $0xF, v0;
	v1 =	vsel vm4, $0x28C, v61;
	v33 =	vsel vm8, $0x581, v14  }
0x4b: {  	v32 =	vsel vm13, $0x30D, v1;
	v14 =	vand.u32 $0xF, v6;
	v1 =	vsel vm9, $0x602, v33  }
0x4c: {  	v6 =	vsel vm5, $0x600, v37;
	v35 =	vsel vm10, $0x683, v1;
	v1 =	vsel vm8, $0x601, v36  }
0x4d: {  	[tilespmem:$0x1FAA0] =	vst v0;
	v49 =	vsel vm14, $0x38E, v32;
	v0 =	vsel vm11, $0x704, v35;
	v1 =	vsel vm9, $0x682, v1  }
0x4e: {  	v6 =	vsel vm8, $0x681, v6;
	v0 =	vsel vm12, $0x785, v0;
	v1 =	vsel vm10, $0x703, v1  }
0x4f: {  	v6 =	vsel vm9, $0x702, v6;
	v0 =	vsel vm6, $0x6, v0;
	v1 =	vsel vm11, $0x784, v1  }
0x50: {  	v6 =	vsel vm10, $0x783, v6;
	v0 =	vsel vm7, $0x87, v0;
	v1 =	vsel vm12, $0x5, v1  }
0x51: {  	v6 =	vsel vm11, $0x4, v6;
	v0 =	vsel vm0, $0x108, v0;
	v1 =	vsel vm6, $0x86, v1  }
0x52: {  	v6 =	vsel vm12, $0x85, v6;
	v0 =	vsel vm1, $0x189, v0;
	v1 =	vsel vm7, $0x107, v1  }
0x53: {  	v6 =	vsel vm6, $0x106, v6;
	v0 =	vsel vm2, $0x20A, v0;
	v1 =	vsel vm0, $0x188, v1  }
0x54: {  	v6 =	vsel vm7, $0x187, v6;
	v0 =	vsel vm3, $0x28B, v0;
	v1 =	vsel vm1, $0x209, v1  }
0x55: {  	v38 =	vsel vm0, $0x208, v6;
	v0 =	vsel vm4, $0x30C, v0;
	v1 =	vsel vm2, $0x28A, v1  }
0x56: {  	v40 =	vsel vm1, $0x289, v38;
	v0 =	vsel vm13, $0x38D, v0;
	v1 =	vsel vm3, $0x30B, v1  }
0x57: {  	v33 =	vsel vm14, $0x40E, v0;
	v39 =	vsel vm4, $0x38C, v1;
	v1 =	vsel vm2, $0x30A, v40  }
0x58: {  	v0 =	vsel vm13, $0x40D, v39;
	v41 =	vsel vm3, $0x38B, v1;
	v1 =	vsel vm5, $0x680, v42  }
0x59: {  	v32 =	vsel vm14, $0x48E, v0;
	v0 =	vsel vm4, $0x40C, v41;
	v1 =	vsel vm8, $0x701, v1  }
0x5a: {  	v46 =	vimm.s32 $0x68F;
	v0 =	vsel vm13, $0x48D, v0;
	v45 =	vsel vm9, $0x782, v1  }
0x5b: {  	v1 =	vsel vm5, $0x700, v46;
	v37 =	vsel vm14, $0x50E, v0;
	v0 =	vsel vm10, $0x3, v45  }
0x5c: {  	v1 =	vsel vm8, $0x781, v1;
	v0 =	vsel vm11, $0x84, v0  }
0x5d: {  	v1 =	vsel vm9, $0x2, v1;
	v0 =	vsel vm12, $0x105, v0  }
0x5e: {  	v60 =	vimm.s32 $0x11101F1E;
	v1 =	vsel vm10, $0x83, v1;
	v0 =	vsel vm6, $0x186, v0  }
0x5f: {  	v19 =	vand.u32 $0xF, v50;
	v1 =	vsel vm11, $0x104, v1;
	v0 =	vsel vm7, $0x207, v0  }
0x60: {  	v47 =	vimm.s32 $0x70F;
	v1 =	vsel vm12, $0x185, v1;
	v0 =	vsel vm0, $0x288, v0  }
0x61: {  	v2 =	vcombine.low v53, v54;
	v1 =	vsel vm6, $0x206, v1;
	v0 =	vsel vm1, $0x309, v0  }
0x62: {  	v44 =	vcombine.low v10, v13;
	v1 =	vsel vm7, $0x287, v1;
	v0 =	vsel vm2, $0x38A, v0  }
0x63: {  	v15 =	vand.u32 $0xF, v2;
	v1 =	vsel vm0, $0x308, v1;
	v0 =	vsel vm3, $0x40B, v0  }
0x64: {  	v2 =	vsel vm5, $0x780, v47;
	v1 =	vsel vm1, $0x389, v1;
	v0 =	vsel vm4, $0x48C, v0  }
0x65: {  	v2 =	vsel vm8, $0x1, v2;
	v50 =	vsel vm2, $0x40A, v1;
	v0 =	vsel vm13, $0x50D, v0  }
0x66: {  	v2 =	vsel vm9, $0x82, v2;
	v13 =	vsel vm14, $0x58E, v0;
	v0 =	vsel vm3, $0x48B, v50  }
0x67: {  	v48 =	vand.u32 $0xF, v43;
	v2 =	vsel vm10, $0x103, v2;
	v0 =	vsel vm4, $0x50C, v0  }
0x68: {  	v2 =	vsel vm11, $0x184, v2;
	v41 =	vimm.s32 $0x1211101F;
	v0 =	vsel vm13, $0x58D, v0  }
0x69: {  	v2 =	vsel vm12, $0x205, v2;
	v40 =	vsel vm14, $0x60E, v0;
	v0 =	vunpack.c.0.s8.s32 v41  }
0x6a: {  	v2 =	vsel vm6, $0x286, v2;
	v38 =	vand.u32 $0xF, v44;
	v44 =	vimm.s32 $0x16151413  }
0x6b: {  	v7 =	vunpack.c.0.s8.s32 v60;
	v2 =	vsel vm7, $0x307, v2;
	[tilespmem:$0x1FAC0] =	vst v0;
	v0 =	vunpack.c.0.s8.s32 v44  }
0x6c: {  	v55 =	vimm.s32 $0x1C1B1A19;
	v47 =	vimm.s32 $0x1F1E1D1C;
	v2 =	vsel vm0, $0x388, v2  }
0x6d: {  	v57 =	vimm.s32 $0x14131211;
	v51 =	vsel vm1, $0x409, v2;
	[tilespmem:$0x1FAD0] =	vst v0;
	v0 =	vunpack.c.0.s8.s32 v47  }
0x6e: {  	v53 =	vcombine.low v11, v12;
	v1 =	vsel vm2, $0x48A, v51;
	v50 =	vimm.s32 $0x13121110  }
0x6f: {  	v43 =	vcombine.low v58, v59;
	v1 =	vsel vm3, $0x50B, v1;
	[tilespmem:$0x1FAF0] =	vst v0;
	v0 =	vunpack.c.0.s8.s32 v50  }
0x70: {  	v12 =	vand.u32 $0xF, v53;
	v53 =	vimm.s32 $0x1B1A1918;
	v1 =	vsel vm4, $0x58C, v1  }
0x71: {  	v56 =	vimm.s32 $0x101F1E1D;
	v54 =	vsel vm13, $0x60D, v1;
	[tilespmem:$0x1FB00] =	vst v0;
	v0 =	vunpack.c.0.s8.s32 v53  }
0x72: {  	v34 =	vand.u32 $0xF, v43;
	v43 =	vsel vm14, $0x68E, v54;
	v54 =	vimm.s32 $0x2C2B2A29  }
0x73: {  	v3 =	vunpack.c.0.s8.s32 v56;
	v4 =	vunpack.c.0.s8.s32 v57;
	[tilespmem:$0x1FB20] =	vst v0;
	v0 =	vunpack.c.0.s8.s32 v54  }
0x74: {  	v58 =	vimm.s32 $0x18171615;
	v59 =	vimm.s32 $0x1D1C1B1A;
	v57 =	vimm.s32 $0x24232221  }
0x75: {  	v5 =	vunpack.c.0.s8.s32 v58;
	v61 =	vimm.s32 $0x15141312;
	[tilespmem:$0x1FB30] =	vst v0;
	v0 =	vunpack.c.0.s8.s32 v57  }
0x76: {  	v58 =	vimm.s32 $0x28272625;
	v52 =	vcombine.low v8, v9;
	v8 =	vunpack.c.0.s8.s32 v61  }
0x77: {  	v2 =	vunpack.c.0.s8.s32 v55;
	v55 =	vimm.s32 $0x202F2E2D;
	[tilespmem:$0x1FB50] =	vst v0;
	v0 =	vunpack.c.0.s8.s32 v58  }
0x78: {  	v61 =	vimm.s32 $0x21202F2E;
	v35 =	vimm.s32 $0x19181716;
	v56 =	vunpack.c.0.s8.s32 v55  }
0x79: {  	v6 =	vunpack.c.0.s8.s32 v59;
	v59 =	vimm.s32 $0x2D2C2B2A;
	[tilespmem:$0x1FB60] =	vst v0;
	v0 =	vunpack.c.0.s8.s32 v61  }
0x7a: {  	v9 =	vunpack.c.0.s8.s32 v35;
	v35 =	vimm.s32 $0x25242322;
	v60 =	vunpack.c.0.s8.s32 v59;
	[tilespmem:$0x1FB40] =	vst v56  }
0x7b: {  	v55 =	vimm.s32 $0x3C3B3A39;
	[tilespmem:$0x1FB80] =	vst v0;
	v0 =	vunpack.c.0.s8.s32 v35  }
0x7c: {  	[tilespmem:$0x1FB70] =	vst v60;
	v56 =	vunpack.c.0.s8.s32 v55;
	v41 =	vimm.s32 $0x2E2D2C2B  }
0x7d: {  	v59 =	vimm.s32 $0x38373635;
	[tilespmem:$0x1FB90] =	vst v0;
	v0 =	vunpack.c.0.s8.s32 v41  }
0x7e: {  	v60 =	vunpack.c.0.s8.s32 v59;
	[tilespmem:$0x1FC30] =	vst v56;
	v44 =	vimm.s32 $0x2221202F  }
0x7f: {  	v36 =	vimm.s32 $0x1E1D1C1B;
	[tilespmem:$0x1FBB0] =	vst v0;
	v0 =	vunpack.c.0.s8.s32 v44  }
0x80: {  	[tilespmem:$0x1FC60] =	vst v60;
	v39 =	vunpack.c.0.s8.s32 v36;
	v47 =	vimm.s32 $0x2A292827  }
0x81: {  	v36 =	vimm.s32 $0x29282726;
	[tilespmem:$0x1FBC0] =	vst v0;
	v0 =	vunpack.c.0.s8.s32 v47  }
0x82: {  	[tilespmem:$0x1FAB0] =	vst v39;
	v39 =	vunpack.c.0.s8.s32 v36;
	v50 =	vimm.s32 $0x2F2E2D2C  }
0x83: {  	v45 =	vimm.s32 $0x1A191817;
	[tilespmem:$0x1FBE0] =	vst v0;
	v0 =	vunpack.c.0.s8.s32 v50  }
0x84: {  	v46 =	vunpack.c.0.s8.s32 v45;
	[tilespmem:$0x1FBA0] =	vst v39;
	v53 =	vimm.s32 $0x27262524  }
0x85: {  	v45 =	vimm.s32 $0x26252423;
	[tilespmem:$0x1FBF0] =	vst v0;
	v0 =	vunpack.c.0.s8.s32 v53  }
0x86: {  	[tilespmem:$0x1FAE0] =	vst v46;
	v46 =	vunpack.c.0.s8.s32 v45;
	v54 =	vimm.s32 $0x2B2A2928  }
0x87: {  	v51 =	vimm.s32 $0x17161514;
	[tilespmem:$0x1FC10] =	vst v0;
	v0 =	vunpack.c.0.s8.s32 v54  }
0x88: {  	v42 =	vand.u32 $0xF, v52;
	[tilespmem:$0x1FBD0] =	vst v46;
	v52 =	vunpack.c.0.s8.s32 v51;
	v57 =	vimm.s32 $0x303F3E3D  }
0x89: {  	v51 =	vimm.s32 $0x23222120;
	[tilespmem:$0x1FC20] =	vst v0;
	v0 =	vunpack.c.0.s8.s32 v57  }
0x8a: {  	[tilespmem:$0x1FB10] =	vst v52;
	v52 =	vunpack.c.0.s8.s32 v51;
	v58 =	vimm.s32 $0x34333231  }
0x8b: {  	s0 =	rddreg [dreg:$0x0];
	v36 =	vimm.s32 $0x35343332;
	[tilespmem:$0x1FC40] =	vst v0;
	v0 =	vunpack.c.0.s8.s32 v58  }
0x8c: {  	s2 =	rddreg [dreg:$0x1];
	s1 =	simm.s32 $0x0;
	v39 =	vunpack.c.0.s8.s32 v36;
	v45 =	vimm.s32 $0x3231303F;
	[tilespmem:$0x1FC00] =	vst v52  }
0x8d: {  	[smem:$0x7FF] =	sst s1;
	v46 =	vunpack.c.0.s8.s32 v45;
	v51 =	vimm.s32 $0x3F3E3D3C;
	[tilespmem:$0x1FC50] =	vst v0  }
0x8e: {  	s5 =	rddreg [dreg:$0x2];
	v55 =	vimm.s32 $0x3B3A3938;
	v52 =	vunpack.c.0.s8.s32 v51;
	_ =	strace $0x80000047;
	[tilespmem:$0x1FC90] =	vst v39  }
0x8f: {  	v10 =	vlaneseq.u32;
	v56 =	vunpack.c.0.s8.s32 v55;
	[tilespmem:$0x1FCC0] =	vst v46  }
0x90: {  	v57 =	vmul.u32 $0x81, v10;
	[tilespmem:$0x1FCF0] =	vst v52  }
0x91: {  	[tilespmem:$0x1FD20] =	vst v56  }
0x92: {  	[tilespmem:$0x1FD30] =	vst v57  }
0x93: {  	[tilespmem:$0x1FD40] =	vst v2  }
0x94: {  	[tilespmem:$0x1FD50] =	vst v3  }
0x95: {  	[tilespmem:$0x1FD60] =	vst v4  }
0x96: {  	[tilespmem:$0x1FD70] =	vst v5  }
0x97: {  	[tilespmem:$0x1FD80] =	vst v6  }
0x98: {  	[tilespmem:$0x1FD90] =	vst v7  }
0x99: {  	vm0 =	vcmask $0x1F10;
	[tilespmem:$0x1FDA0] =	vst v8  }
0x9a: {  	v58 =	vsel vm0, v3, v2;
	[tilespmem:$0x1FDB0] =	vst v9  }
0x9b: {  	v59 =	vsel vm0, v5, v4;
	[tilespmem:$0x1FDC0] =	vst v58  }
0x9c: {  	v60 =	vsel vm0, v7, v6;
	v61 =	vimm.s32 $0x3D3C3B3A;
	[tilespmem:$0x1FDD0] =	vst v59  }
0x9d: {  	v0 =	vunpack.c.0.s8.s32 v61;
	v61 =	vsel vm0, v9, v8;
	[tilespmem:$0x1FDF0] =	vst v60  }
0x9e: {  	[tilespmem:$0x1FE00] =	vst v61  }
0x9f: {  	[tilespmem:$0x1FE10] =	vst v30  }
0xa0: {  	[tilespmem:$0x1FE20] =	vst v29  }
0xa1: {  	[tilespmem:$0x1FE30] =	vst v62  }
0xa2: {  	[tilespmem:$0x1FE40] =	vst v21  }
0xa3: {  	v17 =	vimm.s32 $0xFEDCBA98;
	[tilespmem:$0x1FE50] =	vst v22  }
0xa4: {  	v17 =	vunpack.c.l.s4.s8 v17;
	v16 =	vimm.s32 $0x76543210;
	[tilespmem:$0x1FE60] =	vst v23  }
0xa5: {  	v16 =	vunpack.c.l.s4.s8 v16;
	[tilespmem:$0x1FE70] =	vst v24  }
0xa6: {  	v17 =	vunpack.c.0.s8.s32 v17;
	[tilespmem:$0x1FE80] =	vst v25  }
0xa7: {  	v16 =	vunpack.c.0.s8.s32 v16;
	[tilespmem:$0x1FE90] =	vst v26  }
0xa8: {  	v17 =	vand.u32 $0xF, v17;
	[tilespmem:$0x1FEA0] =	vst v27  }
0xa9: {  	v16 =	vcombine.low v17, v16;
	[tilespmem:$0x1FEB0] =	vst v28  }
0xaa: {  	[tilespmem:$0x1FEC0] =	vst v63  }
0xab: {  	[tilespmem:$0x1FED0] =	vst v16  }
0xac: {  	[tilespmem:$0x1FEE0] =	vst v31  }
0xad: {  	[tilespmem:$0x1FEF0] =	vst v33  }
0xae: {  	[tilespmem:$0x1FF00] =	vst v15  }
0xaf: {  	[tilespmem:$0x1FF10] =	vst v32  }
0xb0: {  	[tilespmem:$0x1FF20] =	vst v34  }
0xb1: {  	[tilespmem:$0x1FF30] =	vst v37  }
0xb2: {  	[tilespmem:$0x1FF40] =	vst v38  }
0xb3: {  	[tilespmem:$0x1FF50] =	vst v13  }
0xb4: {  	[tilespmem:$0x1FF60] =	vst v42  }
0xb5: {  	v35 =	vimm.s32 $0x31303F3E;
	[tilespmem:$0x1FF70] =	vst v40  }
0xb6: {  	[tilespmem:$0x1FC70] =	vst v0;
	v0 =	vunpack.c.0.s8.s32 v35  }
0xb7: {  	v41 =	vimm.s32 $0x39383736;
	[tilespmem:$0x1FF80] =	vst v12  }
0xb8: {  	[tilespmem:$0x1FC80] =	vst v0;
	v0 =	vunpack.c.0.s8.s32 v41  }
0xb9: {  	v17 =	vmul.u32 $0x80, v10;
	v44 =	vimm.s32 $0x3E3D3C3B;
	[tilespmem:$0x1FF90] =	vst v43  }
0xba: {  	[tilespmem:$0x1FCA0] =	vst v0;
	v0 =	vunpack.c.0.s8.s32 v44  }
0xbb: {  	v47 =	vimm.s32 $0x36353433;
	[tilespmem:$0x1FFA0] =	vst v17  }
0xbc: {  	s3 =	srdreg.scid;
	s6 =	stileid.u32;
	s8 =	simm.s32 $0x20000;
	[tilespmem:$0x1FCB0] =	vst v0;
	v0 =	vunpack.c.0.s8.s32 v47  }
0xbd: {  	s9 =	simm.s32 $0x5;
	s10 =	simm.s32 $0x80;
	s11 =	simm.s32 $0x7000;
	v50 =	vimm.s32 $0x3A393837;
	[tilespmem:$0x1FFD0] =	vst v14  }
0xbe: {  	s12 =	simm.s32 $0xB000;
	s14 =	simm.s32 $0xF000;
	s15 =	simm.s32 $0xF800;
	[tilespmem:$0x1FCD0] =	vst v0;
	v0 =	vunpack.c.0.s8.s32 v50  }
0xbf: {  	s13 =	simm.s32 $0x1;
	s16 =	simm.s32 $0x10000;
	s17 =	simm.s32 $0x10800;
	v53 =	vimm.s32 $0x33323130;
	[tilespmem:$0x1FFE0] =	vst v19  }
0xc0: {  	s18 =	simm.s32 $0x400;
	s19 =	simm.s32 $0x2;
	s21 =	simm.s32 $0x11000;
	[tilespmem:$0x1FCE0] =	vst v0;
	v0 =	vunpack.c.0.s8.s32 v53  }
0xc1: {  	s20 =	simm.s32 $0x4;
	s22 =	simm.s32 $0x11800;
	s23 =	simm.s32 $0x12000;
	v54 =	vimm.s32 $0x37363534;
	v18 =	vcombine.low v61, v60;
	[tilespmem:$0x1FFF0] =	vst v48  }
0xc2: {  	s24 =	simm.s32 $0x12800;
	s25 =	simm.s32 $0x3;
	s3 =	sand.u32 $0x1, s3;
	[tilespmem:$0x1FD00] =	vst v0;
	v0 =	vunpack.c.0.s8.s32 v54  }
0xc3: {  	s26 =	simm.s32 $0x0;
	s6 =	sshll.u32 s6, $0xA;
	s4 =	ssub.s32 $0x2, s3;
	[tilespmem:$0x1FFC0] =	vst v18  }
0xc4: {  	s7 =	sshll.u32 s3, $0x9;
	s3 =	sadd.s32 $0xF42800, s2;
	s31 =	sshrl.u32 s4, $0x1;
	v41 =	vor.u32 $0x10, v10;
	[tilespmem:$0x1FD10] =	vst v0;
	v0 =	vcombine.low v59, v58  }
0xc5: {  	s6 =	sor.u32 s7, s6;
	s7 =	simm.s32 $0x1000;
	s2 =	ssub.s32 s4, s31;
	[tilespmem:$0x1FFB0] =	vst v41  }
0xc6: {  	s4 =	sadd.s32 s0, s6;
	s5 =	sadd.s32 s5, s6;
	s6 =	smax.u32 s2, $0x1;
	[tilespmem:$0x1FDE0] =	vst v0  }
.LBB2_1:
0xc7: {  	[tilespmem:s1], [sflag:$0x5] =	stream.strided.gather [hbm4b:s4+s7], $0x7000, s8, s7, $0x38;
	[tilespmem:$0x13000] =	vst v63  }
0xc8: {  	_ =	swait.ge [sflag:s9], $0x7000  }
0xc9: {  	[sflag:s9] =	ssyncset.done $0x0  }
0xca: {  	s28 =	simm.s32 $0x0;
	[sflag:s9] =	ssyncadd.s32 $0xFFFF9000  }
0xcb: {  	[tilespmem:s11], [sflag:$0x1] =	stream.indirect.gather [hbm4b:s3+s10], $0x80, s1, s10, $0xb8;
	[tilespmem:$0x13000] =	vst v63  }
.LBB2_2:
0xcc: {  	s29 =	sshllo.u32 s28, $0x1  }
0xcd: {  	s30 =	sshll.u32 s28, $0x8;
	s0 =	sshll.u32 s29, $0xA  }
0xce: {  	s31 =	sshll.u32 s28, $0x6;
	s2 =	sand.u32 $0x7000, s30;
	s0 =	sand.u32 $0xC00, s0  }
0xcf: {  	s31 =	sand.u32 $0x380, s31;
	s2 =	sor.u32 s0, s2  }
0xd0: {  	s2 =	sor.u32 s31, s2  }
0xd1: {  	[tilespmem:s12], [sflag:$0x2] =	stream.indirect.gather [hbm4b:s3+s10], $0x80, s2, s10, $0xb8;
	[tilespmem:$0x13000] =	vst v63  }
0xd2: {  	s0 =	simm.s32 $0x0;
	_ =	swait.ge [sflag:s13], $0x4000  }
0xd3: {  	p0 =	seq.s32 s28, $0x0;
	v0 =	vmov s0;
	[sflag:s13] =	ssyncset.done $0x0  }
0xd4: {  	v0 =	vshll.u32 v0, $0x7;
	s2 =	simm.s32 @!p0 $0x3;
	[sflag:s13] =	ssyncadd.s32 $0xFFFFC000  }
0xd5: {  	v17 =	vor.u32 v17, v0;
	_ =	swait.ge @!p0 [sflag:s2], $0x2000  }
0xd6: {  	v0 =	vor.u32 v10, v17;
	v1 =	vld [tilespmem:$0x1FD30];
	_ =	sdelay $0x2  }
0xd7: {  	[sflag:s2] =	ssyncset.done @!p0 $0x0  }
0xd8: {  	[sflag:s2] =	ssyncadd.s32 @!p0 $0xFFFFE000  }
0xd9: {  	v0 =	vld.idx.msk [tilespmem:v0+s11+$0x0], $0xffff;
	v10 =	vor.u32 s0, v1  }
0xda: {  	v1 =	vor.u32 v48, v17;
	_ =	sdelay $0x3  }
0xdb: {  	[tilespmem:v10+s14+$0x0] =	vst.idx.msk $0xffff, v0  }
0xdc: {  	v0 =	vld.idx.msk [tilespmem:v1+s11+$0x0], $0xffff  }
0xdd: {  	v1 =	vld [tilespmem:$0x1FFE0];
	_ =	sdelay $0x3  }
0xde: {  	v39 =	vor.u32 s0, v30  }
0xdf: {  	v1 =	vor.u32 v1, v17;
	_ =	sdelay $0x3  }
0xe0: {  	[tilespmem:v39+s14+$0x0] =	vst.idx.msk $0xffff, v0  }
0xe1: {  	v11 =	vor.u32 s0, v29;
	v0 =	vld.idx.msk [tilespmem:v1+s11+$0x0], $0xffff  }
0xe2: {  	v1 =	vor.u32 v62, v17;
	_ =	sdelay $0x3  }
0xe3: {  	[tilespmem:v11+s14+$0x0] =	vst.idx.msk $0xffff, v0  }
0xe4: {  	v54 =	vor.u32 s0, v21;
	v0 =	vld.idx.msk [tilespmem:v1+s11+$0x0], $0xffff  }
0xe5: {  	v1 =	vor.u32 v22, v17;
	_ =	sdelay $0x3  }
0xe6: {  	[tilespmem:v54+s14+$0x0] =	vst.idx.msk $0xffff, v0  }
0xe7: {  	v53 =	vor.u32 s0, v23;
	v0 =	vld.idx.msk [tilespmem:v1+s11+$0x0], $0xffff  }
0xe8: {  	v1 =	vor.u32 v24, v17;
	_ =	sdelay $0x3  }
0xe9: {  	[tilespmem:v53+s14+$0x0] =	vst.idx.msk $0xffff, v0  }
0xea: {  	v6 =	vor.u32 s0, v25;
	v0 =	vld.idx.msk [tilespmem:v1+s11+$0x0], $0xffff  }
0xeb: {  	v1 =	vor.u32 v26, v17;
	_ =	sdelay $0x3  }
0xec: {  	[tilespmem:v6+s14+$0x0] =	vst.idx.msk $0xffff, v0  }
0xed: {  	v14 =	vor.u32 s0, v27;
	v0 =	vld.idx.msk [tilespmem:v1+s11+$0x0], $0xffff  }
0xee: {  	v1 =	vor.u32 v28, v17;
	_ =	sdelay $0x3  }
0xef: {  	[tilespmem:v14+s14+$0x0] =	vst.idx.msk $0xffff, v0  }
0xf0: {  	v52 =	vor.u32 s0, v63;
	v0 =	vld.idx.msk [tilespmem:v1+s11+$0x0], $0xffff  }
0xf1: {  	v1 =	vor.u32 v16, v17;
	_ =	sdelay $0x3  }
0xf2: {  	[tilespmem:v52+s14+$0x0] =	vst.idx.msk $0xffff, v0  }
0xf3: {  	v0 =	vld.idx.msk [tilespmem:v1+s11+$0x0], $0xffff  }
0xf4: {  	v1 =	vld [tilespmem:$0x1FAA0];
	_ =	sdelay $0x3  }
0xf5: {  	v55 =	vor.u32 s0, v31  }
0xf6: {  	v1 =	vor.u32 v1, v17;
	_ =	sdelay $0x3  }
0xf7: {  	[tilespmem:v55+s14+$0x0] =	vst.idx.msk $0xffff, v0  }
0xf8: {  	v0 =	vld.idx.msk [tilespmem:v1+s11+$0x0], $0xffff  }
0xf9: {  	v1 =	vld [tilespmem:$0x1FFD0];
	_ =	sdelay $0x3  }
0xfa: {  	v56 =	vor.u32 s0, v49  }
0xfb: {  	v1 =	vor.u32 v1, v17;
	_ =	sdelay $0x3  }
0xfc: {  	[tilespmem:v56+s14+$0x0] =	vst.idx.msk $0xffff, v0  }
0xfd: {  	v57 =	vor.u32 s0, v33;
	v0 =	vld.idx.msk [tilespmem:v1+s11+$0x0], $0xffff  }
0xfe: {  	v1 =	vor.u32 v15, v17;
	_ =	sdelay $0x3  }
0xff: {  	[tilespmem:v57+s14+$0x0] =	vst.idx.msk $0xffff, v0  }
0x100: {  	v58 =	vor.u32 s0, v32;
	v0 =	vld.idx.msk [tilespmem:v1+s11+$0x0], $0xffff  }
0x101: {  	v1 =	vor.u32 v34, v17;
	_ =	sdelay $0x3  }
0x102: {  	[tilespmem:v58+s14+$0x0] =	vst.idx.msk $0xffff, v0  }
0x103: {  	v59 =	vor.u32 s0, v37;
	v0 =	vld.idx.msk [tilespmem:v1+s11+$0x0], $0xffff  }
0x104: {  	v1 =	vor.u32 v38, v17;
	_ =	sdelay $0x3  }
0x105: {  	[tilespmem:v59+s14+$0x0] =	vst.idx.msk $0xffff, v0  }
0x106: {  	v60 =	vor.u32 s0, v13;
	v0 =	vld.idx.msk [tilespmem:v1+s11+$0x0], $0xffff  }
0x107: {  	v1 =	vor.u32 v42, v17;
	_ =	sdelay $0x3  }
0x108: {  	[tilespmem:v60+s14+$0x0] =	vst.idx.msk $0xffff, v0  }
0x109: {  	v61 =	vor.u32 s0, v40;
	v0 =	vld.idx.msk [tilespmem:v1+s11+$0x0], $0xffff  }
0x10a: {  	v1 =	vor.u32 v12, v17;
	_ =	sdelay $0x3  }
0x10b: {  	[tilespmem:v61+s14+$0x0] =	vst.idx.msk $0xffff, v0  }
0x10c: {  	v16 =	vor.u32 s0, v43;
	v0 =	vld.idx.msk [tilespmem:v1+s11+$0x0], $0xffff  }
0x10d: {  	v1 =	vor.u32 v41, v17;
	_ =	sdelay $0x3  }
0x10e: {  	[tilespmem:v16+s14+$0x0] =	vst.idx.msk $0xffff, v0  }
0x10f: {  	v0 =	vld.idx.msk [tilespmem:v1+s11+$0x0], $0xffff  }
0x110: {  	v1 =	vld [tilespmem:$0x1FDE0];
	_ =	sdelay $0x4  }
0x111: {  	v27 =	vld [tilespmem:$0x1FAD0];
	v1 =	vor.u32 v1, v17  }
0x112: {  	v8 =	vld [tilespmem:$0x1FD50]  }
0x113: {  	v9 =	vld [tilespmem:$0x1FD60]  }
0x114: {  	v28 =	vld [tilespmem:$0x1FAE0]  }
0x115: {  	v15 =	vld [tilespmem:$0x1FAB0];
	[tilespmem:v10+s15+$0x0] =	vst.idx.msk $0xffff, v0  }
0x116: {  	v0 =	vld.idx.msk [tilespmem:v1+s11+$0x0], $0xffff  }
0x117: {  	v1 =	vor.u32 v18, v17;
	v18 =	vld [tilespmem:$0x1FAC0]  }
0x118: {  	v30 =	vld [tilespmem:$0x1FAF0]  }
0x119: {  	v29 =	vld [tilespmem:$0x1FB00]  }
0x11a: {  	v44 =	vld [tilespmem:$0x1FB10]  }
0x11b: {  	v45 =	vld [tilespmem:$0x1FB20]  }
0x11c: {  	v51 =	vsel vm0, v9, v8;
	v8 =	vld [tilespmem:$0x1FD40];
	v20 =	vsel vm0, v28, v27;
	v19 =	vsel vm0, v18, v15  }
0x11d: {  	v9 =	vld [tilespmem:$0x1FD70];
	[tilespmem:v39+s15+$0x0] =	vst.idx.msk $0xffff, v0;
	v2 =	vcombine.low v20, v19  }
0x11e: {  	v0 =	vld.idx.msk [tilespmem:v1+s11+$0x0], $0xffff  }
0x11f: {  	v1 =	vor.u32 v2, v17;
	_ =	sdelay $0x2  }
0x120: {  	v36 =	vsel vm0, v29, v30;
	v50 =	vsel vm0, v45, v44;
	v33 =	vsel vm0, v8, v9;
	v8 =	vld [tilespmem:$0x1FD90];
	[tilespmem:$0x1F8C0] =	vst v2  }
0x121: {  	v9 =	vld [tilespmem:$0x1FDA0];
	v2 =	vcombine.low v50, v36;
	[tilespmem:v11+s15+$0x0] =	vst.idx.msk $0xffff, v0  }
0x122: {  	v0 =	vld.idx.msk [tilespmem:v1+s11+$0x0], $0xffff  }
0x123: {  	v1 =	vor.u32 v2, v17;
	_ =	sdelay $0x2  }
0x124: {  	v34 =	vsel vm0, v9, v8;
	v8 =	vld [tilespmem:$0x1FD80];
	[tilespmem:$0x1F8D0] =	vst v2  }
0x125: {  	v9 =	vld [tilespmem:$0x1FDB0];
	v2 =	vcombine.low v33, v51;
	[tilespmem:v54+s15+$0x0] =	vst.idx.msk $0xffff, v0  }
0x126: {  	v0 =	vld.idx.msk [tilespmem:v1+s11+$0x0], $0xffff  }
0x127: {  	v1 =	vor.u32 v2, v17;
	_ =	sdelay $0x2  }
0x128: {  	v35 =	vsel vm0, v8, v9;
	[tilespmem:$0x1F8E0] =	vst v2  }
0x129: {  	v2 =	vcombine.low v35, v34;
	[tilespmem:v53+s15+$0x0] =	vst.idx.msk $0xffff, v0  }
0x12a: {  	v0 =	vld.idx.msk [tilespmem:v1+s11+$0x0], $0xffff  }
0x12b: {  	v1 =	vor.u32 v2, v17;
	_ =	sdelay $0x2  }
0x12c: {  	v28 =	vsel vm0, v15, v28;
	v27 =	vsel vm0, v27, v18;
	[tilespmem:$0x1F8F0] =	vst v2  }
0x12d: {  	v2 =	vcombine.low v28, v27;
	[tilespmem:v6+s15+$0x0] =	vst.idx.msk $0xffff, v0  }
0x12e: {  	v0 =	vld.idx.msk [tilespmem:v1+s11+$0x0], $0xffff  }
0x12f: {  	v1 =	vor.u32 v2, v17;
	_ =	sdelay $0x3  }
0x130: {  	[tilespmem:v14+s15+$0x0] =	vst.idx.msk $0xffff, v0  }
0x131: {  	v0 =	vld.idx.msk [tilespmem:v1+s11+$0x0], $0xffff  }
0x132: {  	v29 =	vsel vm0, v44, v29;
	v30 =	vsel vm0, v30, v45  }
0x133: {  	v3 =	vcombine.low v30, v29;
	_ =	sdelay $0x1  }
0x134: {  	[tilespmem:$0x1F910] =	vst v3;
	v1 =	vor.u32 v3, v17;
	v3 =	vld [tilespmem:$0x1FDD0]  }
0x135: {  	[tilespmem:v52+s15+$0x0] =	vst.idx.msk $0xffff, v0;
	v0 =	vld [tilespmem:$0x1FDC0];
	_ =	sdelay $0x4  }
0x136: {  	v3 =	vcombine.low v0, v3;
	v0 =	vld.idx.msk [tilespmem:v1+s11+$0x0], $0xffff;
	_ =	sdelay $0x3  }
0x137: {  	[tilespmem:$0x1F920] =	vst v3;
	v1 =	vor.u32 v3, v17;
	v3 =	vld [tilespmem:$0x1FE00]  }
0x138: {  	[tilespmem:v55+s15+$0x0] =	vst.idx.msk $0xffff, v0;
	v0 =	vld [tilespmem:$0x1FDF0];
	_ =	sdelay $0x4  }
0x139: {  	v3 =	vcombine.low v0, v3  }
0x13a: {  	v0 =	vld.idx.msk [tilespmem:v1+s11+$0x0], $0xffff  }
0x13b: {  	v1 =	vor.u32 v3, v17;
	_ =	sdelay $0x2  }
0x13c: {  	[tilespmem:$0x1F930] =	vst v3  }
0x13d: {  	v3 =	vcombine.low v19, v20;
	[tilespmem:v56+s15+$0x0] =	vst.idx.msk $0xffff, v0  }
0x13e: {  	v0 =	vld.idx.msk [tilespmem:v1+s11+$0x0], $0xffff  }
0x13f: {  	v1 =	vor.u32 v3, v17;
	_ =	sdelay $0x2  }
0x140: {  	[tilespmem:$0x1F940] =	vst v3  }
0x141: {  	v3 =	vcombine.low v36, v50;
	[tilespmem:v57+s15+$0x0] =	vst.idx.msk $0xffff, v0  }
0x142: {  	v0 =	vld.idx.msk [tilespmem:v1+s11+$0x0], $0xffff  }
0x143: {  	v1 =	vor.u32 v3, v17;
	_ =	sdelay $0x2  }
0x144: {  	[tilespmem:$0x1F950] =	vst v3  }
0x145: {  	v3 =	vcombine.low v51, v33;
	[tilespmem:v58+s15+$0x0] =	vst.idx.msk $0xffff, v0  }
0x146: {  	v0 =	vld.idx.msk [tilespmem:v1+s11+$0x0], $0xffff  }
0x147: {  	v1 =	vor.u32 v3, v17;
	_ =	sdelay $0x2  }
0x148: {  	[tilespmem:$0x1F960] =	vst v3  }
0x149: {  	v3 =	vcombine.low v34, v35;
	[tilespmem:v59+s15+$0x0] =	vst.idx.msk $0xffff, v0  }
0x14a: {  	v0 =	vld.idx.msk [tilespmem:v1+s11+$0x0], $0xffff  }
0x14b: {  	v1 =	vor.u32 v3, v17;
	_ =	sdelay $0x2  }
0x14c: {  	[tilespmem:$0x1F970] =	vst v3  }
0x14d: {  	v3 =	vcombine.low v27, v28;
	[tilespmem:v60+s15+$0x0] =	vst.idx.msk $0xffff, v0  }
0x14e: {  	v0 =	vld.idx.msk [tilespmem:v1+s11+$0x0], $0xffff  }
0x14f: {  	v1 =	vor.u32 v3, v17  }
0x150: {  	v8 =	vld [tilespmem:$0x1FB30]  }
0x151: {  	v9 =	vld [tilespmem:$0x1FB40]  }
0x152: {  	v18 =	vld [tilespmem:$0x1FB60]  }
0x153: {  	v12 =	vlaneseq.u32;
	v27 =	vld [tilespmem:$0x1FB50];
	[tilespmem:v61+s15+$0x0] =	vst.idx.msk $0xffff, v0  }
0x154: {  	v0 =	vld.idx.msk [tilespmem:v1+s11+$0x0], $0xffff;
	v1 =	vor.u32 $0x20, v12  }
0x155: {  	[tilespmem:$0x1F990] =	vst v1;
	v1 =	vor.u32 v1, v17  }
0x156: {  	v44 =	vld [tilespmem:$0x1FB90]  }
0x157: {  	v45 =	vld [tilespmem:$0x1FBA0]  }
0x158: {  	v30 =	vld [tilespmem:$0x1FB70];
	v19 =	vsel vm0, v9, v8;
	[tilespmem:$0x1F980] =	vst v3;
	v20 =	vsel vm0, v18, v27  }
0x159: {  	v29 =	vld [tilespmem:$0x1FB80];
	v3 =	vcombine.low v20, v19;
	[tilespmem:v16+s15+$0x0] =	vst.idx.msk $0xffff, v0  }
0x15a: {  	v0 =	vld.idx.msk [tilespmem:v1+s11+$0x0], $0xffff  }
0x15b: {  	v1 =	vor.u32 v3, v17  }
0x15c: {  	v46 =	vld [tilespmem:$0x1FBB0]  }
0x15d: {  	v47 =	vld [tilespmem:$0x1FBC0]  }
0x15e: {  	v5 =	vld [tilespmem:$0x1FBE0];
	v21 =	vsel vm0, v29, v30;
	v22 =	vsel vm0, v45, v44;
	[tilespmem:$0x1F9A0] =	vst v3  }
0x15f: {  	v51 =	vld [tilespmem:$0x1FBD0];
	v3 =	vcombine.low v22, v21;
	[tilespmem:v10+s16+$0x0] =	vst.idx.msk $0xffff, v0  }
0x160: {  	v0 =	vld.idx.msk [tilespmem:v1+s11+$0x0], $0xffff  }
0x161: {  	v1 =	vor.u32 v3, v17  }
0x162: {  	v7 =	vld [tilespmem:$0x1FBF0]  }
0x163: {  	v4 =	vld [tilespmem:$0x1FC10]  }
0x164: {  	v23 =	vsel vm0, v47, v46;
	v36 =	vld [tilespmem:$0x1FC20];
	v24 =	vsel vm0, v5, v51;
	[tilespmem:$0x1F9B0] =	vst v3  }
0x165: {  	v28 =	vld [tilespmem:$0x1FC00];
	v3 =	vcombine.low v24, v23;
	[tilespmem:v39+s16+$0x0] =	vst.idx.msk $0xffff, v0  }
0x166: {  	v0 =	vld.idx.msk [tilespmem:v1+s11+$0x0], $0xffff  }
0x167: {  	v1 =	vor.u32 v3, v17;
	_ =	sdelay $0x2  }
0x168: {  	v25 =	vsel vm0, v28, v7;
	[tilespmem:$0x1F9C0] =	vst v3;
	v3 =	vmov v41;
	v41 =	vsel vm0, v36, v4  }
0x169: {  	v50 =	vcombine.low v41, v25;
	[tilespmem:v11+s16+$0x0] =	vst.idx.msk $0xffff, v0  }
0x16a: {  	v0 =	vld.idx.msk [tilespmem:v1+s11+$0x0], $0xffff  }
0x16b: {  	v1 =	vor.u32 v50, v17;
	_ =	sdelay $0x2  }
0x16c: {  	v27 =	vsel vm0, v27, v9;
	v18 =	vsel vm0, v8, v18  }
0x16d: {  	v8 =	vcombine.low v18, v27;
	[tilespmem:v54+s16+$0x0] =	vst.idx.msk $0xffff, v0  }
0x16e: {  	v0 =	vld.idx.msk [tilespmem:v1+s11+$0x0], $0xffff  }
0x16f: {  	[tilespmem:$0x1F900] =	vst v2;
	v2 =	vor.u32 v8, v17;
	_ =	sdelay $0x2  }
0x170: {  	v29 =	vsel vm0, v44, v29;
	v30 =	vsel vm0, v30, v45;
	[tilespmem:$0x1F9E0] =	vst v8  }
0x171: {  	v8 =	vcombine.low v30, v29;
	[tilespmem:v53+s16+$0x0] =	vst.idx.msk $0xffff, v0  }
0x172: {  	v0 =	vld.idx.msk [tilespmem:v2+s11+$0x0], $0xffff  }
0x173: {  	v2 =	vor.u32 v8, v17;
	_ =	sdelay $0x2  }
0x174: {  	v33 =	vsel vm0, v51, v47;
	v35 =	vsel vm0, v46, v5  }
0x175: {  	v1 =	vcombine.low v35, v33;
	[tilespmem:v6+s16+$0x0] =	vst.idx.msk $0xffff, v0  }
0x176: {  	v0 =	vld.idx.msk [tilespmem:v2+s11+$0x0], $0xffff  }
0x177: {  	v2 =	vor.u32 v1, v17;
	_ =	sdelay $0x2  }
0x178: {  	v9 =	vsel vm0, v7, v36;
	[tilespmem:$0x1FA00] =	vst v1;
	v1 =	vsel vm0, v4, v28  }
0x179: {  	v1 =	vcombine.low v9, v1;
	[tilespmem:v14+s16+$0x0] =	vst.idx.msk $0xffff, v0  }
0x17a: {  	v0 =	vld.idx.msk [tilespmem:v2+s11+$0x0], $0xffff  }
0x17b: {  	[tilespmem:$0x1FA10] =	vst v1;
	v1 =	vor.u32 v1, v17;
	_ =	sdelay $0x3  }
0x17c: {  	v4 =	vcombine.low v19, v20;
	[tilespmem:v52+s16+$0x0] =	vst.idx.msk $0xffff, v0  }
0x17d: {  	v0 =	vld.idx.msk [tilespmem:v1+s11+$0x0], $0xffff  }
0x17e: {  	v5 =	vor.u32 v4, v17;
	_ =	sdelay $0x2  }
0x17f: {  	[tilespmem:$0x1FA20] =	vst v4  }
0x180: {  	v4 =	vcombine.low v21, v22;
	[tilespmem:v55+s16+$0x0] =	vst.idx.msk $0xffff, v0  }
0x181: {  	v0 =	vld.idx.msk [tilespmem:v5+s11+$0x0], $0xffff  }
0x182: {  	v5 =	vor.u32 v4, v17;
	_ =	sdelay $0x2  }
0x183: {  	[tilespmem:$0x1FA30] =	vst v4  }
0x184: {  	v4 =	vcombine.low v23, v24;
	[tilespmem:v56+s16+$0x0] =	vst.idx.msk $0xffff, v0  }
0x185: {  	v0 =	vld.idx.msk [tilespmem:v5+s11+$0x0], $0xffff  }
0x186: {  	[tilespmem:$0x1FA40] =	vst v4;
	v4 =	vor.u32 v4, v17;
	_ =	sdelay $0x3  }
0x187: {  	[tilespmem:v57+s16+$0x0] =	vst.idx.msk $0xffff, v0;
	v0 =	vcombine.low v25, v41  }
0x188: {  	v2 =	vld.idx.msk [tilespmem:v4+s11+$0x0], $0xffff  }
0x189: {  	[tilespmem:$0x1FA50] =	vst v0;
	v0 =	vor.u32 v0, v17;
	_ =	sdelay $0x3  }
0x18a: {  	v7 =	vcombine.low v27, v18;
	[tilespmem:v58+s16+$0x0] =	vst.idx.msk $0xffff, v2  }
0x18b: {  	v2 =	vld.idx.msk [tilespmem:v0+s11+$0x0], $0xffff  }
0x18c: {  	v0 =	vor.u32 v7, v17;
	_ =	sdelay $0x2  }
0x18d: {  	[tilespmem:$0x1FA60] =	vst v7  }
0x18e: {  	v7 =	vcombine.low v29, v30;
	[tilespmem:v59+s16+$0x0] =	vst.idx.msk $0xffff, v2  }
0x18f: {  	v0 =	vld.idx.msk [tilespmem:v0+s11+$0x0], $0xffff  }
0x190: {  	[tilespmem:$0x1FA70] =	vst v7;
	v7 =	vor.u32 v7, v17;
	_ =	sdelay $0x3  }
0x191: {  	v2 =	vcombine.low v33, v35;
	[tilespmem:v60+s16+$0x0] =	vst.idx.msk $0xffff, v0  }
0x192: {  	v0 =	vld.idx.msk [tilespmem:v7+s11+$0x0], $0xffff  }
0x193: {  	v7 =	vor.u32 v2, v17  }
0x194: {  	v32 =	vld [tilespmem:$0x1FC30]  }
0x195: {  	v45 =	vld [tilespmem:$0x1FC60]  }
0x196: {  	v34 =	vld [tilespmem:$0x1FC40]  }
0x197: {  	v35 =	vld [tilespmem:$0x1FC50];
	[tilespmem:v61+s16+$0x0] =	vst.idx.msk $0xffff, v0  }
0x198: {  	v0 =	vld.idx.msk [tilespmem:v7+s11+$0x0], $0xffff;
	v7 =	vor.u32 $0x30, v12  }
0x199: {  	v19 =	vor.u32 v7, v17  }
0x19a: {  	v44 =	vld [tilespmem:$0x1FC90]  }
0x19b: {  	v47 =	vld [tilespmem:$0x1FCA0]  }
0x19c: {  	v18 =	vld [tilespmem:$0x1FC70];
	v20 =	vsel vm0, v34, v32;
	v21 =	vsel vm0, v45, v35  }
0x19d: {  	v30 =	vld [tilespmem:$0x1FC80];
	[tilespmem:v16+s16+$0x0] =	vst.idx.msk $0xffff, v0;
	v0 =	vcombine.low v21, v20  }
0x19e: {  	v19 =	vld.idx.msk [tilespmem:v19+s11+$0x0], $0xffff  }
0x19f: {  	v36 =	vor.u32 v0, v17;
	_ =	sdelay $0x1  }
0x1a0: {  	v51 =	vld [tilespmem:$0x1FCB0]  }
0x1a1: {  	v46 =	vld [tilespmem:$0x1FCD0];
	[tilespmem:$0x1F9F0] =	vst v8;
	v24 =	vsel vm0, v47, v44;
	v23 =	vsel vm0, v30, v18  }
0x1a2: {  	v33 =	vld [tilespmem:$0x1FCC0];
	v8 =	vmov v0;
	v0 =	vcombine.low v24, v23;
	[tilespmem:v10+s17+$0x0] =	vst.idx.msk $0xffff, v19  }
0x1a3: {  	v19 =	vld.idx.msk [tilespmem:v36+s11+$0x0], $0xffff  }
0x1a4: {  	v41 =	vor.u32 v0, v17;
	v36 =	vld [tilespmem:$0x1FCE0];
	_ =	sdelay $0x1  }
0x1a5: {  	[tilespmem:$0x1F9D0] =	vst v50;
	v50 =	vmov v40;
	v40 =	vld [tilespmem:$0x1FD20]  }
0x1a6: {  	v29 =	vld [tilespmem:$0x1FD10]  }
0x1a7: {  	[tilespmem:v39+s17+$0x0] =	vst.idx.msk $0xffff, v19;
	v39 =	vld [tilespmem:$0x1FD00]  }
0x1a8: {  	v25 =	vsel vm0, v33, v51;
	v26 =	vsel vm0, v36, v46;
	v19 =	vld.idx.msk [tilespmem:v41+s11+$0x0], $0xffff  }
0x1a9: {  	v1 =	vcombine.low v26, v25;
	v41 =	vld [tilespmem:$0x1FCF0];
	_ =	sdelay $0x1  }
0x1aa: {  	v22 =	vor.u32 v1, v17;
	_ =	sdelay $0x2  }
0x1ab: {  	v28 =	vsel vm0, v40, v29;
	v27 =	vsel vm0, v39, v41  }
0x1ac: {  	v13 =	vmov v0;
	v0 =	vmov v1;
	[tilespmem:v11+s17+$0x0] =	vst.idx.msk $0xffff, v19;
	v1 =	vcombine.low v28, v27  }
0x1ad: {  	v19 =	vld.idx.msk [tilespmem:v22+s11+$0x0], $0xffff  }
0x1ae: {  	v22 =	vor.u32 v1, v17;
	_ =	sdelay $0x2  }
0x1af: {  	v34 =	vsel vm0, v35, v34;
	v45 =	vsel vm0, v32, v45;
	[tilespmem:$0x1FA90] =	vst v7  }
0x1b0: {  	v7 =	vmov v1;
	v1 =	vcombine.low v45, v34;
	[tilespmem:v54+s17+$0x0] =	vst.idx.msk $0xffff, v19  }
0x1b1: {  	v19 =	vld.idx.msk [tilespmem:v22+s11+$0x0], $0xffff  }
0x1b2: {  	v35 =	vor.u32 v1, v17;
	_ =	sdelay $0x2  }
0x1b3: {  	v47 =	vsel vm0, v18, v47;
	v30 =	vsel vm0, v44, v30  }
0x1b4: {  	v10 =	vcombine.low v47, v30;
	[tilespmem:v53+s17+$0x0] =	vst.idx.msk $0xffff, v19  }
0x1b5: {  	v19 =	vld.idx.msk [tilespmem:v35+s11+$0x0], $0xffff  }
0x1b6: {  	v44 =	vor.u32 v10, v17;
	_ =	sdelay $0x2  }
0x1b7: {  	v18 =	vsel vm0, v46, v33;
	v51 =	vsel vm0, v51, v36  }
0x1b8: {  	v9 =	vmov v1;
	v1 =	vmov v10;
	v10 =	vcombine.low v51, v18;
	[tilespmem:v6+s17+$0x0] =	vst.idx.msk $0xffff, v19  }
0x1b9: {  	v19 =	vld.idx.msk [tilespmem:v44+s11+$0x0], $0xffff  }
0x1ba: {  	v53 =	vor.u32 v10, v17;
	_ =	sdelay $0x2  }
0x1bb: {  	v29 =	vsel vm0, v29, v39;
	v54 =	vsel vm0, v41, v40  }
0x1bc: {  	v12 =	vmov v10;
	v10 =	vcombine.low v54, v29;
	[tilespmem:v14+s17+$0x0] =	vst.idx.msk $0xffff, v19  }
0x1bd: {  	v22 =	vld.idx.msk [tilespmem:v53+s11+$0x0], $0xffff  }
0x1be: {  	v19 =	vor.u32 v10, v17;
	_ =	sdelay $0x2  }
0x1bf: {  	[tilespmem:$0x1FA80] =	vst v2  }
0x1c0: {  	v2 =	vmov v10;
	v10 =	vcombine.low v20, v21;
	[tilespmem:v52+s17+$0x0] =	vst.idx.msk $0xffff, v22  }
0x1c1: {  	v19 =	vld.idx.msk [tilespmem:v19+s11+$0x0], $0xffff  }
0x1c2: {  	v20 =	vor.u32 v10, v17;
	_ =	sdelay $0x3  }
0x1c3: {  	v4 =	vcombine.low v23, v24;
	[tilespmem:v55+s17+$0x0] =	vst.idx.msk $0xffff, v19  }
0x1c4: {  	v19 =	vld.idx.msk [tilespmem:v20+s11+$0x0], $0xffff  }
0x1c5: {  	v20 =	vor.u32 v4, v17;
	_ =	sdelay $0x3  }
0x1c6: {  	v11 =	vcombine.low v25, v26;
	[tilespmem:v56+s17+$0x0] =	vst.idx.msk $0xffff, v19  }
0x1c7: {  	v19 =	vld.idx.msk [tilespmem:v20+s11+$0x0], $0xffff  }
0x1c8: {  	v20 =	vor.u32 v11, v17;
	_ =	sdelay $0x3  }
0x1c9: {  	v6 =	vmov v4;
	v4 =	vmov v11;
	v11 =	vcombine.low v27, v28;
	[tilespmem:v57+s17+$0x0] =	vst.idx.msk $0xffff, v19  }
0x1ca: {  	v19 =	vld.idx.msk [tilespmem:v20+s11+$0x0], $0xffff  }
0x1cb: {  	v20 =	vor.u32 v11, v17  }
0x1cc: {  	v33 =	vld [tilespmem:$0x1FEF0]  }
0x1cd: {  	v32 =	vld [tilespmem:$0x1FE10]  }
0x1ce: {  	v36 =	vld [tilespmem:$0x1FF20]  }
0x1cf: {  	v39 =	vld [tilespmem:$0x1FF50];
	v5 =	vmov v10;
	v10 =	vmov v11;
	v11 =	vcombine.low v34, v45;
	[tilespmem:v58+s17+$0x0] =	vst.idx.msk $0xffff, v19  }
0x1d0: {  	v19 =	vld.idx.msk [tilespmem:v20+s11+$0x0], $0xffff  }
0x1d1: {  	v40 =	vmov v42;
	v42 =	vld [tilespmem:$0x1FF80];
	v20 =	vor.u32 v11, v17  }
0x1d2: {  	v54 =	vld [tilespmem:$0x1FE40]  }
0x1d3: {  	v35 =	vld [tilespmem:$0x1FF10]  }
0x1d4: {  	v44 =	vld [tilespmem:$0x1FFD0]  }
0x1d5: {  	v53 =	vmovc v62;
	v62 =	vmov v63;
	v63 =	vld [tilespmem:$0x1FED0];
	v14 =	vmov v11;
	v11 =	vcombine.low v30, v47;
	[tilespmem:v59+s17+$0x0] =	vst.idx.msk $0xffff, v19  }
0x1d6: {  	v19 =	vld.idx.msk [tilespmem:v20+s11+$0x0], $0xffff  }
0x1d7: {  	v52 =	vld [tilespmem:$0x1FE20];
	v20 =	vor.u32 v11, v17  }
0x1d8: {  	v55 =	vld [tilespmem:$0x1FE50]  }
0x1d9: {  	v56 =	vld [tilespmem:$0x1FE60]  }
0x1da: {  	v57 =	vld [tilespmem:$0x1FE70]  }
0x1db: {  	v34 =	vld [tilespmem:$0x1FF00];
	[tilespmem:v60+s17+$0x0] =	vst.idx.msk $0xffff, v19  }
0x1dc: {  	v19 =	vld.idx.msk [tilespmem:v20+s11+$0x0], $0xffff  }
0x1dd: {  	v58 =	vld [tilespmem:$0x1FE80]  }
0x1de: {  	v30 =	vld [tilespmem:$0x1FFE0]  }
0x1df: {  	v15 =	vmov v11;
	v59 =	vld [tilespmem:$0x1FE90];
	v11 =	vcombine.low v18, v51  }
0x1e0: {  	s0 =	simm.s32 $0x10;
	v60 =	vld [tilespmem:$0x1FEA0]  }
0x1e1: {  	s31 =	sshll.u32 s28, $0x1;
	s2 =	simm.s32 $0x20;
	v41 =	vmov v50;
	v18 =	vmov s0;
	v17 =	vor.u32 v11, v17;
	[tilespmem:v61+s17+$0x0] =	vst.idx.msk $0xffff, v19;
	v61 =	vld [tilespmem:$0x1FEB0]  }
.LBB2_3:
0x1e2: {  	_ =	sdelay $0x3  }
0x1e3: {  	v19 =	vld.idx.msk [tilespmem:v17+s11+$0x0], $0xffff  }
0x1e4: {  	v17 =	vld [tilespmem:$0x1FFA0];
	_ =	sdelay $0x3  }
0x1e5: {  	v18 =	vshll.u32 v18, $0x7  }
0x1e6: {  	v17 =	vor.u32 v17, v18;
	v18 =	vlaneseq.u32  }
0x1e7: {  	v18 =	vor.u32 v18, v17;
	_ =	sdelay $0x3  }
0x1e8: {  	[tilespmem:v16+s17+$0x0] =	vst.idx.msk $0xffff, v19  }
0x1e9: {  	v16 =	vld.idx.msk [tilespmem:v18+s11+$0x0], $0xffff  }
0x1ea: {  	v18 =	vld [tilespmem:$0x1FD30];
	_ =	sdelay $0x4  }
0x1eb: {  	v18 =	vor.u32 s0, v18  }
0x1ec: {  	v19 =	vor.u32 v48, v17;
	_ =	sdelay $0x3  }
0x1ed: {  	[tilespmem:v18+s14+$0x0] =	vst.idx.msk $0xffff, v16  }
0x1ee: {  	v16 =	vld.idx.msk [tilespmem:v19+s11+$0x0], $0xffff;
	v19 =	vor.u32 s0, v32  }
0x1ef: {  	v20 =	vor.u32 v30, v17;
	_ =	sdelay $0x3  }
0x1f0: {  	[tilespmem:v19+s14+$0x0] =	vst.idx.msk $0xffff, v16  }
0x1f1: {  	v16 =	vld.idx.msk [tilespmem:v20+s11+$0x0], $0xffff;
	v20 =	vor.u32 s0, v52  }
0x1f2: {  	v21 =	vor.u32 v53, v17;
	_ =	sdelay $0x3  }
0x1f3: {  	[tilespmem:v20+s14+$0x0] =	vst.idx.msk $0xffff, v16  }
0x1f4: {  	v16 =	vld.idx.msk [tilespmem:v21+s11+$0x0], $0xffff;
	v21 =	vor.u32 s0, v54  }
0x1f5: {  	v22 =	vor.u32 v55, v17;
	_ =	sdelay $0x3  }
0x1f6: {  	[tilespmem:v21+s14+$0x0] =	vst.idx.msk $0xffff, v16  }
0x1f7: {  	v16 =	vld.idx.msk [tilespmem:v22+s11+$0x0], $0xffff;
	v22 =	vor.u32 s0, v56  }
0x1f8: {  	v23 =	vor.u32 v57, v17;
	_ =	sdelay $0x3  }
0x1f9: {  	[tilespmem:v22+s14+$0x0] =	vst.idx.msk $0xffff, v16  }
0x1fa: {  	v16 =	vld.idx.msk [tilespmem:v23+s11+$0x0], $0xffff;
	v23 =	vor.u32 s0, v58  }
0x1fb: {  	v24 =	vor.u32 v59, v17;
	_ =	sdelay $0x3  }
0x1fc: {  	[tilespmem:v23+s14+$0x0] =	vst.idx.msk $0xffff, v16  }
0x1fd: {  	v16 =	vld.idx.msk [tilespmem:v24+s11+$0x0], $0xffff;
	v24 =	vor.u32 s0, v60  }
0x1fe: {  	v25 =	vor.u32 v61, v17;
	_ =	sdelay $0x3  }
0x1ff: {  	[tilespmem:v24+s14+$0x0] =	vst.idx.msk $0xffff, v16  }
0x200: {  	v16 =	vld.idx.msk [tilespmem:v25+s11+$0x0], $0xffff;
	v25 =	vor.u32 s0, v62  }
0x201: {  	v26 =	vor.u32 v63, v17  }
0x202: {  	v27 =	vld [tilespmem:$0x1FAA0];
	_ =	sdelay $0x2  }
0x203: {  	[tilespmem:v25+s14+$0x0] =	vst.idx.msk $0xffff, v16  }
0x204: {  	v16 =	vld.idx.msk [tilespmem:v26+s11+$0x0], $0xffff;
	v26 =	vor.u32 s0, v31  }
0x205: {  	v27 =	vor.u32 v27, v17;
	_ =	sdelay $0x3  }
0x206: {  	[tilespmem:v26+s14+$0x0] =	vst.idx.msk $0xffff, v16  }
0x207: {  	v16 =	vld.idx.msk [tilespmem:v27+s11+$0x0], $0xffff;
	v27 =	vor.u32 s0, v49  }
0x208: {  	v28 =	vor.u32 v44, v17;
	_ =	sdelay $0x3  }
0x209: {  	[tilespmem:v27+s14+$0x0] =	vst.idx.msk $0xffff, v16  }
0x20a: {  	v16 =	vld.idx.msk [tilespmem:v28+s11+$0x0], $0xffff;
	v28 =	vor.u32 s0, v33  }
0x20b: {  	v29 =	vor.u32 v34, v17;
	_ =	sdelay $0x3  }
0x20c: {  	[tilespmem:v28+s14+$0x0] =	vst.idx.msk $0xffff, v16  }
0x20d: {  	v16 =	vld.idx.msk [tilespmem:v29+s11+$0x0], $0xffff;
	v29 =	vor.u32 s0, v35  }
0x20e: {  	v45 =	vor.u32 v36, v17;
	_ =	sdelay $0x3  }
0x20f: {  	[tilespmem:v29+s14+$0x0] =	vst.idx.msk $0xffff, v16  }
0x210: {  	v16 =	vld.idx.msk [tilespmem:v45+s11+$0x0], $0xffff;
	v45 =	vor.u32 s0, v37  }
0x211: {  	v46 =	vor.u32 v38, v17;
	_ =	sdelay $0x3  }
0x212: {  	[tilespmem:v45+s14+$0x0] =	vst.idx.msk $0xffff, v16  }
0x213: {  	v47 =	vor.u32 s0, v39;
	v16 =	vld.idx.msk [tilespmem:v46+s11+$0x0], $0xffff  }
0x214: {  	v51 =	vor.u32 v40, v17;
	_ =	sdelay $0x3  }
0x215: {  	[tilespmem:v47+s14+$0x0] =	vst.idx.msk $0xffff, v16  }
0x216: {  	v46 =	vor.u32 s0, v41;
	v16 =	vld.idx.msk [tilespmem:v51+s11+$0x0], $0xffff  }
0x217: {  	v50 =	vmov v48;
	v48 =	vor.u32 v42, v17;
	_ =	sdelay $0x3  }
0x218: {  	[tilespmem:v46+s14+$0x0] =	vst.idx.msk $0xffff, v16  }
0x219: {  	v16 =	vor.u32 s0, v43;
	v48 =	vld.idx.msk [tilespmem:v48+s11+$0x0], $0xffff  }
0x21a: {  	v51 =	vmov v49;
	v49 =	vor.u32 v3, v17;
	_ =	sdelay $0x3  }
0x21b: {  	[tilespmem:v16+s14+$0x0] =	vst.idx.msk $0xffff, v48  }
0x21c: {  	v48 =	vld.idx.msk [tilespmem:v49+s11+$0x0], $0xffff  }
0x21d: {  	v49 =	vld [tilespmem:$0x1FDE0];
	_ =	sdelay $0x4  }
0x21e: {  	v49 =	vor.u32 v49, v17;
	_ =	sdelay $0x3  }
0x21f: {  	[tilespmem:v18+s15+$0x0] =	vst.idx.msk $0xffff, v48  }
0x220: {  	v48 =	vld.idx.msk [tilespmem:v49+s11+$0x0], $0xffff  }
0x221: {  	v49 =	vld [tilespmem:$0x1FFC0];
	_ =	sdelay $0x4  }
0x222: {  	v49 =	vor.u32 v49, v17;
	_ =	sdelay $0x3  }
0x223: {  	[tilespmem:v19+s15+$0x0] =	vst.idx.msk $0xffff, v48  }
0x224: {  	v48 =	vld.idx.msk [tilespmem:v49+s11+$0x0], $0xffff  }
0x225: {  	v49 =	vld [tilespmem:$0x1F8C0];
	_ =	sdelay $0x4  }
0x226: {  	v49 =	vor.u32 v49, v17;
	_ =	sdelay $0x3  }
0x227: {  	[tilespmem:v20+s15+$0x0] =	vst.idx.msk $0xffff, v48  }
0x228: {  	v48 =	vld.idx.msk [tilespmem:v49+s11+$0x0], $0xffff  }
0x229: {  	v49 =	vld [tilespmem:$0x1F8D0];
	_ =	sdelay $0x4  }
0x22a: {  	v49 =	vor.u32 v49, v17;
	_ =	sdelay $0x3  }
0x22b: {  	[tilespmem:v21+s15+$0x0] =	vst.idx.msk $0xffff, v48  }
0x22c: {  	v48 =	vld.idx.msk [tilespmem:v49+s11+$0x0], $0xffff  }
0x22d: {  	v49 =	vld [tilespmem:$0x1F8E0];
	_ =	sdelay $0x4  }
0x22e: {  	v49 =	vor.u32 v49, v17;
	_ =	sdelay $0x3  }
0x22f: {  	[tilespmem:v22+s15+$0x0] =	vst.idx.msk $0xffff, v48  }
0x230: {  	v48 =	vld.idx.msk [tilespmem:v49+s11+$0x0], $0xffff  }
0x231: {  	v49 =	vld [tilespmem:$0x1F8F0];
	_ =	sdelay $0x4  }
0x232: {  	v49 =	vor.u32 v49, v17;
	_ =	sdelay $0x3  }
0x233: {  	[tilespmem:v23+s15+$0x0] =	vst.idx.msk $0xffff, v48  }
0x234: {  	v48 =	vld.idx.msk [tilespmem:v49+s11+$0x0], $0xffff  }
0x235: {  	v49 =	vld [tilespmem:$0x1F900];
	_ =	sdelay $0x4  }
0x236: {  	v49 =	vor.u32 v49, v17;
	_ =	sdelay $0x3  }
0x237: {  	[tilespmem:v24+s15+$0x0] =	vst.idx.msk $0xffff, v48  }
0x238: {  	v48 =	vld.idx.msk [tilespmem:v49+s11+$0x0], $0xffff  }
0x239: {  	v49 =	vld [tilespmem:$0x1F910];
	_ =	sdelay $0x4  }
0x23a: {  	v49 =	vor.u32 v49, v17;
	_ =	sdelay $0x3  }
0x23b: {  	[tilespmem:v25+s15+$0x0] =	vst.idx.msk $0xffff, v48  }
0x23c: {  	v48 =	vld.idx.msk [tilespmem:v49+s11+$0x0], $0xffff  }
0x23d: {  	v49 =	vld [tilespmem:$0x1F920];
	_ =	sdelay $0x4  }
0x23e: {  	v49 =	vor.u32 v49, v17;
	_ =	sdelay $0x3  }
0x23f: {  	[tilespmem:v26+s15+$0x0] =	vst.idx.msk $0xffff, v48  }
0x240: {  	v48 =	vld.idx.msk [tilespmem:v49+s11+$0x0], $0xffff  }
0x241: {  	v49 =	vld [tilespmem:$0x1F930];
	_ =	sdelay $0x4  }
0x242: {  	v49 =	vor.u32 v49, v17;
	_ =	sdelay $0x3  }
0x243: {  	[tilespmem:v27+s15+$0x0] =	vst.idx.msk $0xffff, v48  }
0x244: {  	v48 =	vld.idx.msk [tilespmem:v49+s11+$0x0], $0xffff  }
0x245: {  	v49 =	vld [tilespmem:$0x1F940];
	_ =	sdelay $0x4  }
0x246: {  	v49 =	vor.u32 v49, v17;
	_ =	sdelay $0x3  }
0x247: {  	[tilespmem:v28+s15+$0x0] =	vst.idx.msk $0xffff, v48  }
0x248: {  	v48 =	vld.idx.msk [tilespmem:v49+s11+$0x0], $0xffff  }
0x249: {  	v49 =	vld [tilespmem:$0x1F950];
	_ =	sdelay $0x4  }
0x24a: {  	v49 =	vor.u32 v49, v17;
	_ =	sdelay $0x3  }
0x24b: {  	[tilespmem:v29+s15+$0x0] =	vst.idx.msk $0xffff, v48  }
0x24c: {  	v48 =	vld.idx.msk [tilespmem:v49+s11+$0x0], $0xffff  }
0x24d: {  	v49 =	vld [tilespmem:$0x1F960];
	_ =	sdelay $0x4  }
0x24e: {  	v49 =	vor.u32 v49, v17;
	_ =	sdelay $0x3  }
0x24f: {  	[tilespmem:v45+s15+$0x0] =	vst.idx.msk $0xffff, v48  }
0x250: {  	v48 =	vld.idx.msk [tilespmem:v49+s11+$0x0], $0xffff  }
0x251: {  	v49 =	vld [tilespmem:$0x1F970];
	_ =	sdelay $0x4  }
0x252: {  	v49 =	vor.u32 v49, v17;
	_ =	sdelay $0x3  }
0x253: {  	[tilespmem:v47+s15+$0x0] =	vst.idx.msk $0xffff, v48  }
0x254: {  	v48 =	vld.idx.msk [tilespmem:v49+s11+$0x0], $0xffff  }
0x255: {  	v49 =	vld [tilespmem:$0x1F980];
	_ =	sdelay $0x4  }
0x256: {  	v49 =	vor.u32 v49, v17;
	_ =	sdelay $0x3  }
0x257: {  	[tilespmem:v46+s15+$0x0] =	vst.idx.msk $0xffff, v48  }
0x258: {  	v48 =	vld.idx.msk [tilespmem:v49+s11+$0x0], $0xffff  }
0x259: {  	v49 =	vld [tilespmem:$0x1F990];
	_ =	sdelay $0x4  }
0x25a: {  	v49 =	vor.u32 v49, v17;
	_ =	sdelay $0x3  }
0x25b: {  	[tilespmem:v16+s15+$0x0] =	vst.idx.msk $0xffff, v48  }
0x25c: {  	v48 =	vld.idx.msk [tilespmem:v49+s11+$0x0], $0xffff  }
0x25d: {  	v49 =	vld [tilespmem:$0x1F9A0];
	_ =	sdelay $0x4  }
0x25e: {  	v49 =	vor.u32 v49, v17;
	_ =	sdelay $0x3  }
0x25f: {  	[tilespmem:v18+s16+$0x0] =	vst.idx.msk $0xffff, v48  }
0x260: {  	v48 =	vld.idx.msk [tilespmem:v49+s11+$0x0], $0xffff  }
0x261: {  	v49 =	vld [tilespmem:$0x1F9B0];
	_ =	sdelay $0x4  }
0x262: {  	v49 =	vor.u32 v49, v17;
	_ =	sdelay $0x3  }
0x263: {  	[tilespmem:v19+s16+$0x0] =	vst.idx.msk $0xffff, v48  }
0x264: {  	v48 =	vld.idx.msk [tilespmem:v49+s11+$0x0], $0xffff  }
0x265: {  	v49 =	vld [tilespmem:$0x1F9C0];
	_ =	sdelay $0x4  }
0x266: {  	v49 =	vor.u32 v49, v17;
	_ =	sdelay $0x3  }
0x267: {  	[tilespmem:v20+s16+$0x0] =	vst.idx.msk $0xffff, v48  }
0x268: {  	v48 =	vld.idx.msk [tilespmem:v49+s11+$0x0], $0xffff  }
0x269: {  	v49 =	vld [tilespmem:$0x1F9D0];
	_ =	sdelay $0x4  }
0x26a: {  	v49 =	vor.u32 v49, v17;
	_ =	sdelay $0x3  }
0x26b: {  	[tilespmem:v21+s16+$0x0] =	vst.idx.msk $0xffff, v48  }
0x26c: {  	v48 =	vld.idx.msk [tilespmem:v49+s11+$0x0], $0xffff  }
0x26d: {  	v49 =	vld [tilespmem:$0x1F9E0];
	_ =	sdelay $0x4  }
0x26e: {  	v49 =	vor.u32 v49, v17;
	_ =	sdelay $0x3  }
0x26f: {  	[tilespmem:v22+s16+$0x0] =	vst.idx.msk $0xffff, v48  }
0x270: {  	v48 =	vld.idx.msk [tilespmem:v49+s11+$0x0], $0xffff  }
0x271: {  	v49 =	vld [tilespmem:$0x1F9F0];
	_ =	sdelay $0x4  }
0x272: {  	v49 =	vor.u32 v49, v17;
	_ =	sdelay $0x3  }
0x273: {  	[tilespmem:v23+s16+$0x0] =	vst.idx.msk $0xffff, v48  }
0x274: {  	v48 =	vld.idx.msk [tilespmem:v49+s11+$0x0], $0xffff  }
0x275: {  	v49 =	vld [tilespmem:$0x1FA00];
	_ =	sdelay $0x4  }
0x276: {  	v49 =	vor.u32 v49, v17;
	_ =	sdelay $0x3  }
0x277: {  	[tilespmem:v24+s16+$0x0] =	vst.idx.msk $0xffff, v48  }
0x278: {  	v48 =	vld.idx.msk [tilespmem:v49+s11+$0x0], $0xffff  }
0x279: {  	v49 =	vld [tilespmem:$0x1FA10];
	_ =	sdelay $0x4  }
0x27a: {  	v49 =	vor.u32 v49, v17;
	_ =	sdelay $0x3  }
0x27b: {  	[tilespmem:v25+s16+$0x0] =	vst.idx.msk $0xffff, v48  }
0x27c: {  	v48 =	vld.idx.msk [tilespmem:v49+s11+$0x0], $0xffff  }
0x27d: {  	v49 =	vld [tilespmem:$0x1FA20];
	_ =	sdelay $0x4  }
0x27e: {  	v49 =	vor.u32 v49, v17;
	_ =	sdelay $0x3  }
0x27f: {  	[tilespmem:v26+s16+$0x0] =	vst.idx.msk $0xffff, v48  }
0x280: {  	v48 =	vld.idx.msk [tilespmem:v49+s11+$0x0], $0xffff  }
0x281: {  	v49 =	vld [tilespmem:$0x1FA30];
	_ =	sdelay $0x4  }
0x282: {  	v49 =	vor.u32 v49, v17;
	_ =	sdelay $0x3  }
0x283: {  	[tilespmem:v27+s16+$0x0] =	vst.idx.msk $0xffff, v48  }
0x284: {  	v48 =	vld.idx.msk [tilespmem:v49+s11+$0x0], $0xffff  }
0x285: {  	v49 =	vld [tilespmem:$0x1FA40];
	_ =	sdelay $0x4  }
0x286: {  	v49 =	vor.u32 v49, v17;
	_ =	sdelay $0x3  }
0x287: {  	[tilespmem:v28+s16+$0x0] =	vst.idx.msk $0xffff, v48  }
0x288: {  	v48 =	vld.idx.msk [tilespmem:v49+s11+$0x0], $0xffff  }
0x289: {  	v49 =	vld [tilespmem:$0x1FA50];
	_ =	sdelay $0x4  }
0x28a: {  	v49 =	vor.u32 v49, v17;
	_ =	sdelay $0x3  }
0x28b: {  	[tilespmem:v29+s16+$0x0] =	vst.idx.msk $0xffff, v48  }
0x28c: {  	v48 =	vld.idx.msk [tilespmem:v49+s11+$0x0], $0xffff  }
0x28d: {  	v49 =	vld [tilespmem:$0x1FA60];
	_ =	sdelay $0x4  }
0x28e: {  	v49 =	vor.u32 v49, v17;
	_ =	sdelay $0x3  }
0x28f: {  	[tilespmem:v45+s16+$0x0] =	vst.idx.msk $0xffff, v48  }
0x290: {  	v48 =	vld.idx.msk [tilespmem:v49+s11+$0x0], $0xffff  }
0x291: {  	v49 =	vld [tilespmem:$0x1FA70];
	_ =	sdelay $0x4  }
0x292: {  	v49 =	vor.u32 v49, v17;
	_ =	sdelay $0x3  }
0x293: {  	[tilespmem:v47+s16+$0x0] =	vst.idx.msk $0xffff, v48  }
0x294: {  	v48 =	vld.idx.msk [tilespmem:v49+s11+$0x0], $0xffff  }
0x295: {  	v49 =	vld [tilespmem:$0x1FA80];
	_ =	sdelay $0x4  }
0x296: {  	v49 =	vor.u32 v49, v17;
	_ =	sdelay $0x3  }
0x297: {  	[tilespmem:v46+s16+$0x0] =	vst.idx.msk $0xffff, v48  }
0x298: {  	v48 =	vld.idx.msk [tilespmem:v49+s11+$0x0], $0xffff  }
0x299: {  	v49 =	vld [tilespmem:$0x1FA90];
	_ =	sdelay $0x4  }
0x29a: {  	v49 =	vor.u32 v49, v17;
	_ =	sdelay $0x3  }
0x29b: {  	[tilespmem:v16+s16+$0x0] =	vst.idx.msk $0xffff, v48  }
0x29c: {  	v48 =	vld.idx.msk [tilespmem:v49+s11+$0x0], $0xffff  }
0x29d: {  	v49 =	vor.u32 v8, v17;
	_ =	sdelay $0x3  }
0x29e: {  	[tilespmem:v18+s17+$0x0] =	vst.idx.msk $0xffff, v48  }
0x29f: {  	v18 =	vld.idx.msk [tilespmem:v49+s11+$0x0], $0xffff  }
0x2a0: {  	v48 =	vor.u32 v13, v17;
	_ =	sdelay $0x3  }
0x2a1: {  	[tilespmem:v19+s17+$0x0] =	vst.idx.msk $0xffff, v18  }
0x2a2: {  	v18 =	vld.idx.msk [tilespmem:v48+s11+$0x0], $0xffff  }
0x2a3: {  	v19 =	vor.u32 v0, v17;
	_ =	sdelay $0x3  }
0x2a4: {  	[tilespmem:v20+s17+$0x0] =	vst.idx.msk $0xffff, v18  }
0x2a5: {  	v18 =	vld.idx.msk [tilespmem:v19+s11+$0x0], $0xffff  }
0x2a6: {  	v19 =	vor.u32 v7, v17;
	_ =	sdelay $0x3  }
0x2a7: {  	[tilespmem:v21+s17+$0x0] =	vst.idx.msk $0xffff, v18  }
0x2a8: {  	v18 =	vld.idx.msk [tilespmem:v19+s11+$0x0], $0xffff  }
0x2a9: {  	v19 =	vor.u32 v9, v17;
	_ =	sdelay $0x3  }
0x2aa: {  	[tilespmem:v22+s17+$0x0] =	vst.idx.msk $0xffff, v18  }
0x2ab: {  	v18 =	vld.idx.msk [tilespmem:v19+s11+$0x0], $0xffff  }
0x2ac: {  	v19 =	vor.u32 v1, v17;
	_ =	sdelay $0x3  }
0x2ad: {  	[tilespmem:v23+s17+$0x0] =	vst.idx.msk $0xffff, v18  }
0x2ae: {  	v18 =	vld.idx.msk [tilespmem:v19+s11+$0x0], $0xffff  }
0x2af: {  	v19 =	vor.u32 v12, v17;
	_ =	sdelay $0x3  }
0x2b0: {  	[tilespmem:v24+s17+$0x0] =	vst.idx.msk $0xffff, v18  }
0x2b1: {  	v18 =	vld.idx.msk [tilespmem:v19+s11+$0x0], $0xffff  }
0x2b2: {  	v19 =	vor.u32 v2, v17;
	_ =	sdelay $0x3  }
0x2b3: {  	[tilespmem:v25+s17+$0x0] =	vst.idx.msk $0xffff, v18  }
0x2b4: {  	v18 =	vld.idx.msk [tilespmem:v19+s11+$0x0], $0xffff  }
0x2b5: {  	v19 =	vor.u32 v5, v17;
	_ =	sdelay $0x3  }
0x2b6: {  	[tilespmem:v26+s17+$0x0] =	vst.idx.msk $0xffff, v18  }
0x2b7: {  	v18 =	vld.idx.msk [tilespmem:v19+s11+$0x0], $0xffff  }
0x2b8: {  	v19 =	vor.u32 v6, v17;
	_ =	sdelay $0x3  }
0x2b9: {  	[tilespmem:v27+s17+$0x0] =	vst.idx.msk $0xffff, v18  }
0x2ba: {  	v18 =	vld.idx.msk [tilespmem:v19+s11+$0x0], $0xffff  }
0x2bb: {  	v19 =	vor.u32 v4, v17;
	_ =	sdelay $0x3  }
0x2bc: {  	[tilespmem:v28+s17+$0x0] =	vst.idx.msk $0xffff, v18  }
0x2bd: {  	v18 =	vld.idx.msk [tilespmem:v19+s11+$0x0], $0xffff  }
0x2be: {  	v19 =	vor.u32 v10, v17;
	_ =	sdelay $0x3  }
0x2bf: {  	[tilespmem:v29+s17+$0x0] =	vst.idx.msk $0xffff, v18  }
0x2c0: {  	v18 =	vld.idx.msk [tilespmem:v19+s11+$0x0], $0xffff  }
0x2c1: {  	v19 =	vor.u32 v14, v17;
	_ =	sdelay $0x3  }
0x2c2: {  	[tilespmem:v45+s17+$0x0] =	vst.idx.msk $0xffff, v18  }
0x2c3: {  	v18 =	vld.idx.msk [tilespmem:v19+s11+$0x0], $0xffff  }
0x2c4: {  	v19 =	vor.u32 v15, v17;
	_ =	sdelay $0x3  }
0x2c5: {  	[tilespmem:v47+s17+$0x0] =	vst.idx.msk $0xffff, v18  }
0x2c6: {  	p1 =	sne.s32 s2, $0x70;
	v19 =	vld.idx.msk [tilespmem:v19+s11+$0x0], $0xffff  }
.Ltmp0:
0x2c7: {  	_ = 	snop;
	(pc) =	sbr.rel @p1 .LBB2_3-.Ltmp0, $3  }
0x2c8: {  	_ =	sdelay $0x1  }
0x2c9: {  	s0 =	smov.u32 s2  }
0x2ca: {  	s2 =	sadd.s32 $0x10, s2;
	v49 =	vmovc v51;
	v48 =	vmov v50;
	v17 =	vor.u32 v11, v17;
	v18 =	vmov s0;
	[tilespmem:v46+s17+$0x0] =	vst.idx.msk $0xffff, v19  }
0x2cb: {  	v45 =	vld [tilespmem:$0x1FFA0];
	_ =	sdelay $0x3  }
0x2cc: {  	v18 =	vshll.u32 v18, $0x7  }
0x2cd: {  	v19 =	vld.idx.msk [tilespmem:v17+s11+$0x0], $0xffff;
	v46 =	vlaneseq.u32;
	v17 =	vor.u32 v45, v18  }
0x2ce: {  	v47 =	vld [tilespmem:$0x1FD30];
	v18 =	vor.u32 v46, v17;
	_ =	sdelay $0x3  }
0x2cf: {  	[tilespmem:v16+s17+$0x0] =	vst.idx.msk $0xffff, v19  }
0x2d0: {  	v16 =	vor.u32 s0, v47;
	v18 =	vld.idx.msk [tilespmem:v18+s11+$0x0], $0xffff  }
0x2d1: {  	v48 =	vor.u32 v48, v17;
	_ =	sdelay $0x3  }
0x2d2: {  	[tilespmem:v16+s14+$0x0] =	vst.idx.msk $0xffff, v18  }
0x2d3: {  	v18 =	vor.u32 s0, v32;
	v19 =	vld.idx.msk [tilespmem:v48+s11+$0x0], $0xffff  }
0x2d4: {  	v20 =	vor.u32 v30, v17;
	_ =	sdelay $0x3  }
0x2d5: {  	[tilespmem:v18+s14+$0x0] =	vst.idx.msk $0xffff, v19  }
0x2d6: {  	v52 =	vor.u32 s0, v52;
	v20 =	vld.idx.msk [tilespmem:v20+s11+$0x0], $0xffff  }
0x2d7: {  	v21 =	vor.u32 v53, v17;
	_ =	sdelay $0x3  }
0x2d8: {  	[tilespmem:v52+s14+$0x0] =	vst.idx.msk $0xffff, v20  }
0x2d9: {  	v54 =	vor.u32 s0, v54;
	v21 =	vld.idx.msk [tilespmem:v21+s11+$0x0], $0xffff  }
0x2da: {  	v22 =	vor.u32 v55, v17;
	_ =	sdelay $0x3  }
0x2db: {  	[tilespmem:v54+s14+$0x0] =	vst.idx.msk $0xffff, v21  }
0x2dc: {  	v55 =	vmov v54;
	v54 =	vor.u32 s0, v56;
	v22 =	vld.idx.msk [tilespmem:v22+s11+$0x0], $0xffff  }
0x2dd: {  	v23 =	vor.u32 v57, v17;
	_ =	sdelay $0x3  }
0x2de: {  	[tilespmem:v54+s14+$0x0] =	vst.idx.msk $0xffff, v22  }
0x2df: {  	v53 =	vor.u32 s0, v58;
	v23 =	vld.idx.msk [tilespmem:v23+s11+$0x0], $0xffff  }
0x2e0: {  	v24 =	vor.u32 v59, v17;
	_ =	sdelay $0x3  }
0x2e1: {  	[tilespmem:v53+s14+$0x0] =	vst.idx.msk $0xffff, v23  }
0x2e2: {  	v20 =	vmov v52;
	v52 =	vor.u32 s0, v60;
	v24 =	vld.idx.msk [tilespmem:v24+s11+$0x0], $0xffff  }
0x2e3: {  	v25 =	vor.u32 v61, v17;
	_ =	sdelay $0x3  }
0x2e4: {  	[tilespmem:v52+s14+$0x0] =	vst.idx.msk $0xffff, v24  }
0x2e5: {  	v32 =	vor.u32 s0, v62;
	v25 =	vld.idx.msk [tilespmem:v25+s11+$0x0], $0xffff  }
0x2e6: {  	v26 =	vor.u32 v63, v17  }
0x2e7: {  	v57 =	vld [tilespmem:$0x1FAA0];
	_ =	sdelay $0x2  }
0x2e8: {  	[tilespmem:v32+s14+$0x0] =	vst.idx.msk $0xffff, v25  }
0x2e9: {  	v25 =	vor.u32 s0, v31;
	v26 =	vld.idx.msk [tilespmem:v26+s11+$0x0], $0xffff  }
0x2ea: {  	v27 =	vor.u32 v57, v17;
	_ =	sdelay $0x3  }
0x2eb: {  	[tilespmem:v25+s14+$0x0] =	vst.idx.msk $0xffff, v26  }
0x2ec: {  	v26 =	vor.u32 s0, v49;
	v27 =	vld.idx.msk [tilespmem:v27+s11+$0x0], $0xffff  }
0x2ed: {  	v28 =	vor.u32 v44, v17;
	_ =	sdelay $0x3  }
0x2ee: {  	[tilespmem:v26+s14+$0x0] =	vst.idx.msk $0xffff, v27  }
0x2ef: {  	v27 =	vor.u32 s0, v33;
	v28 =	vld.idx.msk [tilespmem:v28+s11+$0x0], $0xffff  }
0x2f0: {  	v29 =	vor.u32 v34, v17;
	_ =	sdelay $0x3  }
0x2f1: {  	[tilespmem:v27+s14+$0x0] =	vst.idx.msk $0xffff, v28  }
0x2f2: {  	v28 =	vor.u32 s0, v35;
	v29 =	vld.idx.msk [tilespmem:v29+s11+$0x0], $0xffff  }
0x2f3: {  	v45 =	vor.u32 v36, v17;
	_ =	sdelay $0x3  }
0x2f4: {  	[tilespmem:v28+s14+$0x0] =	vst.idx.msk $0xffff, v29  }
0x2f5: {  	v29 =	vor.u32 s0, v37;
	v45 =	vld.idx.msk [tilespmem:v45+s11+$0x0], $0xffff  }
0x2f6: {  	v46 =	vor.u32 v38, v17;
	_ =	sdelay $0x3  }
0x2f7: {  	[tilespmem:v29+s14+$0x0] =	vst.idx.msk $0xffff, v45  }
0x2f8: {  	v45 =	vld.idx.msk [tilespmem:v46+s11+$0x0], $0xffff;
	v46 =	vor.u32 s0, v39  }
0x2f9: {  	v47 =	vor.u32 v40, v17;
	_ =	sdelay $0x3  }
0x2fa: {  	[tilespmem:v46+s14+$0x0] =	vst.idx.msk $0xffff, v45  }
0x2fb: {  	v45 =	vld.idx.msk [tilespmem:v47+s11+$0x0], $0xffff;
	v47 =	vor.u32 s0, v41  }
0x2fc: {  	v58 =	vor.u32 v42, v17;
	_ =	sdelay $0x3  }
0x2fd: {  	[tilespmem:v47+s14+$0x0] =	vst.idx.msk $0xffff, v45  }
0x2fe: {  	v45 =	vor.u32 s0, v43;
	v48 =	vld.idx.msk [tilespmem:v58+s11+$0x0], $0xffff  }
0x2ff: {  	v59 =	vor.u32 v3, v17  }
0x300: {  	v60 =	vld [tilespmem:$0x1FDE0];
	_ =	sdelay $0x2  }
0x301: {  	[tilespmem:v45+s14+$0x0] =	vst.idx.msk $0xffff, v48  }
0x302: {  	v48 =	vld.idx.msk [tilespmem:v59+s11+$0x0], $0xffff  }
0x303: {  	v61 =	vor.u32 v60, v17  }
0x304: {  	v62 =	vld [tilespmem:$0x1FFC0];
	_ =	sdelay $0x2  }
0x305: {  	[tilespmem:v16+s15+$0x0] =	vst.idx.msk $0xffff, v48  }
0x306: {  	v48 =	vld.idx.msk [tilespmem:v61+s11+$0x0], $0xffff  }
0x307: {  	v63 =	vor.u32 v62, v17  }
0x308: {  	v31 =	vld [tilespmem:$0x1F8C0];
	_ =	sdelay $0x2  }
0x309: {  	[tilespmem:v18+s15+$0x0] =	vst.idx.msk $0xffff, v48  }
0x30a: {  	v48 =	vld.idx.msk [tilespmem:v63+s11+$0x0], $0xffff  }
0x30b: {  	v3 =	vor.u32 v31, v17  }
0x30c: {  	v19 =	vld [tilespmem:$0x1F8D0];
	_ =	sdelay $0x2  }
0x30d: {  	[tilespmem:v20+s15+$0x0] =	vst.idx.msk $0xffff, v48  }
0x30e: {  	v48 =	vld.idx.msk [tilespmem:v3+s11+$0x0], $0xffff  }
0x30f: {  	v21 =	vor.u32 v19, v17  }
0x310: {  	v22 =	vld [tilespmem:$0x1F8E0];
	_ =	sdelay $0x2  }
0x311: {  	[tilespmem:v55+s15+$0x0] =	vst.idx.msk $0xffff, v48  }
0x312: {  	v48 =	vld.idx.msk [tilespmem:v21+s11+$0x0], $0xffff  }
0x313: {  	v23 =	vor.u32 v22, v17  }
0x314: {  	v56 =	vld [tilespmem:$0x1F8F0];
	_ =	sdelay $0x2  }
0x315: {  	[tilespmem:v54+s15+$0x0] =	vst.idx.msk $0xffff, v48  }
0x316: {  	v48 =	vld.idx.msk [tilespmem:v23+s11+$0x0], $0xffff  }
0x317: {  	v33 =	vor.u32 v56, v17  }
0x318: {  	v57 =	vld [tilespmem:$0x1F900];
	_ =	sdelay $0x2  }
0x319: {  	[tilespmem:v53+s15+$0x0] =	vst.idx.msk $0xffff, v48  }
0x31a: {  	v48 =	vld.idx.msk [tilespmem:v33+s11+$0x0], $0xffff  }
0x31b: {  	v34 =	vor.u32 v57, v17  }
0x31c: {  	v58 =	vld [tilespmem:$0x1F910];
	_ =	sdelay $0x2  }
0x31d: {  	[tilespmem:v52+s15+$0x0] =	vst.idx.msk $0xffff, v48  }
0x31e: {  	v48 =	vld.idx.msk [tilespmem:v34+s11+$0x0], $0xffff  }
0x31f: {  	v35 =	vor.u32 v58, v17  }
0x320: {  	v59 =	vld [tilespmem:$0x1F920];
	_ =	sdelay $0x2  }
0x321: {  	[tilespmem:v32+s15+$0x0] =	vst.idx.msk $0xffff, v48  }
0x322: {  	v48 =	vld.idx.msk [tilespmem:v35+s11+$0x0], $0xffff  }
0x323: {  	v36 =	vor.u32 v59, v17  }
0x324: {  	v37 =	vld [tilespmem:$0x1F930];
	_ =	sdelay $0x2  }
0x325: {  	[tilespmem:v25+s15+$0x0] =	vst.idx.msk $0xffff, v48  }
0x326: {  	v48 =	vld.idx.msk [tilespmem:v36+s11+$0x0], $0xffff  }
0x327: {  	v38 =	vor.u32 v37, v17  }
0x328: {  	v60 =	vld [tilespmem:$0x1F940];
	_ =	sdelay $0x2  }
0x329: {  	[tilespmem:v26+s15+$0x0] =	vst.idx.msk $0xffff, v48  }
0x32a: {  	v48 =	vld.idx.msk [tilespmem:v38+s11+$0x0], $0xffff  }
0x32b: {  	v39 =	vor.u32 v60, v17  }
0x32c: {  	v61 =	vld [tilespmem:$0x1F950];
	_ =	sdelay $0x2  }
0x32d: {  	[tilespmem:v27+s15+$0x0] =	vst.idx.msk $0xffff, v48  }
0x32e: {  	v48 =	vld.idx.msk [tilespmem:v39+s11+$0x0], $0xffff  }
0x32f: {  	v40 =	vor.u32 v61, v17  }
0x330: {  	v62 =	vld [tilespmem:$0x1F960];
	_ =	sdelay $0x2  }
0x331: {  	[tilespmem:v28+s15+$0x0] =	vst.idx.msk $0xffff, v48  }
0x332: {  	v48 =	vld.idx.msk [tilespmem:v40+s11+$0x0], $0xffff  }
0x333: {  	v41 =	vor.u32 v62, v17  }
0x334: {  	v42 =	vld [tilespmem:$0x1F970];
	_ =	sdelay $0x2  }
0x335: {  	[tilespmem:v29+s15+$0x0] =	vst.idx.msk $0xffff, v48  }
0x336: {  	v48 =	vld.idx.msk [tilespmem:v41+s11+$0x0], $0xffff  }
0x337: {  	v43 =	vor.u32 v42, v17  }
0x338: {  	v49 =	vld [tilespmem:$0x1F980];
	_ =	sdelay $0x2  }
0x339: {  	[tilespmem:v46+s15+$0x0] =	vst.idx.msk $0xffff, v48  }
0x33a: {  	v48 =	vld.idx.msk [tilespmem:v43+s11+$0x0], $0xffff  }
0x33b: {  	v63 =	vor.u32 v49, v17  }
0x33c: {  	v3 =	vld [tilespmem:$0x1F990];
	_ =	sdelay $0x2  }
0x33d: {  	[tilespmem:v47+s15+$0x0] =	vst.idx.msk $0xffff, v48  }
0x33e: {  	v48 =	vld.idx.msk [tilespmem:v63+s11+$0x0], $0xffff  }
0x33f: {  	v19 =	vor.u32 v3, v17  }
0x340: {  	v21 =	vld [tilespmem:$0x1F9A0];
	_ =	sdelay $0x2  }
0x341: {  	[tilespmem:v45+s15+$0x0] =	vst.idx.msk $0xffff, v48  }
0x342: {  	v48 =	vld.idx.msk [tilespmem:v19+s11+$0x0], $0xffff  }
0x343: {  	v22 =	vor.u32 v21, v17  }
0x344: {  	v23 =	vld [tilespmem:$0x1F9B0];
	_ =	sdelay $0x2  }
0x345: {  	[tilespmem:v16+s16+$0x0] =	vst.idx.msk $0xffff, v48  }
0x346: {  	v48 =	vld.idx.msk [tilespmem:v22+s11+$0x0], $0xffff  }
0x347: {  	v33 =	vor.u32 v23, v17  }
0x348: {  	v34 =	vld [tilespmem:$0x1F9C0];
	_ =	sdelay $0x2  }
0x349: {  	[tilespmem:v18+s16+$0x0] =	vst.idx.msk $0xffff, v48  }
0x34a: {  	v48 =	vld.idx.msk [tilespmem:v33+s11+$0x0], $0xffff  }
0x34b: {  	v35 =	vor.u32 v34, v17  }
0x34c: {  	v37 =	vld [tilespmem:$0x1F9D0];
	_ =	sdelay $0x2  }
0x34d: {  	[tilespmem:v20+s16+$0x0] =	vst.idx.msk $0xffff, v48  }
0x34e: {  	v48 =	vld.idx.msk [tilespmem:v35+s11+$0x0], $0xffff  }
0x34f: {  	v43 =	vor.u32 v37, v17  }
0x350: {  	v49 =	vld [tilespmem:$0x1F9E0];
	_ =	sdelay $0x2  }
0x351: {  	[tilespmem:v55+s16+$0x0] =	vst.idx.msk $0xffff, v48  }
0x352: {  	v48 =	vld.idx.msk [tilespmem:v43+s11+$0x0], $0xffff  }
0x353: {  	v63 =	vor.u32 v49, v17  }
0x354: {  	v3 =	vld [tilespmem:$0x1F9F0];
	_ =	sdelay $0x2  }
0x355: {  	[tilespmem:v54+s16+$0x0] =	vst.idx.msk $0xffff, v48  }
0x356: {  	v48 =	vld.idx.msk [tilespmem:v63+s11+$0x0], $0xffff  }
0x357: {  	v19 =	vor.u32 v3, v17  }
0x358: {  	v38 =	vmov v20;
	v20 =	vld [tilespmem:$0x1FA00];
	_ =	sdelay $0x2  }
0x359: {  	[tilespmem:v53+s16+$0x0] =	vst.idx.msk $0xffff, v48  }
0x35a: {  	v48 =	vld.idx.msk [tilespmem:v19+s11+$0x0], $0xffff  }
0x35b: {  	v21 =	vor.u32 v20, v17  }
0x35c: {  	v22 =	vld [tilespmem:$0x1FA10];
	_ =	sdelay $0x2  }
0x35d: {  	[tilespmem:v52+s16+$0x0] =	vst.idx.msk $0xffff, v48  }
0x35e: {  	v48 =	vld.idx.msk [tilespmem:v21+s11+$0x0], $0xffff  }
0x35f: {  	v23 =	vor.u32 v22, v17  }
0x360: {  	v33 =	vld [tilespmem:$0x1FA20];
	_ =	sdelay $0x2  }
0x361: {  	[tilespmem:v32+s16+$0x0] =	vst.idx.msk $0xffff, v48  }
0x362: {  	v48 =	vld.idx.msk [tilespmem:v23+s11+$0x0], $0xffff  }
0x363: {  	v34 =	vor.u32 v33, v17  }
0x364: {  	v35 =	vld [tilespmem:$0x1FA30];
	_ =	sdelay $0x2  }
0x365: {  	[tilespmem:v25+s16+$0x0] =	vst.idx.msk $0xffff, v48  }
0x366: {  	v48 =	vld.idx.msk [tilespmem:v34+s11+$0x0], $0xffff  }
0x367: {  	v36 =	vor.u32 v35, v17  }
0x368: {  	v37 =	vld [tilespmem:$0x1FA40];
	_ =	sdelay $0x2  }
0x369: {  	[tilespmem:v26+s16+$0x0] =	vst.idx.msk $0xffff, v48  }
0x36a: {  	v48 =	vld.idx.msk [tilespmem:v36+s11+$0x0], $0xffff  }
0x36b: {  	v39 =	vor.u32 v37, v17  }
0x36c: {  	v40 =	vld [tilespmem:$0x1FA50];
	_ =	sdelay $0x2  }
0x36d: {  	[tilespmem:v27+s16+$0x0] =	vst.idx.msk $0xffff, v48  }
0x36e: {  	v48 =	vld.idx.msk [tilespmem:v39+s11+$0x0], $0xffff  }
0x36f: {  	v41 =	vor.u32 v40, v17  }
0x370: {  	v42 =	vld [tilespmem:$0x1FA60];
	_ =	sdelay $0x2  }
0x371: {  	[tilespmem:v28+s16+$0x0] =	vst.idx.msk $0xffff, v48  }
0x372: {  	v48 =	vld.idx.msk [tilespmem:v41+s11+$0x0], $0xffff  }
0x373: {  	v43 =	vor.u32 v42, v17  }
0x374: {  	v63 =	vld [tilespmem:$0x1FA70];
	_ =	sdelay $0x2  }
0x375: {  	[tilespmem:v29+s16+$0x0] =	vst.idx.msk $0xffff, v48  }
0x376: {  	v48 =	vld.idx.msk [tilespmem:v43+s11+$0x0], $0xffff  }
0x377: {  	v3 =	vor.u32 v63, v17  }
0x378: {  	v19 =	vld [tilespmem:$0x1FA80];
	_ =	sdelay $0x2  }
0x379: {  	[tilespmem:v46+s16+$0x0] =	vst.idx.msk $0xffff, v48  }
0x37a: {  	v48 =	vld.idx.msk [tilespmem:v3+s11+$0x0], $0xffff  }
0x37b: {  	v23 =	vor.u32 v19, v17  }
0x37c: {  	v24 =	vld [tilespmem:$0x1FA90];
	_ =	sdelay $0x2  }
0x37d: {  	[tilespmem:v47+s16+$0x0] =	vst.idx.msk $0xffff, v48  }
0x37e: {  	v48 =	vld.idx.msk [tilespmem:v23+s11+$0x0], $0xffff  }
0x37f: {  	v33 =	vor.u32 v24, v17;
	_ =	sdelay $0x3  }
0x380: {  	[tilespmem:v45+s16+$0x0] =	vst.idx.msk $0xffff, v48  }
0x381: {  	v48 =	vld.idx.msk [tilespmem:v33+s11+$0x0], $0xffff  }
0x382: {  	v34 =	vor.u32 v8, v17;
	_ =	sdelay $0x3  }
0x383: {  	[tilespmem:v16+s17+$0x0] =	vst.idx.msk $0xffff, v48  }
0x384: {  	v16 =	vld.idx.msk [tilespmem:v34+s11+$0x0], $0xffff  }
0x385: {  	v35 =	vor.u32 v13, v17;
	_ =	sdelay $0x3  }
0x386: {  	[tilespmem:v18+s17+$0x0] =	vst.idx.msk $0xffff, v16  }
0x387: {  	v16 =	vld.idx.msk [tilespmem:v35+s11+$0x0], $0xffff  }
0x388: {  	v36 =	vor.u32 v0, v17;
	_ =	sdelay $0x3  }
0x389: {  	[tilespmem:v38+s17+$0x0] =	vst.idx.msk $0xffff, v16  }
0x38a: {  	v16 =	vld.idx.msk [tilespmem:v36+s11+$0x0], $0xffff  }
0x38b: {  	v37 =	vor.u32 v7, v17;
	_ =	sdelay $0x3  }
0x38c: {  	[tilespmem:v55+s17+$0x0] =	vst.idx.msk $0xffff, v16  }
0x38d: {  	v16 =	vld.idx.msk [tilespmem:v37+s11+$0x0], $0xffff  }
0x38e: {  	v38 =	vor.u32 v9, v17;
	_ =	sdelay $0x3  }
0x38f: {  	[tilespmem:v54+s17+$0x0] =	vst.idx.msk $0xffff, v16  }
0x390: {  	v16 =	vld.idx.msk [tilespmem:v38+s11+$0x0], $0xffff  }
0x391: {  	v39 =	vor.u32 v1, v17;
	_ =	sdelay $0x3  }
0x392: {  	[tilespmem:v53+s17+$0x0] =	vst.idx.msk $0xffff, v16  }
0x393: {  	v16 =	vld.idx.msk [tilespmem:v39+s11+$0x0], $0xffff  }
0x394: {  	v40 =	vor.u32 v12, v17;
	_ =	sdelay $0x3  }
0x395: {  	[tilespmem:v52+s17+$0x0] =	vst.idx.msk $0xffff, v16  }
0x396: {  	v16 =	vld.idx.msk [tilespmem:v40+s11+$0x0], $0xffff  }
0x397: {  	v41 =	vor.u32 v2, v17;
	_ =	sdelay $0x3  }
0x398: {  	[tilespmem:v32+s17+$0x0] =	vst.idx.msk $0xffff, v16  }
0x399: {  	v16 =	vld.idx.msk [tilespmem:v41+s11+$0x0], $0xffff  }
0x39a: {  	v42 =	vor.u32 v5, v17;
	_ =	sdelay $0x3  }
0x39b: {  	[tilespmem:v25+s17+$0x0] =	vst.idx.msk $0xffff, v16  }
0x39c: {  	v16 =	vld.idx.msk [tilespmem:v42+s11+$0x0], $0xffff  }
0x39d: {  	v52 =	vor.u32 v6, v17;
	_ =	sdelay $0x3  }
0x39e: {  	[tilespmem:v26+s17+$0x0] =	vst.idx.msk $0xffff, v16  }
0x39f: {  	v16 =	vld.idx.msk [tilespmem:v52+s11+$0x0], $0xffff  }
0x3a0: {  	v53 =	vor.u32 v4, v17;
	_ =	sdelay $0x3  }
0x3a1: {  	[tilespmem:v27+s17+$0x0] =	vst.idx.msk $0xffff, v16  }
0x3a2: {  	v16 =	vld.idx.msk [tilespmem:v53+s11+$0x0], $0xffff  }
0x3a3: {  	v54 =	vor.u32 v10, v17;
	_ =	sdelay $0x3  }
0x3a4: {  	[tilespmem:v28+s17+$0x0] =	vst.idx.msk $0xffff, v16  }
0x3a5: {  	v16 =	vld.idx.msk [tilespmem:v54+s11+$0x0], $0xffff  }
0x3a6: {  	v55 =	vor.u32 v14, v17;
	_ =	sdelay $0x3  }
0x3a7: {  	[tilespmem:v29+s17+$0x0] =	vst.idx.msk $0xffff, v16  }
0x3a8: {  	[tilespmem:$0x1F7D0] =	vst v4;
	v16 =	vld.idx.msk [tilespmem:v55+s11+$0x0], $0xffff  }
0x3a9: {  	[tilespmem:$0x1F7E0] =	vst v10;
	v63 =	vor.u32 v15, v17  }
0x3aa: {  	[tilespmem:$0x1F7F0] =	vst v11  }
0x3ab: {  	[tilespmem:$0x1F800] =	vst v15  }
0x3ac: {  	[tilespmem:$0x1F810] =	vst v14  }
0x3ad: {  	[tilespmem:v46+s17+$0x0] =	vst.idx.msk $0xffff, v16  }
0x3ae: {  	[tilespmem:$0x1F830] =	vst v5;
	v16 =	vld.idx.msk [tilespmem:v63+s11+$0x0], $0xffff  }
0x3af: {  	[tilespmem:$0x1F840] =	vst v2;
	v17 =	vor.u32 v11, v17  }
0x3b0: {  	[tilespmem:$0x1F850] =	vst v12  }
0x3b1: {  	[tilespmem:$0x1F860] =	vst v1  }
0x3b2: {  	[tilespmem:$0x1F870] =	vst v9  }
0x3b3: {  	[tilespmem:v47+s17+$0x0] =	vst.idx.msk $0xffff, v16  }
0x3b4: {  	[tilespmem:$0x1F880] =	vst v7;
	v16 =	vld.idx.msk [tilespmem:v17+s11+$0x0], $0xffff  }
0x3b5: {  	p1 =	sne.s32 s28, $0x63;
	[tilespmem:$0x1F890] =	vst v0  }
.Ltmp1:
0x3b6: {  	[tilespmem:$0x1F8A0] =	vst v13;
	s0 =	sshll.u32 s28, $0x10;
	v33 =	vld [tilespmem:$0x1F8D0];
	(pc) =	sbr.rel @p1 .LBB2_6-.Ltmp1, $4  }
0x3b7: {  	s2 =	sand.u32 $0x100, s30;
	[tilespmem:$0x1F8B0] =	vst v8;
	s30 =	sand.u32 $0x7E0000, s0;
	v43 =	vmov v6;
	v27 =	vld [tilespmem:$0x1FD30]  }
0x3b8: {  	s0 =	sor.u32 s30, s2;
	[tilespmem:$0x1F820] =	vst v43;
	v28 =	vld [tilespmem:$0x1FAA0]  }
0x3b9: {  	s0 =	sadd.s32 s0, s5;
	v55 =	vld [tilespmem:$0x1F8E0];
	[tilespmem:v45+s17+$0x0] =	vst.idx.msk $0xffff, v16  }
0x3ba: {  	v49 =	vmov v44;
	v48 =	vmov v30;
	v63 =	vld [tilespmem:$0x1F930];
	[hbm4b:s0+s18] =	stream.strided.scatter [tilespmem:s14], [sflag:$0x3], $0x2000, s8, s18, $0x38  }
.Ltmp2:
0x3bb: {  	(pc) =	sbr.rel .LBB2_7-.Ltmp2, $4  }
0x3bc: {  	_ = 	snop  }
0x3bd: {  	_ =	swait.ge [sflag:s19], $0x4000  }
0x3be: {  	[sflag:s19] =	ssyncset.done $0x0  }
0x3bf: {  	[sflag:s19] =	ssyncadd.s32 $0xFFFFC000  }
.LBB2_6:
0x3c0: {  	s0 =	sadd.s32 $0x2, s31  }
0x3c1: {  	s2 =	sshll.u32 s0, $0x7;
	s31 =	sshll.u32 s0, $0xA  }
0x3c2: {  	s0 =	sshll.u32 s0, $0x5;
	s2 =	sand.u32 $0xF000, s2;
	s31 =	sand.u32 $0x800, s31  }
0x3c3: {  	s0 =	sand.u32 $0x380, s0;
	s2 =	sor.u32 s31, s2  }
.Ltmp3:
0x3c4: {  	s0 =	sor.u32 s0, s2;
	(pc) =	sbr.rel @p0 .LBB2_8-.Ltmp3, $4  }
0x3c5: {  	[tilespmem:s11], [sflag:$0x1] =	stream.indirect.gather [hbm4b:s3+s10], $0x80, s0, s10, $0xb8;
	[tilespmem:$0x13000] =	vst v63  }
0x3c6: {  	_ =	swait.ge [sflag:s19], $0x4000  }
0x3c7: {  	[sflag:s19] =	ssyncset.done $0x0  }
0x3c8: {  	[sflag:s19] =	ssyncadd.s32 $0xFFFFC000  }
.LBB2_7:
0x3c9: {  	_ =	swait.ge [sflag:s20], $0x2000  }
0x3ca: {  	[sflag:s20] =	ssyncset.done $0x0  }
0x3cb: {  	[sflag:s20] =	ssyncadd.s32 $0xFFFFE000  }
.LBB2_8:
0x3cc: {  	v17 =	vld [tilespmem:$0x1FFA0];
	_ =	sdelay $0x1  }
0x3cd: {  	s0 =	simm.s32 $0x0  }
0x3ce: {  	v16 =	vmov s0  }
0x3cf: {  	v16 =	vshll.u32 v16, $0x7  }
0x3d0: {  	v0 =	vlaneseq.u32;
	v16 =	vor.u32 v17, v16  }
0x3d1: {  	v31 =	vmov v17;
	v17 =	vor.u32 v0, v16;
	_ =	sdelay $0x4  }
0x3d2: {  	v18 =	vor.u32 s0, v27;
	v17 =	vld.idx.msk [tilespmem:v17+s12+$0x0], $0xffff  }
0x3d3: {  	v19 =	vor.u32 v50, v16;
	_ =	sdelay $0x3  }
0x3d4: {  	[tilespmem:v18+s21+$0x0] =	vst.idx.msk $0xffff, v17  }
0x3d5: {  	v17 =	vld.idx.msk [tilespmem:v19+s12+$0x0], $0xffff  }
0x3d6: {  	v19 =	vld [tilespmem:$0x1FE10];
	_ =	sdelay $0x4  }
0x3d7: {  	v12 =	vmov v19;
	v19 =	vor.u32 s0, v19  }
0x3d8: {  	v20 =	vor.u32 v48, v16;
	_ =	sdelay $0x3  }
0x3d9: {  	[tilespmem:v19+s21+$0x0] =	vst.idx.msk $0xffff, v17  }
0x3da: {  	v17 =	vld.idx.msk [tilespmem:v20+s12+$0x0], $0xffff  }
0x3db: {  	v20 =	vld [tilespmem:$0x1FE20]  }
0x3dc: {  	v21 =	vld [tilespmem:$0x1FE30];
	_ =	sdelay $0x3  }
0x3dd: {  	v4 =	vmov v20;
	v20 =	vor.u32 s0, v20  }
0x3de: {  	v36 =	vld [tilespmem:$0x1FE40];
	v10 =	vmov v21;
	v21 =	vor.u32 v21, v16  }
0x3df: {  	v22 =	vld [tilespmem:$0x1FE50];
	_ =	sdelay $0x2  }
0x3e0: {  	[tilespmem:v20+s21+$0x0] =	vst.idx.msk $0xffff, v17  }
0x3e1: {  	v17 =	vld.idx.msk [tilespmem:v21+s12+$0x0], $0xffff;
	v21 =	vor.u32 s0, v36  }
0x3e2: {  	v37 =	vld [tilespmem:$0x1FE60];
	v7 =	vmov v22;
	v22 =	vor.u32 v22, v16  }
0x3e3: {  	v23 =	vld [tilespmem:$0x1FE70];
	_ =	sdelay $0x2  }
0x3e4: {  	[tilespmem:v21+s21+$0x0] =	vst.idx.msk $0xffff, v17  }
0x3e5: {  	v17 =	vld.idx.msk [tilespmem:v22+s12+$0x0], $0xffff;
	v22 =	vor.u32 s0, v37  }
0x3e6: {  	v38 =	vld [tilespmem:$0x1FE80];
	v1 =	vmov v23;
	v23 =	vor.u32 v23, v16  }
0x3e7: {  	v24 =	vld [tilespmem:$0x1FE90];
	_ =	sdelay $0x2  }
0x3e8: {  	[tilespmem:v22+s21+$0x0] =	vst.idx.msk $0xffff, v17  }
0x3e9: {  	v17 =	vld.idx.msk [tilespmem:v23+s12+$0x0], $0xffff;
	v23 =	vor.u32 s0, v38  }
0x3ea: {  	v39 =	vld [tilespmem:$0x1FEA0];
	v5 =	vmov v24;
	v24 =	vor.u32 v24, v16  }
0x3eb: {  	v25 =	vld [tilespmem:$0x1FEB0];
	_ =	sdelay $0x2  }
0x3ec: {  	[tilespmem:v23+s21+$0x0] =	vst.idx.msk $0xffff, v17  }
0x3ed: {  	v17 =	vld.idx.msk [tilespmem:v24+s12+$0x0], $0xffff;
	v24 =	vor.u32 s0, v39  }
0x3ee: {  	v40 =	vld [tilespmem:$0x1FEC0];
	v14 =	vmov v25;
	v25 =	vor.u32 v25, v16  }
0x3ef: {  	v26 =	vld [tilespmem:$0x1FED0];
	_ =	sdelay $0x2  }
0x3f0: {  	[tilespmem:v24+s21+$0x0] =	vst.idx.msk $0xffff, v17  }
0x3f1: {  	v17 =	vld.idx.msk [tilespmem:v25+s12+$0x0], $0xffff;
	v25 =	vor.u32 s0, v40  }
0x3f2: {  	v8 =	vld [tilespmem:$0x1FEE0];
	v15 =	vmov v26;
	v26 =	vor.u32 v26, v16;
	_ =	sdelay $0x3  }
0x3f3: {  	[tilespmem:v25+s21+$0x0] =	vst.idx.msk $0xffff, v17  }
0x3f4: {  	v17 =	vld.idx.msk [tilespmem:v26+s12+$0x0], $0xffff;
	v26 =	vor.u32 s0, v8  }
0x3f5: {  	v41 =	vor.u32 v28, v16;
	_ =	sdelay $0x3  }
0x3f6: {  	[tilespmem:v26+s21+$0x0] =	vst.idx.msk $0xffff, v17  }
0x3f7: {  	v3 =	vmov v36;
	v36 =	vmov v27;
	v27 =	vor.u32 s0, v51;
	v17 =	vld.idx.msk [tilespmem:v41+s12+$0x0], $0xffff  }
0x3f8: {  	v34 =	vmov v28;
	v28 =	vor.u32 v49, v16;
	_ =	sdelay $0x3  }
0x3f9: {  	[tilespmem:v27+s21+$0x0] =	vst.idx.msk $0xffff, v17  }
0x3fa: {  	v17 =	vld.idx.msk [tilespmem:v28+s12+$0x0], $0xffff  }
0x3fb: {  	v28 =	vld [tilespmem:$0x1FEF0]  }
0x3fc: {  	v29 =	vld [tilespmem:$0x1FF00];
	_ =	sdelay $0x3  }
0x3fd: {  	v30 =	vmov v28;
	v28 =	vor.u32 s0, v28  }
0x3fe: {  	v2 =	vmov v38;
	v38 =	vmov v29;
	v29 =	vor.u32 v29, v16;
	_ =	sdelay $0x3  }
0x3ff: {  	[tilespmem:v28+s21+$0x0] =	vst.idx.msk $0xffff, v17  }
0x400: {  	v17 =	vld.idx.msk [tilespmem:v29+s12+$0x0], $0xffff  }
0x401: {  	v29 =	vld [tilespmem:$0x1FF10]  }
0x402: {  	v45 =	vld [tilespmem:$0x1FF20];
	_ =	sdelay $0x3  }
0x403: {  	v43 =	vmov v29;
	v29 =	vor.u32 s0, v29  }
0x404: {  	v42 =	vld [tilespmem:$0x1FF30];
	v9 =	vmov v45;
	v45 =	vor.u32 v45, v16  }
0x405: {  	v46 =	vld [tilespmem:$0x1FF40];
	_ =	sdelay $0x2  }
0x406: {  	[tilespmem:v29+s21+$0x0] =	vst.idx.msk $0xffff, v17  }
0x407: {  	v17 =	vld.idx.msk [tilespmem:v45+s12+$0x0], $0xffff;
	v45 =	vor.u32 s0, v42  }
0x408: {  	v44 =	vmov v46;
	v46 =	vor.u32 v46, v16;
	v48 =	vld [tilespmem:$0x1FF50]  }
0x409: {  	v47 =	vld [tilespmem:$0x1FF60];
	_ =	sdelay $0x2  }
0x40a: {  	[tilespmem:v45+s21+$0x0] =	vst.idx.msk $0xffff, v17  }
0x40b: {  	v17 =	vld.idx.msk [tilespmem:v46+s12+$0x0], $0xffff;
	v46 =	vor.u32 s0, v48  }
0x40c: {  	v53 =	vmov v47;
	v47 =	vor.u32 v47, v16;
	v49 =	vld [tilespmem:$0x1FF70];
	_ =	sdelay $0x3  }
0x40d: {  	v6 =	vmov v37;
	v37 =	vld [tilespmem:$0x1FF80];
	[tilespmem:v46+s21+$0x0] =	vst.idx.msk $0xffff, v17  }
0x40e: {  	v17 =	vld.idx.msk [tilespmem:v47+s12+$0x0], $0xffff;
	v47 =	vor.u32 s0, v49;
	_ =	sdelay $0x4  }
0x40f: {  	v54 =	vor.u32 v37, v16;
	[tilespmem:v47+s21+$0x0] =	vst.idx.msk $0xffff, v17;
	v17 =	vld [tilespmem:$0x1FF90]  }
0x410: {  	v35 =	vld [tilespmem:$0x1FFB0];
	_ =	sdelay $0x3  }
0x411: {  	v52 =	vmov v48;
	v48 =	vld.idx.msk [tilespmem:v54+s12+$0x0], $0xffff;
	v17 =	vor.u32 s0, v17  }
0x412: {  	v13 =	vmovc v40;
	v40 =	vmov v8;
	v8 =	vmov v42;
	v42 =	vor.u32 v35, v16  }
0x413: {  	v54 =	vld [tilespmem:$0x1FDE0];
	_ =	sdelay $0x2  }
0x414: {  	[tilespmem:v17+s21+$0x0] =	vst.idx.msk $0xffff, v48  }
0x415: {  	v48 =	vld.idx.msk [tilespmem:v42+s12+$0x0], $0xffff  }
0x416: {  	v42 =	vor.u32 v54, v16  }
0x417: {  	v41 =	vmov v35;
	v35 =	vmov v54;
	v54 =	vld [tilespmem:$0x1FFC0];
	_ =	sdelay $0x2  }
0x418: {  	[tilespmem:v18+s22+$0x0] =	vst.idx.msk $0xffff, v48  }
0x419: {  	v48 =	vld.idx.msk [tilespmem:v42+s12+$0x0], $0xffff  }
0x41a: {  	v42 =	vor.u32 v54, v16  }
0x41b: {  	v0 =	vmov v39;
	v39 =	vld [tilespmem:$0x1F8C0];
	_ =	sdelay $0x2  }
0x41c: {  	[tilespmem:v19+s22+$0x0] =	vst.idx.msk $0xffff, v48  }
0x41d: {  	v48 =	vld.idx.msk [tilespmem:v42+s12+$0x0], $0xffff  }
0x41e: {  	v54 =	vor.u32 v39, v16;
	_ =	sdelay $0x3  }
0x41f: {  	[tilespmem:v20+s22+$0x0] =	vst.idx.msk $0xffff, v48  }
0x420: {  	v48 =	vld.idx.msk [tilespmem:v54+s12+$0x0], $0xffff  }
0x421: {  	v11 =	vmov v37;
	v37 =	vor.u32 v33, v16;
	_ =	sdelay $0x3  }
0x422: {  	[tilespmem:v21+s22+$0x0] =	vst.idx.msk $0xffff, v48  }
0x423: {  	v48 =	vld.idx.msk [tilespmem:v37+s12+$0x0], $0xffff  }
0x424: {  	v42 =	vor.u32 v55, v16;
	_ =	sdelay $0x3  }
0x425: {  	[tilespmem:v22+s22+$0x0] =	vst.idx.msk $0xffff, v48  }
0x426: {  	v48 =	vld.idx.msk [tilespmem:v42+s12+$0x0], $0xffff  }
0x427: {  	v54 =	vor.u32 v56, v16;
	_ =	sdelay $0x3  }
0x428: {  	[tilespmem:v23+s22+$0x0] =	vst.idx.msk $0xffff, v48  }
0x429: {  	v48 =	vld.idx.msk [tilespmem:v54+s12+$0x0], $0xffff  }
0x42a: {  	v37 =	vor.u32 v57, v16;
	_ =	sdelay $0x3  }
0x42b: {  	[tilespmem:v24+s22+$0x0] =	vst.idx.msk $0xffff, v48  }
0x42c: {  	v48 =	vld.idx.msk [tilespmem:v37+s12+$0x0], $0xffff  }
0x42d: {  	v42 =	vor.u32 v58, v16;
	_ =	sdelay $0x3  }
0x42e: {  	[tilespmem:v25+s22+$0x0] =	vst.idx.msk $0xffff, v48  }
0x42f: {  	v48 =	vld.idx.msk [tilespmem:v42+s12+$0x0], $0xffff  }
0x430: {  	v54 =	vor.u32 v59, v16;
	_ =	sdelay $0x3  }
0x431: {  	[tilespmem:v26+s22+$0x0] =	vst.idx.msk $0xffff, v48  }
0x432: {  	v48 =	vld.idx.msk [tilespmem:v54+s12+$0x0], $0xffff  }
0x433: {  	v37 =	vor.u32 v63, v16;
	_ =	sdelay $0x3  }
0x434: {  	[tilespmem:v27+s22+$0x0] =	vst.idx.msk $0xffff, v48  }
0x435: {  	v48 =	vld.idx.msk [tilespmem:v37+s12+$0x0], $0xffff  }
0x436: {  	v42 =	vor.u32 v60, v16;
	_ =	sdelay $0x3  }
0x437: {  	[tilespmem:v28+s22+$0x0] =	vst.idx.msk $0xffff, v48  }
0x438: {  	v48 =	vld.idx.msk [tilespmem:v42+s12+$0x0], $0xffff  }
0x439: {  	v54 =	vor.u32 v61, v16;
	_ =	sdelay $0x3  }
0x43a: {  	[tilespmem:v29+s22+$0x0] =	vst.idx.msk $0xffff, v48  }
0x43b: {  	v48 =	vld.idx.msk [tilespmem:v54+s12+$0x0], $0xffff  }
0x43c: {  	v37 =	vor.u32 v62, v16  }
0x43d: {  	v42 =	vld [tilespmem:$0x1F970];
	_ =	sdelay $0x2  }
0x43e: {  	[tilespmem:v45+s22+$0x0] =	vst.idx.msk $0xffff, v48  }
0x43f: {  	v48 =	vld.idx.msk [tilespmem:v37+s12+$0x0], $0xffff  }
0x440: {  	v37 =	vmov v42;
	v42 =	vor.u32 v42, v16  }
0x441: {  	v54 =	vld [tilespmem:$0x1F980];
	_ =	sdelay $0x2  }
0x442: {  	[tilespmem:v46+s22+$0x0] =	vst.idx.msk $0xffff, v48  }
0x443: {  	v48 =	vld.idx.msk [tilespmem:v42+s12+$0x0], $0xffff  }
0x444: {  	v32 =	vmov v49;
	v49 =	vor.u32 v54, v16;
	_ =	sdelay $0x3  }
0x445: {  	[tilespmem:v47+s22+$0x0] =	vst.idx.msk $0xffff, v48  }
0x446: {  	v48 =	vld.idx.msk [tilespmem:v49+s12+$0x0], $0xffff  }
0x447: {  	v49 =	vld [tilespmem:$0x1F990];
	_ =	sdelay $0x4  }
0x448: {  	v42 =	vmov v54;
	v54 =	vmov v49;
	v49 =	vor.u32 v49, v16;
	_ =	sdelay $0x3  }
0x449: {  	[tilespmem:v17+s22+$0x0] =	vst.idx.msk $0xffff, v48  }
0x44a: {  	v48 =	vld.idx.msk [tilespmem:v49+s12+$0x0], $0xffff  }
0x44b: {  	v49 =	vld [tilespmem:$0x1F9A0];
	_ =	sdelay $0x4  }
0x44c: {  	v49 =	vor.u32 v49, v16;
	_ =	sdelay $0x3  }
0x44d: {  	[tilespmem:v18+s23+$0x0] =	vst.idx.msk $0xffff, v48  }
0x44e: {  	v48 =	vld.idx.msk [tilespmem:v49+s12+$0x0], $0xffff  }
0x44f: {  	v49 =	vld [tilespmem:$0x1F9B0];
	_ =	sdelay $0x4  }
0x450: {  	v49 =	vor.u32 v49, v16;
	_ =	sdelay $0x3  }
0x451: {  	[tilespmem:v19+s23+$0x0] =	vst.idx.msk $0xffff, v48  }
0x452: {  	v48 =	vld.idx.msk [tilespmem:v49+s12+$0x0], $0xffff  }
0x453: {  	v49 =	vld [tilespmem:$0x1F9C0];
	_ =	sdelay $0x4  }
0x454: {  	v49 =	vor.u32 v49, v16;
	_ =	sdelay $0x3  }
0x455: {  	[tilespmem:v20+s23+$0x0] =	vst.idx.msk $0xffff, v48  }
0x456: {  	v48 =	vld.idx.msk [tilespmem:v49+s12+$0x0], $0xffff  }
0x457: {  	v49 =	vld [tilespmem:$0x1F9D0];
	_ =	sdelay $0x4  }
0x458: {  	v49 =	vor.u32 v49, v16;
	_ =	sdelay $0x3  }
0x459: {  	[tilespmem:v21+s23+$0x0] =	vst.idx.msk $0xffff, v48  }
0x45a: {  	v48 =	vld.idx.msk [tilespmem:v49+s12+$0x0], $0xffff  }
0x45b: {  	v49 =	vld [tilespmem:$0x1F9E0];
	_ =	sdelay $0x4  }
0x45c: {  	v49 =	vor.u32 v49, v16;
	_ =	sdelay $0x3  }
0x45d: {  	[tilespmem:v22+s23+$0x0] =	vst.idx.msk $0xffff, v48  }
0x45e: {  	v48 =	vld.idx.msk [tilespmem:v49+s12+$0x0], $0xffff  }
0x45f: {  	v49 =	vld [tilespmem:$0x1F9F0];
	_ =	sdelay $0x4  }
0x460: {  	v49 =	vor.u32 v49, v16;
	_ =	sdelay $0x3  }
0x461: {  	[tilespmem:v23+s23+$0x0] =	vst.idx.msk $0xffff, v48  }
0x462: {  	v48 =	vld.idx.msk [tilespmem:v49+s12+$0x0], $0xffff  }
0x463: {  	v49 =	vld [tilespmem:$0x1FA00];
	_ =	sdelay $0x4  }
0x464: {  	v49 =	vor.u32 v49, v16;
	_ =	sdelay $0x3  }
0x465: {  	[tilespmem:v24+s23+$0x0] =	vst.idx.msk $0xffff, v48  }
0x466: {  	v48 =	vld.idx.msk [tilespmem:v49+s12+$0x0], $0xffff  }
0x467: {  	v49 =	vld [tilespmem:$0x1FA10];
	_ =	sdelay $0x4  }
0x468: {  	v49 =	vor.u32 v49, v16;
	_ =	sdelay $0x3  }
0x469: {  	[tilespmem:v25+s23+$0x0] =	vst.idx.msk $0xffff, v48  }
0x46a: {  	v48 =	vld.idx.msk [tilespmem:v49+s12+$0x0], $0xffff  }
0x46b: {  	v49 =	vld [tilespmem:$0x1FA20];
	_ =	sdelay $0x4  }
0x46c: {  	v49 =	vor.u32 v49, v16;
	_ =	sdelay $0x3  }
0x46d: {  	[tilespmem:v26+s23+$0x0] =	vst.idx.msk $0xffff, v48  }
0x46e: {  	v48 =	vld.idx.msk [tilespmem:v49+s12+$0x0], $0xffff  }
0x46f: {  	v49 =	vld [tilespmem:$0x1FA30];
	_ =	sdelay $0x4  }
0x470: {  	v49 =	vor.u32 v49, v16;
	_ =	sdelay $0x3  }
0x471: {  	[tilespmem:v27+s23+$0x0] =	vst.idx.msk $0xffff, v48  }
0x472: {  	v48 =	vld.idx.msk [tilespmem:v49+s12+$0x0], $0xffff  }
0x473: {  	v49 =	vld [tilespmem:$0x1FA40];
	_ =	sdelay $0x4  }
0x474: {  	v49 =	vor.u32 v49, v16;
	_ =	sdelay $0x3  }
0x475: {  	[tilespmem:v28+s23+$0x0] =	vst.idx.msk $0xffff, v48  }
0x476: {  	v48 =	vld.idx.msk [tilespmem:v49+s12+$0x0], $0xffff  }
0x477: {  	v49 =	vld [tilespmem:$0x1FA50];
	_ =	sdelay $0x4  }
0x478: {  	v49 =	vor.u32 v49, v16;
	_ =	sdelay $0x3  }
0x479: {  	[tilespmem:v29+s23+$0x0] =	vst.idx.msk $0xffff, v48  }
0x47a: {  	v48 =	vld.idx.msk [tilespmem:v49+s12+$0x0], $0xffff  }
0x47b: {  	v49 =	vld [tilespmem:$0x1FA60];
	_ =	sdelay $0x4  }
0x47c: {  	v49 =	vor.u32 v49, v16;
	_ =	sdelay $0x3  }
0x47d: {  	[tilespmem:v45+s23+$0x0] =	vst.idx.msk $0xffff, v48  }
0x47e: {  	v48 =	vld.idx.msk [tilespmem:v49+s12+$0x0], $0xffff  }
0x47f: {  	v49 =	vld [tilespmem:$0x1FA70];
	_ =	sdelay $0x4  }
0x480: {  	v49 =	vor.u32 v49, v16;
	_ =	sdelay $0x3  }
0x481: {  	[tilespmem:v46+s23+$0x0] =	vst.idx.msk $0xffff, v48  }
0x482: {  	v48 =	vld.idx.msk [tilespmem:v49+s12+$0x0], $0xffff  }
0x483: {  	v49 =	vld [tilespmem:$0x1FA80];
	_ =	sdelay $0x4  }
0x484: {  	v49 =	vor.u32 v49, v16;
	_ =	sdelay $0x3  }
0x485: {  	[tilespmem:v47+s23+$0x0] =	vst.idx.msk $0xffff, v48  }
0x486: {  	v48 =	vld.idx.msk [tilespmem:v49+s12+$0x0], $0xffff  }
0x487: {  	v49 =	vld [tilespmem:$0x1FA90];
	_ =	sdelay $0x4  }
0x488: {  	v49 =	vor.u32 v49, v16;
	_ =	sdelay $0x3  }
0x489: {  	[tilespmem:v17+s23+$0x0] =	vst.idx.msk $0xffff, v48  }
0x48a: {  	v48 =	vld.idx.msk [tilespmem:v49+s12+$0x0], $0xffff  }
0x48b: {  	v49 =	vld [tilespmem:$0x1F8B0];
	_ =	sdelay $0x4  }
0x48c: {  	v49 =	vor.u32 v49, v16;
	_ =	sdelay $0x3  }
0x48d: {  	[tilespmem:v18+s24+$0x0] =	vst.idx.msk $0xffff, v48;
	v48 =	vld [tilespmem:$0x1F8A0]  }
0x48e: {  	v18 =	vld.idx.msk [tilespmem:v49+s12+$0x0], $0xffff;
	_ =	sdelay $0x3  }
0x48f: {  	v48 =	vor.u32 v48, v16  }
0x490: {  	[tilespmem:v19+s24+$0x0] =	vst.idx.msk $0xffff, v18;
	v19 =	vld [tilespmem:$0x1F890];
	_ =	sdelay $0x3  }
0x491: {  	v18 =	vld.idx.msk [tilespmem:v48+s12+$0x0], $0xffff  }
0x492: {  	v19 =	vor.u32 v19, v16;
	_ =	sdelay $0x3  }
0x493: {  	[tilespmem:v20+s24+$0x0] =	vst.idx.msk $0xffff, v18  }
0x494: {  	v18 =	vld.idx.msk [tilespmem:v19+s12+$0x0], $0xffff  }
0x495: {  	v19 =	vld [tilespmem:$0x1F880];
	_ =	sdelay $0x4  }
0x496: {  	v19 =	vor.u32 v19, v16;
	_ =	sdelay $0x3  }
0x497: {  	[tilespmem:v21+s24+$0x0] =	vst.idx.msk $0xffff, v18  }
0x498: {  	v18 =	vld.idx.msk [tilespmem:v19+s12+$0x0], $0xffff  }
0x499: {  	v19 =	vld [tilespmem:$0x1F870];
	_ =	sdelay $0x4  }
0x49a: {  	v19 =	vor.u32 v19, v16;
	_ =	sdelay $0x3  }
0x49b: {  	[tilespmem:v22+s24+$0x0] =	vst.idx.msk $0xffff, v18  }
0x49c: {  	v18 =	vld.idx.msk [tilespmem:v19+s12+$0x0], $0xffff  }
0x49d: {  	v19 =	vld [tilespmem:$0x1F860];
	_ =	sdelay $0x4  }
0x49e: {  	v19 =	vor.u32 v19, v16;
	_ =	sdelay $0x3  }
0x49f: {  	[tilespmem:v23+s24+$0x0] =	vst.idx.msk $0xffff, v18  }
0x4a0: {  	v18 =	vld.idx.msk [tilespmem:v19+s12+$0x0], $0xffff  }
0x4a1: {  	v19 =	vld [tilespmem:$0x1F850];
	_ =	sdelay $0x4  }
0x4a2: {  	v19 =	vor.u32 v19, v16;
	_ =	sdelay $0x3  }
0x4a3: {  	[tilespmem:v24+s24+$0x0] =	vst.idx.msk $0xffff, v18  }
0x4a4: {  	v18 =	vld.idx.msk [tilespmem:v19+s12+$0x0], $0xffff  }
0x4a5: {  	v19 =	vld [tilespmem:$0x1F840];
	_ =	sdelay $0x4  }
0x4a6: {  	v19 =	vor.u32 v19, v16;
	_ =	sdelay $0x3  }
0x4a7: {  	[tilespmem:v25+s24+$0x0] =	vst.idx.msk $0xffff, v18  }
0x4a8: {  	v18 =	vld.idx.msk [tilespmem:v19+s12+$0x0], $0xffff  }
0x4a9: {  	v19 =	vld [tilespmem:$0x1F830];
	_ =	sdelay $0x4  }
0x4aa: {  	v19 =	vor.u32 v19, v16;
	_ =	sdelay $0x3  }
0x4ab: {  	[tilespmem:v26+s24+$0x0] =	vst.idx.msk $0xffff, v18  }
0x4ac: {  	v18 =	vld.idx.msk [tilespmem:v19+s12+$0x0], $0xffff  }
0x4ad: {  	v19 =	vld [tilespmem:$0x1F820];
	_ =	sdelay $0x4  }
0x4ae: {  	v19 =	vor.u32 v19, v16;
	_ =	sdelay $0x3  }
0x4af: {  	[tilespmem:v27+s24+$0x0] =	vst.idx.msk $0xffff, v18  }
0x4b0: {  	v18 =	vld.idx.msk [tilespmem:v19+s12+$0x0], $0xffff  }
0x4b1: {  	v19 =	vld [tilespmem:$0x1F7D0];
	_ =	sdelay $0x4  }
0x4b2: {  	v19 =	vor.u32 v19, v16;
	_ =	sdelay $0x3  }
0x4b3: {  	[tilespmem:v28+s24+$0x0] =	vst.idx.msk $0xffff, v18  }
0x4b4: {  	v18 =	vld.idx.msk [tilespmem:v19+s12+$0x0], $0xffff  }
0x4b5: {  	v19 =	vld [tilespmem:$0x1F7E0];
	_ =	sdelay $0x4  }
0x4b6: {  	v19 =	vor.u32 v19, v16;
	_ =	sdelay $0x3  }
0x4b7: {  	[tilespmem:v29+s24+$0x0] =	vst.idx.msk $0xffff, v18  }
0x4b8: {  	v18 =	vld.idx.msk [tilespmem:v19+s12+$0x0], $0xffff  }
0x4b9: {  	v19 =	vld [tilespmem:$0x1F810];
	_ =	sdelay $0x4  }
0x4ba: {  	v19 =	vor.u32 v19, v16;
	_ =	sdelay $0x3  }
0x4bb: {  	[tilespmem:v45+s24+$0x0] =	vst.idx.msk $0xffff, v18  }
0x4bc: {  	v18 =	vld.idx.msk [tilespmem:v19+s12+$0x0], $0xffff  }
0x4bd: {  	v19 =	vld [tilespmem:$0x1F800];
	_ =	sdelay $0x4  }
0x4be: {  	v19 =	vor.u32 v19, v16;
	_ =	sdelay $0x3  }
0x4bf: {  	[tilespmem:v46+s24+$0x0] =	vst.idx.msk $0xffff, v18  }
0x4c0: {  	v18 =	vld.idx.msk [tilespmem:v19+s12+$0x0], $0xffff;
	_ =	sdelay $0x4  }
0x4c1: {  	[tilespmem:v47+s24+$0x0] =	vst.idx.msk $0xffff, v18;
	v18 =	vld [tilespmem:$0x1F7F0];
	_ =	sdelay $0x3  }
0x4c2: {  	s0 =	simm.s32 $0x10  }
0x4c3: {  	s2 =	simm.s32 $0x20;
	v16 =	vor.u32 v18, v16;
	v18 =	vmov s0  }
.LBB2_9:
0x4c4: {  	_ =	sdelay $0x2  }
0x4c5: {  	v18 =	vshll.u32 v18, $0x7  }
0x4c6: {  	v19 =	vld.idx.msk [tilespmem:v16+s12+$0x0], $0xffff;
	v16 =	vor.u32 v31, v18;
	v18 =	vlaneseq.u32  }
0x4c7: {  	v18 =	vor.u32 v18, v16;
	_ =	sdelay $0x3  }
0x4c8: {  	[tilespmem:v17+s24+$0x0] =	vst.idx.msk $0xffff, v19  }
0x4c9: {  	v17 =	vld.idx.msk [tilespmem:v18+s12+$0x0], $0xffff;
	v18 =	vor.u32 s0, v36  }
0x4ca: {  	v19 =	vor.u32 v50, v16  }
0x4cb: {  	v20 =	vld [tilespmem:$0x1FFE0];
	_ =	sdelay $0x2  }
0x4cc: {  	[tilespmem:v18+s21+$0x0] =	vst.idx.msk $0xffff, v17  }
0x4cd: {  	v17 =	vld.idx.msk [tilespmem:v19+s12+$0x0], $0xffff;
	v19 =	vor.u32 s0, v12  }
0x4ce: {  	v20 =	vor.u32 v20, v16;
	_ =	sdelay $0x3  }
0x4cf: {  	[tilespmem:v19+s21+$0x0] =	vst.idx.msk $0xffff, v17  }
0x4d0: {  	v17 =	vld.idx.msk [tilespmem:v20+s12+$0x0], $0xffff;
	v20 =	vor.u32 s0, v4  }
0x4d1: {  	v21 =	vor.u32 v10, v16;
	_ =	sdelay $0x3  }
0x4d2: {  	[tilespmem:v20+s21+$0x0] =	vst.idx.msk $0xffff, v17  }
0x4d3: {  	v17 =	vld.idx.msk [tilespmem:v21+s12+$0x0], $0xffff;
	v21 =	vor.u32 s0, v3  }
0x4d4: {  	v22 =	vor.u32 v7, v16;
	_ =	sdelay $0x3  }
0x4d5: {  	[tilespmem:v21+s21+$0x0] =	vst.idx.msk $0xffff, v17  }
0x4d6: {  	v17 =	vld.idx.msk [tilespmem:v22+s12+$0x0], $0xffff;
	v22 =	vor.u32 s0, v6  }
0x4d7: {  	v23 =	vor.u32 v1, v16;
	_ =	sdelay $0x3  }
0x4d8: {  	[tilespmem:v22+s21+$0x0] =	vst.idx.msk $0xffff, v17  }
0x4d9: {  	v17 =	vld.idx.msk [tilespmem:v23+s12+$0x0], $0xffff;
	v23 =	vor.u32 s0, v2  }
0x4da: {  	v24 =	vor.u32 v5, v16;
	_ =	sdelay $0x3  }
0x4db: {  	[tilespmem:v23+s21+$0x0] =	vst.idx.msk $0xffff, v17  }
0x4dc: {  	v17 =	vld.idx.msk [tilespmem:v24+s12+$0x0], $0xffff;
	v24 =	vor.u32 s0, v0  }
0x4dd: {  	v25 =	vor.u32 v14, v16;
	_ =	sdelay $0x3  }
0x4de: {  	[tilespmem:v24+s21+$0x0] =	vst.idx.msk $0xffff, v17  }
0x4df: {  	v17 =	vld.idx.msk [tilespmem:v25+s12+$0x0], $0xffff;
	v25 =	vor.u32 s0, v13  }
0x4e0: {  	v26 =	vor.u32 v15, v16;
	_ =	sdelay $0x3  }
0x4e1: {  	[tilespmem:v25+s21+$0x0] =	vst.idx.msk $0xffff, v17  }
0x4e2: {  	v17 =	vld.idx.msk [tilespmem:v26+s12+$0x0], $0xffff;
	v26 =	vor.u32 s0, v40  }
0x4e3: {  	v27 =	vor.u32 v34, v16  }
0x4e4: {  	v28 =	vld [tilespmem:$0x1FFD0];
	_ =	sdelay $0x2  }
0x4e5: {  	[tilespmem:v26+s21+$0x0] =	vst.idx.msk $0xffff, v17  }
0x4e6: {  	v17 =	vld.idx.msk [tilespmem:v27+s12+$0x0], $0xffff;
	v27 =	vor.u32 s0, v51  }
0x4e7: {  	v28 =	vor.u32 v28, v16;
	_ =	sdelay $0x3  }
0x4e8: {  	[tilespmem:v27+s21+$0x0] =	vst.idx.msk $0xffff, v17  }
0x4e9: {  	v17 =	vld.idx.msk [tilespmem:v28+s12+$0x0], $0xffff;
	v28 =	vor.u32 s0, v30  }
0x4ea: {  	v29 =	vor.u32 v38, v16;
	_ =	sdelay $0x3  }
0x4eb: {  	[tilespmem:v28+s21+$0x0] =	vst.idx.msk $0xffff, v17  }
0x4ec: {  	v17 =	vld.idx.msk [tilespmem:v29+s12+$0x0], $0xffff;
	v29 =	vor.u32 s0, v43  }
0x4ed: {  	v45 =	vor.u32 v9, v16;
	_ =	sdelay $0x3  }
0x4ee: {  	[tilespmem:v29+s21+$0x0] =	vst.idx.msk $0xffff, v17  }
0x4ef: {  	v17 =	vld.idx.msk [tilespmem:v45+s12+$0x0], $0xffff;
	v45 =	vor.u32 s0, v8  }
0x4f0: {  	v46 =	vor.u32 v44, v16;
	_ =	sdelay $0x3  }
0x4f1: {  	[tilespmem:v45+s21+$0x0] =	vst.idx.msk $0xffff, v17  }
0x4f2: {  	v47 =	vor.u32 s0, v52;
	v17 =	vld.idx.msk [tilespmem:v46+s12+$0x0], $0xffff  }
0x4f3: {  	v49 =	vor.u32 v53, v16;
	_ =	sdelay $0x3  }
0x4f4: {  	[tilespmem:v47+s21+$0x0] =	vst.idx.msk $0xffff, v17  }
0x4f5: {  	v46 =	vor.u32 s0, v32;
	v17 =	vld.idx.msk [tilespmem:v49+s12+$0x0], $0xffff;
	_ =	sdelay $0x4  }
0x4f6: {  	v48 =	vor.u32 v11, v16;
	[tilespmem:v46+s21+$0x0] =	vst.idx.msk $0xffff, v17;
	v17 =	vld [tilespmem:$0x1FF90];
	_ =	sdelay $0x4  }
0x4f7: {  	v48 =	vld.idx.msk [tilespmem:v48+s12+$0x0], $0xffff;
	v17 =	vor.u32 s0, v17  }
0x4f8: {  	v49 =	vor.u32 v41, v16;
	_ =	sdelay $0x3  }
0x4f9: {  	[tilespmem:v17+s21+$0x0] =	vst.idx.msk $0xffff, v48  }
0x4fa: {  	v48 =	vld.idx.msk [tilespmem:v49+s12+$0x0], $0xffff  }
0x4fb: {  	v49 =	vor.u32 v35, v16;
	_ =	sdelay $0x3  }
0x4fc: {  	[tilespmem:v18+s22+$0x0] =	vst.idx.msk $0xffff, v48  }
0x4fd: {  	v48 =	vld.idx.msk [tilespmem:v49+s12+$0x0], $0xffff  }
0x4fe: {  	v49 =	vld [tilespmem:$0x1FFC0];
	_ =	sdelay $0x4  }
0x4ff: {  	v49 =	vor.u32 v49, v16;
	_ =	sdelay $0x3  }
0x500: {  	[tilespmem:v19+s22+$0x0] =	vst.idx.msk $0xffff, v48  }
0x501: {  	v48 =	vld.idx.msk [tilespmem:v49+s12+$0x0], $0xffff  }
0x502: {  	v49 =	vor.u32 v39, v16;
	_ =	sdelay $0x3  }
0x503: {  	[tilespmem:v20+s22+$0x0] =	vst.idx.msk $0xffff, v48  }
0x504: {  	v48 =	vld.idx.msk [tilespmem:v49+s12+$0x0], $0xffff  }
0x505: {  	v49 =	vor.u32 v33, v16;
	_ =	sdelay $0x3  }
0x506: {  	[tilespmem:v21+s22+$0x0] =	vst.idx.msk $0xffff, v48  }
0x507: {  	v48 =	vld.idx.msk [tilespmem:v49+s12+$0x0], $0xffff  }
0x508: {  	v49 =	vor.u32 v55, v16;
	_ =	sdelay $0x3  }
0x509: {  	[tilespmem:v22+s22+$0x0] =	vst.idx.msk $0xffff, v48  }
0x50a: {  	v48 =	vld.idx.msk [tilespmem:v49+s12+$0x0], $0xffff  }
0x50b: {  	v49 =	vor.u32 v56, v16;
	_ =	sdelay $0x3  }
0x50c: {  	[tilespmem:v23+s22+$0x0] =	vst.idx.msk $0xffff, v48  }
0x50d: {  	v48 =	vld.idx.msk [tilespmem:v49+s12+$0x0], $0xffff  }
0x50e: {  	v49 =	vor.u32 v57, v16;
	_ =	sdelay $0x3  }
0x50f: {  	[tilespmem:v24+s22+$0x0] =	vst.idx.msk $0xffff, v48  }
0x510: {  	v48 =	vld.idx.msk [tilespmem:v49+s12+$0x0], $0xffff  }
0x511: {  	v49 =	vor.u32 v58, v16;
	_ =	sdelay $0x3  }
0x512: {  	[tilespmem:v25+s22+$0x0] =	vst.idx.msk $0xffff, v48  }
0x513: {  	v48 =	vld.idx.msk [tilespmem:v49+s12+$0x0], $0xffff  }
0x514: {  	v49 =	vor.u32 v59, v16;
	_ =	sdelay $0x3  }
0x515: {  	[tilespmem:v26+s22+$0x0] =	vst.idx.msk $0xffff, v48  }
0x516: {  	v48 =	vld.idx.msk [tilespmem:v49+s12+$0x0], $0xffff  }
0x517: {  	v49 =	vor.u32 v63, v16;
	_ =	sdelay $0x3  }
0x518: {  	[tilespmem:v27+s22+$0x0] =	vst.idx.msk $0xffff, v48  }
0x519: {  	v48 =	vld.idx.msk [tilespmem:v49+s12+$0x0], $0xffff  }
0x51a: {  	v49 =	vor.u32 v60, v16;
	_ =	sdelay $0x3  }
0x51b: {  	[tilespmem:v28+s22+$0x0] =	vst.idx.msk $0xffff, v48  }
0x51c: {  	v48 =	vld.idx.msk [tilespmem:v49+s12+$0x0], $0xffff  }
0x51d: {  	v49 =	vor.u32 v61, v16;
	_ =	sdelay $0x3  }
0x51e: {  	[tilespmem:v29+s22+$0x0] =	vst.idx.msk $0xffff, v48  }
0x51f: {  	v48 =	vld.idx.msk [tilespmem:v49+s12+$0x0], $0xffff  }
0x520: {  	v49 =	vor.u32 v62, v16;
	_ =	sdelay $0x3  }
0x521: {  	[tilespmem:v45+s22+$0x0] =	vst.idx.msk $0xffff, v48  }
0x522: {  	v48 =	vld.idx.msk [tilespmem:v49+s12+$0x0], $0xffff  }
0x523: {  	v49 =	vor.u32 v37, v16;
	_ =	sdelay $0x3  }
0x524: {  	[tilespmem:v47+s22+$0x0] =	vst.idx.msk $0xffff, v48  }
0x525: {  	v48 =	vld.idx.msk [tilespmem:v49+s12+$0x0], $0xffff  }
0x526: {  	v49 =	vor.u32 v42, v16;
	_ =	sdelay $0x3  }
0x527: {  	[tilespmem:v46+s22+$0x0] =	vst.idx.msk $0xffff, v48  }
0x528: {  	v48 =	vld.idx.msk [tilespmem:v49+s12+$0x0], $0xffff  }
0x529: {  	v49 =	vor.u32 v54, v16;
	_ =	sdelay $0x3  }
0x52a: {  	[tilespmem:v17+s22+$0x0] =	vst.idx.msk $0xffff, v48  }
0x52b: {  	v48 =	vld.idx.msk [tilespmem:v49+s12+$0x0], $0xffff  }
0x52c: {  	v49 =	vld [tilespmem:$0x1F9A0];
	_ =	sdelay $0x4  }
0x52d: {  	v49 =	vor.u32 v49, v16;
	_ =	sdelay $0x3  }
0x52e: {  	[tilespmem:v18+s23+$0x0] =	vst.idx.msk $0xffff, v48  }
0x52f: {  	v48 =	vld.idx.msk [tilespmem:v49+s12+$0x0], $0xffff  }
0x530: {  	v49 =	vld [tilespmem:$0x1F9B0];
	_ =	sdelay $0x4  }
0x531: {  	v49 =	vor.u32 v49, v16;
	_ =	sdelay $0x3  }
0x532: {  	[tilespmem:v19+s23+$0x0] =	vst.idx.msk $0xffff, v48  }
0x533: {  	v48 =	vld.idx.msk [tilespmem:v49+s12+$0x0], $0xffff  }
0x534: {  	v49 =	vld [tilespmem:$0x1F9C0];
	_ =	sdelay $0x4  }
0x535: {  	v49 =	vor.u32 v49, v16;
	_ =	sdelay $0x3  }
0x536: {  	[tilespmem:v20+s23+$0x0] =	vst.idx.msk $0xffff, v48  }
0x537: {  	v48 =	vld.idx.msk [tilespmem:v49+s12+$0x0], $0xffff  }
0x538: {  	v49 =	vld [tilespmem:$0x1F9D0];
	_ =	sdelay $0x4  }
0x539: {  	v49 =	vor.u32 v49, v16;
	_ =	sdelay $0x3  }
0x53a: {  	[tilespmem:v21+s23+$0x0] =	vst.idx.msk $0xffff, v48  }
0x53b: {  	v48 =	vld.idx.msk [tilespmem:v49+s12+$0x0], $0xffff  }
0x53c: {  	v49 =	vld [tilespmem:$0x1F9E0];
	_ =	sdelay $0x4  }
0x53d: {  	v49 =	vor.u32 v49, v16;
	_ =	sdelay $0x3  }
0x53e: {  	[tilespmem:v22+s23+$0x0] =	vst.idx.msk $0xffff, v48  }
0x53f: {  	v48 =	vld.idx.msk [tilespmem:v49+s12+$0x0], $0xffff  }
0x540: {  	v49 =	vld [tilespmem:$0x1F9F0];
	_ =	sdelay $0x4  }
0x541: {  	v49 =	vor.u32 v49, v16;
	_ =	sdelay $0x3  }
0x542: {  	[tilespmem:v23+s23+$0x0] =	vst.idx.msk $0xffff, v48  }
0x543: {  	v48 =	vld.idx.msk [tilespmem:v49+s12+$0x0], $0xffff  }
0x544: {  	v49 =	vld [tilespmem:$0x1FA00];
	_ =	sdelay $0x4  }
0x545: {  	v49 =	vor.u32 v49, v16;
	_ =	sdelay $0x3  }
0x546: {  	[tilespmem:v24+s23+$0x0] =	vst.idx.msk $0xffff, v48  }
0x547: {  	v48 =	vld.idx.msk [tilespmem:v49+s12+$0x0], $0xffff  }
0x548: {  	v49 =	vld [tilespmem:$0x1FA10];
	_ =	sdelay $0x4  }
0x549: {  	v49 =	vor.u32 v49, v16;
	_ =	sdelay $0x3  }
0x54a: {  	[tilespmem:v25+s23+$0x0] =	vst.idx.msk $0xffff, v48  }
0x54b: {  	v48 =	vld.idx.msk [tilespmem:v49+s12+$0x0], $0xffff  }
0x54c: {  	v49 =	vld [tilespmem:$0x1FA20];
	_ =	sdelay $0x4  }
0x54d: {  	v49 =	vor.u32 v49, v16;
	_ =	sdelay $0x3  }
0x54e: {  	[tilespmem:v26+s23+$0x0] =	vst.idx.msk $0xffff, v48  }
0x54f: {  	v48 =	vld.idx.msk [tilespmem:v49+s12+$0x0], $0xffff  }
0x550: {  	v49 =	vld [tilespmem:$0x1FA30];
	_ =	sdelay $0x4  }
0x551: {  	v49 =	vor.u32 v49, v16;
	_ =	sdelay $0x3  }
0x552: {  	[tilespmem:v27+s23+$0x0] =	vst.idx.msk $0xffff, v48  }
0x553: {  	v48 =	vld.idx.msk [tilespmem:v49+s12+$0x0], $0xffff  }
0x554: {  	v49 =	vld [tilespmem:$0x1FA40];
	_ =	sdelay $0x4  }
0x555: {  	v49 =	vor.u32 v49, v16;
	_ =	sdelay $0x3  }
0x556: {  	[tilespmem:v28+s23+$0x0] =	vst.idx.msk $0xffff, v48  }
0x557: {  	v48 =	vld.idx.msk [tilespmem:v49+s12+$0x0], $0xffff  }
0x558: {  	v49 =	vld [tilespmem:$0x1FA50];
	_ =	sdelay $0x4  }
0x559: {  	v49 =	vor.u32 v49, v16;
	_ =	sdelay $0x3  }
0x55a: {  	[tilespmem:v29+s23+$0x0] =	vst.idx.msk $0xffff, v48  }
0x55b: {  	v48 =	vld.idx.msk [tilespmem:v49+s12+$0x0], $0xffff  }
0x55c: {  	v49 =	vld [tilespmem:$0x1FA60];
	_ =	sdelay $0x4  }
0x55d: {  	v49 =	vor.u32 v49, v16;
	_ =	sdelay $0x3  }
0x55e: {  	[tilespmem:v45+s23+$0x0] =	vst.idx.msk $0xffff, v48  }
0x55f: {  	v48 =	vld.idx.msk [tilespmem:v49+s12+$0x0], $0xffff  }
0x560: {  	v49 =	vld [tilespmem:$0x1FA70];
	_ =	sdelay $0x4  }
0x561: {  	v49 =	vor.u32 v49, v16;
	_ =	sdelay $0x3  }
0x562: {  	[tilespmem:v47+s23+$0x0] =	vst.idx.msk $0xffff, v48  }
0x563: {  	v48 =	vld.idx.msk [tilespmem:v49+s12+$0x0], $0xffff  }
0x564: {  	v49 =	vld [tilespmem:$0x1FA80];
	_ =	sdelay $0x4  }
0x565: {  	v49 =	vor.u32 v49, v16;
	_ =	sdelay $0x3  }
0x566: {  	[tilespmem:v46+s23+$0x0] =	vst.idx.msk $0xffff, v48  }
0x567: {  	v48 =	vld.idx.msk [tilespmem:v49+s12+$0x0], $0xffff  }
0x568: {  	v49 =	vld [tilespmem:$0x1FA90];
	_ =	sdelay $0x4  }
0x569: {  	v49 =	vor.u32 v49, v16;
	_ =	sdelay $0x3  }
0x56a: {  	[tilespmem:v17+s23+$0x0] =	vst.idx.msk $0xffff, v48  }
0x56b: {  	v48 =	vld.idx.msk [tilespmem:v49+s12+$0x0], $0xffff  }
0x56c: {  	v49 =	vld [tilespmem:$0x1F8B0];
	_ =	sdelay $0x4  }
0x56d: {  	v49 =	vor.u32 v49, v16;
	_ =	sdelay $0x3  }
0x56e: {  	[tilespmem:v18+s24+$0x0] =	vst.idx.msk $0xffff, v48;
	v48 =	vld [tilespmem:$0x1F8A0]  }
0x56f: {  	v18 =	vld.idx.msk [tilespmem:v49+s12+$0x0], $0xffff;
	_ =	sdelay $0x3  }
0x570: {  	v48 =	vor.u32 v48, v16  }
0x571: {  	[tilespmem:v19+s24+$0x0] =	vst.idx.msk $0xffff, v18;
	v19 =	vld [tilespmem:$0x1F890];
	_ =	sdelay $0x3  }
0x572: {  	v18 =	vld.idx.msk [tilespmem:v48+s12+$0x0], $0xffff  }
0x573: {  	v19 =	vor.u32 v19, v16;
	_ =	sdelay $0x3  }
0x574: {  	[tilespmem:v20+s24+$0x0] =	vst.idx.msk $0xffff, v18  }
0x575: {  	v18 =	vld.idx.msk [tilespmem:v19+s12+$0x0], $0xffff  }
0x576: {  	v19 =	vld [tilespmem:$0x1F880];
	_ =	sdelay $0x4  }
0x577: {  	v19 =	vor.u32 v19, v16;
	_ =	sdelay $0x3  }
0x578: {  	[tilespmem:v21+s24+$0x0] =	vst.idx.msk $0xffff, v18  }
0x579: {  	v18 =	vld.idx.msk [tilespmem:v19+s12+$0x0], $0xffff  }
0x57a: {  	v19 =	vld [tilespmem:$0x1F870];
	_ =	sdelay $0x4  }
0x57b: {  	v19 =	vor.u32 v19, v16;
	_ =	sdelay $0x3  }
0x57c: {  	[tilespmem:v22+s24+$0x0] =	vst.idx.msk $0xffff, v18  }
0x57d: {  	v18 =	vld.idx.msk [tilespmem:v19+s12+$0x0], $0xffff  }
0x57e: {  	v19 =	vld [tilespmem:$0x1F860];
	_ =	sdelay $0x4  }
0x57f: {  	v19 =	vor.u32 v19, v16;
	_ =	sdelay $0x3  }
0x580: {  	[tilespmem:v23+s24+$0x0] =	vst.idx.msk $0xffff, v18  }
0x581: {  	v18 =	vld.idx.msk [tilespmem:v19+s12+$0x0], $0xffff  }
0x582: {  	v19 =	vld [tilespmem:$0x1F850];
	_ =	sdelay $0x4  }
0x583: {  	v19 =	vor.u32 v19, v16;
	_ =	sdelay $0x3  }
0x584: {  	[tilespmem:v24+s24+$0x0] =	vst.idx.msk $0xffff, v18  }
0x585: {  	v18 =	vld.idx.msk [tilespmem:v19+s12+$0x0], $0xffff  }
0x586: {  	v19 =	vld [tilespmem:$0x1F840];
	_ =	sdelay $0x4  }
0x587: {  	v19 =	vor.u32 v19, v16;
	_ =	sdelay $0x3  }
0x588: {  	[tilespmem:v25+s24+$0x0] =	vst.idx.msk $0xffff, v18  }
0x589: {  	v18 =	vld.idx.msk [tilespmem:v19+s12+$0x0], $0xffff  }
0x58a: {  	v19 =	vld [tilespmem:$0x1F830];
	_ =	sdelay $0x4  }
0x58b: {  	v19 =	vor.u32 v19, v16;
	_ =	sdelay $0x3  }
0x58c: {  	[tilespmem:v26+s24+$0x0] =	vst.idx.msk $0xffff, v18  }
0x58d: {  	v18 =	vld.idx.msk [tilespmem:v19+s12+$0x0], $0xffff  }
0x58e: {  	v19 =	vld [tilespmem:$0x1F820];
	_ =	sdelay $0x4  }
0x58f: {  	v19 =	vor.u32 v19, v16;
	_ =	sdelay $0x3  }
0x590: {  	[tilespmem:v27+s24+$0x0] =	vst.idx.msk $0xffff, v18  }
0x591: {  	v18 =	vld.idx.msk [tilespmem:v19+s12+$0x0], $0xffff  }
0x592: {  	v19 =	vld [tilespmem:$0x1F7D0];
	_ =	sdelay $0x4  }
0x593: {  	v19 =	vor.u32 v19, v16;
	_ =	sdelay $0x3  }
0x594: {  	[tilespmem:v28+s24+$0x0] =	vst.idx.msk $0xffff, v18  }
0x595: {  	v18 =	vld.idx.msk [tilespmem:v19+s12+$0x0], $0xffff  }
0x596: {  	v19 =	vld [tilespmem:$0x1F7E0];
	_ =	sdelay $0x4  }
0x597: {  	v19 =	vor.u32 v19, v16;
	_ =	sdelay $0x3  }
0x598: {  	[tilespmem:v29+s24+$0x0] =	vst.idx.msk $0xffff, v18  }
0x599: {  	v18 =	vld.idx.msk [tilespmem:v19+s12+$0x0], $0xffff  }
0x59a: {  	v19 =	vld [tilespmem:$0x1F810];
	_ =	sdelay $0x4  }
0x59b: {  	v19 =	vor.u32 v19, v16;
	_ =	sdelay $0x3  }
0x59c: {  	[tilespmem:v45+s24+$0x0] =	vst.idx.msk $0xffff, v18  }
0x59d: {  	v18 =	vld.idx.msk [tilespmem:v19+s12+$0x0], $0xffff  }
0x59e: {  	v19 =	vld [tilespmem:$0x1F800];
	_ =	sdelay $0x4  }
0x59f: {  	v19 =	vor.u32 v19, v16;
	_ =	sdelay $0x3  }
0x5a0: {  	[tilespmem:v47+s24+$0x0] =	vst.idx.msk $0xffff, v18;
	v18 =	vld [tilespmem:$0x1F7F0]  }
0x5a1: {  	p0 =	sne.s32 s2, $0x70;
	v19 =	vld.idx.msk [tilespmem:v19+s12+$0x0], $0xffff  }
.Ltmp4:
0x5a2: {  	_ = 	snop;
	(pc) =	sbr.rel @p0 .LBB2_9-.Ltmp4, $3  }
0x5a3: {  	_ =	sdelay $0x1  }
0x5a4: {  	s0 =	smov.u32 s2  }
0x5a5: {  	s2 =	sadd.s32 $0x10, s2;
	v16 =	vor.u32 v18, v16;
	v18 =	vmov s0;
	[tilespmem:v46+s24+$0x0] =	vst.idx.msk $0xffff, v19  }
0x5a6: {  	_ =	sdelay $0x2  }
0x5a7: {  	v18 =	vshll.u32 v18, $0x7  }
0x5a8: {  	v19 =	vld.idx.msk [tilespmem:v16+s12+$0x0], $0xffff;
	v16 =	vor.u32 v31, v18;
	v18 =	vlaneseq.u32  }
0x5a9: {  	v18 =	vor.u32 v18, v16;
	_ =	sdelay $0x3  }
0x5aa: {  	[tilespmem:v17+s24+$0x0] =	vst.idx.msk $0xffff, v19  }
0x5ab: {  	v17 =	vor.u32 s0, v36;
	v18 =	vld.idx.msk [tilespmem:v18+s12+$0x0], $0xffff  }
0x5ac: {  	v19 =	vor.u32 v50, v16  }
0x5ad: {  	v20 =	vld [tilespmem:$0x1FFE0];
	_ =	sdelay $0x2  }
0x5ae: {  	[tilespmem:v17+s21+$0x0] =	vst.idx.msk $0xffff, v18  }
0x5af: {  	v18 =	vor.u32 s0, v12;
	v19 =	vld.idx.msk [tilespmem:v19+s12+$0x0], $0xffff  }
0x5b0: {  	v20 =	vor.u32 v20, v16;
	_ =	sdelay $0x3  }
0x5b1: {  	[tilespmem:v18+s21+$0x0] =	vst.idx.msk $0xffff, v19  }
0x5b2: {  	v19 =	vor.u32 s0, v4;
	v20 =	vld.idx.msk [tilespmem:v20+s12+$0x0], $0xffff  }
0x5b3: {  	v21 =	vor.u32 v10, v16;
	_ =	sdelay $0x3  }
0x5b4: {  	[tilespmem:v19+s21+$0x0] =	vst.idx.msk $0xffff, v20  }
0x5b5: {  	v20 =	vor.u32 s0, v3;
	v21 =	vld.idx.msk [tilespmem:v21+s12+$0x0], $0xffff  }
0x5b6: {  	v22 =	vor.u32 v7, v16;
	_ =	sdelay $0x3  }
0x5b7: {  	[tilespmem:v20+s21+$0x0] =	vst.idx.msk $0xffff, v21  }
0x5b8: {  	v21 =	vor.u32 s0, v6;
	v22 =	vld.idx.msk [tilespmem:v22+s12+$0x0], $0xffff  }
0x5b9: {  	v23 =	vor.u32 v1, v16;
	_ =	sdelay $0x3  }
0x5ba: {  	[tilespmem:v21+s21+$0x0] =	vst.idx.msk $0xffff, v22  }
0x5bb: {  	v22 =	vor.u32 s0, v2;
	v23 =	vld.idx.msk [tilespmem:v23+s12+$0x0], $0xffff  }
0x5bc: {  	v24 =	vor.u32 v5, v16;
	_ =	sdelay $0x3  }
0x5bd: {  	[tilespmem:v22+s21+$0x0] =	vst.idx.msk $0xffff, v23  }
0x5be: {  	v23 =	vor.u32 s0, v0;
	v24 =	vld.idx.msk [tilespmem:v24+s12+$0x0], $0xffff  }
0x5bf: {  	v25 =	vor.u32 v14, v16;
	_ =	sdelay $0x3  }
0x5c0: {  	[tilespmem:v23+s21+$0x0] =	vst.idx.msk $0xffff, v24  }
0x5c1: {  	v24 =	vor.u32 s0, v13;
	v25 =	vld.idx.msk [tilespmem:v25+s12+$0x0], $0xffff  }
0x5c2: {  	v26 =	vor.u32 v15, v16;
	_ =	sdelay $0x3  }
0x5c3: {  	[tilespmem:v24+s21+$0x0] =	vst.idx.msk $0xffff, v25  }
0x5c4: {  	v25 =	vor.u32 s0, v40;
	v26 =	vld.idx.msk [tilespmem:v26+s12+$0x0], $0xffff  }
0x5c5: {  	v27 =	vor.u32 v34, v16  }
0x5c6: {  	v28 =	vld [tilespmem:$0x1FFD0];
	_ =	sdelay $0x2  }
0x5c7: {  	[tilespmem:v25+s21+$0x0] =	vst.idx.msk $0xffff, v26  }
0x5c8: {  	v26 =	vor.u32 s0, v51;
	v27 =	vld.idx.msk [tilespmem:v27+s12+$0x0], $0xffff  }
0x5c9: {  	v28 =	vor.u32 v28, v16;
	_ =	sdelay $0x3  }
0x5ca: {  	[tilespmem:v26+s21+$0x0] =	vst.idx.msk $0xffff, v27  }
0x5cb: {  	v27 =	vor.u32 s0, v30;
	v28 =	vld.idx.msk [tilespmem:v28+s12+$0x0], $0xffff  }
0x5cc: {  	v29 =	vor.u32 v38, v16;
	_ =	sdelay $0x3  }
0x5cd: {  	[tilespmem:v27+s21+$0x0] =	vst.idx.msk $0xffff, v28  }
0x5ce: {  	v28 =	vor.u32 s0, v43;
	v29 =	vld.idx.msk [tilespmem:v29+s12+$0x0], $0xffff  }
0x5cf: {  	v45 =	vor.u32 v9, v16;
	_ =	sdelay $0x3  }
0x5d0: {  	[tilespmem:v28+s21+$0x0] =	vst.idx.msk $0xffff, v29  }
0x5d1: {  	v29 =	vor.u32 s0, v8;
	v45 =	vld.idx.msk [tilespmem:v45+s12+$0x0], $0xffff  }
0x5d2: {  	v46 =	vor.u32 v44, v16;
	_ =	sdelay $0x3  }
0x5d3: {  	[tilespmem:v29+s21+$0x0] =	vst.idx.msk $0xffff, v45  }
0x5d4: {  	v45 =	vor.u32 s0, v52;
	v46 =	vld.idx.msk [tilespmem:v46+s12+$0x0], $0xffff  }
0x5d5: {  	v47 =	vor.u32 v53, v16;
	_ =	sdelay $0x3  }
0x5d6: {  	[tilespmem:v45+s21+$0x0] =	vst.idx.msk $0xffff, v46  }
0x5d7: {  	v46 =	vld.idx.msk [tilespmem:v47+s12+$0x0], $0xffff;
	v47 =	vor.u32 s0, v32  }
0x5d8: {  	v10 =	vmovc v5;
	v5 =	vmov v38;
	v38 =	vmov v43;
	v48 =	vor.u32 v11, v16;
	v43 =	vld [tilespmem:$0x1FF90];
	_ =	sdelay $0x3  }
0x5d9: {  	[tilespmem:v47+s21+$0x0] =	vst.idx.msk $0xffff, v46  }
0x5da: {  	v46 =	vor.u32 s0, v43;
	v48 =	vld.idx.msk [tilespmem:v48+s12+$0x0], $0xffff  }
0x5db: {  	v49 =	vor.u32 v41, v16;
	_ =	sdelay $0x3  }
0x5dc: {  	[tilespmem:v46+s21+$0x0] =	vst.idx.msk $0xffff, v48  }
0x5dd: {  	v48 =	vld.idx.msk [tilespmem:v49+s12+$0x0], $0xffff  }
0x5de: {  	v35 =	vor.u32 v35, v16  }
0x5df: {  	v3 =	vmov v53;
	v53 =	vld [tilespmem:$0x1FFC0];
	_ =	sdelay $0x2  }
0x5e0: {  	[tilespmem:v17+s22+$0x0] =	vst.idx.msk $0xffff, v48  }
0x5e1: {  	v48 =	vld.idx.msk [tilespmem:v35+s12+$0x0], $0xffff  }
0x5e2: {  	v36 =	vor.u32 v53, v16;
	_ =	sdelay $0x3  }
0x5e3: {  	[tilespmem:v18+s22+$0x0] =	vst.idx.msk $0xffff, v48  }
0x5e4: {  	v48 =	vld.idx.msk [tilespmem:v36+s12+$0x0], $0xffff  }
0x5e5: {  	v39 =	vor.u32 v39, v16;
	_ =	sdelay $0x3  }
0x5e6: {  	[tilespmem:v19+s22+$0x0] =	vst.idx.msk $0xffff, v48  }
0x5e7: {  	v48 =	vld.idx.msk [tilespmem:v39+s12+$0x0], $0xffff  }
0x5e8: {  	v40 =	vor.u32 v33, v16;
	_ =	sdelay $0x3  }
0x5e9: {  	[tilespmem:v20+s22+$0x0] =	vst.idx.msk $0xffff, v48  }
0x5ea: {  	v48 =	vld.idx.msk [tilespmem:v40+s12+$0x0], $0xffff  }
0x5eb: {  	v55 =	vor.u32 v55, v16;
	_ =	sdelay $0x3  }
0x5ec: {  	[tilespmem:v21+s22+$0x0] =	vst.idx.msk $0xffff, v48  }
0x5ed: {  	v48 =	vld.idx.msk [tilespmem:v55+s12+$0x0], $0xffff  }
0x5ee: {  	v7 =	vmov v0;
	v0 =	vor.u32 v56, v16;
	_ =	sdelay $0x3  }
0x5ef: {  	[tilespmem:v22+s22+$0x0] =	vst.idx.msk $0xffff, v48  }
0x5f0: {  	v48 =	vld.idx.msk [tilespmem:v0+s12+$0x0], $0xffff  }
0x5f1: {  	v1 =	vor.u32 v57, v16;
	_ =	sdelay $0x3  }
0x5f2: {  	[tilespmem:v23+s22+$0x0] =	vst.idx.msk $0xffff, v48  }
0x5f3: {  	v48 =	vld.idx.msk [tilespmem:v1+s12+$0x0], $0xffff  }
0x5f4: {  	v12 =	vmov v2;
	v2 =	vmov v32;
	v32 =	vor.u32 v58, v16;
	_ =	sdelay $0x3  }
0x5f5: {  	[tilespmem:v24+s22+$0x0] =	vst.idx.msk $0xffff, v48  }
0x5f6: {  	v48 =	vld.idx.msk [tilespmem:v32+s12+$0x0], $0xffff  }
0x5f7: {  	v33 =	vor.u32 v59, v16;
	_ =	sdelay $0x3  }
0x5f8: {  	[tilespmem:v25+s22+$0x0] =	vst.idx.msk $0xffff, v48  }
0x5f9: {  	v48 =	vld.idx.msk [tilespmem:v33+s12+$0x0], $0xffff  }
0x5fa: {  	v34 =	vor.u32 v63, v16;
	_ =	sdelay $0x3  }
0x5fb: {  	[tilespmem:v26+s22+$0x0] =	vst.idx.msk $0xffff, v48  }
0x5fc: {  	v48 =	vld.idx.msk [tilespmem:v34+s12+$0x0], $0xffff  }
0x5fd: {  	v35 =	vor.u32 v60, v16;
	_ =	sdelay $0x3  }
0x5fe: {  	[tilespmem:v27+s22+$0x0] =	vst.idx.msk $0xffff, v48  }
0x5ff: {  	v48 =	vld.idx.msk [tilespmem:v35+s12+$0x0], $0xffff  }
0x600: {  	v36 =	vor.u32 v61, v16;
	_ =	sdelay $0x3  }
0x601: {  	[tilespmem:v28+s22+$0x0] =	vst.idx.msk $0xffff, v48  }
0x602: {  	v48 =	vld.idx.msk [tilespmem:v36+s12+$0x0], $0xffff  }
0x603: {  	v39 =	vor.u32 v62, v16;
	_ =	sdelay $0x3  }
0x604: {  	[tilespmem:v29+s22+$0x0] =	vst.idx.msk $0xffff, v48  }
0x605: {  	v48 =	vld.idx.msk [tilespmem:v39+s12+$0x0], $0xffff  }
0x606: {  	v40 =	vor.u32 v37, v16;
	_ =	sdelay $0x3  }
0x607: {  	[tilespmem:v45+s22+$0x0] =	vst.idx.msk $0xffff, v48  }
0x608: {  	v48 =	vld.idx.msk [tilespmem:v40+s12+$0x0], $0xffff  }
0x609: {  	v42 =	vor.u32 v42, v16;
	_ =	sdelay $0x3  }
0x60a: {  	[tilespmem:v47+s22+$0x0] =	vst.idx.msk $0xffff, v48  }
0x60b: {  	v48 =	vld.idx.msk [tilespmem:v42+s12+$0x0], $0xffff  }
0x60c: {  	v54 =	vor.u32 v54, v16  }
0x60d: {  	v55 =	vld [tilespmem:$0x1F9A0];
	_ =	sdelay $0x2  }
0x60e: {  	[tilespmem:v46+s22+$0x0] =	vst.idx.msk $0xffff, v48  }
0x60f: {  	v6 =	vmov v14;
	v48 =	vld.idx.msk [tilespmem:v54+s12+$0x0], $0xffff  }
0x610: {  	v14 =	vmovc v13;
	v13 =	vmovc v15;
	v15 =	vmov v51;
	v51 =	vmov v30;
	v30 =	vor.u32 v55, v16  }
0x611: {  	v56 =	vld [tilespmem:$0x1F9B0];
	_ =	sdelay $0x2  }
0x612: {  	[tilespmem:v17+s23+$0x0] =	vst.idx.msk $0xffff, v48  }
0x613: {  	v30 =	vld.idx.msk [tilespmem:v30+s12+$0x0], $0xffff  }
0x614: {  	v31 =	vor.u32 v56, v16  }
0x615: {  	v57 =	vld [tilespmem:$0x1F9C0];
	_ =	sdelay $0x2  }
0x616: {  	[tilespmem:v18+s23+$0x0] =	vst.idx.msk $0xffff, v30  }
0x617: {  	v30 =	vld.idx.msk [tilespmem:v31+s12+$0x0], $0xffff  }
0x618: {  	v31 =	vor.u32 v57, v16  }
0x619: {  	v58 =	vld [tilespmem:$0x1F9D0];
	_ =	sdelay $0x2  }
0x61a: {  	[tilespmem:v19+s23+$0x0] =	vst.idx.msk $0xffff, v30  }
0x61b: {  	v30 =	vld.idx.msk [tilespmem:v31+s12+$0x0], $0xffff  }
0x61c: {  	v31 =	vor.u32 v58, v16  }
0x61d: {  	v59 =	vld [tilespmem:$0x1F9E0];
	_ =	sdelay $0x2  }
0x61e: {  	[tilespmem:v20+s23+$0x0] =	vst.idx.msk $0xffff, v30  }
0x61f: {  	v30 =	vld.idx.msk [tilespmem:v31+s12+$0x0], $0xffff  }
0x620: {  	v31 =	vor.u32 v59, v16  }
0x621: {  	v60 =	vld [tilespmem:$0x1F9F0];
	_ =	sdelay $0x2  }
0x622: {  	[tilespmem:v21+s23+$0x0] =	vst.idx.msk $0xffff, v30  }
0x623: {  	v30 =	vld.idx.msk [tilespmem:v31+s12+$0x0], $0xffff  }
0x624: {  	v31 =	vor.u32 v60, v16  }
0x625: {  	v61 =	vld [tilespmem:$0x1FA00];
	_ =	sdelay $0x2  }
0x626: {  	[tilespmem:v22+s23+$0x0] =	vst.idx.msk $0xffff, v30  }
0x627: {  	v30 =	vld.idx.msk [tilespmem:v31+s12+$0x0], $0xffff  }
0x628: {  	v31 =	vor.u32 v61, v16  }
0x629: {  	v62 =	vld [tilespmem:$0x1FA10];
	_ =	sdelay $0x2  }
0x62a: {  	[tilespmem:v23+s23+$0x0] =	vst.idx.msk $0xffff, v30  }
0x62b: {  	v30 =	vld.idx.msk [tilespmem:v31+s12+$0x0], $0xffff  }
0x62c: {  	v31 =	vor.u32 v62, v16  }
0x62d: {  	v63 =	vld [tilespmem:$0x1FA20];
	_ =	sdelay $0x2  }
0x62e: {  	[tilespmem:v24+s23+$0x0] =	vst.idx.msk $0xffff, v30  }
0x62f: {  	v30 =	vld.idx.msk [tilespmem:v31+s12+$0x0], $0xffff  }
0x630: {  	v31 =	vor.u32 v63, v16  }
0x631: {  	v32 =	vld [tilespmem:$0x1FA30];
	_ =	sdelay $0x2  }
0x632: {  	[tilespmem:v25+s23+$0x0] =	vst.idx.msk $0xffff, v30  }
0x633: {  	v30 =	vld.idx.msk [tilespmem:v31+s12+$0x0], $0xffff  }
0x634: {  	v31 =	vor.u32 v32, v16  }
0x635: {  	v33 =	vld [tilespmem:$0x1FA40];
	_ =	sdelay $0x2  }
0x636: {  	[tilespmem:v26+s23+$0x0] =	vst.idx.msk $0xffff, v30  }
0x637: {  	v30 =	vld.idx.msk [tilespmem:v31+s12+$0x0], $0xffff  }
0x638: {  	v31 =	vor.u32 v33, v16  }
0x639: {  	v34 =	vld [tilespmem:$0x1FA50];
	_ =	sdelay $0x2  }
0x63a: {  	[tilespmem:v27+s23+$0x0] =	vst.idx.msk $0xffff, v30  }
0x63b: {  	v30 =	vld.idx.msk [tilespmem:v31+s12+$0x0], $0xffff  }
0x63c: {  	v31 =	vor.u32 v34, v16  }
0x63d: {  	v35 =	vld [tilespmem:$0x1FA60];
	_ =	sdelay $0x2  }
0x63e: {  	[tilespmem:v28+s23+$0x0] =	vst.idx.msk $0xffff, v30  }
0x63f: {  	v30 =	vld.idx.msk [tilespmem:v31+s12+$0x0], $0xffff  }
0x640: {  	v31 =	vor.u32 v35, v16  }
0x641: {  	v36 =	vld [tilespmem:$0x1FA70];
	_ =	sdelay $0x2  }
0x642: {  	[tilespmem:v29+s23+$0x0] =	vst.idx.msk $0xffff, v30  }
0x643: {  	v30 =	vld.idx.msk [tilespmem:v31+s12+$0x0], $0xffff  }
0x644: {  	v31 =	vor.u32 v36, v16  }
0x645: {  	v37 =	vld [tilespmem:$0x1FA80];
	_ =	sdelay $0x2  }
0x646: {  	[tilespmem:v45+s23+$0x0] =	vst.idx.msk $0xffff, v30  }
0x647: {  	v30 =	vld.idx.msk [tilespmem:v31+s12+$0x0], $0xffff  }
0x648: {  	v31 =	vor.u32 v37, v16  }
0x649: {  	v39 =	vld [tilespmem:$0x1FA90];
	_ =	sdelay $0x2  }
0x64a: {  	[tilespmem:v47+s23+$0x0] =	vst.idx.msk $0xffff, v30  }
0x64b: {  	v30 =	vld.idx.msk [tilespmem:v31+s12+$0x0], $0xffff  }
0x64c: {  	v0 =	vor.u32 v39, v16  }
0x64d: {  	v40 =	vld [tilespmem:$0x1F8B0];
	_ =	sdelay $0x2  }
0x64e: {  	[tilespmem:v46+s23+$0x0] =	vst.idx.msk $0xffff, v30  }
0x64f: {  	v0 =	vld.idx.msk [tilespmem:v0+s12+$0x0], $0xffff  }
0x650: {  	v1 =	vor.u32 v40, v16  }
0x651: {  	v42 =	vld [tilespmem:$0x1F8A0];
	_ =	sdelay $0x2  }
0x652: {  	[tilespmem:v17+s24+$0x0] =	vst.idx.msk $0xffff, v0  }
0x653: {  	v0 =	vld.idx.msk [tilespmem:v1+s12+$0x0], $0xffff  }
0x654: {  	v1 =	vor.u32 v42, v16  }
0x655: {  	v48 =	vld [tilespmem:$0x1F890];
	_ =	sdelay $0x2  }
0x656: {  	[tilespmem:v18+s24+$0x0] =	vst.idx.msk $0xffff, v0  }
0x657: {  	v1 =	vld.idx.msk [tilespmem:v1+s12+$0x0], $0xffff  }
0x658: {  	v0 =	vor.u32 v48, v16  }
0x659: {  	v49 =	vld [tilespmem:$0x1F880];
	_ =	sdelay $0x2  }
0x65a: {  	[tilespmem:v19+s24+$0x0] =	vst.idx.msk $0xffff, v1  }
0x65b: {  	v1 =	vld.idx.msk [tilespmem:v0+s12+$0x0], $0xffff  }
0x65c: {  	v0 =	vor.u32 v49, v16  }
0x65d: {  	v50 =	vld [tilespmem:$0x1F870];
	_ =	sdelay $0x2  }
0x65e: {  	[tilespmem:v20+s24+$0x0] =	vst.idx.msk $0xffff, v1  }
0x65f: {  	v0 =	vld.idx.msk [tilespmem:v0+s12+$0x0], $0xffff  }
0x660: {  	v1 =	vor.u32 v50, v16  }
0x661: {  	v54 =	vld [tilespmem:$0x1F860];
	_ =	sdelay $0x2  }
0x662: {  	[tilespmem:v21+s24+$0x0] =	vst.idx.msk $0xffff, v0  }
0x663: {  	v0 =	vld.idx.msk [tilespmem:v1+s12+$0x0], $0xffff  }
0x664: {  	v1 =	vor.u32 v54, v16  }
0x665: {  	v55 =	vld [tilespmem:$0x1F850];
	_ =	sdelay $0x2  }
0x666: {  	[tilespmem:v22+s24+$0x0] =	vst.idx.msk $0xffff, v0  }
0x667: {  	v0 =	vld.idx.msk [tilespmem:v1+s12+$0x0], $0xffff  }
0x668: {  	v1 =	vor.u32 v55, v16  }
0x669: {  	v56 =	vld [tilespmem:$0x1F840];
	_ =	sdelay $0x2  }
0x66a: {  	[tilespmem:v23+s24+$0x0] =	vst.idx.msk $0xffff, v0  }
0x66b: {  	v0 =	vld.idx.msk [tilespmem:v1+s12+$0x0], $0xffff  }
0x66c: {  	v1 =	vor.u32 v56, v16  }
0x66d: {  	v57 =	vld [tilespmem:$0x1F830];
	_ =	sdelay $0x2  }
0x66e: {  	[tilespmem:v24+s24+$0x0] =	vst.idx.msk $0xffff, v0  }
0x66f: {  	v0 =	vld.idx.msk [tilespmem:v1+s12+$0x0], $0xffff  }
0x670: {  	v1 =	vor.u32 v57, v16  }
0x671: {  	v58 =	vld [tilespmem:$0x1F820];
	_ =	sdelay $0x2  }
0x672: {  	[tilespmem:v25+s24+$0x0] =	vst.idx.msk $0xffff, v0  }
0x673: {  	v0 =	vld.idx.msk [tilespmem:v1+s12+$0x0], $0xffff  }
0x674: {  	v1 =	vor.u32 v58, v16  }
0x675: {  	v59 =	vld [tilespmem:$0x1F7D0];
	_ =	sdelay $0x2  }
0x676: {  	[tilespmem:v26+s24+$0x0] =	vst.idx.msk $0xffff, v0  }
0x677: {  	v0 =	vld.idx.msk [tilespmem:v1+s12+$0x0], $0xffff  }
0x678: {  	v1 =	vor.u32 v59, v16  }
0x679: {  	v60 =	vld [tilespmem:$0x1F7E0];
	_ =	sdelay $0x2  }
0x67a: {  	[tilespmem:v27+s24+$0x0] =	vst.idx.msk $0xffff, v0  }
0x67b: {  	v0 =	vld.idx.msk [tilespmem:v1+s12+$0x0], $0xffff  }
0x67c: {  	v1 =	vor.u32 v60, v16  }
0x67d: {  	v61 =	vld [tilespmem:$0x1F810];
	_ =	sdelay $0x2  }
0x67e: {  	[tilespmem:v28+s24+$0x0] =	vst.idx.msk $0xffff, v0  }
0x67f: {  	v0 =	vld.idx.msk [tilespmem:v1+s12+$0x0], $0xffff  }
0x680: {  	v1 =	vor.u32 v61, v16  }
0x681: {  	v62 =	vld [tilespmem:$0x1F800];
	_ =	sdelay $0x2  }
0x682: {  	[tilespmem:v29+s24+$0x0] =	vst.idx.msk $0xffff, v0  }
0x683: {  	v0 =	vld.idx.msk [tilespmem:v1+s12+$0x0], $0xffff  }
0x684: {  	v1 =	vor.u32 v62, v16  }
0x685: {  	v63 =	vld [tilespmem:$0x1F7F0];
	_ =	sdelay $0x2  }
0x686: {  	[tilespmem:v45+s24+$0x0] =	vst.idx.msk $0xffff, v0  }
0x687: {  	v0 =	vld.idx.msk [tilespmem:v1+s12+$0x0], $0xffff  }
0x688: {  	v1 =	vor.u32 v63, v16  }
0x689: {  	v31 =	vld [tilespmem:$0x1FEE0]  }
0x68a: {  	v30 =	vld [tilespmem:$0x1FE10]  }
0x68b: {  	v17 =	vld [tilespmem:$0x1FFA0]  }
0x68c: {  	v48 =	vld [tilespmem:$0x1FFF0];
	[tilespmem:v47+s24+$0x0] =	vst.idx.msk $0xffff, v0  }
0x68d: {  	s28 =	sadd.s32 $0x1, s28;
	v0 =	vld.idx.msk [tilespmem:v1+s12+$0x0], $0xffff  }
0x68e: {  	p0 =	sne.s32 s28, $0x64;
	v21 =	vld [tilespmem:$0x1FE40]  }
.Ltmp5:
0x68f: {  	s31 =	sshll.u32 s29, $0x7;
	v22 =	vld [tilespmem:$0x1FE50];
	(pc) =	sbr.rel @p0 .LBB2_2-.Ltmp5, $4  }
0x690: {  	v4 =	vmovc v9;
	s0 =	sand.u32 $0x180, s31;
	v40 =	vmovc v2;
	v32 =	vmov v38;
	v38 =	vmov v44;
	v33 =	vmov v51;
	v23 =	vld [tilespmem:$0x1FE60]  }
0x691: {  	s0 =	sor.u32 s0, s30;
	v34 =	vmovc v4;
	v37 =	vmovc v8;
	v42 =	vmov v3;
	v18 =	vmov v53;
	v49 =	vmov v15;
	v24 =	vld [tilespmem:$0x1FE70]  }
0x692: {  	s0 =	sadd.s32 s0, s5;
	v15 =	vmovc v5;
	v25 =	vmovc v12;
	v12 =	vmov v11;
	v26 =	vmov v10;
	v10 =	vlaneseq.u32;
	v29 =	vld [tilespmem:$0x1FE20];
	[tilespmem:v46+s24+$0x0] =	vst.idx.msk $0xffff, v0  }
0x693: {  	v27 =	vmovc v7;
	v28 =	vmovc v6;
	v62 =	vld [tilespmem:$0x1FE30];
	v63 =	vmov v14;
	v16 =	vmov v13;
	v13 =	vmov v52;
	[hbm4b:s0+s18] =	stream.strided.scatter [tilespmem:s21], [sflag:$0x4], $0x2000, s8, s18, $0x38  }
0x694: {  	s26 =	sadd.s32 $0x1, s26  }
0x695: {  	_ =	swait.ge [sflag:s25], $0x2000;
	p0 =	sne.s32 s26, s6  }
.Ltmp6:
0x696: {  	[sflag:s25] =	ssyncset.done $0x0;
	(pc) =	sbr.rel @p0 .LBB2_1-.Ltmp6, $4  }
0x697: {  	[sflag:s25] =	ssyncadd.s32 $0xFFFFE000  }
0x698: {  	_ =	swait.ge [sflag:s20], $0x2000  }
0x699: {  	[sflag:s20] =	ssyncset.done $0x0  }
0x69a: {  	[sflag:s20] =	ssyncadd.s32 $0xFFFFE000  }
0x69b: {  	_ =	sfence.sel $0x180000  }
0x69c: {  	[bflag:$0x0] =	sbarrier.arrive $0xFFFF  }
0x69d: {  	_ =	strace $0x90000047  }
0x69e: {  	s0 =	stileid.u32;
	[bflag:$0x2] =	sbarrier.arrive $0xFFFF  }
0x69f: {  	p0 =	sne.s32 s0, $0x0;
	s0 =	rddreg [dreg:$0x3]  }
0x6a0: {  	s0 =	sadd.s32 @!p0 $0x100000, s0  }
0x6a1: {  	[sflag:s0] =	ssyncadd.tile.s32 @!p0 $0x1;
	_ =	shalt  }
.Lfunc_end2:
_tile_overlayer_lowered:
.L_overlay_start_2:
0x6a2: {  	(tag) =	ssettag $0x2  }
0x6a3: {  	s0 =	rddreg [dreg:$0x0];
	s2 =	stileid.u32  }
0x6a4: {  	s1 =	rddreg [dreg:$0x1];
	p0 =	sne.s32 s2, $0x0  }
0x6a5: {  	s3 =	rddreg [dreg:$0x2];
	[bflag:$0x3] =	sbarrier.arrive $0xFFFF;
	s2 =	simm.s32 @!p0 $0x1C05  }
0x6a6: {  	[timem:s3], [sflag:s2] =	dma.local @!p0 [hbm:s0], s1  }
0x6a7: {  	s0 =	simm.s32 @!p0 $0x5  }
0x6a8: {  	_ =	swait.ge @!p0 [sflag:s0], s1  }
0x6a9: {  	s1 =	ssub.s32 @!p0 $0x0, s1;
	[sflag:s0] =	ssyncset.done @!p0 $0x0  }
0x6aa: {  	[sflag:s0] =	ssyncadd.s32 @!p0 s1  }
0x6ab: {  	[bflag:$0x3] =	sbarrier.arrive $0xFFFF  }
0x6ac: {  	_ =	shalt  }

</sc_bundles>
